<compile_context>
chip_gen: v7x
topology: tpu7x:2x2x1
jax: 0.10.2.dev20260603
libtpu: 0.0.44.dev20260713+nightly
codegen_flags: <defaults>
</compile_context>

<pallas_src>
import functools

import jax
import jax.numpy as jnp
from jax import lax
from jax.experimental import pallas as pl
from jax.experimental.pallas import tpu as pltpu
from jax.experimental.pallas import tpu_sc as plsc

EMBED_DIM = 64
HIDDEN = 128

NC = 2
NS = 16
NW = NC * NS
CHUNK = 128
K = 8


GROUP = K * CHUNK
BM = 2 * GROUP


def _gather_body(table_hbm, idx_hbm, emb2_hbm, idx_v, rows_v, gsem,
                 *, chunks_per_w):
    wid = lax.axis_index("s") * NC + lax.axis_index("c")
    pltpu.sync_copy(idx_hbm.at[wid], idx_v)
    n_groups = chunks_per_w // K
    gbase = wid * n_groups

    def group(g, carry):
        copies = []
        for b in range(K):
            j = g * K + b
            copies.append(pltpu.async_copy(
                table_hbm.at[idx_v.at[j]],
                rows_v.at[pl.ds(b * CHUNK, CHUNK)],
                gsem))
        for c in copies:
            c.wait()
        gg = gbase + g
        dst = emb2_hbm.at[pl.ds((gg // 2) * GROUP, GROUP),
                          pl.ds((gg % 2) * EMBED_DIM, EMBED_DIM)]
        pltpu.sync_copy(rows_v, dst)
        return carry

    lax.fori_loop(0, n_groups, group, 0)


def _sc_gather(table, idx3d, m):
    chunks_per_w = idx3d.shape[1]
    mesh = plsc.VectorSubcoreMesh(core_axis_name="c", subcore_axis_name="s")
    body = functools.partial(_gather_body, chunks_per_w=chunks_per_w)
    return pl.kernel(
        body,
        mesh=mesh,
        compiler_params=pltpu.CompilerParams(use_tc_tiling_on_sc=False),
        out_type=jax.ShapeDtypeStruct((m // 2, 2 * EMBED_DIM), jnp.float32),
        scratch_types=[
            pltpu.VMEM((chunks_per_w, CHUNK), jnp.int32),
            pltpu.VMEM((GROUP, EMBED_DIM), jnp.float32),
            pltpu.SemaphoreType.DMA,
        ],
    )(table, idx3d)


TC_BM = 16384


def _mm_body(e_ref, w_ref, o_ref):
    w = w_ref[...]
    for p in range(TC_BM // BM):
        e = e_ref[pl.ds(p * GROUP, GROUP), :]
        o_ref[pl.ds(p * BM, GROUP), :] = jnp.dot(
            e[:, :EMBED_DIM], w, preferred_element_type=jnp.float32)
        o_ref[pl.ds(p * BM + GROUP, GROUP), :] = jnp.dot(
            e[:, EMBED_DIM:], w, preferred_element_type=jnp.float32)


def _mm_body_alias(e_ref, w_ref, oprev_ref, o_ref):
    del oprev_ref
    _mm_body(e_ref, w_ref, o_ref)


def _tc_project_chunk(emb2_c, wt, out_prev, c, m_c, m):
    nblk = m_c // TC_BM
    e_spec = pl.BlockSpec((TC_BM // 2, 2 * EMBED_DIM), lambda i: (i, 0))
    w_spec = pl.BlockSpec((EMBED_DIM, HIDDEN), lambda i: (0, 0))
    o_spec = pl.BlockSpec((TC_BM, HIDDEN),
                          lambda i, c=c, nblk=nblk: (c * nblk + i, 0))
    out_shape = jax.ShapeDtypeStruct((m, HIDDEN), jnp.float32)
    if out_prev is None:
        return pl.pallas_call(
            _mm_body,
            grid=(nblk,),
            in_specs=[e_spec, w_spec],
            out_specs=o_spec,
            out_shape=out_shape,
        )(emb2_c, wt)
    return pl.pallas_call(
        _mm_body_alias,
        grid=(nblk,),
        in_specs=[e_spec, w_spec,
                  pl.BlockSpec(memory_space=pltpu.MemorySpace.HBM)],
        out_specs=o_spec,
        out_shape=out_shape,
        input_output_aliases={2: 0},
    )(emb2_c, wt, out_prev)


N_CHUNKS = 5


def kernel(x, table, W):
    b, l = x.shape
    m = b * l
    m_c = m // N_CHUNKS
    cpw = m_c // (NW * CHUNK)
    x_flat = x.reshape(-1)
    wt = W.T
    out = None
    for c in range(N_CHUNKS):
        idx3d = x_flat[c * m_c:(c + 1) * m_c].reshape(NW, cpw, CHUNK)
        emb2_c = _sc_gather(table, idx3d, m_c)
        out = _tc_project_chunk(emb2_c, wt, out, c, m_c, m)
    return out.reshape(b, l, HIDDEN)

# --- scband reference (transcript-rebuilt; emitter-appended) ---
"""Pipeline reference for scband-word-embedding-2723009266482 (READ-ONLY COPY).

The authoritative reference and input builder live on the scoring server;
editing this copy changes nothing except your own understanding.
"""

import jax, jax.numpy as jnp
import numpy as np

VOCAB = 1000000
EMBED_DIM = 64
HIDDEN = 128
B = 4096
L = 200


def setup_inputs(seed: int = 0) -> dict:
    key = jax.random.key(seed)
    k1, k2, k3 = jax.random.split(key, 3)
    x = jax.random.randint(k1, (B, L), 0, VOCAB, dtype=jnp.int32)
    # pre-trained word vectors (frozen embedding table in the torch module)
    table = jax.random.normal(k2, (VOCAB, EMBED_DIM), dtype=jnp.float32) * 0.02
    # nn.Linear(EMBED_DIM, HIDDEN, bias=False) weight has shape [HIDDEN, EMBED_DIM]
    W = jax.random.normal(k3, (HIDDEN, EMBED_DIM), dtype=jnp.float32) * (1.0 / np.sqrt(EMBED_DIM))
    return {"x": x, "table": table, "W": W}


def reference(x, table, W):
    # emb = self.embed(x)  -> gather rows of the embedding table
    emb = jnp.take(table, x, axis=0)  # [B, L, EMBED_DIM]
    # F.dropout(emb, p, training=False) is identity at inference
    # emb = self.proj(emb) -> Linear without bias: emb @ W^T
    out = emb @ W.T  # [B, L, HIDDEN]
    return out

if __name__ == "__main__":
    import jax
    _d = setup_inputs()
    print(jax.jit(kernel)(*tuple(_d.values())))

</pallas_src>

<mosaic_0001>
#map = affine_map<(d0, d1) -> (0, 0)>
#map1 = affine_map<(d0, d1) -> (0, 0, 0)>
module attributes {stable_mosaic.version = 14 : i64} {
  func.func @_gather_body(%arg0: i32, %arg1: i32, %arg2: memref<1000000x64xf32, #tpu.memory_space<hbm>>, %arg3: memref<32x40x128xi32, #tpu.memory_space<hbm>>, %arg4: memref<81920x128xf32, #tpu.memory_space<hbm>>, %arg5: memref<40x128xi32, #tpu.memory_space<vmem>>, %arg6: memref<1024x64xf32, #tpu.memory_space<vmem>>, %arg7: memref<!tpu.dma_semaphore, #tpu.memory_space<semaphore_mem>>) attributes {dimension_semantics = [#tpu.dimension_semantics<core_parallel>, #tpu.dimension_semantics<subcore_parallel>], iteration_bounds = array<i64: 2, 16>, scalar_prefetch = 0 : i64, scratch_operands = 3 : i64, tpu.core_type = #tpu.core_type<sc_vector_subcore>, window_params = [{transform_indices = #map}, {transform_indices = #map1}, {transform_indices = #map}]} {
    %mul3A = arith.constant 2 : i32
    %mul3A_0 = arith.muli %arg1, %mul3A : i32
    %add3A = arith.addi %mul3A_0, %arg0 : i32
    "tpu.region"() ({
      %run_scoped3A = tpu.sem_alloc : memref<!tpu.dma_semaphore, #tpu.memory_space<semaphore_mem>>
      %dma_start3A = arith.constant 0 : i32
      %dma_start3A_8 = arith.constant 0 : i32
      %dma_start3A_9 = tpu.memref_slice %arg3[%add3A, %dma_start3A, %dma_start3A_8] : memref<32x40x128xi32, #tpu.memory_space<hbm>> -> memref<1x40x128xi32, #tpu.memory_space<hbm>>
      %dma_start3A_10 = tpu.memref_squeeze %dma_start3A_9 : memref<1x40x128xi32, #tpu.memory_space<hbm>> -> memref<40x128xi32, #tpu.memory_space<hbm>>
      %dma_start3A_11 = arith.constant 0 : i32
      %dma_start3A_12 = arith.constant 0 : i32
      %dma_start3A_13 = tpu.memref_slice %arg3[%add3A, %dma_start3A_11, %dma_start3A_12] : memref<32x40x128xi32, #tpu.memory_space<hbm>> -> memref<1x40x128xi32, #tpu.memory_space<hbm>>
      %dma_start3A_14 = tpu.memref_squeeze %dma_start3A_13 : memref<1x40x128xi32, #tpu.memory_space<hbm>> -> memref<40x128xi32, #tpu.memory_space<hbm>>
      tpu.enqueue_dma source(%dma_start3A_14 : memref<40x128xi32, #tpu.memory_space<hbm>>) target(%arg5 : memref<40x128xi32, #tpu.memory_space<vmem>>) target_semaphore(%run_scoped3A : memref<!tpu.dma_semaphore, #tpu.memory_space<semaphore_mem>>)
      %dma_wait3A = arith.constant 0 : i32
      %dma_wait3A_15 = arith.constant 0 : i32
      %dma_wait3A_16 = tpu.memref_slice %arg3[%add3A, %dma_wait3A, %dma_wait3A_15] : memref<32x40x128xi32, #tpu.memory_space<hbm>> -> memref<1x40x128xi32, #tpu.memory_space<hbm>>
      %dma_wait3A_17 = tpu.memref_squeeze %dma_wait3A_16 : memref<1x40x128xi32, #tpu.memory_space<hbm>> -> memref<40x128xi32, #tpu.memory_space<hbm>>
      %dma_wait3A_18 = arith.constant 0 : i32
      %dma_wait3A_19 = arith.constant 0 : i32
      %dma_wait3A_20 = tpu.memref_slice %arg3[%add3A, %dma_wait3A_18, %dma_wait3A_19] : memref<32x40x128xi32, #tpu.memory_space<hbm>> -> memref<1x40x128xi32, #tpu.memory_space<hbm>>
      %dma_wait3A_21 = tpu.memref_squeeze %dma_wait3A_20 : memref<1x40x128xi32, #tpu.memory_space<hbm>> -> memref<40x128xi32, #tpu.memory_space<hbm>>
      tpu.wait_dma2 semaphore(%run_scoped3A : memref<!tpu.dma_semaphore, #tpu.memory_space<semaphore_mem>>) src(%dma_wait3A_21 : memref<40x128xi32, #tpu.memory_space<hbm>>) dst(%arg5 : memref<40x128xi32, #tpu.memory_space<vmem>>)
      tpu.yield
    }) : () -> ()
    %mul3A_1 = arith.constant 5 : i32
    %mul3A_2 = arith.muli %add3A, %mul3A_1 : i32
    %scan3A = arith.constant 0 : i32
    %scan3A_3 = arith.constant 0 : i32
    %scan3A_4 = arith.constant 5 : i32
    %scan3A_5 = arith.addi %scan3A_3, %scan3A_4 : i32
    %scan3A_6 = arith.constant 1 : i32
    scf.for %scan3A_8 = %scan3A_3 to %scan3A_5 step %scan3A_6  : i32 {
      %mul3A_9 = arith.constant 8 : i32
      %mul3A_10 = arith.muli %scan3A_8, %mul3A_9 : i32
      %add3A_11 = arith.constant 0 : i32
      %add3A_12 = arith.addi %mul3A_10, %add3A_11 : i32
      %dma_start3A = arith.constant 0 : i32
      %dma_start3A_13 = arith.constant 0 : i32
      %dma_start3A_14 = tpu.memref_slice %arg6[%dma_start3A, %dma_start3A_13] : memref<1024x64xf32, #tpu.memory_space<vmem>> -> memref<128x64xf32, #tpu.memory_space<vmem>>
      %dma_start3A_15 = arith.constant 0 : i32
      %dma_start3A_16 = tpu.memref_slice %arg5[%add3A_12, %dma_start3A_15] : memref<40x128xi32, #tpu.memory_space<vmem>> -> memref<1x128xi32, #tpu.memory_space<vmem>>
      %dma_start3A_17 = tpu.memref_squeeze %dma_start3A_16 : memref<1x128xi32, #tpu.memory_space<vmem>> -> memref<128xi32, #tpu.memory_space<vmem>>
      %dma_start3A_18 = arith.constant 0 : i32
      %dma_start3A_19 = arith.constant 0 : i32
      %dma_start3A_20 = tpu.memref_slice %arg2[%dma_start3A_18, %dma_start3A_19] : memref<1000000x64xf32, #tpu.memory_space<hbm>> -> memref<1000000x64xf32, #tpu.memory_space<hbm>>
      tpu.enqueue_indirect_dma source(%dma_start3A_20 : memref<1000000x64xf32, #tpu.memory_space<hbm>>) target(%dma_start3A_14 : memref<128x64xf32, #tpu.memory_space<vmem>>) offsets(%dma_start3A_17 : memref<128xi32, #tpu.memory_space<vmem>>) semaphore(%arg7 : memref<!tpu.dma_semaphore, #tpu.memory_space<semaphore_mem>>)
      %mul3A_21 = arith.constant 8 : i32
      %mul3A_22 = arith.muli %scan3A_8, %mul3A_21 : i32
      %add3A_23 = arith.constant 1 : i32
      %add3A_24 = arith.addi %mul3A_22, %add3A_23 : i32
      %dma_start3A_25 = arith.constant 128 : i32
      %dma_start3A_26 = arith.constant 0 : i32
      %dma_start3A_27 = tpu.memref_slice %arg6[%dma_start3A_25, %dma_start3A_26] : memref<1024x64xf32, #tpu.memory_space<vmem>> -> memref<128x64xf32, #tpu.memory_space<vmem>>
      %dma_start3A_28 = arith.constant 0 : i32
      %dma_start3A_29 = tpu.memref_slice %arg5[%add3A_24, %dma_start3A_28] : memref<40x128xi32, #tpu.memory_space<vmem>> -> memref<1x128xi32, #tpu.memory_space<vmem>>
      %dma_start3A_30 = tpu.memref_squeeze %dma_start3A_29 : memref<1x128xi32, #tpu.memory_space<vmem>> -> memref<128xi32, #tpu.memory_space<vmem>>
      %dma_start3A_31 = arith.constant 0 : i32
      %dma_start3A_32 = arith.constant 0 : i32
      %dma_start3A_33 = tpu.memref_slice %arg2[%dma_start3A_31, %dma_start3A_32] : memref<1000000x64xf32, #tpu.memory_space<hbm>> -> memref<1000000x64xf32, #tpu.memory_space<hbm>>
      tpu.enqueue_indirect_dma source(%dma_start3A_33 : memref<1000000x64xf32, #tpu.memory_space<hbm>>) target(%dma_start3A_27 : memref<128x64xf32, #tpu.memory_space<vmem>>) offsets(%dma_start3A_30 : memref<128xi32, #tpu.memory_space<vmem>>) semaphore(%arg7 : memref<!tpu.dma_semaphore, #tpu.memory_space<semaphore_mem>>)
      %mul3A_34 = arith.constant 8 : i32
      %mul3A_35 = arith.muli %scan3A_8, %mul3A_34 : i32
      %add3A_36 = arith.constant 2 : i32
      %add3A_37 = arith.addi %mul3A_35, %add3A_36 : i32
      %dma_start3A_38 = arith.constant 256 : i32
      %dma_start3A_39 = arith.constant 0 : i32
      %dma_start3A_40 = tpu.memref_slice %arg6[%dma_start3A_38, %dma_start3A_39] : memref<1024x64xf32, #tpu.memory_space<vmem>> -> memref<128x64xf32, #tpu.memory_space<vmem>>
      %dma_start3A_41 = arith.constant 0 : i32
      %dma_start3A_42 = tpu.memref_slice %arg5[%add3A_37, %dma_start3A_41] : memref<40x128xi32, #tpu.memory_space<vmem>> -> memref<1x128xi32, #tpu.memory_space<vmem>>
      %dma_start3A_43 = tpu.memref_squeeze %dma_start3A_42 : memref<1x128xi32, #tpu.memory_space<vmem>> -> memref<128xi32, #tpu.memory_space<vmem>>
      %dma_start3A_44 = arith.constant 0 : i32
      %dma_start3A_45 = arith.constant 0 : i32
      %dma_start3A_46 = tpu.memref_slice %arg2[%dma_start3A_44, %dma_start3A_45] : memref<1000000x64xf32, #tpu.memory_space<hbm>> -> memref<1000000x64xf32, #tpu.memory_space<hbm>>
      tpu.enqueue_indirect_dma source(%dma_start3A_46 : memref<1000000x64xf32, #tpu.memory_space<hbm>>) target(%dma_start3A_40 : memref<128x64xf32, #tpu.memory_space<vmem>>) offsets(%dma_start3A_43 : memref<128xi32, #tpu.memory_space<vmem>>) semaphore(%arg7 : memref<!tpu.dma_semaphore, #tpu.memory_space<semaphore_mem>>)
      %mul3A_47 = arith.constant 8 : i32
      %mul3A_48 = arith.muli %scan3A_8, %mul3A_47 : i32
      %add3A_49 = arith.constant 3 : i32
      %add3A_50 = arith.addi %mul3A_48, %add3A_49 : i32
      %dma_start3A_51 = arith.constant 384 : i32
      %dma_start3A_52 = arith.constant 0 : i32
      %dma_start3A_53 = tpu.memref_slice %arg6[%dma_start3A_51, %dma_start3A_52] : memref<1024x64xf32, #tpu.memory_space<vmem>> -> memref<128x64xf32, #tpu.memory_space<vmem>>
      %dma_start3A_54 = arith.constant 0 : i32
      %dma_start3A_55 = tpu.memref_slice %arg5[%add3A_50, %dma_start3A_54] : memref<40x128xi32, #tpu.memory_space<vmem>> -> memref<1x128xi32, #tpu.memory_space<vmem>>
      %dma_start3A_56 = tpu.memref_squeeze %dma_start3A_55 : memref<1x128xi32, #tpu.memory_space<vmem>> -> memref<128xi32, #tpu.memory_space<vmem>>
      %dma_start3A_57 = arith.constant 0 : i32
      %dma_start3A_58 = arith.constant 0 : i32
      %dma_start3A_59 = tpu.memref_slice %arg2[%dma_start3A_57, %dma_start3A_58] : memref<1000000x64xf32, #tpu.memory_space<hbm>> -> memref<1000000x64xf32, #tpu.memory_space<hbm>>
      tpu.enqueue_indirect_dma source(%dma_start3A_59 : memref<1000000x64xf32, #tpu.memory_space<hbm>>) target(%dma_start3A_53 : memref<128x64xf32, #tpu.memory_space<vmem>>) offsets(%dma_start3A_56 : memref<128xi32, #tpu.memory_space<vmem>>) semaphore(%arg7 : memref<!tpu.dma_semaphore, #tpu.memory_space<semaphore_mem>>)
      %mul3A_60 = arith.constant 8 : i32
      %mul3A_61 = arith.muli %scan3A_8, %mul3A_60 : i32
      %add3A_62 = arith.constant 4 : i32
      %add3A_63 = arith.addi %mul3A_61, %add3A_62 : i32
      %dma_start3A_64 = arith.constant 512 : i32
      %dma_start3A_65 = arith.constant 0 : i32
      %dma_start3A_66 = tpu.memref_slice %arg6[%dma_start3A_64, %dma_start3A_65] : memref<1024x64xf32, #tpu.memory_space<vmem>> -> memref<128x64xf32, #tpu.memory_space<vmem>>
      %dma_start3A_67 = arith.constant 0 : i32
      %dma_start3A_68 = tpu.memref_slice %arg5[%add3A_63, %dma_start3A_67] : memref<40x128xi32, #tpu.memory_space<vmem>> -> memref<1x128xi32, #tpu.memory_space<vmem>>
      %dma_start3A_69 = tpu.memref_squeeze %dma_start3A_68 : memref<1x128xi32, #tpu.memory_space<vmem>> -> memref<128xi32, #tpu.memory_space<vmem>>
      %dma_start3A_70 = arith.constant 0 : i32
      %dma_start3A_71 = arith.constant 0 : i32
      %dma_start3A_72 = tpu.memref_slice %arg2[%dma_start3A_70, %dma_start3A_71] : memref<1000000x64xf32, #tpu.memory_space<hbm>> -> memref<1000000x64xf32, #tpu.memory_space<hbm>>
      tpu.enqueue_indirect_dma source(%dma_start3A_72 : memref<1000000x64xf32, #tpu.memory_space<hbm>>) target(%dma_start3A_66 : memref<128x64xf32, #tpu.memory_space<vmem>>) offsets(%dma_start3A_69 : memref<128xi32, #tpu.memory_space<vmem>>) semaphore(%arg7 : memref<!tpu.dma_semaphore, #tpu.memory_space<semaphore_mem>>)
      %mul3A_73 = arith.constant 8 : i32
      %mul3A_74 = arith.muli %scan3A_8, %mul3A_73 : i32
      %add3A_75 = arith.constant 5 : i32
      %add3A_76 = arith.addi %mul3A_74, %add3A_75 : i32
      %dma_start3A_77 = arith.constant 640 : i32
      %dma_start3A_78 = arith.constant 0 : i32
      %dma_start3A_79 = tpu.memref_slice %arg6[%dma_start3A_77, %dma_start3A_78] : memref<1024x64xf32, #tpu.memory_space<vmem>> -> memref<128x64xf32, #tpu.memory_space<vmem>>
      %dma_start3A_80 = arith.constant 0 : i32
      %dma_start3A_81 = tpu.memref_slice %arg5[%add3A_76, %dma_start3A_80] : memref<40x128xi32, #tpu.memory_space<vmem>> -> memref<1x128xi32, #tpu.memory_space<vmem>>
      %dma_start3A_82 = tpu.memref_squeeze %dma_start3A_81 : memref<1x128xi32, #tpu.memory_space<vmem>> -> memref<128xi32, #tpu.memory_space<vmem>>
      %dma_start3A_83 = arith.constant 0 : i32
      %dma_start3A_84 = arith.constant 0 : i32
      %dma_start3A_85 = tpu.memref_slice %arg2[%dma_start3A_83, %dma_start3A_84] : memref<1000000x64xf32, #tpu.memory_space<hbm>> -> memref<1000000x64xf32, #tpu.memory_space<hbm>>
      tpu.enqueue_indirect_dma source(%dma_start3A_85 : memref<1000000x64xf32, #tpu.memory_space<hbm>>) target(%dma_start3A_79 : memref<128x64xf32, #tpu.memory_space<vmem>>) offsets(%dma_start3A_82 : memref<128xi32, #tpu.memory_space<vmem>>) semaphore(%arg7 : memref<!tpu.dma_semaphore, #tpu.memory_space<semaphore_mem>>)
      %mul3A_86 = arith.constant 8 : i32
      %mul3A_87 = arith.muli %scan3A_8, %mul3A_86 : i32
      %add3A_88 = arith.constant 6 : i32
      %add3A_89 = arith.addi %mul3A_87, %add3A_88 : i32
      %dma_start3A_90 = arith.constant 768 : i32
      %dma_start3A_91 = arith.constant 0 : i32
      %dma_start3A_92 = tpu.memref_slice %arg6[%dma_start3A_90, %dma_start3A_91] : memref<1024x64xf32, #tpu.memory_space<vmem>> -> memref<128x64xf32, #tpu.memory_space<vmem>>
      %dma_start3A_93 = arith.constant 0 : i32
      %dma_start3A_94 = tpu.memref_slice %arg5[%add3A_89, %dma_start3A_93] : memref<40x128xi32, #tpu.memory_space<vmem>> -> memref<1x128xi32, #tpu.memory_space<vmem>>
      %dma_start3A_95 = tpu.memref_squeeze %dma_start3A_94 : memref<1x128xi32, #tpu.memory_space<vmem>> -> memref<128xi32, #tpu.memory_space<vmem>>
      %dma_start3A_96 = arith.constant 0 : i32
      %dma_start3A_97 = arith.constant 0 : i32
      %dma_start3A_98 = tpu.memref_slice %arg2[%dma_start3A_96, %dma_start3A_97] : memref<1000000x64xf32, #tpu.memory_space<hbm>> -> memref<1000000x64xf32, #tpu.memory_space<hbm>>
      tpu.enqueue_indirect_dma source(%dma_start3A_98 : memref<1000000x64xf32, #tpu.memory_space<hbm>>) target(%dma_start3A_92 : memref<128x64xf32, #tpu.memory_space<vmem>>) offsets(%dma_start3A_95 : memref<128xi32, #tpu.memory_space<vmem>>) semaphore(%arg7 : memref<!tpu.dma_semaphore, #tpu.memory_space<semaphore_mem>>)
      %mul3A_99 = arith.constant 8 : i32
      %mul3A_100 = arith.muli %scan3A_8, %mul3A_99 : i32
      %add3A_101 = arith.constant 7 : i32
      %add3A_102 = arith.addi %mul3A_100, %add3A_101 : i32
      %dma_start3A_103 = arith.constant 896 : i32
      %dma_start3A_104 = arith.constant 0 : i32
      %dma_start3A_105 = tpu.memref_slice %arg6[%dma_start3A_103, %dma_start3A_104] : memref<1024x64xf32, #tpu.memory_space<vmem>> -> memref<128x64xf32, #tpu.memory_space<vmem>>
      %dma_start3A_106 = arith.constant 0 : i32
      %dma_start3A_107 = tpu.memref_slice %arg5[%add3A_102, %dma_start3A_106] : memref<40x128xi32, #tpu.memory_space<vmem>> -> memref<1x128xi32, #tpu.memory_space<vmem>>
      %dma_start3A_108 = tpu.memref_squeeze %dma_start3A_107 : memref<1x128xi32, #tpu.memory_space<vmem>> -> memref<128xi32, #tpu.memory_space<vmem>>
      %dma_start3A_109 = arith.constant 0 : i32
      %dma_start3A_110 = arith.constant 0 : i32
      %dma_start3A_111 = tpu.memref_slice %arg2[%dma_start3A_109, %dma_start3A_110] : memref<1000000x64xf32, #tpu.memory_space<hbm>> -> memref<1000000x64xf32, #tpu.memory_space<hbm>>
      tpu.enqueue_indirect_dma source(%dma_start3A_111 : memref<1000000x64xf32, #tpu.memory_space<hbm>>) target(%dma_start3A_105 : memref<128x64xf32, #tpu.memory_space<vmem>>) offsets(%dma_start3A_108 : memref<128xi32, #tpu.memory_space<vmem>>) semaphore(%arg7 : memref<!tpu.dma_semaphore, #tpu.memory_space<semaphore_mem>>)
      %dma_wait3A = arith.constant 0 : i32
      %dma_wait3A_112 = arith.constant 0 : i32
      %dma_wait3A_113 = tpu.memref_slice %arg6[%dma_wait3A, %dma_wait3A_112] : memref<1024x64xf32, #tpu.memory_space<vmem>> -> memref<128x64xf32, #tpu.memory_space<vmem>>
      %dma_wait3A_114 = arith.constant 0 : i32
      %dma_wait3A_115 = tpu.memref_slice %arg5[%add3A_12, %dma_wait3A_114] : memref<40x128xi32, #tpu.memory_space<vmem>> -> memref<1x128xi32, #tpu.memory_space<vmem>>
      %dma_wait3A_116 = tpu.memref_squeeze %dma_wait3A_115 : memref<1x128xi32, #tpu.memory_space<vmem>> -> memref<128xi32, #tpu.memory_space<vmem>>
      %dma_wait3A_117 = arith.constant 0 : i32
      %dma_wait3A_118 = arith.constant 0 : i32
      %dma_wait3A_119 = tpu.memref_slice %arg2[%dma_wait3A_117, %dma_wait3A_118] : memref<1000000x64xf32, #tpu.memory_space<hbm>> -> memref<1000000x64xf32, #tpu.memory_space<hbm>>
      tpu.wait_indirect_dma semaphore(%arg7 : memref<!tpu.dma_semaphore, #tpu.memory_space<semaphore_mem>>) src(%dma_wait3A_119 : memref<1000000x64xf32, #tpu.memory_space<hbm>>) dst(%dma_wait3A_113 : memref<128x64xf32, #tpu.memory_space<vmem>>)
      %dma_wait3A_120 = arith.constant 128 : i32
      %dma_wait3A_121 = arith.constant 0 : i32
      %dma_wait3A_122 = tpu.memref_slice %arg6[%dma_wait3A_120, %dma_wait3A_121] : memref<1024x64xf32, #tpu.memory_space<vmem>> -> memref<128x64xf32, #tpu.memory_space<vmem>>
      %dma_wait3A_123 = arith.constant 0 : i32
      %dma_wait3A_124 = tpu.memref_slice %arg5[%add3A_24, %dma_wait3A_123] : memref<40x128xi32, #tpu.memory_space<vmem>> -> memref<1x128xi32, #tpu.memory_space<vmem>>
      %dma_wait3A_125 = tpu.memref_squeeze %dma_wait3A_124 : memref<1x128xi32, #tpu.memory_space<vmem>> -> memref<128xi32, #tpu.memory_space<vmem>>
      %dma_wait3A_126 = arith.constant 0 : i32
      %dma_wait3A_127 = arith.constant 0 : i32
      %dma_wait3A_128 = tpu.memref_slice %arg2[%dma_wait3A_126, %dma_wait3A_127] : memref<1000000x64xf32, #tpu.memory_space<hbm>> -> memref<1000000x64xf32, #tpu.memory_space<hbm>>
      tpu.wait_indirect_dma semaphore(%arg7 : memref<!tpu.dma_semaphore, #tpu.memory_space<semaphore_mem>>) src(%dma_wait3A_128 : memref<1000000x64xf32, #tpu.memory_space<hbm>>) dst(%dma_wait3A_122 : memref<128x64xf32, #tpu.memory_space<vmem>>)
      %dma_wait3A_129 = arith.constant 256 : i32
      %dma_wait3A_130 = arith.constant 0 : i32
      %dma_wait3A_131 = tpu.memref_slice %arg6[%dma_wait3A_129, %dma_wait3A_130] : memref<1024x64xf32, #tpu.memory_space<vmem>> -> memref<128x64xf32, #tpu.memory_space<vmem>>
      %dma_wait3A_132 = arith.constant 0 : i32
      %dma_wait3A_133 = tpu.memref_slice %arg5[%add3A_37, %dma_wait3A_132] : memref<40x128xi32, #tpu.memory_space<vmem>> -> memref<1x128xi32, #tpu.memory_space<vmem>>
      %dma_wait3A_134 = tpu.memref_squeeze %dma_wait3A_133 : memref<1x128xi32, #tpu.memory_space<vmem>> -> memref<128xi32, #tpu.memory_space<vmem>>
      %dma_wait3A_135 = arith.constant 0 : i32
      %dma_wait3A_136 = arith.constant 0 : i32
      %dma_wait3A_137 = tpu.memref_slice %arg2[%dma_wait3A_135, %dma_wait3A_136] : memref<1000000x64xf32, #tpu.memory_space<hbm>> -> memref<1000000x64xf32, #tpu.memory_space<hbm>>
      tpu.wait_indirect_dma semaphore(%arg7 : memref<!tpu.dma_semaphore, #tpu.memory_space<semaphore_mem>>) src(%dma_wait3A_137 : memref<1000000x64xf32, #tpu.memory_space<hbm>>) dst(%dma_wait3A_131 : memref<128x64xf32, #tpu.memory_space<vmem>>)
      %dma_wait3A_138 = arith.constant 384 : i32
      %dma_wait3A_139 = arith.constant 0 : i32
      %dma_wait3A_140 = tpu.memref_slice %arg6[%dma_wait3A_138, %dma_wait3A_139] : memref<1024x64xf32, #tpu.memory_space<vmem>> -> memref<128x64xf32, #tpu.memory_space<vmem>>
      %dma_wait3A_141 = arith.constant 0 : i32
      %dma_wait3A_142 = tpu.memref_slice %arg5[%add3A_50, %dma_wait3A_141] : memref<40x128xi32, #tpu.memory_space<vmem>> -> memref<1x128xi32, #tpu.memory_space<vmem>>
      %dma_wait3A_143 = tpu.memref_squeeze %dma_wait3A_142 : memref<1x128xi32, #tpu.memory_space<vmem>> -> memref<128xi32, #tpu.memory_space<vmem>>
      %dma_wait3A_144 = arith.constant 0 : i32
      %dma_wait3A_145 = arith.constant 0 : i32
      %dma_wait3A_146 = tpu.memref_slice %arg2[%dma_wait3A_144, %dma_wait3A_145] : memref<1000000x64xf32, #tpu.memory_space<hbm>> -> memref<1000000x64xf32, #tpu.memory_space<hbm>>
      tpu.wait_indirect_dma semaphore(%arg7 : memref<!tpu.dma_semaphore, #tpu.memory_space<semaphore_mem>>) src(%dma_wait3A_146 : memref<1000000x64xf32, #tpu.memory_space<hbm>>) dst(%dma_wait3A_140 : memref<128x64xf32, #tpu.memory_space<vmem>>)
      %dma_wait3A_147 = arith.constant 512 : i32
      %dma_wait3A_148 = arith.constant 0 : i32
      %dma_wait3A_149 = tpu.memref_slice %arg6[%dma_wait3A_147, %dma_wait3A_148] : memref<1024x64xf32, #tpu.memory_space<vmem>> -> memref<128x64xf32, #tpu.memory_space<vmem>>
      %dma_wait3A_150 = arith.constant 0 : i32
      %dma_wait3A_151 = tpu.memref_slice %arg5[%add3A_63, %dma_wait3A_150] : memref<40x128xi32, #tpu.memory_space<vmem>> -> memref<1x128xi32, #tpu.memory_space<vmem>>
      %dma_wait3A_152 = tpu.memref_squeeze %dma_wait3A_151 : memref<1x128xi32, #tpu.memory_space<vmem>> -> memref<128xi32, #tpu.memory_space<vmem>>
      %dma_wait3A_153 = arith.constant 0 : i32
      %dma_wait3A_154 = arith.constant 0 : i32
      %dma_wait3A_155 = tpu.memref_slice %arg2[%dma_wait3A_153, %dma_wait3A_154] : memref<1000000x64xf32, #tpu.memory_space<hbm>> -> memref<1000000x64xf32, #tpu.memory_space<hbm>>
      tpu.wait_indirect_dma semaphore(%arg7 : memref<!tpu.dma_semaphore, #tpu.memory_space<semaphore_mem>>) src(%dma_wait3A_155 : memref<1000000x64xf32, #tpu.memory_space<hbm>>) dst(%dma_wait3A_149 : memref<128x64xf32, #tpu.memory_space<vmem>>)
      %dma_wait3A_156 = arith.constant 640 : i32
      %dma_wait3A_157 = arith.constant 0 : i32
      %dma_wait3A_158 = tpu.memref_slice %arg6[%dma_wait3A_156, %dma_wait3A_157] : memref<1024x64xf32, #tpu.memory_space<vmem>> -> memref<128x64xf32, #tpu.memory_space<vmem>>
      %dma_wait3A_159 = arith.constant 0 : i32
      %dma_wait3A_160 = tpu.memref_slice %arg5[%add3A_76, %dma_wait3A_159] : memref<40x128xi32, #tpu.memory_space<vmem>> -> memref<1x128xi32, #tpu.memory_space<vmem>>
      %dma_wait3A_161 = tpu.memref_squeeze %dma_wait3A_160 : memref<1x128xi32, #tpu.memory_space<vmem>> -> memref<128xi32, #tpu.memory_space<vmem>>
      %dma_wait3A_162 = arith.constant 0 : i32
      %dma_wait3A_163 = arith.constant 0 : i32
      %dma_wait3A_164 = tpu.memref_slice %arg2[%dma_wait3A_162, %dma_wait3A_163] : memref<1000000x64xf32, #tpu.memory_space<hbm>> -> memref<1000000x64xf32, #tpu.memory_space<hbm>>
      tpu.wait_indirect_dma semaphore(%arg7 : memref<!tpu.dma_semaphore, #tpu.memory_space<semaphore_mem>>) src(%dma_wait3A_164 : memref<1000000x64xf32, #tpu.memory_space<hbm>>) dst(%dma_wait3A_158 : memref<128x64xf32, #tpu.memory_space<vmem>>)
      %dma_wait3A_165 = arith.constant 768 : i32
      %dma_wait3A_166 = arith.constant 0 : i32
      %dma_wait3A_167 = tpu.memref_slice %arg6[%dma_wait3A_165, %dma_wait3A_166] : memref<1024x64xf32, #tpu.memory_space<vmem>> -> memref<128x64xf32, #tpu.memory_space<vmem>>
      %dma_wait3A_168 = arith.constant 0 : i32
      %dma_wait3A_169 = tpu.memref_slice %arg5[%add3A_89, %dma_wait3A_168] : memref<40x128xi32, #tpu.memory_space<vmem>> -> memref<1x128xi32, #tpu.memory_space<vmem>>
      %dma_wait3A_170 = tpu.memref_squeeze %dma_wait3A_169 : memref<1x128xi32, #tpu.memory_space<vmem>> -> memref<128xi32, #tpu.memory_space<vmem>>
      %dma_wait3A_171 = arith.constant 0 : i32
      %dma_wait3A_172 = arith.constant 0 : i32
      %dma_wait3A_173 = tpu.memref_slice %arg2[%dma_wait3A_171, %dma_wait3A_172] : memref<1000000x64xf32, #tpu.memory_space<hbm>> -> memref<1000000x64xf32, #tpu.memory_space<hbm>>
      tpu.wait_indirect_dma semaphore(%arg7 : memref<!tpu.dma_semaphore, #tpu.memory_space<semaphore_mem>>) src(%dma_wait3A_173 : memref<1000000x64xf32, #tpu.memory_space<hbm>>) dst(%dma_wait3A_167 : memref<128x64xf32, #tpu.memory_space<vmem>>)
      %dma_wait3A_174 = arith.constant 896 : i32
      %dma_wait3A_175 = arith.constant 0 : i32
      %dma_wait3A_176 = tpu.memref_slice %arg6[%dma_wait3A_174, %dma_wait3A_175] : memref<1024x64xf32, #tpu.memory_space<vmem>> -> memref<128x64xf32, #tpu.memory_space<vmem>>
      %dma_wait3A_177 = arith.constant 0 : i32
      %dma_wait3A_178 = tpu.memref_slice %arg5[%add3A_102, %dma_wait3A_177] : memref<40x128xi32, #tpu.memory_space<vmem>> -> memref<1x128xi32, #tpu.memory_space<vmem>>
      %dma_wait3A_179 = tpu.memref_squeeze %dma_wait3A_178 : memref<1x128xi32, #tpu.memory_space<vmem>> -> memref<128xi32, #tpu.memory_space<vmem>>
      %dma_wait3A_180 = arith.constant 0 : i32
      %dma_wait3A_181 = arith.constant 0 : i32
      %dma_wait3A_182 = tpu.memref_slice %arg2[%dma_wait3A_180, %dma_wait3A_181] : memref<1000000x64xf32, #tpu.memory_space<hbm>> -> memref<1000000x64xf32, #tpu.memory_space<hbm>>
      tpu.wait_indirect_dma semaphore(%arg7 : memref<!tpu.dma_semaphore, #tpu.memory_space<semaphore_mem>>) src(%dma_wait3A_182 : memref<1000000x64xf32, #tpu.memory_space<hbm>>) dst(%dma_wait3A_176 : memref<128x64xf32, #tpu.memory_space<vmem>>)
      %add3A_183 = arith.addi %mul3A_2, %scan3A_8 : i32
      %jit3A = arith.constant 2 : i32
      %div3A = arith.divsi %add3A_183, %jit3A : i32
      %sign3A = arith.constant 0 : i32
      %sign3A_184 = arith.cmpi sgt, %add3A_183, %sign3A : i32
      %sign3A_185 = arith.extui %sign3A_184 : i1 to i32
      %sign3A_186 = arith.constant 0 : i32
      %sign3A_187 = arith.cmpi slt, %add3A_183, %sign3A_186 : i32
      %sign3A_188 = arith.extui %sign3A_187 : i1 to i32
      %sign3A_189 = arith.subi %sign3A_185, %sign3A_188 : i32
      %sign3A_190 = arith.constant 0 : i32
      %sign3A_191 = arith.cmpi sgt, %jit3A, %sign3A_190 : i32
      %sign3A_192 = arith.extui %sign3A_191 : i1 to i32
      %sign3A_193 = arith.constant 0 : i32
      %sign3A_194 = arith.cmpi slt, %jit3A, %sign3A_193 : i32
      %sign3A_195 = arith.extui %sign3A_194 : i1 to i32
      %sign3A_196 = arith.subi %sign3A_192, %sign3A_195 : i32
      %ne3A = arith.cmpi ne, %sign3A_189, %sign3A_196 : i32
      %rem3A = arith.remsi %add3A_183, %jit3A : i32
      %ne3A_197 = arith.constant 0 : i32
      %ne3A_198 = arith.cmpi ne, %rem3A, %ne3A_197 : i32
      %and3A = arith.andi %ne3A, %ne3A_198 : i1
      %sub3A = arith.constant 1 : i32
      %sub3A_199 = arith.subi %div3A, %sub3A : i32
      %select_n3A = arith.select %and3A, %sub3A_199, %div3A : i32
      %mul3A_200 = arith.constant 1024 : i32
      %mul3A_201 = arith.muli %select_n3A, %mul3A_200 : i32
      %jit3A_202 = arith.constant 2 : i32
      %eq3A = arith.constant 0 : i32
      %eq3A_203 = arith.cmpi eq, %jit3A_202, %eq3A : i32
      %jit3A_204 = arith.constant 1 : i32
      %select_n3A_205 = arith.select %eq3A_203, %jit3A_204, %jit3A_202 : i32
      %rem3A_206 = arith.remsi %add3A_183, %select_n3A_205 : i32
      %ne3A_207 = arith.constant 0 : i32
      %ne3A_208 = arith.cmpi ne, %rem3A_206, %ne3A_207 : i32
      %lt3A = arith.constant 0 : i32
      %lt3A_209 = arith.cmpi slt, %rem3A_206, %lt3A : i32
      %lt3A_210 = arith.constant 0 : i32
      %lt3A_211 = arith.cmpi slt, %select_n3A_205, %lt3A_210 : i32
      %ne3A_212 = arith.xori %lt3A_209, %lt3A_211 : i1
      %and3A_213 = arith.andi %ne3A_212, %ne3A_208 : i1
      %add3A_214 = arith.addi %rem3A_206, %select_n3A_205 : i32
      %select_n3A_215 = arith.select %and3A_213, %add3A_214, %rem3A_206 : i32
      %mul3A_216 = arith.constant 64 : i32
      %mul3A_217 = arith.muli %select_n3A_215, %mul3A_216 : i32
      "tpu.region"() ({
        %run_scoped3A = tpu.sem_alloc : memref<!tpu.dma_semaphore, #tpu.memory_space<semaphore_mem>>
        %dma_start3A_218 = tpu.memref_slice %arg4[%mul3A_201, %mul3A_217] : memref<81920x128xf32, #tpu.memory_space<hbm>> -> memref<1024x64xf32, #tpu.memory_space<hbm>>
        %dma_start3A_219 = tpu.memref_slice %arg4[%mul3A_201, %mul3A_217] : memref<81920x128xf32, #tpu.memory_space<hbm>> -> memref<1024x64xf32, #tpu.memory_space<hbm>>
        tpu.enqueue_dma source(%arg6 : memref<1024x64xf32, #tpu.memory_space<vmem>>) target(%dma_start3A_219 : memref<1024x64xf32, #tpu.memory_space<hbm>>) target_semaphore(%run_scoped3A : memref<!tpu.dma_semaphore, #tpu.memory_space<semaphore_mem>>)
        %dma_wait3A_220 = tpu.memref_slice %arg4[%mul3A_201, %mul3A_217] : memref<81920x128xf32, #tpu.memory_space<hbm>> -> memref<1024x64xf32, #tpu.memory_space<hbm>>
        %dma_wait3A_221 = tpu.memref_slice %arg4[%mul3A_201, %mul3A_217] : memref<81920x128xf32, #tpu.memory_space<hbm>> -> memref<1024x64xf32, #tpu.memory_space<hbm>>
        tpu.wait_dma2 semaphore(%run_scoped3A : memref<!tpu.dma_semaphore, #tpu.memory_space<semaphore_mem>>) src(%arg6 : memref<1024x64xf32, #tpu.memory_space<vmem>>) dst(%dma_wait3A_221 : memref<1024x64xf32, #tpu.memory_space<hbm>>)
        tpu.yield
      }) : () -> ()
    }
    %scan3A_7 = arith.constant 5 : i32
    return
  }
}

#map = affine_map<(d0, d1) -> (0, 0)>
#map1 = affine_map<(d0, d1) -> (0, 0, 0)>
module attributes {stable_mosaic.version = 14 : i64} {
  func.func @_gather_body(%arg0: i32, %arg1: i32, %arg2: memref<1000000x64xf32, #tpu.memory_space<hbm>>, %arg3: memref<32x40x128xi32, #tpu.memory_space<hbm>>, %arg4: memref<81920x128xf32, #tpu.memory_space<hbm>>, %arg5: memref<40x128xi32, #tpu.memory_space<vmem>>, %arg6: memref<1024x64xf32, #tpu.memory_space<vmem>>, %arg7: memref<!tpu.dma_semaphore, #tpu.memory_space<semaphore_mem>>) attributes {dimension_semantics = [#tpu.dimension_semantics<core_parallel>, #tpu.dimension_semantics<subcore_parallel>], iteration_bounds = array<i64: 2, 16>, scalar_prefetch = 0 : i64, scratch_operands = 3 : i64, tpu.core_type = #tpu.core_type<sc_vector_subcore>, window_params = [{transform_indices = #map}, {transform_indices = #map1}, {transform_indices = #map}]} {
    %mul3A = arith.constant 2 : i32
    %mul3A_0 = arith.muli %arg1, %mul3A : i32
    %add3A = arith.addi %mul3A_0, %arg0 : i32
    "tpu.region"() ({
      %run_scoped3A = tpu.sem_alloc : memref<!tpu.dma_semaphore, #tpu.memory_space<semaphore_mem>>
      %dma_start3A = arith.constant 0 : i32
      %dma_start3A_8 = arith.constant 0 : i32
      %dma_start3A_9 = tpu.memref_slice %arg3[%add3A, %dma_start3A, %dma_start3A_8] : memref<32x40x128xi32, #tpu.memory_space<hbm>> -> memref<1x40x128xi32, #tpu.memory_space<hbm>>
      %dma_start3A_10 = tpu.memref_squeeze %dma_start3A_9 : memref<1x40x128xi32, #tpu.memory_space<hbm>> -> memref<40x128xi32, #tpu.memory_space<hbm>>
      %dma_start3A_11 = arith.constant 0 : i32
      %dma_start3A_12 = arith.constant 0 : i32
      %dma_start3A_13 = tpu.memref_slice %arg3[%add3A, %dma_start3A_11, %dma_start3A_12] : memref<32x40x128xi32, #tpu.memory_space<hbm>> -> memref<1x40x128xi32, #tpu.memory_space<hbm>>
      %dma_start3A_14 = tpu.memref_squeeze %dma_start3A_13 : memref<1x40x128xi32, #tpu.memory_space<hbm>> -> memref<40x128xi32, #tpu.memory_space<hbm>>
      tpu.enqueue_dma source(%dma_start3A_14 : memref<40x128xi32, #tpu.memory_space<hbm>>) target(%arg5 : memref<40x128xi32, #tpu.memory_space<vmem>>) target_semaphore(%run_scoped3A : memref<!tpu.dma_semaphore, #tpu.memory_space<semaphore_mem>>)
      %dma_wait3A = arith.constant 0 : i32
      %dma_wait3A_15 = arith.constant 0 : i32
      %dma_wait3A_16 = tpu.memref_slice %arg3[%add3A, %dma_wait3A, %dma_wait3A_15] : memref<32x40x128xi32, #tpu.memory_space<hbm>> -> memref<1x40x128xi32, #tpu.memory_space<hbm>>
      %dma_wait3A_17 = tpu.memref_squeeze %dma_wait3A_16 : memref<1x40x128xi32, #tpu.memory_space<hbm>> -> memref<40x128xi32, #tpu.memory_space<hbm>>
      %dma_wait3A_18 = arith.constant 0 : i32
      %dma_wait3A_19 = arith.constant 0 : i32
      %dma_wait3A_20 = tpu.memref_slice %arg3[%add3A, %dma_wait3A_18, %dma_wait3A_19] : memref<32x40x128xi32, #tpu.memory_space<hbm>> -> memref<1x40x128xi32, #tpu.memory_space<hbm>>
      %dma_wait3A_21 = tpu.memref_squeeze %dma_wait3A_20 : memref<1x40x128xi32, #tpu.memory_space<hbm>> -> memref<40x128xi32, #tpu.memory_space<hbm>>
      tpu.wait_dma2 semaphore(%run_scoped3A : memref<!tpu.dma_semaphore, #tpu.memory_space<semaphore_mem>>) src(%dma_wait3A_21 : memref<40x128xi32, #tpu.memory_space<hbm>>) dst(%arg5 : memref<40x128xi32, #tpu.memory_space<vmem>>)
      tpu.yield
    }) : () -> ()
    %mul3A_1 = arith.constant 5 : i32
    %mul3A_2 = arith.muli %add3A, %mul3A_1 : i32
    %scan3A = arith.constant 0 : i32
    %scan3A_3 = arith.constant 0 : i32
    %scan3A_4 = arith.constant 5 : i32
    %scan3A_5 = arith.addi %scan3A_3, %scan3A_4 : i32
    %scan3A_6 = arith.constant 1 : i32
    scf.for %scan3A_8 = %scan3A_3 to %scan3A_5 step %scan3A_6  : i32 {
      %mul3A_9 = arith.constant 8 : i32
      %mul3A_10 = arith.muli %scan3A_8, %mul3A_9 : i32
      %add3A_11 = arith.constant 0 : i32
      %add3A_12 = arith.addi %mul3A_10, %add3A_11 : i32
      %dma_start3A = arith.constant 0 : i32
      %dma_start3A_13 = arith.constant 0 : i32
      %dma_start3A_14 = tpu.memref_slice %arg6[%dma_start3A, %dma_start3A_13] : memref<1024x64xf32, #tpu.memory_space<vmem>> -> memref<128x64xf32, #tpu.memory_space<vmem>>
      %dma_start3A_15 = arith.constant 0 : i32
      %dma_start3A_16 = tpu.memref_slice %arg5[%add3A_12, %dma_start3A_15] : memref<40x128xi32, #tpu.memory_space<vmem>> -> memref<1x128xi32, #tpu.memory_space<vmem>>
      %dma_start3A_17 = tpu.memref_squeeze %dma_start3A_16 : memref<1x128xi32, #tpu.memory_space<vmem>> -> memref<128xi32, #tpu.memory_space<vmem>>
      %dma_start3A_18 = arith.constant 0 : i32
      %dma_start3A_19 = arith.constant 0 : i32
      %dma_start3A_20 = tpu.memref_slice %arg2[%dma_start3A_18, %dma_start3A_19] : memref<1000000x64xf32, #tpu.memory_space<hbm>> -> memref<1000000x64xf32, #tpu.memory_space<hbm>>
      tpu.enqueue_indirect_dma source(%dma_start3A_20 : memref<1000000x64xf32, #tpu.memory_space<hbm>>) target(%dma_start3A_14 : memref<128x64xf32, #tpu.memory_space<vmem>>) offsets(%dma_start3A_17 : memref<128xi32, #tpu.memory_space<vmem>>) semaphore(%arg7 : memref<!tpu.dma_semaphore, #tpu.memory_space<semaphore_mem>>)
      %mul3A_21 = arith.constant 8 : i32
      %mul3A_22 = arith.muli %scan3A_8, %mul3A_21 : i32
      %add3A_23 = arith.constant 1 : i32
      %add3A_24 = arith.addi %mul3A_22, %add3A_23 : i32
      %dma_start3A_25 = arith.constant 128 : i32
      %dma_start3A_26 = arith.constant 0 : i32
      %dma_start3A_27 = tpu.memref_slice %arg6[%dma_start3A_25, %dma_start3A_26] : memref<1024x64xf32, #tpu.memory_space<vmem>> -> memref<128x64xf32, #tpu.memory_space<vmem>>
      %dma_start3A_28 = arith.constant 0 : i32
      %dma_start3A_29 = tpu.memref_slice %arg5[%add3A_24, %dma_start3A_28] : memref<40x128xi32, #tpu.memory_space<vmem>> -> memref<1x128xi32, #tpu.memory_space<vmem>>
      %dma_start3A_30 = tpu.memref_squeeze %dma_start3A_29 : memref<1x128xi32, #tpu.memory_space<vmem>> -> memref<128xi32, #tpu.memory_space<vmem>>
      %dma_start3A_31 = arith.constant 0 : i32
      %dma_start3A_32 = arith.constant 0 : i32
      %dma_start3A_33 = tpu.memref_slice %arg2[%dma_start3A_31, %dma_start3A_32] : memref<1000000x64xf32, #tpu.memory_space<hbm>> -> memref<1000000x64xf32, #tpu.memory_space<hbm>>
      tpu.enqueue_indirect_dma source(%dma_start3A_33 : memref<1000000x64xf32, #tpu.memory_space<hbm>>) target(%dma_start3A_27 : memref<128x64xf32, #tpu.memory_space<vmem>>) offsets(%dma_start3A_30 : memref<128xi32, #tpu.memory_space<vmem>>) semaphore(%arg7 : memref<!tpu.dma_semaphore, #tpu.memory_space<semaphore_mem>>)
      %mul3A_34 = arith.constant 8 : i32
      %mul3A_35 = arith.muli %scan3A_8, %mul3A_34 : i32
      %add3A_36 = arith.constant 2 : i32
      %add3A_37 = arith.addi %mul3A_35, %add3A_36 : i32
      %dma_start3A_38 = arith.constant 256 : i32
      %dma_start3A_39 = arith.constant 0 : i32
      %dma_start3A_40 = tpu.memref_slice %arg6[%dma_start3A_38, %dma_start3A_39] : memref<1024x64xf32, #tpu.memory_space<vmem>> -> memref<128x64xf32, #tpu.memory_space<vmem>>
      %dma_start3A_41 = arith.constant 0 : i32
      %dma_start3A_42 = tpu.memref_slice %arg5[%add3A_37, %dma_start3A_41] : memref<40x128xi32, #tpu.memory_space<vmem>> -> memref<1x128xi32, #tpu.memory_space<vmem>>
      %dma_start3A_43 = tpu.memref_squeeze %dma_start3A_42 : memref<1x128xi32, #tpu.memory_space<vmem>> -> memref<128xi32, #tpu.memory_space<vmem>>
      %dma_start3A_44 = arith.constant 0 : i32
      %dma_start3A_45 = arith.constant 0 : i32
      %dma_start3A_46 = tpu.memref_slice %arg2[%dma_start3A_44, %dma_start3A_45] : memref<1000000x64xf32, #tpu.memory_space<hbm>> -> memref<1000000x64xf32, #tpu.memory_space<hbm>>
      tpu.enqueue_indirect_dma source(%dma_start3A_46 : memref<1000000x64xf32, #tpu.memory_space<hbm>>) target(%dma_start3A_40 : memref<128x64xf32, #tpu.memory_space<vmem>>) offsets(%dma_start3A_43 : memref<128xi32, #tpu.memory_space<vmem>>) semaphore(%arg7 : memref<!tpu.dma_semaphore, #tpu.memory_space<semaphore_mem>>)
      %mul3A_47 = arith.constant 8 : i32
      %mul3A_48 = arith.muli %scan3A_8, %mul3A_47 : i32
      %add3A_49 = arith.constant 3 : i32
      %add3A_50 = arith.addi %mul3A_48, %add3A_49 : i32
      %dma_start3A_51 = arith.constant 384 : i32
      %dma_start3A_52 = arith.constant 0 : i32
      %dma_start3A_53 = tpu.memref_slice %arg6[%dma_start3A_51, %dma_start3A_52] : memref<1024x64xf32, #tpu.memory_space<vmem>> -> memref<128x64xf32, #tpu.memory_space<vmem>>
      %dma_start3A_54 = arith.constant 0 : i32
      %dma_start3A_55 = tpu.memref_slice %arg5[%add3A_50, %dma_start3A_54] : memref<40x128xi32, #tpu.memory_space<vmem>> -> memref<1x128xi32, #tpu.memory_space<vmem>>
      %dma_start3A_56 = tpu.memref_squeeze %dma_start3A_55 : memref<1x128xi32, #tpu.memory_space<vmem>> -> memref<128xi32, #tpu.memory_space<vmem>>
      %dma_start3A_57 = arith.constant 0 : i32
      %dma_start3A_58 = arith.constant 0 : i32
      %dma_start3A_59 = tpu.memref_slice %arg2[%dma_start3A_57, %dma_start3A_58] : memref<1000000x64xf32, #tpu.memory_space<hbm>> -> memref<1000000x64xf32, #tpu.memory_space<hbm>>
      tpu.enqueue_indirect_dma source(%dma_start3A_59 : memref<1000000x64xf32, #tpu.memory_space<hbm>>) target(%dma_start3A_53 : memref<128x64xf32, #tpu.memory_space<vmem>>) offsets(%dma_start3A_56 : memref<128xi32, #tpu.memory_space<vmem>>) semaphore(%arg7 : memref<!tpu.dma_semaphore, #tpu.memory_space<semaphore_mem>>)
      %mul3A_60 = arith.constant 8 : i32
      %mul3A_61 = arith.muli %scan3A_8, %mul3A_60 : i32
      %add3A_62 = arith.constant 4 : i32
      %add3A_63 = arith.addi %mul3A_61, %add3A_62 : i32
      %dma_start3A_64 = arith.constant 512 : i32
      %dma_start3A_65 = arith.constant 0 : i32
      %dma_start3A_66 = tpu.memref_slice %arg6[%dma_start3A_64, %dma_start3A_65] : memref<1024x64xf32, #tpu.memory_space<vmem>> -> memref<128x64xf32, #tpu.memory_space<vmem>>
      %dma_start3A_67 = arith.constant 0 : i32
      %dma_start3A_68 = tpu.memref_slice %arg5[%add3A_63, %dma_start3A_67] : memref<40x128xi32, #tpu.memory_space<vmem>> -> memref<1x128xi32, #tpu.memory_space<vmem>>
      %dma_start3A_69 = tpu.memref_squeeze %dma_start3A_68 : memref<1x128xi32, #tpu.memory_space<vmem>> -> memref<128xi32, #tpu.memory_space<vmem>>
      %dma_start3A_70 = arith.constant 0 : i32
      %dma_start3A_71 = arith.constant 0 : i32
      %dma_start3A_72 = tpu.memref_slice %arg2[%dma_start3A_70, %dma_start3A_71] : memref<1000000x64xf32, #tpu.memory_space<hbm>> -> memref<1000000x64xf32, #tpu.memory_space<hbm>>
      tpu.enqueue_indirect_dma source(%dma_start3A_72 : memref<1000000x64xf32, #tpu.memory_space<hbm>>) target(%dma_start3A_66 : memref<128x64xf32, #tpu.memory_space<vmem>>) offsets(%dma_start3A_69 : memref<128xi32, #tpu.memory_space<vmem>>) semaphore(%arg7 : memref<!tpu.dma_semaphore, #tpu.memory_space<semaphore_mem>>)
      %mul3A_73 = arith.constant 8 : i32
      %mul3A_74 = arith.muli %scan3A_8, %mul3A_73 : i32
      %add3A_75 = arith.constant 5 : i32
      %add3A_76 = arith.addi %mul3A_74, %add3A_75 : i32
      %dma_start3A_77 = arith.constant 640 : i32
      %dma_start3A_78 = arith.constant 0 : i32
      %dma_start3A_79 = tpu.memref_slice %arg6[%dma_start3A_77, %dma_start3A_78] : memref<1024x64xf32, #tpu.memory_space<vmem>> -> memref<128x64xf32, #tpu.memory_space<vmem>>
      %dma_start3A_80 = arith.constant 0 : i32
      %dma_start3A_81 = tpu.memref_slice %arg5[%add3A_76, %dma_start3A_80] : memref<40x128xi32, #tpu.memory_space<vmem>> -> memref<1x128xi32, #tpu.memory_space<vmem>>
      %dma_start3A_82 = tpu.memref_squeeze %dma_start3A_81 : memref<1x128xi32, #tpu.memory_space<vmem>> -> memref<128xi32, #tpu.memory_space<vmem>>
      %dma_start3A_83 = arith.constant 0 : i32
      %dma_start3A_84 = arith.constant 0 : i32
      %dma_start3A_85 = tpu.memref_slice %arg2[%dma_start3A_83, %dma_start3A_84] : memref<1000000x64xf32, #tpu.memory_space<hbm>> -> memref<1000000x64xf32, #tpu.memory_space<hbm>>
      tpu.enqueue_indirect_dma source(%dma_start3A_85 : memref<1000000x64xf32, #tpu.memory_space<hbm>>) target(%dma_start3A_79 : memref<128x64xf32, #tpu.memory_space<vmem>>) offsets(%dma_start3A_82 : memref<128xi32, #tpu.memory_space<vmem>>) semaphore(%arg7 : memref<!tpu.dma_semaphore, #tpu.memory_space<semaphore_mem>>)
      %mul3A_86 = arith.constant 8 : i32
      %mul3A_87 = arith.muli %scan3A_8, %mul3A_86 : i32
      %add3A_88 = arith.constant 6 : i32
      %add3A_89 = arith.addi %mul3A_87, %add3A_88 : i32
      %dma_start3A_90 = arith.constant 768 : i32
      %dma_start3A_91 = arith.constant 0 : i32
      %dma_start3A_92 = tpu.memref_slice %arg6[%dma_start3A_90, %dma_start3A_91] : memref<1024x64xf32, #tpu.memory_space<vmem>> -> memref<128x64xf32, #tpu.memory_space<vmem>>
      %dma_start3A_93 = arith.constant 0 : i32
      %dma_start3A_94 = tpu.memref_slice %arg5[%add3A_89, %dma_start3A_93] : memref<40x128xi32, #tpu.memory_space<vmem>> -> memref<1x128xi32, #tpu.memory_space<vmem>>
      %dma_start3A_95 = tpu.memref_squeeze %dma_start3A_94 : memref<1x128xi32, #tpu.memory_space<vmem>> -> memref<128xi32, #tpu.memory_space<vmem>>
      %dma_start3A_96 = arith.constant 0 : i32
      %dma_start3A_97 = arith.constant 0 : i32
      %dma_start3A_98 = tpu.memref_slice %arg2[%dma_start3A_96, %dma_start3A_97] : memref<1000000x64xf32, #tpu.memory_space<hbm>> -> memref<1000000x64xf32, #tpu.memory_space<hbm>>
      tpu.enqueue_indirect_dma source(%dma_start3A_98 : memref<1000000x64xf32, #tpu.memory_space<hbm>>) target(%dma_start3A_92 : memref<128x64xf32, #tpu.memory_space<vmem>>) offsets(%dma_start3A_95 : memref<128xi32, #tpu.memory_space<vmem>>) semaphore(%arg7 : memref<!tpu.dma_semaphore, #tpu.memory_space<semaphore_mem>>)
      %mul3A_99 = arith.constant 8 : i32
      %mul3A_100 = arith.muli %scan3A_8, %mul3A_99 : i32
      %add3A_101 = arith.constant 7 : i32
      %add3A_102 = arith.addi %mul3A_100, %add3A_101 : i32
      %dma_start3A_103 = arith.constant 896 : i32
      %dma_start3A_104 = arith.constant 0 : i32
      %dma_start3A_105 = tpu.memref_slice %arg6[%dma_start3A_103, %dma_start3A_104] : memref<1024x64xf32, #tpu.memory_space<vmem>> -> memref<128x64xf32, #tpu.memory_space<vmem>>
      %dma_start3A_106 = arith.constant 0 : i32
      %dma_start3A_107 = tpu.memref_slice %arg5[%add3A_102, %dma_start3A_106] : memref<40x128xi32, #tpu.memory_space<vmem>> -> memref<1x128xi32, #tpu.memory_space<vmem>>
      %dma_start3A_108 = tpu.memref_squeeze %dma_start3A_107 : memref<1x128xi32, #tpu.memory_space<vmem>> -> memref<128xi32, #tpu.memory_space<vmem>>
      %dma_start3A_109 = arith.constant 0 : i32
      %dma_start3A_110 = arith.constant 0 : i32
      %dma_start3A_111 = tpu.memref_slice %arg2[%dma_start3A_109, %dma_start3A_110] : memref<1000000x64xf32, #tpu.memory_space<hbm>> -> memref<1000000x64xf32, #tpu.memory_space<hbm>>
      tpu.enqueue_indirect_dma source(%dma_start3A_111 : memref<1000000x64xf32, #tpu.memory_space<hbm>>) target(%dma_start3A_105 : memref<128x64xf32, #tpu.memory_space<vmem>>) offsets(%dma_start3A_108 : memref<128xi32, #tpu.memory_space<vmem>>) semaphore(%arg7 : memref<!tpu.dma_semaphore, #tpu.memory_space<semaphore_mem>>)
      %dma_wait3A = arith.constant 0 : i32
      %dma_wait3A_112 = arith.constant 0 : i32
      %dma_wait3A_113 = tpu.memref_slice %arg6[%dma_wait3A, %dma_wait3A_112] : memref<1024x64xf32, #tpu.memory_space<vmem>> -> memref<128x64xf32, #tpu.memory_space<vmem>>
      %dma_wait3A_114 = arith.constant 0 : i32
      %dma_wait3A_115 = tpu.memref_slice %arg5[%add3A_12, %dma_wait3A_114] : memref<40x128xi32, #tpu.memory_space<vmem>> -> memref<1x128xi32, #tpu.memory_space<vmem>>
      %dma_wait3A_116 = tpu.memref_squeeze %dma_wait3A_115 : memref<1x128xi32, #tpu.memory_space<vmem>> -> memref<128xi32, #tpu.memory_space<vmem>>
      %dma_wait3A_117 = arith.constant 0 : i32
      %dma_wait3A_118 = arith.constant 0 : i32
      %dma_wait3A_119 = tpu.memref_slice %arg2[%dma_wait3A_117, %dma_wait3A_118] : memref<1000000x64xf32, #tpu.memory_space<hbm>> -> memref<1000000x64xf32, #tpu.memory_space<hbm>>
      tpu.wait_indirect_dma semaphore(%arg7 : memref<!tpu.dma_semaphore, #tpu.memory_space<semaphore_mem>>) src(%dma_wait3A_119 : memref<1000000x64xf32, #tpu.memory_space<hbm>>) dst(%dma_wait3A_113 : memref<128x64xf32, #tpu.memory_space<vmem>>)
      %dma_wait3A_120 = arith.constant 128 : i32
      %dma_wait3A_121 = arith.constant 0 : i32
      %dma_wait3A_122 = tpu.memref_slice %arg6[%dma_wait3A_120, %dma_wait3A_121] : memref<1024x64xf32, #tpu.memory_space<vmem>> -> memref<128x64xf32, #tpu.memory_space<vmem>>
      %dma_wait3A_123 = arith.constant 0 : i32
      %dma_wait3A_124 = tpu.memref_slice %arg5[%add3A_24, %dma_wait3A_123] : memref<40x128xi32, #tpu.memory_space<vmem>> -> memref<1x128xi32, #tpu.memory_space<vmem>>
      %dma_wait3A_125 = tpu.memref_squeeze %dma_wait3A_124 : memref<1x128xi32, #tpu.memory_space<vmem>> -> memref<128xi32, #tpu.memory_space<vmem>>
      %dma_wait3A_126 = arith.constant 0 : i32
      %dma_wait3A_127 = arith.constant 0 : i32
      %dma_wait3A_128 = tpu.memref_slice %arg2[%dma_wait3A_126, %dma_wait3A_127] : memref<1000000x64xf32, #tpu.memory_space<hbm>> -> memref<1000000x64xf32, #tpu.memory_space<hbm>>
      tpu.wait_indirect_dma semaphore(%arg7 : memref<!tpu.dma_semaphore, #tpu.memory_space<semaphore_mem>>) src(%dma_wait3A_128 : memref<1000000x64xf32, #tpu.memory_space<hbm>>) dst(%dma_wait3A_122 : memref<128x64xf32, #tpu.memory_space<vmem>>)
      %dma_wait3A_129 = arith.constant 256 : i32
      %dma_wait3A_130 = arith.constant 0 : i32
      %dma_wait3A_131 = tpu.memref_slice %arg6[%dma_wait3A_129, %dma_wait3A_130] : memref<1024x64xf32, #tpu.memory_space<vmem>> -> memref<128x64xf32, #tpu.memory_space<vmem>>
      %dma_wait3A_132 = arith.constant 0 : i32
      %dma_wait3A_133 = tpu.memref_slice %arg5[%add3A_37, %dma_wait3A_132] : memref<40x128xi32, #tpu.memory_space<vmem>> -> memref<1x128xi32, #tpu.memory_space<vmem>>
      %dma_wait3A_134 = tpu.memref_squeeze %dma_wait3A_133 : memref<1x128xi32, #tpu.memory_space<vmem>> -> memref<128xi32, #tpu.memory_space<vmem>>
      %dma_wait3A_135 = arith.constant 0 : i32
      %dma_wait3A_136 = arith.constant 0 : i32
      %dma_wait3A_137 = tpu.memref_slice %arg2[%dma_wait3A_135, %dma_wait3A_136] : memref<1000000x64xf32, #tpu.memory_space<hbm>> -> memref<1000000x64xf32, #tpu.memory_space<hbm>>
      tpu.wait_indirect_dma semaphore(%arg7 : memref<!tpu.dma_semaphore, #tpu.memory_space<semaphore_mem>>) src(%dma_wait3A_137 : memref<1000000x64xf32, #tpu.memory_space<hbm>>) dst(%dma_wait3A_131 : memref<128x64xf32, #tpu.memory_space<vmem>>)
      %dma_wait3A_138 = arith.constant 384 : i32
      %dma_wait3A_139 = arith.constant 0 : i32
      %dma_wait3A_140 = tpu.memref_slice %arg6[%dma_wait3A_138, %dma_wait3A_139] : memref<1024x64xf32, #tpu.memory_space<vmem>> -> memref<128x64xf32, #tpu.memory_space<vmem>>
      %dma_wait3A_141 = arith.constant 0 : i32
      %dma_wait3A_142 = tpu.memref_slice %arg5[%add3A_50, %dma_wait3A_141] : memref<40x128xi32, #tpu.memory_space<vmem>> -> memref<1x128xi32, #tpu.memory_space<vmem>>
      %dma_wait3A_143 = tpu.memref_squeeze %dma_wait3A_142 : memref<1x128xi32, #tpu.memory_space<vmem>> -> memref<128xi32, #tpu.memory_space<vmem>>
      %dma_wait3A_144 = arith.constant 0 : i32
      %dma_wait3A_145 = arith.constant 0 : i32
      %dma_wait3A_146 = tpu.memref_slice %arg2[%dma_wait3A_144, %dma_wait3A_145] : memref<1000000x64xf32, #tpu.memory_space<hbm>> -> memref<1000000x64xf32, #tpu.memory_space<hbm>>
      tpu.wait_indirect_dma semaphore(%arg7 : memref<!tpu.dma_semaphore, #tpu.memory_space<semaphore_mem>>) src(%dma_wait3A_146 : memref<1000000x64xf32, #tpu.memory_space<hbm>>) dst(%dma_wait3A_140 : memref<128x64xf32, #tpu.memory_space<vmem>>)
      %dma_wait3A_147 = arith.constant 512 : i32
      %dma_wait3A_148 = arith.constant 0 : i32
      %dma_wait3A_149 = tpu.memref_slice %arg6[%dma_wait3A_147, %dma_wait3A_148] : memref<1024x64xf32, #tpu.memory_space<vmem>> -> memref<128x64xf32, #tpu.memory_space<vmem>>
      %dma_wait3A_150 = arith.constant 0 : i32
      %dma_wait3A_151 = tpu.memref_slice %arg5[%add3A_63, %dma_wait3A_150] : memref<40x128xi32, #tpu.memory_space<vmem>> -> memref<1x128xi32, #tpu.memory_space<vmem>>
      %dma_wait3A_152 = tpu.memref_squeeze %dma_wait3A_151 : memref<1x128xi32, #tpu.memory_space<vmem>> -> memref<128xi32, #tpu.memory_space<vmem>>
      %dma_wait3A_153 = arith.constant 0 : i32
      %dma_wait3A_154 = arith.constant 0 : i32
      %dma_wait3A_155 = tpu.memref_slice %arg2[%dma_wait3A_153, %dma_wait3A_154] : memref<1000000x64xf32, #tpu.memory_space<hbm>> -> memref<1000000x64xf32, #tpu.memory_space<hbm>>
      tpu.wait_indirect_dma semaphore(%arg7 : memref<!tpu.dma_semaphore, #tpu.memory_space<semaphore_mem>>) src(%dma_wait3A_155 : memref<1000000x64xf32, #tpu.memory_space<hbm>>) dst(%dma_wait3A_149 : memref<128x64xf32, #tpu.memory_space<vmem>>)
      %dma_wait3A_156 = arith.constant 640 : i32
      %dma_wait3A_157 = arith.constant 0 : i32
      %dma_wait3A_158 = tpu.memref_slice %arg6[%dma_wait3A_156, %dma_wait3A_157] : memref<1024x64xf32, #tpu.memory_space<vmem>> -> memref<128x64xf32, #tpu.memory_space<vmem>>
      %dma_wait3A_159 = arith.constant 0 : i32
      %dma_wait3A_160 = tpu.memref_slice %arg5[%add3A_76, %dma_wait3A_159] : memref<40x128xi32, #tpu.memory_space<vmem>> -> memref<1x128xi32, #tpu.memory_space<vmem>>
      %dma_wait3A_161 = tpu.memref_squeeze %dma_wait3A_160 : memref<1x128xi32, #tpu.memory_space<vmem>> -> memref<128xi32, #tpu.memory_space<vmem>>
      %dma_wait3A_162 = arith.constant 0 : i32
      %dma_wait3A_163 = arith.constant 0 : i32
      %dma_wait3A_164 = tpu.memref_slice %arg2[%dma_wait3A_162, %dma_wait3A_163] : memref<1000000x64xf32, #tpu.memory_space<hbm>> -> memref<1000000x64xf32, #tpu.memory_space<hbm>>
      tpu.wait_indirect_dma semaphore(%arg7 : memref<!tpu.dma_semaphore, #tpu.memory_space<semaphore_mem>>) src(%dma_wait3A_164 : memref<1000000x64xf32, #tpu.memory_space<hbm>>) dst(%dma_wait3A_158 : memref<128x64xf32, #tpu.memory_space<vmem>>)
      %dma_wait3A_165 = arith.constant 768 : i32
      %dma_wait3A_166 = arith.constant 0 : i32
      %dma_wait3A_167 = tpu.memref_slice %arg6[%dma_wait3A_165, %dma_wait3A_166] : memref<1024x64xf32, #tpu.memory_space<vmem>> -> memref<128x64xf32, #tpu.memory_space<vmem>>
      %dma_wait3A_168 = arith.constant 0 : i32
      %dma_wait3A_169 = tpu.memref_slice %arg5[%add3A_89, %dma_wait3A_168] : memref<40x128xi32, #tpu.memory_space<vmem>> -> memref<1x128xi32, #tpu.memory_space<vmem>>
      %dma_wait3A_170 = tpu.memref_squeeze %dma_wait3A_169 : memref<1x128xi32, #tpu.memory_space<vmem>> -> memref<128xi32, #tpu.memory_space<vmem>>
      %dma_wait3A_171 = arith.constant 0 : i32
      %dma_wait3A_172 = arith.constant 0 : i32
      %dma_wait3A_173 = tpu.memref_slice %arg2[%dma_wait3A_171, %dma_wait3A_172] : memref<1000000x64xf32, #tpu.memory_space<hbm>> -> memref<1000000x64xf32, #tpu.memory_space<hbm>>
      tpu.wait_indirect_dma semaphore(%arg7 : memref<!tpu.dma_semaphore, #tpu.memory_space<semaphore_mem>>) src(%dma_wait3A_173 : memref<1000000x64xf32, #tpu.memory_space<hbm>>) dst(%dma_wait3A_167 : memref<128x64xf32, #tpu.memory_space<vmem>>)
      %dma_wait3A_174 = arith.constant 896 : i32
      %dma_wait3A_175 = arith.constant 0 : i32
      %dma_wait3A_176 = tpu.memref_slice %arg6[%dma_wait3A_174, %dma_wait3A_175] : memref<1024x64xf32, #tpu.memory_space<vmem>> -> memref<128x64xf32, #tpu.memory_space<vmem>>
      %dma_wait3A_177 = arith.constant 0 : i32
      %dma_wait3A_178 = tpu.memref_slice %arg5[%add3A_102, %dma_wait3A_177] : memref<40x128xi32, #tpu.memory_space<vmem>> -> memref<1x128xi32, #tpu.memory_space<vmem>>
      %dma_wait3A_179 = tpu.memref_squeeze %dma_wait3A_178 : memref<1x128xi32, #tpu.memory_space<vmem>> -> memref<128xi32, #tpu.memory_space<vmem>>
      %dma_wait3A_180 = arith.constant 0 : i32
      %dma_wait3A_181 = arith.constant 0 : i32
      %dma_wait3A_182 = tpu.memref_slice %arg2[%dma_wait3A_180, %dma_wait3A_181] : memref<1000000x64xf32, #tpu.memory_space<hbm>> -> memref<1000000x64xf32, #tpu.memory_space<hbm>>
      tpu.wait_indirect_dma semaphore(%arg7 : memref<!tpu.dma_semaphore, #tpu.memory_space<semaphore_mem>>) src(%dma_wait3A_182 : memref<1000000x64xf32, #tpu.memory_space<hbm>>) dst(%dma_wait3A_176 : memref<128x64xf32, #tpu.memory_space<vmem>>)
      %add3A_183 = arith.addi %mul3A_2, %scan3A_8 : i32
      %jit3A = arith.constant 2 : i32
      %div3A = arith.divsi %add3A_183, %jit3A : i32
      %sign3A = arith.constant 0 : i32
      %sign3A_184 = arith.cmpi sgt, %add3A_183, %sign3A : i32
      %sign3A_185 = arith.extui %sign3A_184 : i1 to i32
      %sign3A_186 = arith.constant 0 : i32
      %sign3A_187 = arith.cmpi slt, %add3A_183, %sign3A_186 : i32
      %sign3A_188 = arith.extui %sign3A_187 : i1 to i32
      %sign3A_189 = arith.subi %sign3A_185, %sign3A_188 : i32
      %sign3A_190 = arith.constant 0 : i32
      %sign3A_191 = arith.cmpi sgt, %jit3A, %sign3A_190 : i32
      %sign3A_192 = arith.extui %sign3A_191 : i1 to i32
      %sign3A_193 = arith.constant 0 : i32
      %sign3A_194 = arith.cmpi slt, %jit3A, %sign3A_193 : i32
      %sign3A_195 = arith.extui %sign3A_194 : i1 to i32
      %sign3A_196 = arith.subi %sign3A_192, %sign3A_195 : i32
      %ne3A = arith.cmpi ne, %sign3A_189, %sign3A_196 : i32
      %rem3A = arith.remsi %add3A_183, %jit3A : i32
      %ne3A_197 = arith.constant 0 : i32
      %ne3A_198 = arith.cmpi ne, %rem3A, %ne3A_197 : i32
      %and3A = arith.andi %ne3A, %ne3A_198 : i1
      %sub3A = arith.constant 1 : i32
      %sub3A_199 = arith.subi %div3A, %sub3A : i32
      %select_n3A = arith.select %and3A, %sub3A_199, %div3A : i32
      %mul3A_200 = arith.constant 1024 : i32
      %mul3A_201 = arith.muli %select_n3A, %mul3A_200 : i32
      %jit3A_202 = arith.constant 2 : i32
      %eq3A = arith.constant 0 : i32
      %eq3A_203 = arith.cmpi eq, %jit3A_202, %eq3A : i32
      %jit3A_204 = arith.constant 1 : i32
      %select_n3A_205 = arith.select %eq3A_203, %jit3A_204, %jit3A_202 : i32
      %rem3A_206 = arith.remsi %add3A_183, %select_n3A_205 : i32
      %ne3A_207 = arith.constant 0 : i32
      %ne3A_208 = arith.cmpi ne, %rem3A_206, %ne3A_207 : i32
      %lt3A = arith.constant 0 : i32
      %lt3A_209 = arith.cmpi slt, %rem3A_206, %lt3A : i32
      %lt3A_210 = arith.constant 0 : i32
      %lt3A_211 = arith.cmpi slt, %select_n3A_205, %lt3A_210 : i32
      %ne3A_212 = arith.xori %lt3A_209, %lt3A_211 : i1
      %and3A_213 = arith.andi %ne3A_212, %ne3A_208 : i1
      %add3A_214 = arith.addi %rem3A_206, %select_n3A_205 : i32
      %select_n3A_215 = arith.select %and3A_213, %add3A_214, %rem3A_206 : i32
      %mul3A_216 = arith.constant 64 : i32
      %mul3A_217 = arith.muli %select_n3A_215, %mul3A_216 : i32
      "tpu.region"() ({
        %run_scoped3A = tpu.sem_alloc : memref<!tpu.dma_semaphore, #tpu.memory_space<semaphore_mem>>
        %dma_start3A_218 = tpu.memref_slice %arg4[%mul3A_201, %mul3A_217] : memref<81920x128xf32, #tpu.memory_space<hbm>> -> memref<1024x64xf32, #tpu.memory_space<hbm>>
        %dma_start3A_219 = tpu.memref_slice %arg4[%mul3A_201, %mul3A_217] : memref<81920x128xf32, #tpu.memory_space<hbm>> -> memref<1024x64xf32, #tpu.memory_space<hbm>>
        tpu.enqueue_dma source(%arg6 : memref<1024x64xf32, #tpu.memory_space<vmem>>) target(%dma_start3A_219 : memref<1024x64xf32, #tpu.memory_space<hbm>>) target_semaphore(%run_scoped3A : memref<!tpu.dma_semaphore, #tpu.memory_space<semaphore_mem>>)
        %dma_wait3A_220 = tpu.memref_slice %arg4[%mul3A_201, %mul3A_217] : memref<81920x128xf32, #tpu.memory_space<hbm>> -> memref<1024x64xf32, #tpu.memory_space<hbm>>
        %dma_wait3A_221 = tpu.memref_slice %arg4[%mul3A_201, %mul3A_217] : memref<81920x128xf32, #tpu.memory_space<hbm>> -> memref<1024x64xf32, #tpu.memory_space<hbm>>
        tpu.wait_dma2 semaphore(%run_scoped3A : memref<!tpu.dma_semaphore, #tpu.memory_space<semaphore_mem>>) src(%arg6 : memref<1024x64xf32, #tpu.memory_space<vmem>>) dst(%dma_wait3A_221 : memref<1024x64xf32, #tpu.memory_space<hbm>>)
        tpu.yield
      }) : () -> ()
    }
    %scan3A_7 = arith.constant 5 : i32
    return
  }
}

#map = affine_map<(d0, d1) -> (0, 0)>
#map1 = affine_map<(d0, d1) -> (0, 0, 0)>
module attributes {stable_mosaic.version = 14 : i64} {
  func.func @_gather_body(%arg0: i32, %arg1: i32, %arg2: memref<1000000x64xf32, #tpu.memory_space<hbm>>, %arg3: memref<32x40x128xi32, #tpu.memory_space<hbm>>, %arg4: memref<81920x128xf32, #tpu.memory_space<hbm>>, %arg5: memref<40x128xi32, #tpu.memory_space<vmem>>, %arg6: memref<1024x64xf32, #tpu.memory_space<vmem>>, %arg7: memref<!tpu.dma_semaphore, #tpu.memory_space<semaphore_mem>>) attributes {dimension_semantics = [#tpu.dimension_semantics<core_parallel>, #tpu.dimension_semantics<subcore_parallel>], iteration_bounds = array<i64: 2, 16>, scalar_prefetch = 0 : i64, scratch_operands = 3 : i64, tpu.core_type = #tpu.core_type<sc_vector_subcore>, window_params = [{transform_indices = #map}, {transform_indices = #map1}, {transform_indices = #map}]} {
    %mul3A = arith.constant 2 : i32
    %mul3A_0 = arith.muli %arg1, %mul3A : i32
    %add3A = arith.addi %mul3A_0, %arg0 : i32
    "tpu.region"() ({
      %run_scoped3A = tpu.sem_alloc : memref<!tpu.dma_semaphore, #tpu.memory_space<semaphore_mem>>
      %dma_start3A = arith.constant 0 : i32
      %dma_start3A_8 = arith.constant 0 : i32
      %dma_start3A_9 = tpu.memref_slice %arg3[%add3A, %dma_start3A, %dma_start3A_8] : memref<32x40x128xi32, #tpu.memory_space<hbm>> -> memref<1x40x128xi32, #tpu.memory_space<hbm>>
      %dma_start3A_10 = tpu.memref_squeeze %dma_start3A_9 : memref<1x40x128xi32, #tpu.memory_space<hbm>> -> memref<40x128xi32, #tpu.memory_space<hbm>>
      %dma_start3A_11 = arith.constant 0 : i32
      %dma_start3A_12 = arith.constant 0 : i32
      %dma_start3A_13 = tpu.memref_slice %arg3[%add3A, %dma_start3A_11, %dma_start3A_12] : memref<32x40x128xi32, #tpu.memory_space<hbm>> -> memref<1x40x128xi32, #tpu.memory_space<hbm>>
      %dma_start3A_14 = tpu.memref_squeeze %dma_start3A_13 : memref<1x40x128xi32, #tpu.memory_space<hbm>> -> memref<40x128xi32, #tpu.memory_space<hbm>>
      tpu.enqueue_dma source(%dma_start3A_14 : memref<40x128xi32, #tpu.memory_space<hbm>>) target(%arg5 : memref<40x128xi32, #tpu.memory_space<vmem>>) target_semaphore(%run_scoped3A : memref<!tpu.dma_semaphore, #tpu.memory_space<semaphore_mem>>)
      %dma_wait3A = arith.constant 0 : i32
      %dma_wait3A_15 = arith.constant 0 : i32
      %dma_wait3A_16 = tpu.memref_slice %arg3[%add3A, %dma_wait3A, %dma_wait3A_15] : memref<32x40x128xi32, #tpu.memory_space<hbm>> -> memref<1x40x128xi32, #tpu.memory_space<hbm>>
      %dma_wait3A_17 = tpu.memref_squeeze %dma_wait3A_16 : memref<1x40x128xi32, #tpu.memory_space<hbm>> -> memref<40x128xi32, #tpu.memory_space<hbm>>
      %dma_wait3A_18 = arith.constant 0 : i32
      %dma_wait3A_19 = arith.constant 0 : i32
      %dma_wait3A_20 = tpu.memref_slice %arg3[%add3A, %dma_wait3A_18, %dma_wait3A_19] : memref<32x40x128xi32, #tpu.memory_space<hbm>> -> memref<1x40x128xi32, #tpu.memory_space<hbm>>
      %dma_wait3A_21 = tpu.memref_squeeze %dma_wait3A_20 : memref<1x40x128xi32, #tpu.memory_space<hbm>> -> memref<40x128xi32, #tpu.memory_space<hbm>>
      tpu.wait_dma2 semaphore(%run_scoped3A : memref<!tpu.dma_semaphore, #tpu.memory_space<semaphore_mem>>) src(%dma_wait3A_21 : memref<40x128xi32, #tpu.memory_space<hbm>>) dst(%arg5 : memref<40x128xi32, #tpu.memory_space<vmem>>)
      tpu.yield
    }) : () -> ()
    %mul3A_1 = arith.constant 5 : i32
    %mul3A_2 = arith.muli %add3A, %mul3A_1 : i32
    %scan3A = arith.constant 0 : i32
    %scan3A_3 = arith.constant 0 : i32
    %scan3A_4 = arith.constant 5 : i32
    %scan3A_5 = arith.addi %scan3A_3, %scan3A_4 : i32
    %scan3A_6 = arith.constant 1 : i32
    scf.for %scan3A_8 = %scan3A_3 to %scan3A_5 step %scan3A_6  : i32 {
      %mul3A_9 = arith.constant 8 : i32
      %mul3A_10 = arith.muli %scan3A_8, %mul3A_9 : i32
      %add3A_11 = arith.constant 0 : i32
      %add3A_12 = arith.addi %mul3A_10, %add3A_11 : i32
      %dma_start3A = arith.constant 0 : i32
      %dma_start3A_13 = arith.constant 0 : i32
      %dma_start3A_14 = tpu.memref_slice %arg6[%dma_start3A, %dma_start3A_13] : memref<1024x64xf32, #tpu.memory_space<vmem>> -> memref<128x64xf32, #tpu.memory_space<vmem>>
      %dma_start3A_15 = arith.constant 0 : i32
      %dma_start3A_16 = tpu.memref_slice %arg5[%add3A_12, %dma_start3A_15] : memref<40x128xi32, #tpu.memory_space<vmem>> -> memref<1x128xi32, #tpu.memory_space<vmem>>
      %dma_start3A_17 = tpu.memref_squeeze %dma_start3A_16 : memref<1x128xi32, #tpu.memory_space<vmem>> -> memref<128xi32, #tpu.memory_space<vmem>>
      %dma_start3A_18 = arith.constant 0 : i32
      %dma_start3A_19 = arith.constant 0 : i32
      %dma_start3A_20 = tpu.memref_slice %arg2[%dma_start3A_18, %dma_start3A_19] : memref<1000000x64xf32, #tpu.memory_space<hbm>> -> memref<1000000x64xf32, #tpu.memory_space<hbm>>
      tpu.enqueue_indirect_dma source(%dma_start3A_20 : memref<1000000x64xf32, #tpu.memory_space<hbm>>) target(%dma_start3A_14 : memref<128x64xf32, #tpu.memory_space<vmem>>) offsets(%dma_start3A_17 : memref<128xi32, #tpu.memory_space<vmem>>) semaphore(%arg7 : memref<!tpu.dma_semaphore, #tpu.memory_space<semaphore_mem>>)
      %mul3A_21 = arith.constant 8 : i32
      %mul3A_22 = arith.muli %scan3A_8, %mul3A_21 : i32
      %add3A_23 = arith.constant 1 : i32
      %add3A_24 = arith.addi %mul3A_22, %add3A_23 : i32
      %dma_start3A_25 = arith.constant 128 : i32
      %dma_start3A_26 = arith.constant 0 : i32
      %dma_start3A_27 = tpu.memref_slice %arg6[%dma_start3A_25, %dma_start3A_26] : memref<1024x64xf32, #tpu.memory_space<vmem>> -> memref<128x64xf32, #tpu.memory_space<vmem>>
      %dma_start3A_28 = arith.constant 0 : i32
      %dma_start3A_29 = tpu.memref_slice %arg5[%add3A_24, %dma_start3A_28] : memref<40x128xi32, #tpu.memory_space<vmem>> -> memref<1x128xi32, #tpu.memory_space<vmem>>
      %dma_start3A_30 = tpu.memref_squeeze %dma_start3A_29 : memref<1x128xi32, #tpu.memory_space<vmem>> -> memref<128xi32, #tpu.memory_space<vmem>>
      %dma_start3A_31 = arith.constant 0 : i32
      %dma_start3A_32 = arith.constant 0 : i32
      %dma_start3A_33 = tpu.memref_slice %arg2[%dma_start3A_31, %dma_start3A_32] : memref<1000000x64xf32, #tpu.memory_space<hbm>> -> memref<1000000x64xf32, #tpu.memory_space<hbm>>
      tpu.enqueue_indirect_dma source(%dma_start3A_33 : memref<1000000x64xf32, #tpu.memory_space<hbm>>) target(%dma_start3A_27 : memref<128x64xf32, #tpu.memory_space<vmem>>) offsets(%dma_start3A_30 : memref<128xi32, #tpu.memory_space<vmem>>) semaphore(%arg7 : memref<!tpu.dma_semaphore, #tpu.memory_space<semaphore_mem>>)
      %mul3A_34 = arith.constant 8 : i32
      %mul3A_35 = arith.muli %scan3A_8, %mul3A_34 : i32
      %add3A_36 = arith.constant 2 : i32
      %add3A_37 = arith.addi %mul3A_35, %add3A_36 : i32
      %dma_start3A_38 = arith.constant 256 : i32
      %dma_start3A_39 = arith.constant 0 : i32
      %dma_start3A_40 = tpu.memref_slice %arg6[%dma_start3A_38, %dma_start3A_39] : memref<1024x64xf32, #tpu.memory_space<vmem>> -> memref<128x64xf32, #tpu.memory_space<vmem>>
      %dma_start3A_41 = arith.constant 0 : i32
      %dma_start3A_42 = tpu.memref_slice %arg5[%add3A_37, %dma_start3A_41] : memref<40x128xi32, #tpu.memory_space<vmem>> -> memref<1x128xi32, #tpu.memory_space<vmem>>
      %dma_start3A_43 = tpu.memref_squeeze %dma_start3A_42 : memref<1x128xi32, #tpu.memory_space<vmem>> -> memref<128xi32, #tpu.memory_space<vmem>>
      %dma_start3A_44 = arith.constant 0 : i32
      %dma_start3A_45 = arith.constant 0 : i32
      %dma_start3A_46 = tpu.memref_slice %arg2[%dma_start3A_44, %dma_start3A_45] : memref<1000000x64xf32, #tpu.memory_space<hbm>> -> memref<1000000x64xf32, #tpu.memory_space<hbm>>
      tpu.enqueue_indirect_dma source(%dma_start3A_46 : memref<1000000x64xf32, #tpu.memory_space<hbm>>) target(%dma_start3A_40 : memref<128x64xf32, #tpu.memory_space<vmem>>) offsets(%dma_start3A_43 : memref<128xi32, #tpu.memory_space<vmem>>) semaphore(%arg7 : memref<!tpu.dma_semaphore, #tpu.memory_space<semaphore_mem>>)
      %mul3A_47 = arith.constant 8 : i32
      %mul3A_48 = arith.muli %scan3A_8, %mul3A_47 : i32
      %add3A_49 = arith.constant 3 : i32
      %add3A_50 = arith.addi %mul3A_48, %add3A_49 : i32
      %dma_start3A_51 = arith.constant 384 : i32
      %dma_start3A_52 = arith.constant 0 : i32
      %dma_start3A_53 = tpu.memref_slice %arg6[%dma_start3A_51, %dma_start3A_52] : memref<1024x64xf32, #tpu.memory_space<vmem>> -> memref<128x64xf32, #tpu.memory_space<vmem>>
      %dma_start3A_54 = arith.constant 0 : i32
      %dma_start3A_55 = tpu.memref_slice %arg5[%add3A_50, %dma_start3A_54] : memref<40x128xi32, #tpu.memory_space<vmem>> -> memref<1x128xi32, #tpu.memory_space<vmem>>
      %dma_start3A_56 = tpu.memref_squeeze %dma_start3A_55 : memref<1x128xi32, #tpu.memory_space<vmem>> -> memref<128xi32, #tpu.memory_space<vmem>>
      %dma_start3A_57 = arith.constant 0 : i32
      %dma_start3A_58 = arith.constant 0 : i32
      %dma_start3A_59 = tpu.memref_slice %arg2[%dma_start3A_57, %dma_start3A_58] : memref<1000000x64xf32, #tpu.memory_space<hbm>> -> memref<1000000x64xf32, #tpu.memory_space<hbm>>
      tpu.enqueue_indirect_dma source(%dma_start3A_59 : memref<1000000x64xf32, #tpu.memory_space<hbm>>) target(%dma_start3A_53 : memref<128x64xf32, #tpu.memory_space<vmem>>) offsets(%dma_start3A_56 : memref<128xi32, #tpu.memory_space<vmem>>) semaphore(%arg7 : memref<!tpu.dma_semaphore, #tpu.memory_space<semaphore_mem>>)
      %mul3A_60 = arith.constant 8 : i32
      %mul3A_61 = arith.muli %scan3A_8, %mul3A_60 : i32
      %add3A_62 = arith.constant 4 : i32
      %add3A_63 = arith.addi %mul3A_61, %add3A_62 : i32
      %dma_start3A_64 = arith.constant 512 : i32
      %dma_start3A_65 = arith.constant 0 : i32
      %dma_start3A_66 = tpu.memref_slice %arg6[%dma_start3A_64, %dma_start3A_65] : memref<1024x64xf32, #tpu.memory_space<vmem>> -> memref<128x64xf32, #tpu.memory_space<vmem>>
      %dma_start3A_67 = arith.constant 0 : i32
      %dma_start3A_68 = tpu.memref_slice %arg5[%add3A_63, %dma_start3A_67] : memref<40x128xi32, #tpu.memory_space<vmem>> -> memref<1x128xi32, #tpu.memory_space<vmem>>
      %dma_start3A_69 = tpu.memref_squeeze %dma_start3A_68 : memref<1x128xi32, #tpu.memory_space<vmem>> -> memref<128xi32, #tpu.memory_space<vmem>>
      %dma_start3A_70 = arith.constant 0 : i32
      %dma_start3A_71 = arith.constant 0 : i32
      %dma_start3A_72 = tpu.memref_slice %arg2[%dma_start3A_70, %dma_start3A_71] : memref<1000000x64xf32, #tpu.memory_space<hbm>> -> memref<1000000x64xf32, #tpu.memory_space<hbm>>
      tpu.enqueue_indirect_dma source(%dma_start3A_72 : memref<1000000x64xf32, #tpu.memory_space<hbm>>) target(%dma_start3A_66 : memref<128x64xf32, #tpu.memory_space<vmem>>) offsets(%dma_start3A_69 : memref<128xi32, #tpu.memory_space<vmem>>) semaphore(%arg7 : memref<!tpu.dma_semaphore, #tpu.memory_space<semaphore_mem>>)
      %mul3A_73 = arith.constant 8 : i32
      %mul3A_74 = arith.muli %scan3A_8, %mul3A_73 : i32
      %add3A_75 = arith.constant 5 : i32
      %add3A_76 = arith.addi %mul3A_74, %add3A_75 : i32
      %dma_start3A_77 = arith.constant 640 : i32
      %dma_start3A_78 = arith.constant 0 : i32
      %dma_start3A_79 = tpu.memref_slice %arg6[%dma_start3A_77, %dma_start3A_78] : memref<1024x64xf32, #tpu.memory_space<vmem>> -> memref<128x64xf32, #tpu.memory_space<vmem>>
      %dma_start3A_80 = arith.constant 0 : i32
      %dma_start3A_81 = tpu.memref_slice %arg5[%add3A_76, %dma_start3A_80] : memref<40x128xi32, #tpu.memory_space<vmem>> -> memref<1x128xi32, #tpu.memory_space<vmem>>
      %dma_start3A_82 = tpu.memref_squeeze %dma_start3A_81 : memref<1x128xi32, #tpu.memory_space<vmem>> -> memref<128xi32, #tpu.memory_space<vmem>>
      %dma_start3A_83 = arith.constant 0 : i32
      %dma_start3A_84 = arith.constant 0 : i32
      %dma_start3A_85 = tpu.memref_slice %arg2[%dma_start3A_83, %dma_start3A_84] : memref<1000000x64xf32, #tpu.memory_space<hbm>> -> memref<1000000x64xf32, #tpu.memory_space<hbm>>
      tpu.enqueue_indirect_dma source(%dma_start3A_85 : memref<1000000x64xf32, #tpu.memory_space<hbm>>) target(%dma_start3A_79 : memref<128x64xf32, #tpu.memory_space<vmem>>) offsets(%dma_start3A_82 : memref<128xi32, #tpu.memory_space<vmem>>) semaphore(%arg7 : memref<!tpu.dma_semaphore, #tpu.memory_space<semaphore_mem>>)
      %mul3A_86 = arith.constant 8 : i32
      %mul3A_87 = arith.muli %scan3A_8, %mul3A_86 : i32
      %add3A_88 = arith.constant 6 : i32
      %add3A_89 = arith.addi %mul3A_87, %add3A_88 : i32
      %dma_start3A_90 = arith.constant 768 : i32
      %dma_start3A_91 = arith.constant 0 : i32
      %dma_start3A_92 = tpu.memref_slice %arg6[%dma_start3A_90, %dma_start3A_91] : memref<1024x64xf32, #tpu.memory_space<vmem>> -> memref<128x64xf32, #tpu.memory_space<vmem>>
      %dma_start3A_93 = arith.constant 0 : i32
      %dma_start3A_94 = tpu.memref_slice %arg5[%add3A_89, %dma_start3A_93] : memref<40x128xi32, #tpu.memory_space<vmem>> -> memref<1x128xi32, #tpu.memory_space<vmem>>
      %dma_start3A_95 = tpu.memref_squeeze %dma_start3A_94 : memref<1x128xi32, #tpu.memory_space<vmem>> -> memref<128xi32, #tpu.memory_space<vmem>>
      %dma_start3A_96 = arith.constant 0 : i32
      %dma_start3A_97 = arith.constant 0 : i32
      %dma_start3A_98 = tpu.memref_slice %arg2[%dma_start3A_96, %dma_start3A_97] : memref<1000000x64xf32, #tpu.memory_space<hbm>> -> memref<1000000x64xf32, #tpu.memory_space<hbm>>
      tpu.enqueue_indirect_dma source(%dma_start3A_98 : memref<1000000x64xf32, #tpu.memory_space<hbm>>) target(%dma_start3A_92 : memref<128x64xf32, #tpu.memory_space<vmem>>) offsets(%dma_start3A_95 : memref<128xi32, #tpu.memory_space<vmem>>) semaphore(%arg7 : memref<!tpu.dma_semaphore, #tpu.memory_space<semaphore_mem>>)
      %mul3A_99 = arith.constant 8 : i32
      %mul3A_100 = arith.muli %scan3A_8, %mul3A_99 : i32
      %add3A_101 = arith.constant 7 : i32
      %add3A_102 = arith.addi %mul3A_100, %add3A_101 : i32
      %dma_start3A_103 = arith.constant 896 : i32
      %dma_start3A_104 = arith.constant 0 : i32
      %dma_start3A_105 = tpu.memref_slice %arg6[%dma_start3A_103, %dma_start3A_104] : memref<1024x64xf32, #tpu.memory_space<vmem>> -> memref<128x64xf32, #tpu.memory_space<vmem>>
      %dma_start3A_106 = arith.constant 0 : i32
      %dma_start3A_107 = tpu.memref_slice %arg5[%add3A_102, %dma_start3A_106] : memref<40x128xi32, #tpu.memory_space<vmem>> -> memref<1x128xi32, #tpu.memory_space<vmem>>
      %dma_start3A_108 = tpu.memref_squeeze %dma_start3A_107 : memref<1x128xi32, #tpu.memory_space<vmem>> -> memref<128xi32, #tpu.memory_space<vmem>>
      %dma_start3A_109 = arith.constant 0 : i32
      %dma_start3A_110 = arith.constant 0 : i32
      %dma_start3A_111 = tpu.memref_slice %arg2[%dma_start3A_109, %dma_start3A_110] : memref<1000000x64xf32, #tpu.memory_space<hbm>> -> memref<1000000x64xf32, #tpu.memory_space<hbm>>
      tpu.enqueue_indirect_dma source(%dma_start3A_111 : memref<1000000x64xf32, #tpu.memory_space<hbm>>) target(%dma_start3A_105 : memref<128x64xf32, #tpu.memory_space<vmem>>) offsets(%dma_start3A_108 : memref<128xi32, #tpu.memory_space<vmem>>) semaphore(%arg7 : memref<!tpu.dma_semaphore, #tpu.memory_space<semaphore_mem>>)
      %dma_wait3A = arith.constant 0 : i32
      %dma_wait3A_112 = arith.constant 0 : i32
      %dma_wait3A_113 = tpu.memref_slice %arg6[%dma_wait3A, %dma_wait3A_112] : memref<1024x64xf32, #tpu.memory_space<vmem>> -> memref<128x64xf32, #tpu.memory_space<vmem>>
      %dma_wait3A_114 = arith.constant 0 : i32
      %dma_wait3A_115 = tpu.memref_slice %arg5[%add3A_12, %dma_wait3A_114] : memref<40x128xi32, #tpu.memory_space<vmem>> -> memref<1x128xi32, #tpu.memory_space<vmem>>
      %dma_wait3A_116 = tpu.memref_squeeze %dma_wait3A_115 : memref<1x128xi32, #tpu.memory_space<vmem>> -> memref<128xi32, #tpu.memory_space<vmem>>
      %dma_wait3A_117 = arith.constant 0 : i32
      %dma_wait3A_118 = arith.constant 0 : i32
      %dma_wait3A_119 = tpu.memref_slice %arg2[%dma_wait3A_117, %dma_wait3A_118] : memref<1000000x64xf32, #tpu.memory_space<hbm>> -> memref<1000000x64xf32, #tpu.memory_space<hbm>>
      tpu.wait_indirect_dma semaphore(%arg7 : memref<!tpu.dma_semaphore, #tpu.memory_space<semaphore_mem>>) src(%dma_wait3A_119 : memref<1000000x64xf32, #tpu.memory_space<hbm>>) dst(%dma_wait3A_113 : memref<128x64xf32, #tpu.memory_space<vmem>>)
      %dma_wait3A_120 = arith.constant 128 : i32
      %dma_wait3A_121 = arith.constant 0 : i32
      %dma_wait3A_122 = tpu.memref_slice %arg6[%dma_wait3A_120, %dma_wait3A_121] : memref<1024x64xf32, #tpu.memory_space<vmem>> -> memref<128x64xf32, #tpu.memory_space<vmem>>
      %dma_wait3A_123 = arith.constant 0 : i32
      %dma_wait3A_124 = tpu.memref_slice %arg5[%add3A_24, %dma_wait3A_123] : memref<40x128xi32, #tpu.memory_space<vmem>> -> memref<1x128xi32, #tpu.memory_space<vmem>>
      %dma_wait3A_125 = tpu.memref_squeeze %dma_wait3A_124 : memref<1x128xi32, #tpu.memory_space<vmem>> -> memref<128xi32, #tpu.memory_space<vmem>>
      %dma_wait3A_126 = arith.constant 0 : i32
      %dma_wait3A_127 = arith.constant 0 : i32
      %dma_wait3A_128 = tpu.memref_slice %arg2[%dma_wait3A_126, %dma_wait3A_127] : memref<1000000x64xf32, #tpu.memory_space<hbm>> -> memref<1000000x64xf32, #tpu.memory_space<hbm>>
      tpu.wait_indirect_dma semaphore(%arg7 : memref<!tpu.dma_semaphore, #tpu.memory_space<semaphore_mem>>) src(%dma_wait3A_128 : memref<1000000x64xf32, #tpu.memory_space<hbm>>) dst(%dma_wait3A_122 : memref<128x64xf32, #tpu.memory_space<vmem>>)
      %dma_wait3A_129 = arith.constant 256 : i32
      %dma_wait3A_130 = arith.constant 0 : i32
      %dma_wait3A_131 = tpu.memref_slice %arg6[%dma_wait3A_129, %dma_wait3A_130] : memref<1024x64xf32, #tpu.memory_space<vmem>> -> memref<128x64xf32, #tpu.memory_space<vmem>>
      %dma_wait3A_132 = arith.constant 0 : i32
      %dma_wait3A_133 = tpu.memref_slice %arg5[%add3A_37, %dma_wait3A_132] : memref<40x128xi32, #tpu.memory_space<vmem>> -> memref<1x128xi32, #tpu.memory_space<vmem>>
      %dma_wait3A_134 = tpu.memref_squeeze %dma_wait3A_133 : memref<1x128xi32, #tpu.memory_space<vmem>> -> memref<128xi32, #tpu.memory_space<vmem>>
      %dma_wait3A_135 = arith.constant 0 : i32
      %dma_wait3A_136 = arith.constant 0 : i32
      %dma_wait3A_137 = tpu.memref_slice %arg2[%dma_wait3A_135, %dma_wait3A_136] : memref<1000000x64xf32, #tpu.memory_space<hbm>> -> memref<1000000x64xf32, #tpu.memory_space<hbm>>
      tpu.wait_indirect_dma semaphore(%arg7 : memref<!tpu.dma_semaphore, #tpu.memory_space<semaphore_mem>>) src(%dma_wait3A_137 : memref<1000000x64xf32, #tpu.memory_space<hbm>>) dst(%dma_wait3A_131 : memref<128x64xf32, #tpu.memory_space<vmem>>)
      %dma_wait3A_138 = arith.constant 384 : i32
      %dma_wait3A_139 = arith.constant 0 : i32
      %dma_wait3A_140 = tpu.memref_slice %arg6[%dma_wait3A_138, %dma_wait3A_139] : memref<1024x64xf32, #tpu.memory_space<vmem>> -> memref<128x64xf32, #tpu.memory_space<vmem>>
      %dma_wait3A_141 = arith.constant 0 : i32
      %dma_wait3A_142 = tpu.memref_slice %arg5[%add3A_50, %dma_wait3A_141] : memref<40x128xi32, #tpu.memory_space<vmem>> -> memref<1x128xi32, #tpu.memory_space<vmem>>
      %dma_wait3A_143 = tpu.memref_squeeze %dma_wait3A_142 : memref<1x128xi32, #tpu.memory_space<vmem>> -> memref<128xi32, #tpu.memory_space<vmem>>
      %dma_wait3A_144 = arith.constant 0 : i32
      %dma_wait3A_145 = arith.constant 0 : i32
      %dma_wait3A_146 = tpu.memref_slice %arg2[%dma_wait3A_144, %dma_wait3A_145] : memref<1000000x64xf32, #tpu.memory_space<hbm>> -> memref<1000000x64xf32, #tpu.memory_space<hbm>>
      tpu.wait_indirect_dma semaphore(%arg7 : memref<!tpu.dma_semaphore, #tpu.memory_space<semaphore_mem>>) src(%dma_wait3A_146 : memref<1000000x64xf32, #tpu.memory_space<hbm>>) dst(%dma_wait3A_140 : memref<128x64xf32, #tpu.memory_space<vmem>>)
      %dma_wait3A_147 = arith.constant 512 : i32
      %dma_wait3A_148 = arith.constant 0 : i32
      %dma_wait3A_149 = tpu.memref_slice %arg6[%dma_wait3A_147, %dma_wait3A_148] : memref<1024x64xf32, #tpu.memory_space<vmem>> -> memref<128x64xf32, #tpu.memory_space<vmem>>
      %dma_wait3A_150 = arith.constant 0 : i32
      %dma_wait3A_151 = tpu.memref_slice %arg5[%add3A_63, %dma_wait3A_150] : memref<40x128xi32, #tpu.memory_space<vmem>> -> memref<1x128xi32, #tpu.memory_space<vmem>>
      %dma_wait3A_152 = tpu.memref_squeeze %dma_wait3A_151 : memref<1x128xi32, #tpu.memory_space<vmem>> -> memref<128xi32, #tpu.memory_space<vmem>>
      %dma_wait3A_153 = arith.constant 0 : i32
      %dma_wait3A_154 = arith.constant 0 : i32
      %dma_wait3A_155 = tpu.memref_slice %arg2[%dma_wait3A_153, %dma_wait3A_154] : memref<1000000x64xf32, #tpu.memory_space<hbm>> -> memref<1000000x64xf32, #tpu.memory_space<hbm>>
      tpu.wait_indirect_dma semaphore(%arg7 : memref<!tpu.dma_semaphore, #tpu.memory_space<semaphore_mem>>) src(%dma_wait3A_155 : memref<1000000x64xf32, #tpu.memory_space<hbm>>) dst(%dma_wait3A_149 : memref<128x64xf32, #tpu.memory_space<vmem>>)
      %dma_wait3A_156 = arith.constant 640 : i32
      %dma_wait3A_157 = arith.constant 0 : i32
      %dma_wait3A_158 = tpu.memref_slice %arg6[%dma_wait3A_156, %dma_wait3A_157] : memref<1024x64xf32, #tpu.memory_space<vmem>> -> memref<128x64xf32, #tpu.memory_space<vmem>>
      %dma_wait3A_159 = arith.constant 0 : i32
      %dma_wait3A_160 = tpu.memref_slice %arg5[%add3A_76, %dma_wait3A_159] : memref<40x128xi32, #tpu.memory_space<vmem>> -> memref<1x128xi32, #tpu.memory_space<vmem>>
      %dma_wait3A_161 = tpu.memref_squeeze %dma_wait3A_160 : memref<1x128xi32, #tpu.memory_space<vmem>> -> memref<128xi32, #tpu.memory_space<vmem>>
      %dma_wait3A_162 = arith.constant 0 : i32
      %dma_wait3A_163 = arith.constant 0 : i32
      %dma_wait3A_164 = tpu.memref_slice %arg2[%dma_wait3A_162, %dma_wait3A_163] : memref<1000000x64xf32, #tpu.memory_space<hbm>> -> memref<1000000x64xf32, #tpu.memory_space<hbm>>
      tpu.wait_indirect_dma semaphore(%arg7 : memref<!tpu.dma_semaphore, #tpu.memory_space<semaphore_mem>>) src(%dma_wait3A_164 : memref<1000000x64xf32, #tpu.memory_space<hbm>>) dst(%dma_wait3A_158 : memref<128x64xf32, #tpu.memory_space<vmem>>)
      %dma_wait3A_165 = arith.constant 768 : i32
      %dma_wait3A_166 = arith.constant 0 : i32
      %dma_wait3A_167 = tpu.memref_slice %arg6[%dma_wait3A_165, %dma_wait3A_166] : memref<1024x64xf32, #tpu.memory_space<vmem>> -> memref<128x64xf32, #tpu.memory_space<vmem>>
      %dma_wait3A_168 = arith.constant 0 : i32
      %dma_wait3A_169 = tpu.memref_slice %arg5[%add3A_89, %dma_wait3A_168] : memref<40x128xi32, #tpu.memory_space<vmem>> -> memref<1x128xi32, #tpu.memory_space<vmem>>
      %dma_wait3A_170 = tpu.memref_squeeze %dma_wait3A_169 : memref<1x128xi32, #tpu.memory_space<vmem>> -> memref<128xi32, #tpu.memory_space<vmem>>
      %dma_wait3A_171 = arith.constant 0 : i32
      %dma_wait3A_172 = arith.constant 0 : i32
      %dma_wait3A_173 = tpu.memref_slice %arg2[%dma_wait3A_171, %dma_wait3A_172] : memref<1000000x64xf32, #tpu.memory_space<hbm>> -> memref<1000000x64xf32, #tpu.memory_space<hbm>>
      tpu.wait_indirect_dma semaphore(%arg7 : memref<!tpu.dma_semaphore, #tpu.memory_space<semaphore_mem>>) src(%dma_wait3A_173 : memref<1000000x64xf32, #tpu.memory_space<hbm>>) dst(%dma_wait3A_167 : memref<128x64xf32, #tpu.memory_space<vmem>>)
      %dma_wait3A_174 = arith.constant 896 : i32
      %dma_wait3A_175 = arith.constant 0 : i32
      %dma_wait3A_176 = tpu.memref_slice %arg6[%dma_wait3A_174, %dma_wait3A_175] : memref<1024x64xf32, #tpu.memory_space<vmem>> -> memref<128x64xf32, #tpu.memory_space<vmem>>
      %dma_wait3A_177 = arith.constant 0 : i32
      %dma_wait3A_178 = tpu.memref_slice %arg5[%add3A_102, %dma_wait3A_177] : memref<40x128xi32, #tpu.memory_space<vmem>> -> memref<1x128xi32, #tpu.memory_space<vmem>>
      %dma_wait3A_179 = tpu.memref_squeeze %dma_wait3A_178 : memref<1x128xi32, #tpu.memory_space<vmem>> -> memref<128xi32, #tpu.memory_space<vmem>>
      %dma_wait3A_180 = arith.constant 0 : i32
      %dma_wait3A_181 = arith.constant 0 : i32
      %dma_wait3A_182 = tpu.memref_slice %arg2[%dma_wait3A_180, %dma_wait3A_181] : memref<1000000x64xf32, #tpu.memory_space<hbm>> -> memref<1000000x64xf32, #tpu.memory_space<hbm>>
      tpu.wait_indirect_dma semaphore(%arg7 : memref<!tpu.dma_semaphore, #tpu.memory_space<semaphore_mem>>) src(%dma_wait3A_182 : memref<1000000x64xf32, #tpu.memory_space<hbm>>) dst(%dma_wait3A_176 : memref<128x64xf32, #tpu.memory_space<vmem>>)
      %add3A_183 = arith.addi %mul3A_2, %scan3A_8 : i32
      %jit3A = arith.constant 2 : i32
      %div3A = arith.divsi %add3A_183, %jit3A : i32
      %sign3A = arith.constant 0 : i32
      %sign3A_184 = arith.cmpi sgt, %add3A_183, %sign3A : i32
      %sign3A_185 = arith.extui %sign3A_184 : i1 to i32
      %sign3A_186 = arith.constant 0 : i32
      %sign3A_187 = arith.cmpi slt, %add3A_183, %sign3A_186 : i32
      %sign3A_188 = arith.extui %sign3A_187 : i1 to i32
      %sign3A_189 = arith.subi %sign3A_185, %sign3A_188 : i32
      %sign3A_190 = arith.constant 0 : i32
      %sign3A_191 = arith.cmpi sgt, %jit3A, %sign3A_190 : i32
      %sign3A_192 = arith.extui %sign3A_191 : i1 to i32
      %sign3A_193 = arith.constant 0 : i32
      %sign3A_194 = arith.cmpi slt, %jit3A, %sign3A_193 : i32
      %sign3A_195 = arith.extui %sign3A_194 : i1 to i32
      %sign3A_196 = arith.subi %sign3A_192, %sign3A_195 : i32
      %ne3A = arith.cmpi ne, %sign3A_189, %sign3A_196 : i32
      %rem3A = arith.remsi %add3A_183, %jit3A : i32
      %ne3A_197 = arith.constant 0 : i32
      %ne3A_198 = arith.cmpi ne, %rem3A, %ne3A_197 : i32
      %and3A = arith.andi %ne3A, %ne3A_198 : i1
      %sub3A = arith.constant 1 : i32
      %sub3A_199 = arith.subi %div3A, %sub3A : i32
      %select_n3A = arith.select %and3A, %sub3A_199, %div3A : i32
      %mul3A_200 = arith.constant 1024 : i32
      %mul3A_201 = arith.muli %select_n3A, %mul3A_200 : i32
      %jit3A_202 = arith.constant 2 : i32
      %eq3A = arith.constant 0 : i32
      %eq3A_203 = arith.cmpi eq, %jit3A_202, %eq3A : i32
      %jit3A_204 = arith.constant 1 : i32
      %select_n3A_205 = arith.select %eq3A_203, %jit3A_204, %jit3A_202 : i32
      %rem3A_206 = arith.remsi %add3A_183, %select_n3A_205 : i32
      %ne3A_207 = arith.constant 0 : i32
      %ne3A_208 = arith.cmpi ne, %rem3A_206, %ne3A_207 : i32
      %lt3A = arith.constant 0 : i32
      %lt3A_209 = arith.cmpi slt, %rem3A_206, %lt3A : i32
      %lt3A_210 = arith.constant 0 : i32
      %lt3A_211 = arith.cmpi slt, %select_n3A_205, %lt3A_210 : i32
      %ne3A_212 = arith.xori %lt3A_209, %lt3A_211 : i1
      %and3A_213 = arith.andi %ne3A_212, %ne3A_208 : i1
      %add3A_214 = arith.addi %rem3A_206, %select_n3A_205 : i32
      %select_n3A_215 = arith.select %and3A_213, %add3A_214, %rem3A_206 : i32
      %mul3A_216 = arith.constant 64 : i32
      %mul3A_217 = arith.muli %select_n3A_215, %mul3A_216 : i32
      "tpu.region"() ({
        %run_scoped3A = tpu.sem_alloc : memref<!tpu.dma_semaphore, #tpu.memory_space<semaphore_mem>>
        %dma_start3A_218 = tpu.memref_slice %arg4[%mul3A_201, %mul3A_217] : memref<81920x128xf32, #tpu.memory_space<hbm>> -> memref<1024x64xf32, #tpu.memory_space<hbm>>
        %dma_start3A_219 = tpu.memref_slice %arg4[%mul3A_201, %mul3A_217] : memref<81920x128xf32, #tpu.memory_space<hbm>> -> memref<1024x64xf32, #tpu.memory_space<hbm>>
        tpu.enqueue_dma source(%arg6 : memref<1024x64xf32, #tpu.memory_space<vmem>>) target(%dma_start3A_219 : memref<1024x64xf32, #tpu.memory_space<hbm>>) target_semaphore(%run_scoped3A : memref<!tpu.dma_semaphore, #tpu.memory_space<semaphore_mem>>)
        %dma_wait3A_220 = tpu.memref_slice %arg4[%mul3A_201, %mul3A_217] : memref<81920x128xf32, #tpu.memory_space<hbm>> -> memref<1024x64xf32, #tpu.memory_space<hbm>>
        %dma_wait3A_221 = tpu.memref_slice %arg4[%mul3A_201, %mul3A_217] : memref<81920x128xf32, #tpu.memory_space<hbm>> -> memref<1024x64xf32, #tpu.memory_space<hbm>>
        tpu.wait_dma2 semaphore(%run_scoped3A : memref<!tpu.dma_semaphore, #tpu.memory_space<semaphore_mem>>) src(%arg6 : memref<1024x64xf32, #tpu.memory_space<vmem>>) dst(%dma_wait3A_221 : memref<1024x64xf32, #tpu.memory_space<hbm>>)
        tpu.yield
      }) : () -> ()
    }
    %scan3A_7 = arith.constant 5 : i32
    return
  }
}

#map = affine_map<(d0, d1) -> (0, 0)>
#map1 = affine_map<(d0, d1) -> (0, 0, 0)>
module attributes {stable_mosaic.version = 14 : i64} {
  func.func @_gather_body(%arg0: i32, %arg1: i32, %arg2: memref<1000000x64xf32, #tpu.memory_space<hbm>>, %arg3: memref<32x40x128xi32, #tpu.memory_space<hbm>>, %arg4: memref<81920x128xf32, #tpu.memory_space<hbm>>, %arg5: memref<40x128xi32, #tpu.memory_space<vmem>>, %arg6: memref<1024x64xf32, #tpu.memory_space<vmem>>, %arg7: memref<!tpu.dma_semaphore, #tpu.memory_space<semaphore_mem>>) attributes {dimension_semantics = [#tpu.dimension_semantics<core_parallel>, #tpu.dimension_semantics<subcore_parallel>], iteration_bounds = array<i64: 2, 16>, scalar_prefetch = 0 : i64, scratch_operands = 3 : i64, tpu.core_type = #tpu.core_type<sc_vector_subcore>, window_params = [{transform_indices = #map}, {transform_indices = #map1}, {transform_indices = #map}]} {
    %mul3A = arith.constant 2 : i32
    %mul3A_0 = arith.muli %arg1, %mul3A : i32
    %add3A = arith.addi %mul3A_0, %arg0 : i32
    "tpu.region"() ({
      %run_scoped3A = tpu.sem_alloc : memref<!tpu.dma_semaphore, #tpu.memory_space<semaphore_mem>>
      %dma_start3A = arith.constant 0 : i32
      %dma_start3A_8 = arith.constant 0 : i32
      %dma_start3A_9 = tpu.memref_slice %arg3[%add3A, %dma_start3A, %dma_start3A_8] : memref<32x40x128xi32, #tpu.memory_space<hbm>> -> memref<1x40x128xi32, #tpu.memory_space<hbm>>
      %dma_start3A_10 = tpu.memref_squeeze %dma_start3A_9 : memref<1x40x128xi32, #tpu.memory_space<hbm>> -> memref<40x128xi32, #tpu.memory_space<hbm>>
      %dma_start3A_11 = arith.constant 0 : i32
      %dma_start3A_12 = arith.constant 0 : i32
      %dma_start3A_13 = tpu.memref_slice %arg3[%add3A, %dma_start3A_11, %dma_start3A_12] : memref<32x40x128xi32, #tpu.memory_space<hbm>> -> memref<1x40x128xi32, #tpu.memory_space<hbm>>
      %dma_start3A_14 = tpu.memref_squeeze %dma_start3A_13 : memref<1x40x128xi32, #tpu.memory_space<hbm>> -> memref<40x128xi32, #tpu.memory_space<hbm>>
      tpu.enqueue_dma source(%dma_start3A_14 : memref<40x128xi32, #tpu.memory_space<hbm>>) target(%arg5 : memref<40x128xi32, #tpu.memory_space<vmem>>) target_semaphore(%run_scoped3A : memref<!tpu.dma_semaphore, #tpu.memory_space<semaphore_mem>>)
      %dma_wait3A = arith.constant 0 : i32
      %dma_wait3A_15 = arith.constant 0 : i32
      %dma_wait3A_16 = tpu.memref_slice %arg3[%add3A, %dma_wait3A, %dma_wait3A_15] : memref<32x40x128xi32, #tpu.memory_space<hbm>> -> memref<1x40x128xi32, #tpu.memory_space<hbm>>
      %dma_wait3A_17 = tpu.memref_squeeze %dma_wait3A_16 : memref<1x40x128xi32, #tpu.memory_space<hbm>> -> memref<40x128xi32, #tpu.memory_space<hbm>>
      %dma_wait3A_18 = arith.constant 0 : i32
      %dma_wait3A_19 = arith.constant 0 : i32
      %dma_wait3A_20 = tpu.memref_slice %arg3[%add3A, %dma_wait3A_18, %dma_wait3A_19] : memref<32x40x128xi32, #tpu.memory_space<hbm>> -> memref<1x40x128xi32, #tpu.memory_space<hbm>>
      %dma_wait3A_21 = tpu.memref_squeeze %dma_wait3A_20 : memref<1x40x128xi32, #tpu.memory_space<hbm>> -> memref<40x128xi32, #tpu.memory_space<hbm>>
      tpu.wait_dma2 semaphore(%run_scoped3A : memref<!tpu.dma_semaphore, #tpu.memory_space<semaphore_mem>>) src(%dma_wait3A_21 : memref<40x128xi32, #tpu.memory_space<hbm>>) dst(%arg5 : memref<40x128xi32, #tpu.memory_space<vmem>>)
      tpu.yield
    }) : () -> ()
    %mul3A_1 = arith.constant 5 : i32
    %mul3A_2 = arith.muli %add3A, %mul3A_1 : i32
    %scan3A = arith.constant 0 : i32
    %scan3A_3 = arith.constant 0 : i32
    %scan3A_4 = arith.constant 5 : i32
    %scan3A_5 = arith.addi %scan3A_3, %scan3A_4 : i32
    %scan3A_6 = arith.constant 1 : i32
    scf.for %scan3A_8 = %scan3A_3 to %scan3A_5 step %scan3A_6  : i32 {
      %mul3A_9 = arith.constant 8 : i32
      %mul3A_10 = arith.muli %scan3A_8, %mul3A_9 : i32
      %add3A_11 = arith.constant 0 : i32
      %add3A_12 = arith.addi %mul3A_10, %add3A_11 : i32
      %dma_start3A = arith.constant 0 : i32
      %dma_start3A_13 = arith.constant 0 : i32
      %dma_start3A_14 = tpu.memref_slice %arg6[%dma_start3A, %dma_start3A_13] : memref<1024x64xf32, #tpu.memory_space<vmem>> -> memref<128x64xf32, #tpu.memory_space<vmem>>
      %dma_start3A_15 = arith.constant 0 : i32
      %dma_start3A_16 = tpu.memref_slice %arg5[%add3A_12, %dma_start3A_15] : memref<40x128xi32, #tpu.memory_space<vmem>> -> memref<1x128xi32, #tpu.memory_space<vmem>>
      %dma_start3A_17 = tpu.memref_squeeze %dma_start3A_16 : memref<1x128xi32, #tpu.memory_space<vmem>> -> memref<128xi32, #tpu.memory_space<vmem>>
      %dma_start3A_18 = arith.constant 0 : i32
      %dma_start3A_19 = arith.constant 0 : i32
      %dma_start3A_20 = tpu.memref_slice %arg2[%dma_start3A_18, %dma_start3A_19] : memref<1000000x64xf32, #tpu.memory_space<hbm>> -> memref<1000000x64xf32, #tpu.memory_space<hbm>>
      tpu.enqueue_indirect_dma source(%dma_start3A_20 : memref<1000000x64xf32, #tpu.memory_space<hbm>>) target(%dma_start3A_14 : memref<128x64xf32, #tpu.memory_space<vmem>>) offsets(%dma_start3A_17 : memref<128xi32, #tpu.memory_space<vmem>>) semaphore(%arg7 : memref<!tpu.dma_semaphore, #tpu.memory_space<semaphore_mem>>)
      %mul3A_21 = arith.constant 8 : i32
      %mul3A_22 = arith.muli %scan3A_8, %mul3A_21 : i32
      %add3A_23 = arith.constant 1 : i32
      %add3A_24 = arith.addi %mul3A_22, %add3A_23 : i32
      %dma_start3A_25 = arith.constant 128 : i32
      %dma_start3A_26 = arith.constant 0 : i32
      %dma_start3A_27 = tpu.memref_slice %arg6[%dma_start3A_25, %dma_start3A_26] : memref<1024x64xf32, #tpu.memory_space<vmem>> -> memref<128x64xf32, #tpu.memory_space<vmem>>
      %dma_start3A_28 = arith.constant 0 : i32
      %dma_start3A_29 = tpu.memref_slice %arg5[%add3A_24, %dma_start3A_28] : memref<40x128xi32, #tpu.memory_space<vmem>> -> memref<1x128xi32, #tpu.memory_space<vmem>>
      %dma_start3A_30 = tpu.memref_squeeze %dma_start3A_29 : memref<1x128xi32, #tpu.memory_space<vmem>> -> memref<128xi32, #tpu.memory_space<vmem>>
      %dma_start3A_31 = arith.constant 0 : i32
      %dma_start3A_32 = arith.constant 0 : i32
      %dma_start3A_33 = tpu.memref_slice %arg2[%dma_start3A_31, %dma_start3A_32] : memref<1000000x64xf32, #tpu.memory_space<hbm>> -> memref<1000000x64xf32, #tpu.memory_space<hbm>>
      tpu.enqueue_indirect_dma source(%dma_start3A_33 : memref<1000000x64xf32, #tpu.memory_space<hbm>>) target(%dma_start3A_27 : memref<128x64xf32, #tpu.memory_space<vmem>>) offsets(%dma_start3A_30 : memref<128xi32, #tpu.memory_space<vmem>>) semaphore(%arg7 : memref<!tpu.dma_semaphore, #tpu.memory_space<semaphore_mem>>)
      %mul3A_34 = arith.constant 8 : i32
      %mul3A_35 = arith.muli %scan3A_8, %mul3A_34 : i32
      %add3A_36 = arith.constant 2 : i32
      %add3A_37 = arith.addi %mul3A_35, %add3A_36 : i32
      %dma_start3A_38 = arith.constant 256 : i32
      %dma_start3A_39 = arith.constant 0 : i32
      %dma_start3A_40 = tpu.memref_slice %arg6[%dma_start3A_38, %dma_start3A_39] : memref<1024x64xf32, #tpu.memory_space<vmem>> -> memref<128x64xf32, #tpu.memory_space<vmem>>
      %dma_start3A_41 = arith.constant 0 : i32
      %dma_start3A_42 = tpu.memref_slice %arg5[%add3A_37, %dma_start3A_41] : memref<40x128xi32, #tpu.memory_space<vmem>> -> memref<1x128xi32, #tpu.memory_space<vmem>>
      %dma_start3A_43 = tpu.memref_squeeze %dma_start3A_42 : memref<1x128xi32, #tpu.memory_space<vmem>> -> memref<128xi32, #tpu.memory_space<vmem>>
      %dma_start3A_44 = arith.constant 0 : i32
      %dma_start3A_45 = arith.constant 0 : i32
      %dma_start3A_46 = tpu.memref_slice %arg2[%dma_start3A_44, %dma_start3A_45] : memref<1000000x64xf32, #tpu.memory_space<hbm>> -> memref<1000000x64xf32, #tpu.memory_space<hbm>>
      tpu.enqueue_indirect_dma source(%dma_start3A_46 : memref<1000000x64xf32, #tpu.memory_space<hbm>>) target(%dma_start3A_40 : memref<128x64xf32, #tpu.memory_space<vmem>>) offsets(%dma_start3A_43 : memref<128xi32, #tpu.memory_space<vmem>>) semaphore(%arg7 : memref<!tpu.dma_semaphore, #tpu.memory_space<semaphore_mem>>)
      %mul3A_47 = arith.constant 8 : i32
      %mul3A_48 = arith.muli %scan3A_8, %mul3A_47 : i32
      %add3A_49 = arith.constant 3 : i32
      %add3A_50 = arith.addi %mul3A_48, %add3A_49 : i32
      %dma_start3A_51 = arith.constant 384 : i32
      %dma_start3A_52 = arith.constant 0 : i32
      %dma_start3A_53 = tpu.memref_slice %arg6[%dma_start3A_51, %dma_start3A_52] : memref<1024x64xf32, #tpu.memory_space<vmem>> -> memref<128x64xf32, #tpu.memory_space<vmem>>
      %dma_start3A_54 = arith.constant 0 : i32
      %dma_start3A_55 = tpu.memref_slice %arg5[%add3A_50, %dma_start3A_54] : memref<40x128xi32, #tpu.memory_space<vmem>> -> memref<1x128xi32, #tpu.memory_space<vmem>>
      %dma_start3A_56 = tpu.memref_squeeze %dma_start3A_55 : memref<1x128xi32, #tpu.memory_space<vmem>> -> memref<128xi32, #tpu.memory_space<vmem>>
      %dma_start3A_57 = arith.constant 0 : i32
      %dma_start3A_58 = arith.constant 0 : i32
      %dma_start3A_59 = tpu.memref_slice %arg2[%dma_start3A_57, %dma_start3A_58] : memref<1000000x64xf32, #tpu.memory_space<hbm>> -> memref<1000000x64xf32, #tpu.memory_space<hbm>>
      tpu.enqueue_indirect_dma source(%dma_start3A_59 : memref<1000000x64xf32, #tpu.memory_space<hbm>>) target(%dma_start3A_53 : memref<128x64xf32, #tpu.memory_space<vmem>>) offsets(%dma_start3A_56 : memref<128xi32, #tpu.memory_space<vmem>>) semaphore(%arg7 : memref<!tpu.dma_semaphore, #tpu.memory_space<semaphore_mem>>)
      %mul3A_60 = arith.constant 8 : i32
      %mul3A_61 = arith.muli %scan3A_8, %mul3A_60 : i32
      %add3A_62 = arith.constant 4 : i32
      %add3A_63 = arith.addi %mul3A_61, %add3A_62 : i32
      %dma_start3A_64 = arith.constant 512 : i32
      %dma_start3A_65 = arith.constant 0 : i32
      %dma_start3A_66 = tpu.memref_slice %arg6[%dma_start3A_64, %dma_start3A_65] : memref<1024x64xf32, #tpu.memory_space<vmem>> -> memref<128x64xf32, #tpu.memory_space<vmem>>
      %dma_start3A_67 = arith.constant 0 : i32
      %dma_start3A_68 = tpu.memref_slice %arg5[%add3A_63, %dma_start3A_67] : memref<40x128xi32, #tpu.memory_space<vmem>> -> memref<1x128xi32, #tpu.memory_space<vmem>>
      %dma_start3A_69 = tpu.memref_squeeze %dma_start3A_68 : memref<1x128xi32, #tpu.memory_space<vmem>> -> memref<128xi32, #tpu.memory_space<vmem>>
      %dma_start3A_70 = arith.constant 0 : i32
      %dma_start3A_71 = arith.constant 0 : i32
      %dma_start3A_72 = tpu.memref_slice %arg2[%dma_start3A_70, %dma_start3A_71] : memref<1000000x64xf32, #tpu.memory_space<hbm>> -> memref<1000000x64xf32, #tpu.memory_space<hbm>>
      tpu.enqueue_indirect_dma source(%dma_start3A_72 : memref<1000000x64xf32, #tpu.memory_space<hbm>>) target(%dma_start3A_66 : memref<128x64xf32, #tpu.memory_space<vmem>>) offsets(%dma_start3A_69 : memref<128xi32, #tpu.memory_space<vmem>>) semaphore(%arg7 : memref<!tpu.dma_semaphore, #tpu.memory_space<semaphore_mem>>)
      %mul3A_73 = arith.constant 8 : i32
      %mul3A_74 = arith.muli %scan3A_8, %mul3A_73 : i32
      %add3A_75 = arith.constant 5 : i32
      %add3A_76 = arith.addi %mul3A_74, %add3A_75 : i32
      %dma_start3A_77 = arith.constant 640 : i32
      %dma_start3A_78 = arith.constant 0 : i32
      %dma_start3A_79 = tpu.memref_slice %arg6[%dma_start3A_77, %dma_start3A_78] : memref<1024x64xf32, #tpu.memory_space<vmem>> -> memref<128x64xf32, #tpu.memory_space<vmem>>
      %dma_start3A_80 = arith.constant 0 : i32
      %dma_start3A_81 = tpu.memref_slice %arg5[%add3A_76, %dma_start3A_80] : memref<40x128xi32, #tpu.memory_space<vmem>> -> memref<1x128xi32, #tpu.memory_space<vmem>>
      %dma_start3A_82 = tpu.memref_squeeze %dma_start3A_81 : memref<1x128xi32, #tpu.memory_space<vmem>> -> memref<128xi32, #tpu.memory_space<vmem>>
      %dma_start3A_83 = arith.constant 0 : i32
      %dma_start3A_84 = arith.constant 0 : i32
      %dma_start3A_85 = tpu.memref_slice %arg2[%dma_start3A_83, %dma_start3A_84] : memref<1000000x64xf32, #tpu.memory_space<hbm>> -> memref<1000000x64xf32, #tpu.memory_space<hbm>>
      tpu.enqueue_indirect_dma source(%dma_start3A_85 : memref<1000000x64xf32, #tpu.memory_space<hbm>>) target(%dma_start3A_79 : memref<128x64xf32, #tpu.memory_space<vmem>>) offsets(%dma_start3A_82 : memref<128xi32, #tpu.memory_space<vmem>>) semaphore(%arg7 : memref<!tpu.dma_semaphore, #tpu.memory_space<semaphore_mem>>)
      %mul3A_86 = arith.constant 8 : i32
      %mul3A_87 = arith.muli %scan3A_8, %mul3A_86 : i32
      %add3A_88 = arith.constant 6 : i32
      %add3A_89 = arith.addi %mul3A_87, %add3A_88 : i32
      %dma_start3A_90 = arith.constant 768 : i32
      %dma_start3A_91 = arith.constant 0 : i32
      %dma_start3A_92 = tpu.memref_slice %arg6[%dma_start3A_90, %dma_start3A_91] : memref<1024x64xf32, #tpu.memory_space<vmem>> -> memref<128x64xf32, #tpu.memory_space<vmem>>
      %dma_start3A_93 = arith.constant 0 : i32
      %dma_start3A_94 = tpu.memref_slice %arg5[%add3A_89, %dma_start3A_93] : memref<40x128xi32, #tpu.memory_space<vmem>> -> memref<1x128xi32, #tpu.memory_space<vmem>>
      %dma_start3A_95 = tpu.memref_squeeze %dma_start3A_94 : memref<1x128xi32, #tpu.memory_space<vmem>> -> memref<128xi32, #tpu.memory_space<vmem>>
      %dma_start3A_96 = arith.constant 0 : i32
      %dma_start3A_97 = arith.constant 0 : i32
      %dma_start3A_98 = tpu.memref_slice %arg2[%dma_start3A_96, %dma_start3A_97] : memref<1000000x64xf32, #tpu.memory_space<hbm>> -> memref<1000000x64xf32, #tpu.memory_space<hbm>>
      tpu.enqueue_indirect_dma source(%dma_start3A_98 : memref<1000000x64xf32, #tpu.memory_space<hbm>>) target(%dma_start3A_92 : memref<128x64xf32, #tpu.memory_space<vmem>>) offsets(%dma_start3A_95 : memref<128xi32, #tpu.memory_space<vmem>>) semaphore(%arg7 : memref<!tpu.dma_semaphore, #tpu.memory_space<semaphore_mem>>)
      %mul3A_99 = arith.constant 8 : i32
      %mul3A_100 = arith.muli %scan3A_8, %mul3A_99 : i32
      %add3A_101 = arith.constant 7 : i32
      %add3A_102 = arith.addi %mul3A_100, %add3A_101 : i32
      %dma_start3A_103 = arith.constant 896 : i32
      %dma_start3A_104 = arith.constant 0 : i32
      %dma_start3A_105 = tpu.memref_slice %arg6[%dma_start3A_103, %dma_start3A_104] : memref<1024x64xf32, #tpu.memory_space<vmem>> -> memref<128x64xf32, #tpu.memory_space<vmem>>
      %dma_start3A_106 = arith.constant 0 : i32
      %dma_start3A_107 = tpu.memref_slice %arg5[%add3A_102, %dma_start3A_106] : memref<40x128xi32, #tpu.memory_space<vmem>> -> memref<1x128xi32, #tpu.memory_space<vmem>>
      %dma_start3A_108 = tpu.memref_squeeze %dma_start3A_107 : memref<1x128xi32, #tpu.memory_space<vmem>> -> memref<128xi32, #tpu.memory_space<vmem>>
      %dma_start3A_109 = arith.constant 0 : i32
      %dma_start3A_110 = arith.constant 0 : i32
      %dma_start3A_111 = tpu.memref_slice %arg2[%dma_start3A_109, %dma_start3A_110] : memref<1000000x64xf32, #tpu.memory_space<hbm>> -> memref<1000000x64xf32, #tpu.memory_space<hbm>>
      tpu.enqueue_indirect_dma source(%dma_start3A_111 : memref<1000000x64xf32, #tpu.memory_space<hbm>>) target(%dma_start3A_105 : memref<128x64xf32, #tpu.memory_space<vmem>>) offsets(%dma_start3A_108 : memref<128xi32, #tpu.memory_space<vmem>>) semaphore(%arg7 : memref<!tpu.dma_semaphore, #tpu.memory_space<semaphore_mem>>)
      %dma_wait3A = arith.constant 0 : i32
      %dma_wait3A_112 = arith.constant 0 : i32
      %dma_wait3A_113 = tpu.memref_slice %arg6[%dma_wait3A, %dma_wait3A_112] : memref<1024x64xf32, #tpu.memory_space<vmem>> -> memref<128x64xf32, #tpu.memory_space<vmem>>
      %dma_wait3A_114 = arith.constant 0 : i32
      %dma_wait3A_115 = tpu.memref_slice %arg5[%add3A_12, %dma_wait3A_114] : memref<40x128xi32, #tpu.memory_space<vmem>> -> memref<1x128xi32, #tpu.memory_space<vmem>>
      %dma_wait3A_116 = tpu.memref_squeeze %dma_wait3A_115 : memref<1x128xi32, #tpu.memory_space<vmem>> -> memref<128xi32, #tpu.memory_space<vmem>>
      %dma_wait3A_117 = arith.constant 0 : i32
      %dma_wait3A_118 = arith.constant 0 : i32
      %dma_wait3A_119 = tpu.memref_slice %arg2[%dma_wait3A_117, %dma_wait3A_118] : memref<1000000x64xf32, #tpu.memory_space<hbm>> -> memref<1000000x64xf32, #tpu.memory_space<hbm>>
      tpu.wait_indirect_dma semaphore(%arg7 : memref<!tpu.dma_semaphore, #tpu.memory_space<semaphore_mem>>) src(%dma_wait3A_119 : memref<1000000x64xf32, #tpu.memory_space<hbm>>) dst(%dma_wait3A_113 : memref<128x64xf32, #tpu.memory_space<vmem>>)
      %dma_wait3A_120 = arith.constant 128 : i32
      %dma_wait3A_121 = arith.constant 0 : i32
      %dma_wait3A_122 = tpu.memref_slice %arg6[%dma_wait3A_120, %dma_wait3A_121] : memref<1024x64xf32, #tpu.memory_space<vmem>> -> memref<128x64xf32, #tpu.memory_space<vmem>>
      %dma_wait3A_123 = arith.constant 0 : i32
      %dma_wait3A_124 = tpu.memref_slice %arg5[%add3A_24, %dma_wait3A_123] : memref<40x128xi32, #tpu.memory_space<vmem>> -> memref<1x128xi32, #tpu.memory_space<vmem>>
      %dma_wait3A_125 = tpu.memref_squeeze %dma_wait3A_124 : memref<1x128xi32, #tpu.memory_space<vmem>> -> memref<128xi32, #tpu.memory_space<vmem>>
      %dma_wait3A_126 = arith.constant 0 : i32
      %dma_wait3A_127 = arith.constant 0 : i32
      %dma_wait3A_128 = tpu.memref_slice %arg2[%dma_wait3A_126, %dma_wait3A_127] : memref<1000000x64xf32, #tpu.memory_space<hbm>> -> memref<1000000x64xf32, #tpu.memory_space<hbm>>
      tpu.wait_indirect_dma semaphore(%arg7 : memref<!tpu.dma_semaphore, #tpu.memory_space<semaphore_mem>>) src(%dma_wait3A_128 : memref<1000000x64xf32, #tpu.memory_space<hbm>>) dst(%dma_wait3A_122 : memref<128x64xf32, #tpu.memory_space<vmem>>)
      %dma_wait3A_129 = arith.constant 256 : i32
      %dma_wait3A_130 = arith.constant 0 : i32
      %dma_wait3A_131 = tpu.memref_slice %arg6[%dma_wait3A_129, %dma_wait3A_130] : memref<1024x64xf32, #tpu.memory_space<vmem>> -> memref<128x64xf32, #tpu.memory_space<vmem>>
      %dma_wait3A_132 = arith.constant 0 : i32
      %dma_wait3A_133 = tpu.memref_slice %arg5[%add3A_37, %dma_wait3A_132] : memref<40x128xi32, #tpu.memory_space<vmem>> -> memref<1x128xi32, #tpu.memory_space<vmem>>
      %dma_wait3A_134 = tpu.memref_squeeze %dma_wait3A_133 : memref<1x128xi32, #tpu.memory_space<vmem>> -> memref<128xi32, #tpu.memory_space<vmem>>
      %dma_wait3A_135 = arith.constant 0 : i32
      %dma_wait3A_136 = arith.constant 0 : i32
      %dma_wait3A_137 = tpu.memref_slice %arg2[%dma_wait3A_135, %dma_wait3A_136] : memref<1000000x64xf32, #tpu.memory_space<hbm>> -> memref<1000000x64xf32, #tpu.memory_space<hbm>>
      tpu.wait_indirect_dma semaphore(%arg7 : memref<!tpu.dma_semaphore, #tpu.memory_space<semaphore_mem>>) src(%dma_wait3A_137 : memref<1000000x64xf32, #tpu.memory_space<hbm>>) dst(%dma_wait3A_131 : memref<128x64xf32, #tpu.memory_space<vmem>>)
      %dma_wait3A_138 = arith.constant 384 : i32
      %dma_wait3A_139 = arith.constant 0 : i32
      %dma_wait3A_140 = tpu.memref_slice %arg6[%dma_wait3A_138, %dma_wait3A_139] : memref<1024x64xf32, #tpu.memory_space<vmem>> -> memref<128x64xf32, #tpu.memory_space<vmem>>
      %dma_wait3A_141 = arith.constant 0 : i32
      %dma_wait3A_142 = tpu.memref_slice %arg5[%add3A_50, %dma_wait3A_141] : memref<40x128xi32, #tpu.memory_space<vmem>> -> memref<1x128xi32, #tpu.memory_space<vmem>>
      %dma_wait3A_143 = tpu.memref_squeeze %dma_wait3A_142 : memref<1x128xi32, #tpu.memory_space<vmem>> -> memref<128xi32, #tpu.memory_space<vmem>>
      %dma_wait3A_144 = arith.constant 0 : i32
      %dma_wait3A_145 = arith.constant 0 : i32
      %dma_wait3A_146 = tpu.memref_slice %arg2[%dma_wait3A_144, %dma_wait3A_145] : memref<1000000x64xf32, #tpu.memory_space<hbm>> -> memref<1000000x64xf32, #tpu.memory_space<hbm>>
      tpu.wait_indirect_dma semaphore(%arg7 : memref<!tpu.dma_semaphore, #tpu.memory_space<semaphore_mem>>) src(%dma_wait3A_146 : memref<1000000x64xf32, #tpu.memory_space<hbm>>) dst(%dma_wait3A_140 : memref<128x64xf32, #tpu.memory_space<vmem>>)
      %dma_wait3A_147 = arith.constant 512 : i32
      %dma_wait3A_148 = arith.constant 0 : i32
      %dma_wait3A_149 = tpu.memref_slice %arg6[%dma_wait3A_147, %dma_wait3A_148] : memref<1024x64xf32, #tpu.memory_space<vmem>> -> memref<128x64xf32, #tpu.memory_space<vmem>>
      %dma_wait3A_150 = arith.constant 0 : i32
      %dma_wait3A_151 = tpu.memref_slice %arg5[%add3A_63, %dma_wait3A_150] : memref<40x128xi32, #tpu.memory_space<vmem>> -> memref<1x128xi32, #tpu.memory_space<vmem>>
      %dma_wait3A_152 = tpu.memref_squeeze %dma_wait3A_151 : memref<1x128xi32, #tpu.memory_space<vmem>> -> memref<128xi32, #tpu.memory_space<vmem>>
      %dma_wait3A_153 = arith.constant 0 : i32
      %dma_wait3A_154 = arith.constant 0 : i32
      %dma_wait3A_155 = tpu.memref_slice %arg2[%dma_wait3A_153, %dma_wait3A_154] : memref<1000000x64xf32, #tpu.memory_space<hbm>> -> memref<1000000x64xf32, #tpu.memory_space<hbm>>
      tpu.wait_indirect_dma semaphore(%arg7 : memref<!tpu.dma_semaphore, #tpu.memory_space<semaphore_mem>>) src(%dma_wait3A_155 : memref<1000000x64xf32, #tpu.memory_space<hbm>>) dst(%dma_wait3A_149 : memref<128x64xf32, #tpu.memory_space<vmem>>)
      %dma_wait3A_156 = arith.constant 640 : i32
      %dma_wait3A_157 = arith.constant 0 : i32
      %dma_wait3A_158 = tpu.memref_slice %arg6[%dma_wait3A_156, %dma_wait3A_157] : memref<1024x64xf32, #tpu.memory_space<vmem>> -> memref<128x64xf32, #tpu.memory_space<vmem>>
      %dma_wait3A_159 = arith.constant 0 : i32
      %dma_wait3A_160 = tpu.memref_slice %arg5[%add3A_76, %dma_wait3A_159] : memref<40x128xi32, #tpu.memory_space<vmem>> -> memref<1x128xi32, #tpu.memory_space<vmem>>
      %dma_wait3A_161 = tpu.memref_squeeze %dma_wait3A_160 : memref<1x128xi32, #tpu.memory_space<vmem>> -> memref<128xi32, #tpu.memory_space<vmem>>
      %dma_wait3A_162 = arith.constant 0 : i32
      %dma_wait3A_163 = arith.constant 0 : i32
      %dma_wait3A_164 = tpu.memref_slice %arg2[%dma_wait3A_162, %dma_wait3A_163] : memref<1000000x64xf32, #tpu.memory_space<hbm>> -> memref<1000000x64xf32, #tpu.memory_space<hbm>>
      tpu.wait_indirect_dma semaphore(%arg7 : memref<!tpu.dma_semaphore, #tpu.memory_space<semaphore_mem>>) src(%dma_wait3A_164 : memref<1000000x64xf32, #tpu.memory_space<hbm>>) dst(%dma_wait3A_158 : memref<128x64xf32, #tpu.memory_space<vmem>>)
      %dma_wait3A_165 = arith.constant 768 : i32
      %dma_wait3A_166 = arith.constant 0 : i32
      %dma_wait3A_167 = tpu.memref_slice %arg6[%dma_wait3A_165, %dma_wait3A_166] : memref<1024x64xf32, #tpu.memory_space<vmem>> -> memref<128x64xf32, #tpu.memory_space<vmem>>
      %dma_wait3A_168 = arith.constant 0 : i32
      %dma_wait3A_169 = tpu.memref_slice %arg5[%add3A_89, %dma_wait3A_168] : memref<40x128xi32, #tpu.memory_space<vmem>> -> memref<1x128xi32, #tpu.memory_space<vmem>>
      %dma_wait3A_170 = tpu.memref_squeeze %dma_wait3A_169 : memref<1x128xi32, #tpu.memory_space<vmem>> -> memref<128xi32, #tpu.memory_space<vmem>>
      %dma_wait3A_171 = arith.constant 0 : i32
      %dma_wait3A_172 = arith.constant 0 : i32
      %dma_wait3A_173 = tpu.memref_slice %arg2[%dma_wait3A_171, %dma_wait3A_172] : memref<1000000x64xf32, #tpu.memory_space<hbm>> -> memref<1000000x64xf32, #tpu.memory_space<hbm>>
      tpu.wait_indirect_dma semaphore(%arg7 : memref<!tpu.dma_semaphore, #tpu.memory_space<semaphore_mem>>) src(%dma_wait3A_173 : memref<1000000x64xf32, #tpu.memory_space<hbm>>) dst(%dma_wait3A_167 : memref<128x64xf32, #tpu.memory_space<vmem>>)
      %dma_wait3A_174 = arith.constant 896 : i32
      %dma_wait3A_175 = arith.constant 0 : i32
      %dma_wait3A_176 = tpu.memref_slice %arg6[%dma_wait3A_174, %dma_wait3A_175] : memref<1024x64xf32, #tpu.memory_space<vmem>> -> memref<128x64xf32, #tpu.memory_space<vmem>>
      %dma_wait3A_177 = arith.constant 0 : i32
      %dma_wait3A_178 = tpu.memref_slice %arg5[%add3A_102, %dma_wait3A_177] : memref<40x128xi32, #tpu.memory_space<vmem>> -> memref<1x128xi32, #tpu.memory_space<vmem>>
      %dma_wait3A_179 = tpu.memref_squeeze %dma_wait3A_178 : memref<1x128xi32, #tpu.memory_space<vmem>> -> memref<128xi32, #tpu.memory_space<vmem>>
      %dma_wait3A_180 = arith.constant 0 : i32
      %dma_wait3A_181 = arith.constant 0 : i32
      %dma_wait3A_182 = tpu.memref_slice %arg2[%dma_wait3A_180, %dma_wait3A_181] : memref<1000000x64xf32, #tpu.memory_space<hbm>> -> memref<1000000x64xf32, #tpu.memory_space<hbm>>
      tpu.wait_indirect_dma semaphore(%arg7 : memref<!tpu.dma_semaphore, #tpu.memory_space<semaphore_mem>>) src(%dma_wait3A_182 : memref<1000000x64xf32, #tpu.memory_space<hbm>>) dst(%dma_wait3A_176 : memref<128x64xf32, #tpu.memory_space<vmem>>)
      %add3A_183 = arith.addi %mul3A_2, %scan3A_8 : i32
      %jit3A = arith.constant 2 : i32
      %div3A = arith.divsi %add3A_183, %jit3A : i32
      %sign3A = arith.constant 0 : i32
      %sign3A_184 = arith.cmpi sgt, %add3A_183, %sign3A : i32
      %sign3A_185 = arith.extui %sign3A_184 : i1 to i32
      %sign3A_186 = arith.constant 0 : i32
      %sign3A_187 = arith.cmpi slt, %add3A_183, %sign3A_186 : i32
      %sign3A_188 = arith.extui %sign3A_187 : i1 to i32
      %sign3A_189 = arith.subi %sign3A_185, %sign3A_188 : i32
      %sign3A_190 = arith.constant 0 : i32
      %sign3A_191 = arith.cmpi sgt, %jit3A, %sign3A_190 : i32
      %sign3A_192 = arith.extui %sign3A_191 : i1 to i32
      %sign3A_193 = arith.constant 0 : i32
      %sign3A_194 = arith.cmpi slt, %jit3A, %sign3A_193 : i32
      %sign3A_195 = arith.extui %sign3A_194 : i1 to i32
      %sign3A_196 = arith.subi %sign3A_192, %sign3A_195 : i32
      %ne3A = arith.cmpi ne, %sign3A_189, %sign3A_196 : i32
      %rem3A = arith.remsi %add3A_183, %jit3A : i32
      %ne3A_197 = arith.constant 0 : i32
      %ne3A_198 = arith.cmpi ne, %rem3A, %ne3A_197 : i32
      %and3A = arith.andi %ne3A, %ne3A_198 : i1
      %sub3A = arith.constant 1 : i32
      %sub3A_199 = arith.subi %div3A, %sub3A : i32
      %select_n3A = arith.select %and3A, %sub3A_199, %div3A : i32
      %mul3A_200 = arith.constant 1024 : i32
      %mul3A_201 = arith.muli %select_n3A, %mul3A_200 : i32
      %jit3A_202 = arith.constant 2 : i32
      %eq3A = arith.constant 0 : i32
      %eq3A_203 = arith.cmpi eq, %jit3A_202, %eq3A : i32
      %jit3A_204 = arith.constant 1 : i32
      %select_n3A_205 = arith.select %eq3A_203, %jit3A_204, %jit3A_202 : i32
      %rem3A_206 = arith.remsi %add3A_183, %select_n3A_205 : i32
      %ne3A_207 = arith.constant 0 : i32
      %ne3A_208 = arith.cmpi ne, %rem3A_206, %ne3A_207 : i32
      %lt3A = arith.constant 0 : i32
      %lt3A_209 = arith.cmpi slt, %rem3A_206, %lt3A : i32
      %lt3A_210 = arith.constant 0 : i32
      %lt3A_211 = arith.cmpi slt, %select_n3A_205, %lt3A_210 : i32
      %ne3A_212 = arith.xori %lt3A_209, %lt3A_211 : i1
      %and3A_213 = arith.andi %ne3A_212, %ne3A_208 : i1
      %add3A_214 = arith.addi %rem3A_206, %select_n3A_205 : i32
      %select_n3A_215 = arith.select %and3A_213, %add3A_214, %rem3A_206 : i32
      %mul3A_216 = arith.constant 64 : i32
      %mul3A_217 = arith.muli %select_n3A_215, %mul3A_216 : i32
      "tpu.region"() ({
        %run_scoped3A = tpu.sem_alloc : memref<!tpu.dma_semaphore, #tpu.memory_space<semaphore_mem>>
        %dma_start3A_218 = tpu.memref_slice %arg4[%mul3A_201, %mul3A_217] : memref<81920x128xf32, #tpu.memory_space<hbm>> -> memref<1024x64xf32, #tpu.memory_space<hbm>>
        %dma_start3A_219 = tpu.memref_slice %arg4[%mul3A_201, %mul3A_217] : memref<81920x128xf32, #tpu.memory_space<hbm>> -> memref<1024x64xf32, #tpu.memory_space<hbm>>
        tpu.enqueue_dma source(%arg6 : memref<1024x64xf32, #tpu.memory_space<vmem>>) target(%dma_start3A_219 : memref<1024x64xf32, #tpu.memory_space<hbm>>) target_semaphore(%run_scoped3A : memref<!tpu.dma_semaphore, #tpu.memory_space<semaphore_mem>>)
        %dma_wait3A_220 = tpu.memref_slice %arg4[%mul3A_201, %mul3A_217] : memref<81920x128xf32, #tpu.memory_space<hbm>> -> memref<1024x64xf32, #tpu.memory_space<hbm>>
        %dma_wait3A_221 = tpu.memref_slice %arg4[%mul3A_201, %mul3A_217] : memref<81920x128xf32, #tpu.memory_space<hbm>> -> memref<1024x64xf32, #tpu.memory_space<hbm>>
        tpu.wait_dma2 semaphore(%run_scoped3A : memref<!tpu.dma_semaphore, #tpu.memory_space<semaphore_mem>>) src(%arg6 : memref<1024x64xf32, #tpu.memory_space<vmem>>) dst(%dma_wait3A_221 : memref<1024x64xf32, #tpu.memory_space<hbm>>)
        tpu.yield
      }) : () -> ()
    }
    %scan3A_7 = arith.constant 5 : i32
    return
  }
}

#map = affine_map<(d0, d1) -> (0, 0)>
#map1 = affine_map<(d0, d1) -> (0, 0, 0)>
module attributes {stable_mosaic.version = 14 : i64} {
  func.func @_gather_body(%arg0: i32, %arg1: i32, %arg2: memref<1000000x64xf32, #tpu.memory_space<hbm>>, %arg3: memref<32x40x128xi32, #tpu.memory_space<hbm>>, %arg4: memref<81920x128xf32, #tpu.memory_space<hbm>>, %arg5: memref<40x128xi32, #tpu.memory_space<vmem>>, %arg6: memref<1024x64xf32, #tpu.memory_space<vmem>>, %arg7: memref<!tpu.dma_semaphore, #tpu.memory_space<semaphore_mem>>) attributes {dimension_semantics = [#tpu.dimension_semantics<core_parallel>, #tpu.dimension_semantics<subcore_parallel>], iteration_bounds = array<i64: 2, 16>, scalar_prefetch = 0 : i64, scratch_operands = 3 : i64, tpu.core_type = #tpu.core_type<sc_vector_subcore>, window_params = [{transform_indices = #map}, {transform_indices = #map1}, {transform_indices = #map}]} {
    %mul3A = arith.constant 2 : i32
    %mul3A_0 = arith.muli %arg1, %mul3A : i32
    %add3A = arith.addi %mul3A_0, %arg0 : i32
    "tpu.region"() ({
      %run_scoped3A = tpu.sem_alloc : memref<!tpu.dma_semaphore, #tpu.memory_space<semaphore_mem>>
      %dma_start3A = arith.constant 0 : i32
      %dma_start3A_8 = arith.constant 0 : i32
      %dma_start3A_9 = tpu.memref_slice %arg3[%add3A, %dma_start3A, %dma_start3A_8] : memref<32x40x128xi32, #tpu.memory_space<hbm>> -> memref<1x40x128xi32, #tpu.memory_space<hbm>>
      %dma_start3A_10 = tpu.memref_squeeze %dma_start3A_9 : memref<1x40x128xi32, #tpu.memory_space<hbm>> -> memref<40x128xi32, #tpu.memory_space<hbm>>
      %dma_start3A_11 = arith.constant 0 : i32
      %dma_start3A_12 = arith.constant 0 : i32
      %dma_start3A_13 = tpu.memref_slice %arg3[%add3A, %dma_start3A_11, %dma_start3A_12] : memref<32x40x128xi32, #tpu.memory_space<hbm>> -> memref<1x40x128xi32, #tpu.memory_space<hbm>>
      %dma_start3A_14 = tpu.memref_squeeze %dma_start3A_13 : memref<1x40x128xi32, #tpu.memory_space<hbm>> -> memref<40x128xi32, #tpu.memory_space<hbm>>
      tpu.enqueue_dma source(%dma_start3A_14 : memref<40x128xi32, #tpu.memory_space<hbm>>) target(%arg5 : memref<40x128xi32, #tpu.memory_space<vmem>>) target_semaphore(%run_scoped3A : memref<!tpu.dma_semaphore, #tpu.memory_space<semaphore_mem>>)
      %dma_wait3A = arith.constant 0 : i32
      %dma_wait3A_15 = arith.constant 0 : i32
      %dma_wait3A_16 = tpu.memref_slice %arg3[%add3A, %dma_wait3A, %dma_wait3A_15] : memref<32x40x128xi32, #tpu.memory_space<hbm>> -> memref<1x40x128xi32, #tpu.memory_space<hbm>>
      %dma_wait3A_17 = tpu.memref_squeeze %dma_wait3A_16 : memref<1x40x128xi32, #tpu.memory_space<hbm>> -> memref<40x128xi32, #tpu.memory_space<hbm>>
      %dma_wait3A_18 = arith.constant 0 : i32
      %dma_wait3A_19 = arith.constant 0 : i32
      %dma_wait3A_20 = tpu.memref_slice %arg3[%add3A, %dma_wait3A_18, %dma_wait3A_19] : memref<32x40x128xi32, #tpu.memory_space<hbm>> -> memref<1x40x128xi32, #tpu.memory_space<hbm>>
      %dma_wait3A_21 = tpu.memref_squeeze %dma_wait3A_20 : memref<1x40x128xi32, #tpu.memory_space<hbm>> -> memref<40x128xi32, #tpu.memory_space<hbm>>
      tpu.wait_dma2 semaphore(%run_scoped3A : memref<!tpu.dma_semaphore, #tpu.memory_space<semaphore_mem>>) src(%dma_wait3A_21 : memref<40x128xi32, #tpu.memory_space<hbm>>) dst(%arg5 : memref<40x128xi32, #tpu.memory_space<vmem>>)
      tpu.yield
    }) : () -> ()
    %mul3A_1 = arith.constant 5 : i32
    %mul3A_2 = arith.muli %add3A, %mul3A_1 : i32
    %scan3A = arith.constant 0 : i32
    %scan3A_3 = arith.constant 0 : i32
    %scan3A_4 = arith.constant 5 : i32
    %scan3A_5 = arith.addi %scan3A_3, %scan3A_4 : i32
    %scan3A_6 = arith.constant 1 : i32
    scf.for %scan3A_8 = %scan3A_3 to %scan3A_5 step %scan3A_6  : i32 {
      %mul3A_9 = arith.constant 8 : i32
      %mul3A_10 = arith.muli %scan3A_8, %mul3A_9 : i32
      %add3A_11 = arith.constant 0 : i32
      %add3A_12 = arith.addi %mul3A_10, %add3A_11 : i32
      %dma_start3A = arith.constant 0 : i32
      %dma_start3A_13 = arith.constant 0 : i32
      %dma_start3A_14 = tpu.memref_slice %arg6[%dma_start3A, %dma_start3A_13] : memref<1024x64xf32, #tpu.memory_space<vmem>> -> memref<128x64xf32, #tpu.memory_space<vmem>>
      %dma_start3A_15 = arith.constant 0 : i32
      %dma_start3A_16 = tpu.memref_slice %arg5[%add3A_12, %dma_start3A_15] : memref<40x128xi32, #tpu.memory_space<vmem>> -> memref<1x128xi32, #tpu.memory_space<vmem>>
      %dma_start3A_17 = tpu.memref_squeeze %dma_start3A_16 : memref<1x128xi32, #tpu.memory_space<vmem>> -> memref<128xi32, #tpu.memory_space<vmem>>
      %dma_start3A_18 = arith.constant 0 : i32
      %dma_start3A_19 = arith.constant 0 : i32
      %dma_start3A_20 = tpu.memref_slice %arg2[%dma_start3A_18, %dma_start3A_19] : memref<1000000x64xf32, #tpu.memory_space<hbm>> -> memref<1000000x64xf32, #tpu.memory_space<hbm>>
      tpu.enqueue_indirect_dma source(%dma_start3A_20 : memref<1000000x64xf32, #tpu.memory_space<hbm>>) target(%dma_start3A_14 : memref<128x64xf32, #tpu.memory_space<vmem>>) offsets(%dma_start3A_17 : memref<128xi32, #tpu.memory_space<vmem>>) semaphore(%arg7 : memref<!tpu.dma_semaphore, #tpu.memory_space<semaphore_mem>>)
      %mul3A_21 = arith.constant 8 : i32
      %mul3A_22 = arith.muli %scan3A_8, %mul3A_21 : i32
      %add3A_23 = arith.constant 1 : i32
      %add3A_24 = arith.addi %mul3A_22, %add3A_23 : i32
      %dma_start3A_25 = arith.constant 128 : i32
      %dma_start3A_26 = arith.constant 0 : i32
      %dma_start3A_27 = tpu.memref_slice %arg6[%dma_start3A_25, %dma_start3A_26] : memref<1024x64xf32, #tpu.memory_space<vmem>> -> memref<128x64xf32, #tpu.memory_space<vmem>>
      %dma_start3A_28 = arith.constant 0 : i32
      %dma_start3A_29 = tpu.memref_slice %arg5[%add3A_24, %dma_start3A_28] : memref<40x128xi32, #tpu.memory_space<vmem>> -> memref<1x128xi32, #tpu.memory_space<vmem>>
      %dma_start3A_30 = tpu.memref_squeeze %dma_start3A_29 : memref<1x128xi32, #tpu.memory_space<vmem>> -> memref<128xi32, #tpu.memory_space<vmem>>
      %dma_start3A_31 = arith.constant 0 : i32
      %dma_start3A_32 = arith.constant 0 : i32
      %dma_start3A_33 = tpu.memref_slice %arg2[%dma_start3A_31, %dma_start3A_32] : memref<1000000x64xf32, #tpu.memory_space<hbm>> -> memref<1000000x64xf32, #tpu.memory_space<hbm>>
      tpu.enqueue_indirect_dma source(%dma_start3A_33 : memref<1000000x64xf32, #tpu.memory_space<hbm>>) target(%dma_start3A_27 : memref<128x64xf32, #tpu.memory_space<vmem>>) offsets(%dma_start3A_30 : memref<128xi32, #tpu.memory_space<vmem>>) semaphore(%arg7 : memref<!tpu.dma_semaphore, #tpu.memory_space<semaphore_mem>>)
      %mul3A_34 = arith.constant 8 : i32
      %mul3A_35 = arith.muli %scan3A_8, %mul3A_34 : i32
      %add3A_36 = arith.constant 2 : i32
      %add3A_37 = arith.addi %mul3A_35, %add3A_36 : i32
      %dma_start3A_38 = arith.constant 256 : i32
      %dma_start3A_39 = arith.constant 0 : i32
      %dma_start3A_40 = tpu.memref_slice %arg6[%dma_start3A_38, %dma_start3A_39] : memref<1024x64xf32, #tpu.memory_space<vmem>> -> memref<128x64xf32, #tpu.memory_space<vmem>>
      %dma_start3A_41 = arith.constant 0 : i32
      %dma_start3A_42 = tpu.memref_slice %arg5[%add3A_37, %dma_start3A_41] : memref<40x128xi32, #tpu.memory_space<vmem>> -> memref<1x128xi32, #tpu.memory_space<vmem>>
      %dma_start3A_43 = tpu.memref_squeeze %dma_start3A_42 : memref<1x128xi32, #tpu.memory_space<vmem>> -> memref<128xi32, #tpu.memory_space<vmem>>
      %dma_start3A_44 = arith.constant 0 : i32
      %dma_start3A_45 = arith.constant 0 : i32
      %dma_start3A_46 = tpu.memref_slice %arg2[%dma_start3A_44, %dma_start3A_45] : memref<1000000x64xf32, #tpu.memory_space<hbm>> -> memref<1000000x64xf32, #tpu.memory_space<hbm>>
      tpu.enqueue_indirect_dma source(%dma_start3A_46 : memref<1000000x64xf32, #tpu.memory_space<hbm>>) target(%dma_start3A_40 : memref<128x64xf32, #tpu.memory_space<vmem>>) offsets(%dma_start3A_43 : memref<128xi32, #tpu.memory_space<vmem>>) semaphore(%arg7 : memref<!tpu.dma_semaphore, #tpu.memory_space<semaphore_mem>>)
      %mul3A_47 = arith.constant 8 : i32
      %mul3A_48 = arith.muli %scan3A_8, %mul3A_47 : i32
      %add3A_49 = arith.constant 3 : i32
      %add3A_50 = arith.addi %mul3A_48, %add3A_49 : i32
      %dma_start3A_51 = arith.constant 384 : i32
      %dma_start3A_52 = arith.constant 0 : i32
      %dma_start3A_53 = tpu.memref_slice %arg6[%dma_start3A_51, %dma_start3A_52] : memref<1024x64xf32, #tpu.memory_space<vmem>> -> memref<128x64xf32, #tpu.memory_space<vmem>>
      %dma_start3A_54 = arith.constant 0 : i32
      %dma_start3A_55 = tpu.memref_slice %arg5[%add3A_50, %dma_start3A_54] : memref<40x128xi32, #tpu.memory_space<vmem>> -> memref<1x128xi32, #tpu.memory_space<vmem>>
      %dma_start3A_56 = tpu.memref_squeeze %dma_start3A_55 : memref<1x128xi32, #tpu.memory_space<vmem>> -> memref<128xi32, #tpu.memory_space<vmem>>
      %dma_start3A_57 = arith.constant 0 : i32
      %dma_start3A_58 = arith.constant 0 : i32
      %dma_start3A_59 = tpu.memref_slice %arg2[%dma_start3A_57, %dma_start3A_58] : memref<1000000x64xf32, #tpu.memory_space<hbm>> -> memref<1000000x64xf32, #tpu.memory_space<hbm>>
      tpu.enqueue_indirect_dma source(%dma_start3A_59 : memref<1000000x64xf32, #tpu.memory_space<hbm>>) target(%dma_start3A_53 : memref<128x64xf32, #tpu.memory_space<vmem>>) offsets(%dma_start3A_56 : memref<128xi32, #tpu.memory_space<vmem>>) semaphore(%arg7 : memref<!tpu.dma_semaphore, #tpu.memory_space<semaphore_mem>>)
      %mul3A_60 = arith.constant 8 : i32
      %mul3A_61 = arith.muli %scan3A_8, %mul3A_60 : i32
      %add3A_62 = arith.constant 4 : i32
      %add3A_63 = arith.addi %mul3A_61, %add3A_62 : i32
      %dma_start3A_64 = arith.constant 512 : i32
      %dma_start3A_65 = arith.constant 0 : i32
      %dma_start3A_66 = tpu.memref_slice %arg6[%dma_start3A_64, %dma_start3A_65] : memref<1024x64xf32, #tpu.memory_space<vmem>> -> memref<128x64xf32, #tpu.memory_space<vmem>>
      %dma_start3A_67 = arith.constant 0 : i32
      %dma_start3A_68 = tpu.memref_slice %arg5[%add3A_63, %dma_start3A_67] : memref<40x128xi32, #tpu.memory_space<vmem>> -> memref<1x128xi32, #tpu.memory_space<vmem>>
      %dma_start3A_69 = tpu.memref_squeeze %dma_start3A_68 : memref<1x128xi32, #tpu.memory_space<vmem>> -> memref<128xi32, #tpu.memory_space<vmem>>
      %dma_start3A_70 = arith.constant 0 : i32
      %dma_start3A_71 = arith.constant 0 : i32
      %dma_start3A_72 = tpu.memref_slice %arg2[%dma_start3A_70, %dma_start3A_71] : memref<1000000x64xf32, #tpu.memory_space<hbm>> -> memref<1000000x64xf32, #tpu.memory_space<hbm>>
      tpu.enqueue_indirect_dma source(%dma_start3A_72 : memref<1000000x64xf32, #tpu.memory_space<hbm>>) target(%dma_start3A_66 : memref<128x64xf32, #tpu.memory_space<vmem>>) offsets(%dma_start3A_69 : memref<128xi32, #tpu.memory_space<vmem>>) semaphore(%arg7 : memref<!tpu.dma_semaphore, #tpu.memory_space<semaphore_mem>>)
      %mul3A_73 = arith.constant 8 : i32
      %mul3A_74 = arith.muli %scan3A_8, %mul3A_73 : i32
      %add3A_75 = arith.constant 5 : i32
      %add3A_76 = arith.addi %mul3A_74, %add3A_75 : i32
      %dma_start3A_77 = arith.constant 640 : i32
      %dma_start3A_78 = arith.constant 0 : i32
      %dma_start3A_79 = tpu.memref_slice %arg6[%dma_start3A_77, %dma_start3A_78] : memref<1024x64xf32, #tpu.memory_space<vmem>> -> memref<128x64xf32, #tpu.memory_space<vmem>>
      %dma_start3A_80 = arith.constant 0 : i32
      %dma_start3A_81 = tpu.memref_slice %arg5[%add3A_76, %dma_start3A_80] : memref<40x128xi32, #tpu.memory_space<vmem>> -> memref<1x128xi32, #tpu.memory_space<vmem>>
      %dma_start3A_82 = tpu.memref_squeeze %dma_start3A_81 : memref<1x128xi32, #tpu.memory_space<vmem>> -> memref<128xi32, #tpu.memory_space<vmem>>
      %dma_start3A_83 = arith.constant 0 : i32
      %dma_start3A_84 = arith.constant 0 : i32
      %dma_start3A_85 = tpu.memref_slice %arg2[%dma_start3A_83, %dma_start3A_84] : memref<1000000x64xf32, #tpu.memory_space<hbm>> -> memref<1000000x64xf32, #tpu.memory_space<hbm>>
      tpu.enqueue_indirect_dma source(%dma_start3A_85 : memref<1000000x64xf32, #tpu.memory_space<hbm>>) target(%dma_start3A_79 : memref<128x64xf32, #tpu.memory_space<vmem>>) offsets(%dma_start3A_82 : memref<128xi32, #tpu.memory_space<vmem>>) semaphore(%arg7 : memref<!tpu.dma_semaphore, #tpu.memory_space<semaphore_mem>>)
      %mul3A_86 = arith.constant 8 : i32
      %mul3A_87 = arith.muli %scan3A_8, %mul3A_86 : i32
      %add3A_88 = arith.constant 6 : i32
      %add3A_89 = arith.addi %mul3A_87, %add3A_88 : i32
      %dma_start3A_90 = arith.constant 768 : i32
      %dma_start3A_91 = arith.constant 0 : i32
      %dma_start3A_92 = tpu.memref_slice %arg6[%dma_start3A_90, %dma_start3A_91] : memref<1024x64xf32, #tpu.memory_space<vmem>> -> memref<128x64xf32, #tpu.memory_space<vmem>>
      %dma_start3A_93 = arith.constant 0 : i32
      %dma_start3A_94 = tpu.memref_slice %arg5[%add3A_89, %dma_start3A_93] : memref<40x128xi32, #tpu.memory_space<vmem>> -> memref<1x128xi32, #tpu.memory_space<vmem>>
      %dma_start3A_95 = tpu.memref_squeeze %dma_start3A_94 : memref<1x128xi32, #tpu.memory_space<vmem>> -> memref<128xi32, #tpu.memory_space<vmem>>
      %dma_start3A_96 = arith.constant 0 : i32
      %dma_start3A_97 = arith.constant 0 : i32
      %dma_start3A_98 = tpu.memref_slice %arg2[%dma_start3A_96, %dma_start3A_97] : memref<1000000x64xf32, #tpu.memory_space<hbm>> -> memref<1000000x64xf32, #tpu.memory_space<hbm>>
      tpu.enqueue_indirect_dma source(%dma_start3A_98 : memref<1000000x64xf32, #tpu.memory_space<hbm>>) target(%dma_start3A_92 : memref<128x64xf32, #tpu.memory_space<vmem>>) offsets(%dma_start3A_95 : memref<128xi32, #tpu.memory_space<vmem>>) semaphore(%arg7 : memref<!tpu.dma_semaphore, #tpu.memory_space<semaphore_mem>>)
      %mul3A_99 = arith.constant 8 : i32
      %mul3A_100 = arith.muli %scan3A_8, %mul3A_99 : i32
      %add3A_101 = arith.constant 7 : i32
      %add3A_102 = arith.addi %mul3A_100, %add3A_101 : i32
      %dma_start3A_103 = arith.constant 896 : i32
      %dma_start3A_104 = arith.constant 0 : i32
      %dma_start3A_105 = tpu.memref_slice %arg6[%dma_start3A_103, %dma_start3A_104] : memref<1024x64xf32, #tpu.memory_space<vmem>> -> memref<128x64xf32, #tpu.memory_space<vmem>>
      %dma_start3A_106 = arith.constant 0 : i32
      %dma_start3A_107 = tpu.memref_slice %arg5[%add3A_102, %dma_start3A_106] : memref<40x128xi32, #tpu.memory_space<vmem>> -> memref<1x128xi32, #tpu.memory_space<vmem>>
      %dma_start3A_108 = tpu.memref_squeeze %dma_start3A_107 : memref<1x128xi32, #tpu.memory_space<vmem>> -> memref<128xi32, #tpu.memory_space<vmem>>
      %dma_start3A_109 = arith.constant 0 : i32
      %dma_start3A_110 = arith.constant 0 : i32
      %dma_start3A_111 = tpu.memref_slice %arg2[%dma_start3A_109, %dma_start3A_110] : memref<1000000x64xf32, #tpu.memory_space<hbm>> -> memref<1000000x64xf32, #tpu.memory_space<hbm>>
      tpu.enqueue_indirect_dma source(%dma_start3A_111 : memref<1000000x64xf32, #tpu.memory_space<hbm>>) target(%dma_start3A_105 : memref<128x64xf32, #tpu.memory_space<vmem>>) offsets(%dma_start3A_108 : memref<128xi32, #tpu.memory_space<vmem>>) semaphore(%arg7 : memref<!tpu.dma_semaphore, #tpu.memory_space<semaphore_mem>>)
      %dma_wait3A = arith.constant 0 : i32
      %dma_wait3A_112 = arith.constant 0 : i32
      %dma_wait3A_113 = tpu.memref_slice %arg6[%dma_wait3A, %dma_wait3A_112] : memref<1024x64xf32, #tpu.memory_space<vmem>> -> memref<128x64xf32, #tpu.memory_space<vmem>>
      %dma_wait3A_114 = arith.constant 0 : i32
      %dma_wait3A_115 = tpu.memref_slice %arg5[%add3A_12, %dma_wait3A_114] : memref<40x128xi32, #tpu.memory_space<vmem>> -> memref<1x128xi32, #tpu.memory_space<vmem>>
      %dma_wait3A_116 = tpu.memref_squeeze %dma_wait3A_115 : memref<1x128xi32, #tpu.memory_space<vmem>> -> memref<128xi32, #tpu.memory_space<vmem>>
      %dma_wait3A_117 = arith.constant 0 : i32
      %dma_wait3A_118 = arith.constant 0 : i32
      %dma_wait3A_119 = tpu.memref_slice %arg2[%dma_wait3A_117, %dma_wait3A_118] : memref<1000000x64xf32, #tpu.memory_space<hbm>> -> memref<1000000x64xf32, #tpu.memory_space<hbm>>
      tpu.wait_indirect_dma semaphore(%arg7 : memref<!tpu.dma_semaphore, #tpu.memory_space<semaphore_mem>>) src(%dma_wait3A_119 : memref<1000000x64xf32, #tpu.memory_space<hbm>>) dst(%dma_wait3A_113 : memref<128x64xf32, #tpu.memory_space<vmem>>)
      %dma_wait3A_120 = arith.constant 128 : i32
      %dma_wait3A_121 = arith.constant 0 : i32
      %dma_wait3A_122 = tpu.memref_slice %arg6[%dma_wait3A_120, %dma_wait3A_121] : memref<1024x64xf32, #tpu.memory_space<vmem>> -> memref<128x64xf32, #tpu.memory_space<vmem>>
      %dma_wait3A_123 = arith.constant 0 : i32
      %dma_wait3A_124 = tpu.memref_slice %arg5[%add3A_24, %dma_wait3A_123] : memref<40x128xi32, #tpu.memory_space<vmem>> -> memref<1x128xi32, #tpu.memory_space<vmem>>
      %dma_wait3A_125 = tpu.memref_squeeze %dma_wait3A_124 : memref<1x128xi32, #tpu.memory_space<vmem>> -> memref<128xi32, #tpu.memory_space<vmem>>
      %dma_wait3A_126 = arith.constant 0 : i32
      %dma_wait3A_127 = arith.constant 0 : i32
      %dma_wait3A_128 = tpu.memref_slice %arg2[%dma_wait3A_126, %dma_wait3A_127] : memref<1000000x64xf32, #tpu.memory_space<hbm>> -> memref<1000000x64xf32, #tpu.memory_space<hbm>>
      tpu.wait_indirect_dma semaphore(%arg7 : memref<!tpu.dma_semaphore, #tpu.memory_space<semaphore_mem>>) src(%dma_wait3A_128 : memref<1000000x64xf32, #tpu.memory_space<hbm>>) dst(%dma_wait3A_122 : memref<128x64xf32, #tpu.memory_space<vmem>>)
      %dma_wait3A_129 = arith.constant 256 : i32
      %dma_wait3A_130 = arith.constant 0 : i32
      %dma_wait3A_131 = tpu.memref_slice %arg6[%dma_wait3A_129, %dma_wait3A_130] : memref<1024x64xf32, #tpu.memory_space<vmem>> -> memref<128x64xf32, #tpu.memory_space<vmem>>
      %dma_wait3A_132 = arith.constant 0 : i32
      %dma_wait3A_133 = tpu.memref_slice %arg5[%add3A_37, %dma_wait3A_132] : memref<40x128xi32, #tpu.memory_space<vmem>> -> memref<1x128xi32, #tpu.memory_space<vmem>>
      %dma_wait3A_134 = tpu.memref_squeeze %dma_wait3A_133 : memref<1x128xi32, #tpu.memory_space<vmem>> -> memref<128xi32, #tpu.memory_space<vmem>>
      %dma_wait3A_135 = arith.constant 0 : i32
      %dma_wait3A_136 = arith.constant 0 : i32
      %dma_wait3A_137 = tpu.memref_slice %arg2[%dma_wait3A_135, %dma_wait3A_136] : memref<1000000x64xf32, #tpu.memory_space<hbm>> -> memref<1000000x64xf32, #tpu.memory_space<hbm>>
      tpu.wait_indirect_dma semaphore(%arg7 : memref<!tpu.dma_semaphore, #tpu.memory_space<semaphore_mem>>) src(%dma_wait3A_137 : memref<1000000x64xf32, #tpu.memory_space<hbm>>) dst(%dma_wait3A_131 : memref<128x64xf32, #tpu.memory_space<vmem>>)
      %dma_wait3A_138 = arith.constant 384 : i32
      %dma_wait3A_139 = arith.constant 0 : i32
      %dma_wait3A_140 = tpu.memref_slice %arg6[%dma_wait3A_138, %dma_wait3A_139] : memref<1024x64xf32, #tpu.memory_space<vmem>> -> memref<128x64xf32, #tpu.memory_space<vmem>>
      %dma_wait3A_141 = arith.constant 0 : i32
      %dma_wait3A_142 = tpu.memref_slice %arg5[%add3A_50, %dma_wait3A_141] : memref<40x128xi32, #tpu.memory_space<vmem>> -> memref<1x128xi32, #tpu.memory_space<vmem>>
      %dma_wait3A_143 = tpu.memref_squeeze %dma_wait3A_142 : memref<1x128xi32, #tpu.memory_space<vmem>> -> memref<128xi32, #tpu.memory_space<vmem>>
      %dma_wait3A_144 = arith.constant 0 : i32
      %dma_wait3A_145 = arith.constant 0 : i32
      %dma_wait3A_146 = tpu.memref_slice %arg2[%dma_wait3A_144, %dma_wait3A_145] : memref<1000000x64xf32, #tpu.memory_space<hbm>> -> memref<1000000x64xf32, #tpu.memory_space<hbm>>
      tpu.wait_indirect_dma semaphore(%arg7 : memref<!tpu.dma_semaphore, #tpu.memory_space<semaphore_mem>>) src(%dma_wait3A_146 : memref<1000000x64xf32, #tpu.memory_space<hbm>>) dst(%dma_wait3A_140 : memref<128x64xf32, #tpu.memory_space<vmem>>)
      %dma_wait3A_147 = arith.constant 512 : i32
      %dma_wait3A_148 = arith.constant 0 : i32
      %dma_wait3A_149 = tpu.memref_slice %arg6[%dma_wait3A_147, %dma_wait3A_148] : memref<1024x64xf32, #tpu.memory_space<vmem>> -> memref<128x64xf32, #tpu.memory_space<vmem>>
      %dma_wait3A_150 = arith.constant 0 : i32
      %dma_wait3A_151 = tpu.memref_slice %arg5[%add3A_63, %dma_wait3A_150] : memref<40x128xi32, #tpu.memory_space<vmem>> -> memref<1x128xi32, #tpu.memory_space<vmem>>
      %dma_wait3A_152 = tpu.memref_squeeze %dma_wait3A_151 : memref<1x128xi32, #tpu.memory_space<vmem>> -> memref<128xi32, #tpu.memory_space<vmem>>
      %dma_wait3A_153 = arith.constant 0 : i32
      %dma_wait3A_154 = arith.constant 0 : i32
      %dma_wait3A_155 = tpu.memref_slice %arg2[%dma_wait3A_153, %dma_wait3A_154] : memref<1000000x64xf32, #tpu.memory_space<hbm>> -> memref<1000000x64xf32, #tpu.memory_space<hbm>>
      tpu.wait_indirect_dma semaphore(%arg7 : memref<!tpu.dma_semaphore, #tpu.memory_space<semaphore_mem>>) src(%dma_wait3A_155 : memref<1000000x64xf32, #tpu.memory_space<hbm>>) dst(%dma_wait3A_149 : memref<128x64xf32, #tpu.memory_space<vmem>>)
      %dma_wait3A_156 = arith.constant 640 : i32
      %dma_wait3A_157 = arith.constant 0 : i32
      %dma_wait3A_158 = tpu.memref_slice %arg6[%dma_wait3A_156, %dma_wait3A_157] : memref<1024x64xf32, #tpu.memory_space<vmem>> -> memref<128x64xf32, #tpu.memory_space<vmem>>
      %dma_wait3A_159 = arith.constant 0 : i32
      %dma_wait3A_160 = tpu.memref_slice %arg5[%add3A_76, %dma_wait3A_159] : memref<40x128xi32, #tpu.memory_space<vmem>> -> memref<1x128xi32, #tpu.memory_space<vmem>>
      %dma_wait3A_161 = tpu.memref_squeeze %dma_wait3A_160 : memref<1x128xi32, #tpu.memory_space<vmem>> -> memref<128xi32, #tpu.memory_space<vmem>>
      %dma_wait3A_162 = arith.constant 0 : i32
      %dma_wait3A_163 = arith.constant 0 : i32
      %dma_wait3A_164 = tpu.memref_slice %arg2[%dma_wait3A_162, %dma_wait3A_163] : memref<1000000x64xf32, #tpu.memory_space<hbm>> -> memref<1000000x64xf32, #tpu.memory_space<hbm>>
      tpu.wait_indirect_dma semaphore(%arg7 : memref<!tpu.dma_semaphore, #tpu.memory_space<semaphore_mem>>) src(%dma_wait3A_164 : memref<1000000x64xf32, #tpu.memory_space<hbm>>) dst(%dma_wait3A_158 : memref<128x64xf32, #tpu.memory_space<vmem>>)
      %dma_wait3A_165 = arith.constant 768 : i32
      %dma_wait3A_166 = arith.constant 0 : i32
      %dma_wait3A_167 = tpu.memref_slice %arg6[%dma_wait3A_165, %dma_wait3A_166] : memref<1024x64xf32, #tpu.memory_space<vmem>> -> memref<128x64xf32, #tpu.memory_space<vmem>>
      %dma_wait3A_168 = arith.constant 0 : i32
      %dma_wait3A_169 = tpu.memref_slice %arg5[%add3A_89, %dma_wait3A_168] : memref<40x128xi32, #tpu.memory_space<vmem>> -> memref<1x128xi32, #tpu.memory_space<vmem>>
      %dma_wait3A_170 = tpu.memref_squeeze %dma_wait3A_169 : memref<1x128xi32, #tpu.memory_space<vmem>> -> memref<128xi32, #tpu.memory_space<vmem>>
      %dma_wait3A_171 = arith.constant 0 : i32
      %dma_wait3A_172 = arith.constant 0 : i32
      %dma_wait3A_173 = tpu.memref_slice %arg2[%dma_wait3A_171, %dma_wait3A_172] : memref<1000000x64xf32, #tpu.memory_space<hbm>> -> memref<1000000x64xf32, #tpu.memory_space<hbm>>
      tpu.wait_indirect_dma semaphore(%arg7 : memref<!tpu.dma_semaphore, #tpu.memory_space<semaphore_mem>>) src(%dma_wait3A_173 : memref<1000000x64xf32, #tpu.memory_space<hbm>>) dst(%dma_wait3A_167 : memref<128x64xf32, #tpu.memory_space<vmem>>)
      %dma_wait3A_174 = arith.constant 896 : i32
      %dma_wait3A_175 = arith.constant 0 : i32
      %dma_wait3A_176 = tpu.memref_slice %arg6[%dma_wait3A_174, %dma_wait3A_175] : memref<1024x64xf32, #tpu.memory_space<vmem>> -> memref<128x64xf32, #tpu.memory_space<vmem>>
      %dma_wait3A_177 = arith.constant 0 : i32
      %dma_wait3A_178 = tpu.memref_slice %arg5[%add3A_102, %dma_wait3A_177] : memref<40x128xi32, #tpu.memory_space<vmem>> -> memref<1x128xi32, #tpu.memory_space<vmem>>
      %dma_wait3A_179 = tpu.memref_squeeze %dma_wait3A_178 : memref<1x128xi32, #tpu.memory_space<vmem>> -> memref<128xi32, #tpu.memory_space<vmem>>
      %dma_wait3A_180 = arith.constant 0 : i32
      %dma_wait3A_181 = arith.constant 0 : i32
      %dma_wait3A_182 = tpu.memref_slice %arg2[%dma_wait3A_180, %dma_wait3A_181] : memref<1000000x64xf32, #tpu.memory_space<hbm>> -> memref<1000000x64xf32, #tpu.memory_space<hbm>>
      tpu.wait_indirect_dma semaphore(%arg7 : memref<!tpu.dma_semaphore, #tpu.memory_space<semaphore_mem>>) src(%dma_wait3A_182 : memref<1000000x64xf32, #tpu.memory_space<hbm>>) dst(%dma_wait3A_176 : memref<128x64xf32, #tpu.memory_space<vmem>>)
      %add3A_183 = arith.addi %mul3A_2, %scan3A_8 : i32
      %jit3A = arith.constant 2 : i32
      %div3A = arith.divsi %add3A_183, %jit3A : i32
      %sign3A = arith.constant 0 : i32
      %sign3A_184 = arith.cmpi sgt, %add3A_183, %sign3A : i32
      %sign3A_185 = arith.extui %sign3A_184 : i1 to i32
      %sign3A_186 = arith.constant 0 : i32
      %sign3A_187 = arith.cmpi slt, %add3A_183, %sign3A_186 : i32
      %sign3A_188 = arith.extui %sign3A_187 : i1 to i32
      %sign3A_189 = arith.subi %sign3A_185, %sign3A_188 : i32
      %sign3A_190 = arith.constant 0 : i32
      %sign3A_191 = arith.cmpi sgt, %jit3A, %sign3A_190 : i32
      %sign3A_192 = arith.extui %sign3A_191 : i1 to i32
      %sign3A_193 = arith.constant 0 : i32
      %sign3A_194 = arith.cmpi slt, %jit3A, %sign3A_193 : i32
      %sign3A_195 = arith.extui %sign3A_194 : i1 to i32
      %sign3A_196 = arith.subi %sign3A_192, %sign3A_195 : i32
      %ne3A = arith.cmpi ne, %sign3A_189, %sign3A_196 : i32
      %rem3A = arith.remsi %add3A_183, %jit3A : i32
      %ne3A_197 = arith.constant 0 : i32
      %ne3A_198 = arith.cmpi ne, %rem3A, %ne3A_197 : i32
      %and3A = arith.andi %ne3A, %ne3A_198 : i1
      %sub3A = arith.constant 1 : i32
      %sub3A_199 = arith.subi %div3A, %sub3A : i32
      %select_n3A = arith.select %and3A, %sub3A_199, %div3A : i32
      %mul3A_200 = arith.constant 1024 : i32
      %mul3A_201 = arith.muli %select_n3A, %mul3A_200 : i32
      %jit3A_202 = arith.constant 2 : i32
      %eq3A = arith.constant 0 : i32
      %eq3A_203 = arith.cmpi eq, %jit3A_202, %eq3A : i32
      %jit3A_204 = arith.constant 1 : i32
      %select_n3A_205 = arith.select %eq3A_203, %jit3A_204, %jit3A_202 : i32
      %rem3A_206 = arith.remsi %add3A_183, %select_n3A_205 : i32
      %ne3A_207 = arith.constant 0 : i32
      %ne3A_208 = arith.cmpi ne, %rem3A_206, %ne3A_207 : i32
      %lt3A = arith.constant 0 : i32
      %lt3A_209 = arith.cmpi slt, %rem3A_206, %lt3A : i32
      %lt3A_210 = arith.constant 0 : i32
      %lt3A_211 = arith.cmpi slt, %select_n3A_205, %lt3A_210 : i32
      %ne3A_212 = arith.xori %lt3A_209, %lt3A_211 : i1
      %and3A_213 = arith.andi %ne3A_212, %ne3A_208 : i1
      %add3A_214 = arith.addi %rem3A_206, %select_n3A_205 : i32
      %select_n3A_215 = arith.select %and3A_213, %add3A_214, %rem3A_206 : i32
      %mul3A_216 = arith.constant 64 : i32
      %mul3A_217 = arith.muli %select_n3A_215, %mul3A_216 : i32
      "tpu.region"() ({
        %run_scoped3A = tpu.sem_alloc : memref<!tpu.dma_semaphore, #tpu.memory_space<semaphore_mem>>
        %dma_start3A_218 = tpu.memref_slice %arg4[%mul3A_201, %mul3A_217] : memref<81920x128xf32, #tpu.memory_space<hbm>> -> memref<1024x64xf32, #tpu.memory_space<hbm>>
        %dma_start3A_219 = tpu.memref_slice %arg4[%mul3A_201, %mul3A_217] : memref<81920x128xf32, #tpu.memory_space<hbm>> -> memref<1024x64xf32, #tpu.memory_space<hbm>>
        tpu.enqueue_dma source(%arg6 : memref<1024x64xf32, #tpu.memory_space<vmem>>) target(%dma_start3A_219 : memref<1024x64xf32, #tpu.memory_space<hbm>>) target_semaphore(%run_scoped3A : memref<!tpu.dma_semaphore, #tpu.memory_space<semaphore_mem>>)
        %dma_wait3A_220 = tpu.memref_slice %arg4[%mul3A_201, %mul3A_217] : memref<81920x128xf32, #tpu.memory_space<hbm>> -> memref<1024x64xf32, #tpu.memory_space<hbm>>
        %dma_wait3A_221 = tpu.memref_slice %arg4[%mul3A_201, %mul3A_217] : memref<81920x128xf32, #tpu.memory_space<hbm>> -> memref<1024x64xf32, #tpu.memory_space<hbm>>
        tpu.wait_dma2 semaphore(%run_scoped3A : memref<!tpu.dma_semaphore, #tpu.memory_space<semaphore_mem>>) src(%arg6 : memref<1024x64xf32, #tpu.memory_space<vmem>>) dst(%dma_wait3A_221 : memref<1024x64xf32, #tpu.memory_space<hbm>>)
        tpu.yield
      }) : () -> ()
    }
    %scan3A_7 = arith.constant 5 : i32
    return
  }
}

module attributes {stable_mosaic.version = 14 : i64} {
  func.func @_mm_body(%arg0: i32, %arg1: memref<8192x128xf32, #tpu.memory_space<vmem>>, %arg2: memref<64x128xf32, #tpu.memory_space<vmem>>, %arg3: memref<16384x128xf32, #tpu.memory_space<vmem>>) attributes {dimension_semantics = [#tpu.dimension_semantics<arbitrary>], iteration_bounds = array<i64: 10>, scalar_prefetch = 0 : i64, scratch_operands = 0 : i64, tpu.core_type = #tpu.core_type<tc>, window_params = [{transform_indices = @transform_0, window_bounds = array<i64: 8192, 128>}, {pipeline_mode = #tpu.pipeline_mode<synchronous>, transform_indices = @transform_1, window_bounds = array<i64: 64, 128>}, {transform_indices = @transform_2, window_bounds = array<i64: 16384, 128>}]} {
    %get3A = arith.constant 0 : index
    %get3A_0 = arith.constant 0 : index
    %get3A_1 = vector.load %arg2[%get3A, %get3A_0] : memref<64x128xf32, #tpu.memory_space<vmem>>, vector<64x128xf32>
    %get3A_2 = arith.constant 0 : index
    %get3A_3 = arith.constant 0 : index
    %get3A_4 = vector.load %arg1[%get3A_2, %get3A_3] : memref<8192x128xf32, #tpu.memory_space<vmem>>, vector<1024x128xf32>
    %slice3A = vector.extract_strided_slice %get3A_4 {offsets = [0, 0], sizes = [1024, 64], strides = [1, 1]} : vector<1024x128xf32> to vector<1024x64xf32>
    %dot_general3A = arith.constant dense<0.000000e+00> : vector<1024x128xf32>
    %dot_general3A_5 = tpu.matmul %slice3A, %get3A_1, %dot_general3A {dimension_numbers = #tpu.dot_dimension_numbers<[1], [0], [0], [1], [0, 0, 1, 1], [], []>, transpose_lhs_hint = false} : vector<1024x64xf32>, vector<64x128xf32>, vector<1024x128xf32> -> vector<1024x128xf32>
    %swap3A = arith.constant 0 : index
    %swap3A_6 = arith.constant 0 : index
    %swap3A_7 = vector.load %arg3[%swap3A, %swap3A_6] : memref<16384x128xf32, #tpu.memory_space<vmem>>, vector<1024x128xf32>
    tpu.vector_store %arg3[%swap3A, %swap3A_6], %dot_general3A_5 {strides = array<i32>} : memref<16384x128xf32, #tpu.memory_space<vmem>>, vector<1024x128xf32>,
    %slice3A_8 = vector.extract_strided_slice %get3A_4 {offsets = [0, 64], sizes = [1024, 64], strides = [1, 1]} : vector<1024x128xf32> to vector<1024x64xf32>
    %dot_general3A_9 = arith.constant dense<0.000000e+00> : vector<1024x128xf32>
    %dot_general3A_10 = tpu.matmul %slice3A_8, %get3A_1, %dot_general3A_9 {dimension_numbers = #tpu.dot_dimension_numbers<[1], [0], [0], [1], [0, 0, 1, 1], [], []>, transpose_lhs_hint = false} : vector<1024x64xf32>, vector<64x128xf32>, vector<1024x128xf32> -> vector<1024x128xf32>
    %swap3A_11 = arith.constant 1024 : index
    %swap3A_12 = arith.constant 0 : index
    %swap3A_13 = vector.load %arg3[%swap3A_11, %swap3A_12] : memref<16384x128xf32, #tpu.memory_space<vmem>>, vector<1024x128xf32>
    tpu.vector_store %arg3[%swap3A_11, %swap3A_12], %dot_general3A_10 {strides = array<i32>} : memref<16384x128xf32, #tpu.memory_space<vmem>>, vector<1024x128xf32>,
    %get3A_14 = arith.constant 1024 : index
    %get3A_15 = arith.constant 0 : index
    %get3A_16 = vector.load %arg1[%get3A_14, %get3A_15] : memref<8192x128xf32, #tpu.memory_space<vmem>>, vector<1024x128xf32>
    %slice3A_17 = vector.extract_strided_slice %get3A_16 {offsets = [0, 0], sizes = [1024, 64], strides = [1, 1]} : vector<1024x128xf32> to vector<1024x64xf32>
    %dot_general3A_18 = arith.constant dense<0.000000e+00> : vector<1024x128xf32>
    %dot_general3A_19 = tpu.matmul %slice3A_17, %get3A_1, %dot_general3A_18 {dimension_numbers = #tpu.dot_dimension_numbers<[1], [0], [0], [1], [0, 0, 1, 1], [], []>, transpose_lhs_hint = false} : vector<1024x64xf32>, vector<64x128xf32>, vector<1024x128xf32> -> vector<1024x128xf32>
    %swap3A_20 = arith.constant 2048 : index
    %swap3A_21 = arith.constant 0 : index
    %swap3A_22 = vector.load %arg3[%swap3A_20, %swap3A_21] : memref<16384x128xf32, #tpu.memory_space<vmem>>, vector<1024x128xf32>
    tpu.vector_store %arg3[%swap3A_20, %swap3A_21], %dot_general3A_19 {strides = array<i32>} : memref<16384x128xf32, #tpu.memory_space<vmem>>, vector<1024x128xf32>,
    %slice3A_23 = vector.extract_strided_slice %get3A_16 {offsets = [0, 64], sizes = [1024, 64], strides = [1, 1]} : vector<1024x128xf32> to vector<1024x64xf32>
    %dot_general3A_24 = arith.constant dense<0.000000e+00> : vector<1024x128xf32>
    %dot_general3A_25 = tpu.matmul %slice3A_23, %get3A_1, %dot_general3A_24 {dimension_numbers = #tpu.dot_dimension_numbers<[1], [0], [0], [1], [0, 0, 1, 1], [], []>, transpose_lhs_hint = false} : vector<1024x64xf32>, vector<64x128xf32>, vector<1024x128xf32> -> vector<1024x128xf32>
    %swap3A_26 = arith.constant 3072 : index
    %swap3A_27 = arith.constant 0 : index
    %swap3A_28 = vector.load %arg3[%swap3A_26, %swap3A_27] : memref<16384x128xf32, #tpu.memory_space<vmem>>, vector<1024x128xf32>
    tpu.vector_store %arg3[%swap3A_26, %swap3A_27], %dot_general3A_25 {strides = array<i32>} : memref<16384x128xf32, #tpu.memory_space<vmem>>, vector<1024x128xf32>,
    %get3A_29 = arith.constant 2048 : index
    %get3A_30 = arith.constant 0 : index
    %get3A_31 = vector.load %arg1[%get3A_29, %get3A_30] : memref<8192x128xf32, #tpu.memory_space<vmem>>, vector<1024x128xf32>
    %slice3A_32 = vector.extract_strided_slice %get3A_31 {offsets = [0, 0], sizes = [1024, 64], strides = [1, 1]} : vector<1024x128xf32> to vector<1024x64xf32>
    %dot_general3A_33 = arith.constant dense<0.000000e+00> : vector<1024x128xf32>
    %dot_general3A_34 = tpu.matmul %slice3A_32, %get3A_1, %dot_general3A_33 {dimension_numbers = #tpu.dot_dimension_numbers<[1], [0], [0], [1], [0, 0, 1, 1], [], []>, transpose_lhs_hint = false} : vector<1024x64xf32>, vector<64x128xf32>, vector<1024x128xf32> -> vector<1024x128xf32>
    %swap3A_35 = arith.constant 4096 : index
    %swap3A_36 = arith.constant 0 : index
    %swap3A_37 = vector.load %arg3[%swap3A_35, %swap3A_36] : memref<16384x128xf32, #tpu.memory_space<vmem>>, vector<1024x128xf32>
    tpu.vector_store %arg3[%swap3A_35, %swap3A_36], %dot_general3A_34 {strides = array<i32>} : memref<16384x128xf32, #tpu.memory_space<vmem>>, vector<1024x128xf32>,
    %slice3A_38 = vector.extract_strided_slice %get3A_31 {offsets = [0, 64], sizes = [1024, 64], strides = [1, 1]} : vector<1024x128xf32> to vector<1024x64xf32>
    %dot_general3A_39 = arith.constant dense<0.000000e+00> : vector<1024x128xf32>
    %dot_general3A_40 = tpu.matmul %slice3A_38, %get3A_1, %dot_general3A_39 {dimension_numbers = #tpu.dot_dimension_numbers<[1], [0], [0], [1], [0, 0, 1, 1], [], []>, transpose_lhs_hint = false} : vector<1024x64xf32>, vector<64x128xf32>, vector<1024x128xf32> -> vector<1024x128xf32>
    %swap3A_41 = arith.constant 5120 : index
    %swap3A_42 = arith.constant 0 : index
    %swap3A_43 = vector.load %arg3[%swap3A_41, %swap3A_42] : memref<16384x128xf32, #tpu.memory_space<vmem>>, vector<1024x128xf32>
    tpu.vector_store %arg3[%swap3A_41, %swap3A_42], %dot_general3A_40 {strides = array<i32>} : memref<16384x128xf32, #tpu.memory_space<vmem>>, vector<1024x128xf32>,
    %get3A_44 = arith.constant 3072 : index
    %get3A_45 = arith.constant 0 : index
    %get3A_46 = vector.load %arg1[%get3A_44, %get3A_45] : memref<8192x128xf32, #tpu.memory_space<vmem>>, vector<1024x128xf32>
    %slice3A_47 = vector.extract_strided_slice %get3A_46 {offsets = [0, 0], sizes = [1024, 64], strides = [1, 1]} : vector<1024x128xf32> to vector<1024x64xf32>
    %dot_general3A_48 = arith.constant dense<0.000000e+00> : vector<1024x128xf32>
    %dot_general3A_49 = tpu.matmul %slice3A_47, %get3A_1, %dot_general3A_48 {dimension_numbers = #tpu.dot_dimension_numbers<[1], [0], [0], [1], [0, 0, 1, 1], [], []>, transpose_lhs_hint = false} : vector<1024x64xf32>, vector<64x128xf32>, vector<1024x128xf32> -> vector<1024x128xf32>
    %swap3A_50 = arith.constant 6144 : index
    %swap3A_51 = arith.constant 0 : index
    %swap3A_52 = vector.load %arg3[%swap3A_50, %swap3A_51] : memref<16384x128xf32, #tpu.memory_space<vmem>>, vector<1024x128xf32>
    tpu.vector_store %arg3[%swap3A_50, %swap3A_51], %dot_general3A_49 {strides = array<i32>} : memref<16384x128xf32, #tpu.memory_space<vmem>>, vector<1024x128xf32>,
    %slice3A_53 = vector.extract_strided_slice %get3A_46 {offsets = [0, 64], sizes = [1024, 64], strides = [1, 1]} : vector<1024x128xf32> to vector<1024x64xf32>
    %dot_general3A_54 = arith.constant dense<0.000000e+00> : vector<1024x128xf32>
    %dot_general3A_55 = tpu.matmul %slice3A_53, %get3A_1, %dot_general3A_54 {dimension_numbers = #tpu.dot_dimension_numbers<[1], [0], [0], [1], [0, 0, 1, 1], [], []>, transpose_lhs_hint = false} : vector<1024x64xf32>, vector<64x128xf32>, vector<1024x128xf32> -> vector<1024x128xf32>
    %swap3A_56 = arith.constant 7168 : index
    %swap3A_57 = arith.constant 0 : index
    %swap3A_58 = vector.load %arg3[%swap3A_56, %swap3A_57] : memref<16384x128xf32, #tpu.memory_space<vmem>>, vector<1024x128xf32>
    tpu.vector_store %arg3[%swap3A_56, %swap3A_57], %dot_general3A_55 {strides = array<i32>} : memref<16384x128xf32, #tpu.memory_space<vmem>>, vector<1024x128xf32>,
    %get3A_59 = arith.constant 4096 : index
    %get3A_60 = arith.constant 0 : index
    %get3A_61 = vector.load %arg1[%get3A_59, %get3A_60] : memref<8192x128xf32, #tpu.memory_space<vmem>>, vector<1024x128xf32>
    %slice3A_62 = vector.extract_strided_slice %get3A_61 {offsets = [0, 0], sizes = [1024, 64], strides = [1, 1]} : vector<1024x128xf32> to vector<1024x64xf32>
    %dot_general3A_63 = arith.constant dense<0.000000e+00> : vector<1024x128xf32>
    %dot_general3A_64 = tpu.matmul %slice3A_62, %get3A_1, %dot_general3A_63 {dimension_numbers = #tpu.dot_dimension_numbers<[1], [0], [0], [1], [0, 0, 1, 1], [], []>, transpose_lhs_hint = false} : vector<1024x64xf32>, vector<64x128xf32>, vector<1024x128xf32> -> vector<1024x128xf32>
    %swap3A_65 = arith.constant 8192 : index
    %swap3A_66 = arith.constant 0 : index
    %swap3A_67 = vector.load %arg3[%swap3A_65, %swap3A_66] : memref<16384x128xf32, #tpu.memory_space<vmem>>, vector<1024x128xf32>
    tpu.vector_store %arg3[%swap3A_65, %swap3A_66], %dot_general3A_64 {strides = array<i32>} : memref<16384x128xf32, #tpu.memory_space<vmem>>, vector<1024x128xf32>,
    %slice3A_68 = vector.extract_strided_slice %get3A_61 {offsets = [0, 64], sizes = [1024, 64], strides = [1, 1]} : vector<1024x128xf32> to vector<1024x64xf32>
    %dot_general3A_69 = arith.constant dense<0.000000e+00> : vector<1024x128xf32>
    %dot_general3A_70 = tpu.matmul %slice3A_68, %get3A_1, %dot_general3A_69 {dimension_numbers = #tpu.dot_dimension_numbers<[1], [0], [0], [1], [0, 0, 1, 1], [], []>, transpose_lhs_hint = false} : vector<1024x64xf32>, vector<64x128xf32>, vector<1024x128xf32> -> vector<1024x128xf32>
    %swap3A_71 = arith.constant 9216 : index
    %swap3A_72 = arith.constant 0 : index
    %swap3A_73 = vector.load %arg3[%swap3A_71, %swap3A_72] : memref<16384x128xf32, #tpu.memory_space<vmem>>, vector<1024x128xf32>
    tpu.vector_store %arg3[%swap3A_71, %swap3A_72], %dot_general3A_70 {strides = array<i32>} : memref<16384x128xf32, #tpu.memory_space<vmem>>, vector<1024x128xf32>,
    %get3A_74 = arith.constant 5120 : index
    %get3A_75 = arith.constant 0 : index
    %get3A_76 = vector.load %arg1[%get3A_74, %get3A_75] : memref<8192x128xf32, #tpu.memory_space<vmem>>, vector<1024x128xf32>
    %slice3A_77 = vector.extract_strided_slice %get3A_76 {offsets = [0, 0], sizes = [1024, 64], strides = [1, 1]} : vector<1024x128xf32> to vector<1024x64xf32>
    %dot_general3A_78 = arith.constant dense<0.000000e+00> : vector<1024x128xf32>
    %dot_general3A_79 = tpu.matmul %slice3A_77, %get3A_1, %dot_general3A_78 {dimension_numbers = #tpu.dot_dimension_numbers<[1], [0], [0], [1], [0, 0, 1, 1], [], []>, transpose_lhs_hint = false} : vector<1024x64xf32>, vector<64x128xf32>, vector<1024x128xf32> -> vector<1024x128xf32>
    %swap3A_80 = arith.constant 10240 : index
    %swap3A_81 = arith.constant 0 : index
    %swap3A_82 = vector.load %arg3[%swap3A_80, %swap3A_81] : memref<16384x128xf32, #tpu.memory_space<vmem>>, vector<1024x128xf32>
    tpu.vector_store %arg3[%swap3A_80, %swap3A_81], %dot_general3A_79 {strides = array<i32>} : memref<16384x128xf32, #tpu.memory_space<vmem>>, vector<1024x128xf32>,
    %slice3A_83 = vector.extract_strided_slice %get3A_76 {offsets = [0, 64], sizes = [1024, 64], strides = [1, 1]} : vector<1024x128xf32> to vector<1024x64xf32>
    %dot_general3A_84 = arith.constant dense<0.000000e+00> : vector<1024x128xf32>
    %dot_general3A_85 = tpu.matmul %slice3A_83, %get3A_1, %dot_general3A_84 {dimension_numbers = #tpu.dot_dimension_numbers<[1], [0], [0], [1], [0, 0, 1, 1], [], []>, transpose_lhs_hint = false} : vector<1024x64xf32>, vector<64x128xf32>, vector<1024x128xf32> -> vector<1024x128xf32>
    %swap3A_86 = arith.constant 11264 : index
    %swap3A_87 = arith.constant 0 : index
    %swap3A_88 = vector.load %arg3[%swap3A_86, %swap3A_87] : memref<16384x128xf32, #tpu.memory_space<vmem>>, vector<1024x128xf32>
    tpu.vector_store %arg3[%swap3A_86, %swap3A_87], %dot_general3A_85 {strides = array<i32>} : memref<16384x128xf32, #tpu.memory_space<vmem>>, vector<1024x128xf32>,
    %get3A_89 = arith.constant 6144 : index
    %get3A_90 = arith.constant 0 : index
    %get3A_91 = vector.load %arg1[%get3A_89, %get3A_90] : memref<8192x128xf32, #tpu.memory_space<vmem>>, vector<1024x128xf32>
    %slice3A_92 = vector.extract_strided_slice %get3A_91 {offsets = [0, 0], sizes = [1024, 64], strides = [1, 1]} : vector<1024x128xf32> to vector<1024x64xf32>
    %dot_general3A_93 = arith.constant dense<0.000000e+00> : vector<1024x128xf32>
    %dot_general3A_94 = tpu.matmul %slice3A_92, %get3A_1, %dot_general3A_93 {dimension_numbers = #tpu.dot_dimension_numbers<[1], [0], [0], [1], [0, 0, 1, 1], [], []>, transpose_lhs_hint = false} : vector<1024x64xf32>, vector<64x128xf32>, vector<1024x128xf32> -> vector<1024x128xf32>
    %swap3A_95 = arith.constant 12288 : index
    %swap3A_96 = arith.constant 0 : index
    %swap3A_97 = vector.load %arg3[%swap3A_95, %swap3A_96] : memref<16384x128xf32, #tpu.memory_space<vmem>>, vector<1024x128xf32>
    tpu.vector_store %arg3[%swap3A_95, %swap3A_96], %dot_general3A_94 {strides = array<i32>} : memref<16384x128xf32, #tpu.memory_space<vmem>>, vector<1024x128xf32>,
    %slice3A_98 = vector.extract_strided_slice %get3A_91 {offsets = [0, 64], sizes = [1024, 64], strides = [1, 1]} : vector<1024x128xf32> to vector<1024x64xf32>
    %dot_general3A_99 = arith.constant dense<0.000000e+00> : vector<1024x128xf32>
    %dot_general3A_100 = tpu.matmul %slice3A_98, %get3A_1, %dot_general3A_99 {dimension_numbers = #tpu.dot_dimension_numbers<[1], [0], [0], [1], [0, 0, 1, 1], [], []>, transpose_lhs_hint = false} : vector<1024x64xf32>, vector<64x128xf32>, vector<1024x128xf32> -> vector<1024x128xf32>
    %swap3A_101 = arith.constant 13312 : index
    %swap3A_102 = arith.constant 0 : index
    %swap3A_103 = vector.load %arg3[%swap3A_101, %swap3A_102] : memref<16384x128xf32, #tpu.memory_space<vmem>>, vector<1024x128xf32>
    tpu.vector_store %arg3[%swap3A_101, %swap3A_102], %dot_general3A_100 {strides = array<i32>} : memref<16384x128xf32, #tpu.memory_space<vmem>>, vector<1024x128xf32>,
    %get3A_104 = arith.constant 7168 : index
    %get3A_105 = arith.constant 0 : index
    %get3A_106 = vector.load %arg1[%get3A_104, %get3A_105] : memref<8192x128xf32, #tpu.memory_space<vmem>>, vector<1024x128xf32>
    %slice3A_107 = vector.extract_strided_slice %get3A_106 {offsets = [0, 0], sizes = [1024, 64], strides = [1, 1]} : vector<1024x128xf32> to vector<1024x64xf32>
    %dot_general3A_108 = arith.constant dense<0.000000e+00> : vector<1024x128xf32>
    %dot_general3A_109 = tpu.matmul %slice3A_107, %get3A_1, %dot_general3A_108 {dimension_numbers = #tpu.dot_dimension_numbers<[1], [0], [0], [1], [0, 0, 1, 1], [], []>, transpose_lhs_hint = false} : vector<1024x64xf32>, vector<64x128xf32>, vector<1024x128xf32> -> vector<1024x128xf32>
    %swap3A_110 = arith.constant 14336 : index
    %swap3A_111 = arith.constant 0 : index
    %swap3A_112 = vector.load %arg3[%swap3A_110, %swap3A_111] : memref<16384x128xf32, #tpu.memory_space<vmem>>, vector<1024x128xf32>
    tpu.vector_store %arg3[%swap3A_110, %swap3A_111], %dot_general3A_109 {strides = array<i32>} : memref<16384x128xf32, #tpu.memory_space<vmem>>, vector<1024x128xf32>,
    %slice3A_113 = vector.extract_strided_slice %get3A_106 {offsets = [0, 64], sizes = [1024, 64], strides = [1, 1]} : vector<1024x128xf32> to vector<1024x64xf32>
    %dot_general3A_114 = arith.constant dense<0.000000e+00> : vector<1024x128xf32>
    %dot_general3A_115 = tpu.matmul %slice3A_113, %get3A_1, %dot_general3A_114 {dimension_numbers = #tpu.dot_dimension_numbers<[1], [0], [0], [1], [0, 0, 1, 1], [], []>, transpose_lhs_hint = false} : vector<1024x64xf32>, vector<64x128xf32>, vector<1024x128xf32> -> vector<1024x128xf32>
    %swap3A_116 = arith.constant 15360 : index
    %swap3A_117 = arith.constant 0 : index
    %swap3A_118 = vector.load %arg3[%swap3A_116, %swap3A_117] : memref<16384x128xf32, #tpu.memory_space<vmem>>, vector<1024x128xf32>
    tpu.vector_store %arg3[%swap3A_116, %swap3A_117], %dot_general3A_115 {strides = array<i32>} : memref<16384x128xf32, #tpu.memory_space<vmem>>, vector<1024x128xf32>,
    return
  }
  func.func @transform_0(%arg0: i32) -> (i32, i32) {
    %c0_i32 = arith.constant 0 : i32
    %c0_i32_0 = arith.constant 0 : i32
    return %arg0, %c0_i32 : i32, i32
  }
  func.func @transform_1(%arg0: i32) -> (i32, i32) {
    %c0_i32 = arith.constant 0 : i32
    %c0_i32_0 = arith.constant 0 : i32
    %c0_i32_1 = arith.constant 0 : i32
    return %c0_i32, %c0_i32_0 : i32, i32
  }
  func.func @transform_2(%arg0: i32) -> (i32, i32) {
    %add3A = arith.constant 0 : i32
    %add3A_0 = arith.addi %add3A, %arg0 : i32
    %c0_i32 = arith.constant 0 : i32
    %c0_i32_1 = arith.constant 0 : i32
    return %add3A_0, %c0_i32 : i32, i32
  }
}

module attributes {stable_mosaic.version = 14 : i64} {
  func.func @_mm_body_alias(%arg0: i32, %arg1: memref<8192x128xf32, #tpu.memory_space<vmem>>, %arg2: memref<64x128xf32, #tpu.memory_space<vmem>>, %arg3: memref<819200x128xf32, #tpu.memory_space<hbm>>, %arg4: memref<16384x128xf32, #tpu.memory_space<vmem>>) attributes {dimension_semantics = [#tpu.dimension_semantics<arbitrary>], iteration_bounds = array<i64: 10>, scalar_prefetch = 0 : i64, scratch_operands = 0 : i64, tpu.core_type = #tpu.core_type<tc>, window_params = [{transform_indices = @transform_0, window_bounds = array<i64: 8192, 128>}, {pipeline_mode = #tpu.pipeline_mode<synchronous>, transform_indices = @transform_1, window_bounds = array<i64: 64, 128>}, {}, {transform_indices = @transform_3, window_bounds = array<i64: 16384, 128>}]} {
    %get3A = arith.constant 0 : index
    %get3A_0 = arith.constant 0 : index
    %get3A_1 = vector.load %arg2[%get3A, %get3A_0] : memref<64x128xf32, #tpu.memory_space<vmem>>, vector<64x128xf32>
    %get3A_2 = arith.constant 0 : index
    %get3A_3 = arith.constant 0 : index
    %get3A_4 = vector.load %arg1[%get3A_2, %get3A_3] : memref<8192x128xf32, #tpu.memory_space<vmem>>, vector<1024x128xf32>
    %slice3A = vector.extract_strided_slice %get3A_4 {offsets = [0, 0], sizes = [1024, 64], strides = [1, 1]} : vector<1024x128xf32> to vector<1024x64xf32>
    %dot_general3A = arith.constant dense<0.000000e+00> : vector<1024x128xf32>
    %dot_general3A_5 = tpu.matmul %slice3A, %get3A_1, %dot_general3A {dimension_numbers = #tpu.dot_dimension_numbers<[1], [0], [0], [1], [0, 0, 1, 1], [], []>, transpose_lhs_hint = false} : vector<1024x64xf32>, vector<64x128xf32>, vector<1024x128xf32> -> vector<1024x128xf32>
    %swap3A = arith.constant 0 : index
    %swap3A_6 = arith.constant 0 : index
    %swap3A_7 = vector.load %arg4[%swap3A, %swap3A_6] : memref<16384x128xf32, #tpu.memory_space<vmem>>, vector<1024x128xf32>
    tpu.vector_store %arg4[%swap3A, %swap3A_6], %dot_general3A_5 {strides = array<i32>} : memref<16384x128xf32, #tpu.memory_space<vmem>>, vector<1024x128xf32>,
    %slice3A_8 = vector.extract_strided_slice %get3A_4 {offsets = [0, 64], sizes = [1024, 64], strides = [1, 1]} : vector<1024x128xf32> to vector<1024x64xf32>
    %dot_general3A_9 = arith.constant dense<0.000000e+00> : vector<1024x128xf32>
    %dot_general3A_10 = tpu.matmul %slice3A_8, %get3A_1, %dot_general3A_9 {dimension_numbers = #tpu.dot_dimension_numbers<[1], [0], [0], [1], [0, 0, 1, 1], [], []>, transpose_lhs_hint = false} : vector<1024x64xf32>, vector<64x128xf32>, vector<1024x128xf32> -> vector<1024x128xf32>
    %swap3A_11 = arith.constant 1024 : index
    %swap3A_12 = arith.constant 0 : index
    %swap3A_13 = vector.load %arg4[%swap3A_11, %swap3A_12] : memref<16384x128xf32, #tpu.memory_space<vmem>>, vector<1024x128xf32>
    tpu.vector_store %arg4[%swap3A_11, %swap3A_12], %dot_general3A_10 {strides = array<i32>} : memref<16384x128xf32, #tpu.memory_space<vmem>>, vector<1024x128xf32>,
    %get3A_14 = arith.constant 1024 : index
    %get3A_15 = arith.constant 0 : index
    %get3A_16 = vector.load %arg1[%get3A_14, %get3A_15] : memref<8192x128xf32, #tpu.memory_space<vmem>>, vector<1024x128xf32>
    %slice3A_17 = vector.extract_strided_slice %get3A_16 {offsets = [0, 0], sizes = [1024, 64], strides = [1, 1]} : vector<1024x128xf32> to vector<1024x64xf32>
    %dot_general3A_18 = arith.constant dense<0.000000e+00> : vector<1024x128xf32>
    %dot_general3A_19 = tpu.matmul %slice3A_17, %get3A_1, %dot_general3A_18 {dimension_numbers = #tpu.dot_dimension_numbers<[1], [0], [0], [1], [0, 0, 1, 1], [], []>, transpose_lhs_hint = false} : vector<1024x64xf32>, vector<64x128xf32>, vector<1024x128xf32> -> vector<1024x128xf32>
    %swap3A_20 = arith.constant 2048 : index
    %swap3A_21 = arith.constant 0 : index
    %swap3A_22 = vector.load %arg4[%swap3A_20, %swap3A_21] : memref<16384x128xf32, #tpu.memory_space<vmem>>, vector<1024x128xf32>
    tpu.vector_store %arg4[%swap3A_20, %swap3A_21], %dot_general3A_19 {strides = array<i32>} : memref<16384x128xf32, #tpu.memory_space<vmem>>, vector<1024x128xf32>,
    %slice3A_23 = vector.extract_strided_slice %get3A_16 {offsets = [0, 64], sizes = [1024, 64], strides = [1, 1]} : vector<1024x128xf32> to vector<1024x64xf32>
    %dot_general3A_24 = arith.constant dense<0.000000e+00> : vector<1024x128xf32>
    %dot_general3A_25 = tpu.matmul %slice3A_23, %get3A_1, %dot_general3A_24 {dimension_numbers = #tpu.dot_dimension_numbers<[1], [0], [0], [1], [0, 0, 1, 1], [], []>, transpose_lhs_hint = false} : vector<1024x64xf32>, vector<64x128xf32>, vector<1024x128xf32> -> vector<1024x128xf32>
    %swap3A_26 = arith.constant 3072 : index
    %swap3A_27 = arith.constant 0 : index
    %swap3A_28 = vector.load %arg4[%swap3A_26, %swap3A_27] : memref<16384x128xf32, #tpu.memory_space<vmem>>, vector<1024x128xf32>
    tpu.vector_store %arg4[%swap3A_26, %swap3A_27], %dot_general3A_25 {strides = array<i32>} : memref<16384x128xf32, #tpu.memory_space<vmem>>, vector<1024x128xf32>,
    %get3A_29 = arith.constant 2048 : index
    %get3A_30 = arith.constant 0 : index
    %get3A_31 = vector.load %arg1[%get3A_29, %get3A_30] : memref<8192x128xf32, #tpu.memory_space<vmem>>, vector<1024x128xf32>
    %slice3A_32 = vector.extract_strided_slice %get3A_31 {offsets = [0, 0], sizes = [1024, 64], strides = [1, 1]} : vector<1024x128xf32> to vector<1024x64xf32>
    %dot_general3A_33 = arith.constant dense<0.000000e+00> : vector<1024x128xf32>
    %dot_general3A_34 = tpu.matmul %slice3A_32, %get3A_1, %dot_general3A_33 {dimension_numbers = #tpu.dot_dimension_numbers<[1], [0], [0], [1], [0, 0, 1, 1], [], []>, transpose_lhs_hint = false} : vector<1024x64xf32>, vector<64x128xf32>, vector<1024x128xf32> -> vector<1024x128xf32>
    %swap3A_35 = arith.constant 4096 : index
    %swap3A_36 = arith.constant 0 : index
    %swap3A_37 = vector.load %arg4[%swap3A_35, %swap3A_36] : memref<16384x128xf32, #tpu.memory_space<vmem>>, vector<1024x128xf32>
    tpu.vector_store %arg4[%swap3A_35, %swap3A_36], %dot_general3A_34 {strides = array<i32>} : memref<16384x128xf32, #tpu.memory_space<vmem>>, vector<1024x128xf32>,
    %slice3A_38 = vector.extract_strided_slice %get3A_31 {offsets = [0, 64], sizes = [1024, 64], strides = [1, 1]} : vector<1024x128xf32> to vector<1024x64xf32>
    %dot_general3A_39 = arith.constant dense<0.000000e+00> : vector<1024x128xf32>
    %dot_general3A_40 = tpu.matmul %slice3A_38, %get3A_1, %dot_general3A_39 {dimension_numbers = #tpu.dot_dimension_numbers<[1], [0], [0], [1], [0, 0, 1, 1], [], []>, transpose_lhs_hint = false} : vector<1024x64xf32>, vector<64x128xf32>, vector<1024x128xf32> -> vector<1024x128xf32>
    %swap3A_41 = arith.constant 5120 : index
    %swap3A_42 = arith.constant 0 : index
    %swap3A_43 = vector.load %arg4[%swap3A_41, %swap3A_42] : memref<16384x128xf32, #tpu.memory_space<vmem>>, vector<1024x128xf32>
    tpu.vector_store %arg4[%swap3A_41, %swap3A_42], %dot_general3A_40 {strides = array<i32>} : memref<16384x128xf32, #tpu.memory_space<vmem>>, vector<1024x128xf32>,
    %get3A_44 = arith.constant 3072 : index
    %get3A_45 = arith.constant 0 : index
    %get3A_46 = vector.load %arg1[%get3A_44, %get3A_45] : memref<8192x128xf32, #tpu.memory_space<vmem>>, vector<1024x128xf32>
    %slice3A_47 = vector.extract_strided_slice %get3A_46 {offsets = [0, 0], sizes = [1024, 64], strides = [1, 1]} : vector<1024x128xf32> to vector<1024x64xf32>
    %dot_general3A_48 = arith.constant dense<0.000000e+00> : vector<1024x128xf32>
    %dot_general3A_49 = tpu.matmul %slice3A_47, %get3A_1, %dot_general3A_48 {dimension_numbers = #tpu.dot_dimension_numbers<[1], [0], [0], [1], [0, 0, 1, 1], [], []>, transpose_lhs_hint = false} : vector<1024x64xf32>, vector<64x128xf32>, vector<1024x128xf32> -> vector<1024x128xf32>
    %swap3A_50 = arith.constant 6144 : index
    %swap3A_51 = arith.constant 0 : index
    %swap3A_52 = vector.load %arg4[%swap3A_50, %swap3A_51] : memref<16384x128xf32, #tpu.memory_space<vmem>>, vector<1024x128xf32>
    tpu.vector_store %arg4[%swap3A_50, %swap3A_51], %dot_general3A_49 {strides = array<i32>} : memref<16384x128xf32, #tpu.memory_space<vmem>>, vector<1024x128xf32>,
    %slice3A_53 = vector.extract_strided_slice %get3A_46 {offsets = [0, 64], sizes = [1024, 64], strides = [1, 1]} : vector<1024x128xf32> to vector<1024x64xf32>
    %dot_general3A_54 = arith.constant dense<0.000000e+00> : vector<1024x128xf32>
    %dot_general3A_55 = tpu.matmul %slice3A_53, %get3A_1, %dot_general3A_54 {dimension_numbers = #tpu.dot_dimension_numbers<[1], [0], [0], [1], [0, 0, 1, 1], [], []>, transpose_lhs_hint = false} : vector<1024x64xf32>, vector<64x128xf32>, vector<1024x128xf32> -> vector<1024x128xf32>
    %swap3A_56 = arith.constant 7168 : index
    %swap3A_57 = arith.constant 0 : index
    %swap3A_58 = vector.load %arg4[%swap3A_56, %swap3A_57] : memref<16384x128xf32, #tpu.memory_space<vmem>>, vector<1024x128xf32>
    tpu.vector_store %arg4[%swap3A_56, %swap3A_57], %dot_general3A_55 {strides = array<i32>} : memref<16384x128xf32, #tpu.memory_space<vmem>>, vector<1024x128xf32>,
    %get3A_59 = arith.constant 4096 : index
    %get3A_60 = arith.constant 0 : index
    %get3A_61 = vector.load %arg1[%get3A_59, %get3A_60] : memref<8192x128xf32, #tpu.memory_space<vmem>>, vector<1024x128xf32>
    %slice3A_62 = vector.extract_strided_slice %get3A_61 {offsets = [0, 0], sizes = [1024, 64], strides = [1, 1]} : vector<1024x128xf32> to vector<1024x64xf32>
    %dot_general3A_63 = arith.constant dense<0.000000e+00> : vector<1024x128xf32>
    %dot_general3A_64 = tpu.matmul %slice3A_62, %get3A_1, %dot_general3A_63 {dimension_numbers = #tpu.dot_dimension_numbers<[1], [0], [0], [1], [0, 0, 1, 1], [], []>, transpose_lhs_hint = false} : vector<1024x64xf32>, vector<64x128xf32>, vector<1024x128xf32> -> vector<1024x128xf32>
    %swap3A_65 = arith.constant 8192 : index
    %swap3A_66 = arith.constant 0 : index
    %swap3A_67 = vector.load %arg4[%swap3A_65, %swap3A_66] : memref<16384x128xf32, #tpu.memory_space<vmem>>, vector<1024x128xf32>
    tpu.vector_store %arg4[%swap3A_65, %swap3A_66], %dot_general3A_64 {strides = array<i32>} : memref<16384x128xf32, #tpu.memory_space<vmem>>, vector<1024x128xf32>,
    %slice3A_68 = vector.extract_strided_slice %get3A_61 {offsets = [0, 64], sizes = [1024, 64], strides = [1, 1]} : vector<1024x128xf32> to vector<1024x64xf32>
    %dot_general3A_69 = arith.constant dense<0.000000e+00> : vector<1024x128xf32>
    %dot_general3A_70 = tpu.matmul %slice3A_68, %get3A_1, %dot_general3A_69 {dimension_numbers = #tpu.dot_dimension_numbers<[1], [0], [0], [1], [0, 0, 1, 1], [], []>, transpose_lhs_hint = false} : vector<1024x64xf32>, vector<64x128xf32>, vector<1024x128xf32> -> vector<1024x128xf32>
    %swap3A_71 = arith.constant 9216 : index
    %swap3A_72 = arith.constant 0 : index
    %swap3A_73 = vector.load %arg4[%swap3A_71, %swap3A_72] : memref<16384x128xf32, #tpu.memory_space<vmem>>, vector<1024x128xf32>
    tpu.vector_store %arg4[%swap3A_71, %swap3A_72], %dot_general3A_70 {strides = array<i32>} : memref<16384x128xf32, #tpu.memory_space<vmem>>, vector<1024x128xf32>,
    %get3A_74 = arith.constant 5120 : index
    %get3A_75 = arith.constant 0 : index
    %get3A_76 = vector.load %arg1[%get3A_74, %get3A_75] : memref<8192x128xf32, #tpu.memory_space<vmem>>, vector<1024x128xf32>
    %slice3A_77 = vector.extract_strided_slice %get3A_76 {offsets = [0, 0], sizes = [1024, 64], strides = [1, 1]} : vector<1024x128xf32> to vector<1024x64xf32>
    %dot_general3A_78 = arith.constant dense<0.000000e+00> : vector<1024x128xf32>
    %dot_general3A_79 = tpu.matmul %slice3A_77, %get3A_1, %dot_general3A_78 {dimension_numbers = #tpu.dot_dimension_numbers<[1], [0], [0], [1], [0, 0, 1, 1], [], []>, transpose_lhs_hint = false} : vector<1024x64xf32>, vector<64x128xf32>, vector<1024x128xf32> -> vector<1024x128xf32>
    %swap3A_80 = arith.constant 10240 : index
    %swap3A_81 = arith.constant 0 : index
    %swap3A_82 = vector.load %arg4[%swap3A_80, %swap3A_81] : memref<16384x128xf32, #tpu.memory_space<vmem>>, vector<1024x128xf32>
    tpu.vector_store %arg4[%swap3A_80, %swap3A_81], %dot_general3A_79 {strides = array<i32>} : memref<16384x128xf32, #tpu.memory_space<vmem>>, vector<1024x128xf32>,
    %slice3A_83 = vector.extract_strided_slice %get3A_76 {offsets = [0, 64], sizes = [1024, 64], strides = [1, 1]} : vector<1024x128xf32> to vector<1024x64xf32>
    %dot_general3A_84 = arith.constant dense<0.000000e+00> : vector<1024x128xf32>
    %dot_general3A_85 = tpu.matmul %slice3A_83, %get3A_1, %dot_general3A_84 {dimension_numbers = #tpu.dot_dimension_numbers<[1], [0], [0], [1], [0, 0, 1, 1], [], []>, transpose_lhs_hint = false} : vector<1024x64xf32>, vector<64x128xf32>, vector<1024x128xf32> -> vector<1024x128xf32>
    %swap3A_86 = arith.constant 11264 : index
    %swap3A_87 = arith.constant 0 : index
    %swap3A_88 = vector.load %arg4[%swap3A_86, %swap3A_87] : memref<16384x128xf32, #tpu.memory_space<vmem>>, vector<1024x128xf32>
    tpu.vector_store %arg4[%swap3A_86, %swap3A_87], %dot_general3A_85 {strides = array<i32>} : memref<16384x128xf32, #tpu.memory_space<vmem>>, vector<1024x128xf32>,
    %get3A_89 = arith.constant 6144 : index
    %get3A_90 = arith.constant 0 : index
    %get3A_91 = vector.load %arg1[%get3A_89, %get3A_90] : memref<8192x128xf32, #tpu.memory_space<vmem>>, vector<1024x128xf32>
    %slice3A_92 = vector.extract_strided_slice %get3A_91 {offsets = [0, 0], sizes = [1024, 64], strides = [1, 1]} : vector<1024x128xf32> to vector<1024x64xf32>
    %dot_general3A_93 = arith.constant dense<0.000000e+00> : vector<1024x128xf32>
    %dot_general3A_94 = tpu.matmul %slice3A_92, %get3A_1, %dot_general3A_93 {dimension_numbers = #tpu.dot_dimension_numbers<[1], [0], [0], [1], [0, 0, 1, 1], [], []>, transpose_lhs_hint = false} : vector<1024x64xf32>, vector<64x128xf32>, vector<1024x128xf32> -> vector<1024x128xf32>
    %swap3A_95 = arith.constant 12288 : index
    %swap3A_96 = arith.constant 0 : index
    %swap3A_97 = vector.load %arg4[%swap3A_95, %swap3A_96] : memref<16384x128xf32, #tpu.memory_space<vmem>>, vector<1024x128xf32>
    tpu.vector_store %arg4[%swap3A_95, %swap3A_96], %dot_general3A_94 {strides = array<i32>} : memref<16384x128xf32, #tpu.memory_space<vmem>>, vector<1024x128xf32>,
    %slice3A_98 = vector.extract_strided_slice %get3A_91 {offsets = [0, 64], sizes = [1024, 64], strides = [1, 1]} : vector<1024x128xf32> to vector<1024x64xf32>
    %dot_general3A_99 = arith.constant dense<0.000000e+00> : vector<1024x128xf32>
    %dot_general3A_100 = tpu.matmul %slice3A_98, %get3A_1, %dot_general3A_99 {dimension_numbers = #tpu.dot_dimension_numbers<[1], [0], [0], [1], [0, 0, 1, 1], [], []>, transpose_lhs_hint = false} : vector<1024x64xf32>, vector<64x128xf32>, vector<1024x128xf32> -> vector<1024x128xf32>
    %swap3A_101 = arith.constant 13312 : index
    %swap3A_102 = arith.constant 0 : index
    %swap3A_103 = vector.load %arg4[%swap3A_101, %swap3A_102] : memref<16384x128xf32, #tpu.memory_space<vmem>>, vector<1024x128xf32>
    tpu.vector_store %arg4[%swap3A_101, %swap3A_102], %dot_general3A_100 {strides = array<i32>} : memref<16384x128xf32, #tpu.memory_space<vmem>>, vector<1024x128xf32>,
    %get3A_104 = arith.constant 7168 : index
    %get3A_105 = arith.constant 0 : index
    %get3A_106 = vector.load %arg1[%get3A_104, %get3A_105] : memref<8192x128xf32, #tpu.memory_space<vmem>>, vector<1024x128xf32>
    %slice3A_107 = vector.extract_strided_slice %get3A_106 {offsets = [0, 0], sizes = [1024, 64], strides = [1, 1]} : vector<1024x128xf32> to vector<1024x64xf32>
    %dot_general3A_108 = arith.constant dense<0.000000e+00> : vector<1024x128xf32>
    %dot_general3A_109 = tpu.matmul %slice3A_107, %get3A_1, %dot_general3A_108 {dimension_numbers = #tpu.dot_dimension_numbers<[1], [0], [0], [1], [0, 0, 1, 1], [], []>, transpose_lhs_hint = false} : vector<1024x64xf32>, vector<64x128xf32>, vector<1024x128xf32> -> vector<1024x128xf32>
    %swap3A_110 = arith.constant 14336 : index
    %swap3A_111 = arith.constant 0 : index
    %swap3A_112 = vector.load %arg4[%swap3A_110, %swap3A_111] : memref<16384x128xf32, #tpu.memory_space<vmem>>, vector<1024x128xf32>
    tpu.vector_store %arg4[%swap3A_110, %swap3A_111], %dot_general3A_109 {strides = array<i32>} : memref<16384x128xf32, #tpu.memory_space<vmem>>, vector<1024x128xf32>,
    %slice3A_113 = vector.extract_strided_slice %get3A_106 {offsets = [0, 64], sizes = [1024, 64], strides = [1, 1]} : vector<1024x128xf32> to vector<1024x64xf32>
    %dot_general3A_114 = arith.constant dense<0.000000e+00> : vector<1024x128xf32>
    %dot_general3A_115 = tpu.matmul %slice3A_113, %get3A_1, %dot_general3A_114 {dimension_numbers = #tpu.dot_dimension_numbers<[1], [0], [0], [1], [0, 0, 1, 1], [], []>, transpose_lhs_hint = false} : vector<1024x64xf32>, vector<64x128xf32>, vector<1024x128xf32> -> vector<1024x128xf32>
    %swap3A_116 = arith.constant 15360 : index
    %swap3A_117 = arith.constant 0 : index
    %swap3A_118 = vector.load %arg4[%swap3A_116, %swap3A_117] : memref<16384x128xf32, #tpu.memory_space<vmem>>, vector<1024x128xf32>
    tpu.vector_store %arg4[%swap3A_116, %swap3A_117], %dot_general3A_115 {strides = array<i32>} : memref<16384x128xf32, #tpu.memory_space<vmem>>, vector<1024x128xf32>,
    return
  }
  func.func @transform_0(%arg0: i32) -> (i32, i32) {
    %c0_i32 = arith.constant 0 : i32
    %c0_i32_0 = arith.constant 0 : i32
    return %arg0, %c0_i32 : i32, i32
  }
  func.func @transform_1(%arg0: i32) -> (i32, i32) {
    %c0_i32 = arith.constant 0 : i32
    %c0_i32_0 = arith.constant 0 : i32
    %c0_i32_1 = arith.constant 0 : i32
    return %c0_i32, %c0_i32_0 : i32, i32
  }
  func.func @transform_3(%arg0: i32) -> (i32, i32) {
    %add3A = arith.constant 20 : i32
    %add3A_0 = arith.addi %add3A, %arg0 : i32
    %c0_i32 = arith.constant 0 : i32
    %c0_i32_1 = arith.constant 0 : i32
    return %add3A_0, %c0_i32 : i32, i32
  }
}

module attributes {stable_mosaic.version = 14 : i64} {
  func.func @_mm_body_alias(%arg0: i32, %arg1: memref<8192x128xf32, #tpu.memory_space<vmem>>, %arg2: memref<64x128xf32, #tpu.memory_space<vmem>>, %arg3: memref<819200x128xf32, #tpu.memory_space<hbm>>, %arg4: memref<16384x128xf32, #tpu.memory_space<vmem>>) attributes {dimension_semantics = [#tpu.dimension_semantics<arbitrary>], iteration_bounds = array<i64: 10>, scalar_prefetch = 0 : i64, scratch_operands = 0 : i64, tpu.core_type = #tpu.core_type<tc>, window_params = [{transform_indices = @transform_0, window_bounds = array<i64: 8192, 128>}, {pipeline_mode = #tpu.pipeline_mode<synchronous>, transform_indices = @transform_1, window_bounds = array<i64: 64, 128>}, {}, {transform_indices = @transform_3, window_bounds = array<i64: 16384, 128>}]} {
    %get3A = arith.constant 0 : index
    %get3A_0 = arith.constant 0 : index
    %get3A_1 = vector.load %arg2[%get3A, %get3A_0] : memref<64x128xf32, #tpu.memory_space<vmem>>, vector<64x128xf32>
    %get3A_2 = arith.constant 0 : index
    %get3A_3 = arith.constant 0 : index
    %get3A_4 = vector.load %arg1[%get3A_2, %get3A_3] : memref<8192x128xf32, #tpu.memory_space<vmem>>, vector<1024x128xf32>
    %slice3A = vector.extract_strided_slice %get3A_4 {offsets = [0, 0], sizes = [1024, 64], strides = [1, 1]} : vector<1024x128xf32> to vector<1024x64xf32>
    %dot_general3A = arith.constant dense<0.000000e+00> : vector<1024x128xf32>
    %dot_general3A_5 = tpu.matmul %slice3A, %get3A_1, %dot_general3A {dimension_numbers = #tpu.dot_dimension_numbers<[1], [0], [0], [1], [0, 0, 1, 1], [], []>, transpose_lhs_hint = false} : vector<1024x64xf32>, vector<64x128xf32>, vector<1024x128xf32> -> vector<1024x128xf32>
    %swap3A = arith.constant 0 : index
    %swap3A_6 = arith.constant 0 : index
    %swap3A_7 = vector.load %arg4[%swap3A, %swap3A_6] : memref<16384x128xf32, #tpu.memory_space<vmem>>, vector<1024x128xf32>
    tpu.vector_store %arg4[%swap3A, %swap3A_6], %dot_general3A_5 {strides = array<i32>} : memref<16384x128xf32, #tpu.memory_space<vmem>>, vector<1024x128xf32>,
    %slice3A_8 = vector.extract_strided_slice %get3A_4 {offsets = [0, 64], sizes = [1024, 64], strides = [1, 1]} : vector<1024x128xf32> to vector<1024x64xf32>
    %dot_general3A_9 = arith.constant dense<0.000000e+00> : vector<1024x128xf32>
    %dot_general3A_10 = tpu.matmul %slice3A_8, %get3A_1, %dot_general3A_9 {dimension_numbers = #tpu.dot_dimension_numbers<[1], [0], [0], [1], [0, 0, 1, 1], [], []>, transpose_lhs_hint = false} : vector<1024x64xf32>, vector<64x128xf32>, vector<1024x128xf32> -> vector<1024x128xf32>
    %swap3A_11 = arith.constant 1024 : index
    %swap3A_12 = arith.constant 0 : index
    %swap3A_13 = vector.load %arg4[%swap3A_11, %swap3A_12] : memref<16384x128xf32, #tpu.memory_space<vmem>>, vector<1024x128xf32>
    tpu.vector_store %arg4[%swap3A_11, %swap3A_12], %dot_general3A_10 {strides = array<i32>} : memref<16384x128xf32, #tpu.memory_space<vmem>>, vector<1024x128xf32>,
    %get3A_14 = arith.constant 1024 : index
    %get3A_15 = arith.constant 0 : index
    %get3A_16 = vector.load %arg1[%get3A_14, %get3A_15] : memref<8192x128xf32, #tpu.memory_space<vmem>>, vector<1024x128xf32>
    %slice3A_17 = vector.extract_strided_slice %get3A_16 {offsets = [0, 0], sizes = [1024, 64], strides = [1, 1]} : vector<1024x128xf32> to vector<1024x64xf32>
    %dot_general3A_18 = arith.constant dense<0.000000e+00> : vector<1024x128xf32>
    %dot_general3A_19 = tpu.matmul %slice3A_17, %get3A_1, %dot_general3A_18 {dimension_numbers = #tpu.dot_dimension_numbers<[1], [0], [0], [1], [0, 0, 1, 1], [], []>, transpose_lhs_hint = false} : vector<1024x64xf32>, vector<64x128xf32>, vector<1024x128xf32> -> vector<1024x128xf32>
    %swap3A_20 = arith.constant 2048 : index
    %swap3A_21 = arith.constant 0 : index
    %swap3A_22 = vector.load %arg4[%swap3A_20, %swap3A_21] : memref<16384x128xf32, #tpu.memory_space<vmem>>, vector<1024x128xf32>
    tpu.vector_store %arg4[%swap3A_20, %swap3A_21], %dot_general3A_19 {strides = array<i32>} : memref<16384x128xf32, #tpu.memory_space<vmem>>, vector<1024x128xf32>,
    %slice3A_23 = vector.extract_strided_slice %get3A_16 {offsets = [0, 64], sizes = [1024, 64], strides = [1, 1]} : vector<1024x128xf32> to vector<1024x64xf32>
    %dot_general3A_24 = arith.constant dense<0.000000e+00> : vector<1024x128xf32>
    %dot_general3A_25 = tpu.matmul %slice3A_23, %get3A_1, %dot_general3A_24 {dimension_numbers = #tpu.dot_dimension_numbers<[1], [0], [0], [1], [0, 0, 1, 1], [], []>, transpose_lhs_hint = false} : vector<1024x64xf32>, vector<64x128xf32>, vector<1024x128xf32> -> vector<1024x128xf32>
    %swap3A_26 = arith.constant 3072 : index
    %swap3A_27 = arith.constant 0 : index
    %swap3A_28 = vector.load %arg4[%swap3A_26, %swap3A_27] : memref<16384x128xf32, #tpu.memory_space<vmem>>, vector<1024x128xf32>
    tpu.vector_store %arg4[%swap3A_26, %swap3A_27], %dot_general3A_25 {strides = array<i32>} : memref<16384x128xf32, #tpu.memory_space<vmem>>, vector<1024x128xf32>,
    %get3A_29 = arith.constant 2048 : index
    %get3A_30 = arith.constant 0 : index
    %get3A_31 = vector.load %arg1[%get3A_29, %get3A_30] : memref<8192x128xf32, #tpu.memory_space<vmem>>, vector<1024x128xf32>
    %slice3A_32 = vector.extract_strided_slice %get3A_31 {offsets = [0, 0], sizes = [1024, 64], strides = [1, 1]} : vector<1024x128xf32> to vector<1024x64xf32>
    %dot_general3A_33 = arith.constant dense<0.000000e+00> : vector<1024x128xf32>
    %dot_general3A_34 = tpu.matmul %slice3A_32, %get3A_1, %dot_general3A_33 {dimension_numbers = #tpu.dot_dimension_numbers<[1], [0], [0], [1], [0, 0, 1, 1], [], []>, transpose_lhs_hint = false} : vector<1024x64xf32>, vector<64x128xf32>, vector<1024x128xf32> -> vector<1024x128xf32>
    %swap3A_35 = arith.constant 4096 : index
    %swap3A_36 = arith.constant 0 : index
    %swap3A_37 = vector.load %arg4[%swap3A_35, %swap3A_36] : memref<16384x128xf32, #tpu.memory_space<vmem>>, vector<1024x128xf32>
    tpu.vector_store %arg4[%swap3A_35, %swap3A_36], %dot_general3A_34 {strides = array<i32>} : memref<16384x128xf32, #tpu.memory_space<vmem>>, vector<1024x128xf32>,
    %slice3A_38 = vector.extract_strided_slice %get3A_31 {offsets = [0, 64], sizes = [1024, 64], strides = [1, 1]} : vector<1024x128xf32> to vector<1024x64xf32>
    %dot_general3A_39 = arith.constant dense<0.000000e+00> : vector<1024x128xf32>
    %dot_general3A_40 = tpu.matmul %slice3A_38, %get3A_1, %dot_general3A_39 {dimension_numbers = #tpu.dot_dimension_numbers<[1], [0], [0], [1], [0, 0, 1, 1], [], []>, transpose_lhs_hint = false} : vector<1024x64xf32>, vector<64x128xf32>, vector<1024x128xf32> -> vector<1024x128xf32>
    %swap3A_41 = arith.constant 5120 : index
    %swap3A_42 = arith.constant 0 : index
    %swap3A_43 = vector.load %arg4[%swap3A_41, %swap3A_42] : memref<16384x128xf32, #tpu.memory_space<vmem>>, vector<1024x128xf32>
    tpu.vector_store %arg4[%swap3A_41, %swap3A_42], %dot_general3A_40 {strides = array<i32>} : memref<16384x128xf32, #tpu.memory_space<vmem>>, vector<1024x128xf32>,
    %get3A_44 = arith.constant 3072 : index
    %get3A_45 = arith.constant 0 : index
    %get3A_46 = vector.load %arg1[%get3A_44, %get3A_45] : memref<8192x128xf32, #tpu.memory_space<vmem>>, vector<1024x128xf32>
    %slice3A_47 = vector.extract_strided_slice %get3A_46 {offsets = [0, 0], sizes = [1024, 64], strides = [1, 1]} : vector<1024x128xf32> to vector<1024x64xf32>
    %dot_general3A_48 = arith.constant dense<0.000000e+00> : vector<1024x128xf32>
    %dot_general3A_49 = tpu.matmul %slice3A_47, %get3A_1, %dot_general3A_48 {dimension_numbers = #tpu.dot_dimension_numbers<[1], [0], [0], [1], [0, 0, 1, 1], [], []>, transpose_lhs_hint = false} : vector<1024x64xf32>, vector<64x128xf32>, vector<1024x128xf32> -> vector<1024x128xf32>
    %swap3A_50 = arith.constant 6144 : index
    %swap3A_51 = arith.constant 0 : index
    %swap3A_52 = vector.load %arg4[%swap3A_50, %swap3A_51] : memref<16384x128xf32, #tpu.memory_space<vmem>>, vector<1024x128xf32>
    tpu.vector_store %arg4[%swap3A_50, %swap3A_51], %dot_general3A_49 {strides = array<i32>} : memref<16384x128xf32, #tpu.memory_space<vmem>>, vector<1024x128xf32>,
    %slice3A_53 = vector.extract_strided_slice %get3A_46 {offsets = [0, 64], sizes = [1024, 64], strides = [1, 1]} : vector<1024x128xf32> to vector<1024x64xf32>
    %dot_general3A_54 = arith.constant dense<0.000000e+00> : vector<1024x128xf32>
    %dot_general3A_55 = tpu.matmul %slice3A_53, %get3A_1, %dot_general3A_54 {dimension_numbers = #tpu.dot_dimension_numbers<[1], [0], [0], [1], [0, 0, 1, 1], [], []>, transpose_lhs_hint = false} : vector<1024x64xf32>, vector<64x128xf32>, vector<1024x128xf32> -> vector<1024x128xf32>
    %swap3A_56 = arith.constant 7168 : index
    %swap3A_57 = arith.constant 0 : index
    %swap3A_58 = vector.load %arg4[%swap3A_56, %swap3A_57] : memref<16384x128xf32, #tpu.memory_space<vmem>>, vector<1024x128xf32>
    tpu.vector_store %arg4[%swap3A_56, %swap3A_57], %dot_general3A_55 {strides = array<i32>} : memref<16384x128xf32, #tpu.memory_space<vmem>>, vector<1024x128xf32>,
    %get3A_59 = arith.constant 4096 : index
    %get3A_60 = arith.constant 0 : index
    %get3A_61 = vector.load %arg1[%get3A_59, %get3A_60] : memref<8192x128xf32, #tpu.memory_space<vmem>>, vector<1024x128xf32>
    %slice3A_62 = vector.extract_strided_slice %get3A_61 {offsets = [0, 0], sizes = [1024, 64], strides = [1, 1]} : vector<1024x128xf32> to vector<1024x64xf32>
    %dot_general3A_63 = arith.constant dense<0.000000e+00> : vector<1024x128xf32>
    %dot_general3A_64 = tpu.matmul %slice3A_62, %get3A_1, %dot_general3A_63 {dimension_numbers = #tpu.dot_dimension_numbers<[1], [0], [0], [1], [0, 0, 1, 1], [], []>, transpose_lhs_hint = false} : vector<1024x64xf32>, vector<64x128xf32>, vector<1024x128xf32> -> vector<1024x128xf32>
    %swap3A_65 = arith.constant 8192 : index
    %swap3A_66 = arith.constant 0 : index
    %swap3A_67 = vector.load %arg4[%swap3A_65, %swap3A_66] : memref<16384x128xf32, #tpu.memory_space<vmem>>, vector<1024x128xf32>
    tpu.vector_store %arg4[%swap3A_65, %swap3A_66], %dot_general3A_64 {strides = array<i32>} : memref<16384x128xf32, #tpu.memory_space<vmem>>, vector<1024x128xf32>,
    %slice3A_68 = vector.extract_strided_slice %get3A_61 {offsets = [0, 64], sizes = [1024, 64], strides = [1, 1]} : vector<1024x128xf32> to vector<1024x64xf32>
    %dot_general3A_69 = arith.constant dense<0.000000e+00> : vector<1024x128xf32>
    %dot_general3A_70 = tpu.matmul %slice3A_68, %get3A_1, %dot_general3A_69 {dimension_numbers = #tpu.dot_dimension_numbers<[1], [0], [0], [1], [0, 0, 1, 1], [], []>, transpose_lhs_hint = false} : vector<1024x64xf32>, vector<64x128xf32>, vector<1024x128xf32> -> vector<1024x128xf32>
    %swap3A_71 = arith.constant 9216 : index
    %swap3A_72 = arith.constant 0 : index
    %swap3A_73 = vector.load %arg4[%swap3A_71, %swap3A_72] : memref<16384x128xf32, #tpu.memory_space<vmem>>, vector<1024x128xf32>
    tpu.vector_store %arg4[%swap3A_71, %swap3A_72], %dot_general3A_70 {strides = array<i32>} : memref<16384x128xf32, #tpu.memory_space<vmem>>, vector<1024x128xf32>,
    %get3A_74 = arith.constant 5120 : index
    %get3A_75 = arith.constant 0 : index
    %get3A_76 = vector.load %arg1[%get3A_74, %get3A_75] : memref<8192x128xf32, #tpu.memory_space<vmem>>, vector<1024x128xf32>
    %slice3A_77 = vector.extract_strided_slice %get3A_76 {offsets = [0, 0], sizes = [1024, 64], strides = [1, 1]} : vector<1024x128xf32> to vector<1024x64xf32>
    %dot_general3A_78 = arith.constant dense<0.000000e+00> : vector<1024x128xf32>
    %dot_general3A_79 = tpu.matmul %slice3A_77, %get3A_1, %dot_general3A_78 {dimension_numbers = #tpu.dot_dimension_numbers<[1], [0], [0], [1], [0, 0, 1, 1], [], []>, transpose_lhs_hint = false} : vector<1024x64xf32>, vector<64x128xf32>, vector<1024x128xf32> -> vector<1024x128xf32>
    %swap3A_80 = arith.constant 10240 : index
    %swap3A_81 = arith.constant 0 : index
    %swap3A_82 = vector.load %arg4[%swap3A_80, %swap3A_81] : memref<16384x128xf32, #tpu.memory_space<vmem>>, vector<1024x128xf32>
    tpu.vector_store %arg4[%swap3A_80, %swap3A_81], %dot_general3A_79 {strides = array<i32>} : memref<16384x128xf32, #tpu.memory_space<vmem>>, vector<1024x128xf32>,
    %slice3A_83 = vector.extract_strided_slice %get3A_76 {offsets = [0, 64], sizes = [1024, 64], strides = [1, 1]} : vector<1024x128xf32> to vector<1024x64xf32>
    %dot_general3A_84 = arith.constant dense<0.000000e+00> : vector<1024x128xf32>
    %dot_general3A_85 = tpu.matmul %slice3A_83, %get3A_1, %dot_general3A_84 {dimension_numbers = #tpu.dot_dimension_numbers<[1], [0], [0], [1], [0, 0, 1, 1], [], []>, transpose_lhs_hint = false} : vector<1024x64xf32>, vector<64x128xf32>, vector<1024x128xf32> -> vector<1024x128xf32>
    %swap3A_86 = arith.constant 11264 : index
    %swap3A_87 = arith.constant 0 : index
    %swap3A_88 = vector.load %arg4[%swap3A_86, %swap3A_87] : memref<16384x128xf32, #tpu.memory_space<vmem>>, vector<1024x128xf32>
    tpu.vector_store %arg4[%swap3A_86, %swap3A_87], %dot_general3A_85 {strides = array<i32>} : memref<16384x128xf32, #tpu.memory_space<vmem>>, vector<1024x128xf32>,
    %get3A_89 = arith.constant 6144 : index
    %get3A_90 = arith.constant 0 : index
    %get3A_91 = vector.load %arg1[%get3A_89, %get3A_90] : memref<8192x128xf32, #tpu.memory_space<vmem>>, vector<1024x128xf32>
    %slice3A_92 = vector.extract_strided_slice %get3A_91 {offsets = [0, 0], sizes = [1024, 64], strides = [1, 1]} : vector<1024x128xf32> to vector<1024x64xf32>
    %dot_general3A_93 = arith.constant dense<0.000000e+00> : vector<1024x128xf32>
    %dot_general3A_94 = tpu.matmul %slice3A_92, %get3A_1, %dot_general3A_93 {dimension_numbers = #tpu.dot_dimension_numbers<[1], [0], [0], [1], [0, 0, 1, 1], [], []>, transpose_lhs_hint = false} : vector<1024x64xf32>, vector<64x128xf32>, vector<1024x128xf32> -> vector<1024x128xf32>
    %swap3A_95 = arith.constant 12288 : index
    %swap3A_96 = arith.constant 0 : index
    %swap3A_97 = vector.load %arg4[%swap3A_95, %swap3A_96] : memref<16384x128xf32, #tpu.memory_space<vmem>>, vector<1024x128xf32>
    tpu.vector_store %arg4[%swap3A_95, %swap3A_96], %dot_general3A_94 {strides = array<i32>} : memref<16384x128xf32, #tpu.memory_space<vmem>>, vector<1024x128xf32>,
    %slice3A_98 = vector.extract_strided_slice %get3A_91 {offsets = [0, 64], sizes = [1024, 64], strides = [1, 1]} : vector<1024x128xf32> to vector<1024x64xf32>
    %dot_general3A_99 = arith.constant dense<0.000000e+00> : vector<1024x128xf32>
    %dot_general3A_100 = tpu.matmul %slice3A_98, %get3A_1, %dot_general3A_99 {dimension_numbers = #tpu.dot_dimension_numbers<[1], [0], [0], [1], [0, 0, 1, 1], [], []>, transpose_lhs_hint = false} : vector<1024x64xf32>, vector<64x128xf32>, vector<1024x128xf32> -> vector<1024x128xf32>
    %swap3A_101 = arith.constant 13312 : index
    %swap3A_102 = arith.constant 0 : index
    %swap3A_103 = vector.load %arg4[%swap3A_101, %swap3A_102] : memref<16384x128xf32, #tpu.memory_space<vmem>>, vector<1024x128xf32>
    tpu.vector_store %arg4[%swap3A_101, %swap3A_102], %dot_general3A_100 {strides = array<i32>} : memref<16384x128xf32, #tpu.memory_space<vmem>>, vector<1024x128xf32>,
    %get3A_104 = arith.constant 7168 : index
    %get3A_105 = arith.constant 0 : index
    %get3A_106 = vector.load %arg1[%get3A_104, %get3A_105] : memref<8192x128xf32, #tpu.memory_space<vmem>>, vector<1024x128xf32>
    %slice3A_107 = vector.extract_strided_slice %get3A_106 {offsets = [0, 0], sizes = [1024, 64], strides = [1, 1]} : vector<1024x128xf32> to vector<1024x64xf32>
    %dot_general3A_108 = arith.constant dense<0.000000e+00> : vector<1024x128xf32>
    %dot_general3A_109 = tpu.matmul %slice3A_107, %get3A_1, %dot_general3A_108 {dimension_numbers = #tpu.dot_dimension_numbers<[1], [0], [0], [1], [0, 0, 1, 1], [], []>, transpose_lhs_hint = false} : vector<1024x64xf32>, vector<64x128xf32>, vector<1024x128xf32> -> vector<1024x128xf32>
    %swap3A_110 = arith.constant 14336 : index
    %swap3A_111 = arith.constant 0 : index
    %swap3A_112 = vector.load %arg4[%swap3A_110, %swap3A_111] : memref<16384x128xf32, #tpu.memory_space<vmem>>, vector<1024x128xf32>
    tpu.vector_store %arg4[%swap3A_110, %swap3A_111], %dot_general3A_109 {strides = array<i32>} : memref<16384x128xf32, #tpu.memory_space<vmem>>, vector<1024x128xf32>,
    %slice3A_113 = vector.extract_strided_slice %get3A_106 {offsets = [0, 64], sizes = [1024, 64], strides = [1, 1]} : vector<1024x128xf32> to vector<1024x64xf32>
    %dot_general3A_114 = arith.constant dense<0.000000e+00> : vector<1024x128xf32>
    %dot_general3A_115 = tpu.matmul %slice3A_113, %get3A_1, %dot_general3A_114 {dimension_numbers = #tpu.dot_dimension_numbers<[1], [0], [0], [1], [0, 0, 1, 1], [], []>, transpose_lhs_hint = false} : vector<1024x64xf32>, vector<64x128xf32>, vector<1024x128xf32> -> vector<1024x128xf32>
    %swap3A_116 = arith.constant 15360 : index
    %swap3A_117 = arith.constant 0 : index
    %swap3A_118 = vector.load %arg4[%swap3A_116, %swap3A_117] : memref<16384x128xf32, #tpu.memory_space<vmem>>, vector<1024x128xf32>
    tpu.vector_store %arg4[%swap3A_116, %swap3A_117], %dot_general3A_115 {strides = array<i32>} : memref<16384x128xf32, #tpu.memory_space<vmem>>, vector<1024x128xf32>,
    return
  }
  func.func @transform_0(%arg0: i32) -> (i32, i32) {
    %c0_i32 = arith.constant 0 : i32
    %c0_i32_0 = arith.constant 0 : i32
    return %arg0, %c0_i32 : i32, i32
  }
  func.func @transform_1(%arg0: i32) -> (i32, i32) {
    %c0_i32 = arith.constant 0 : i32
    %c0_i32_0 = arith.constant 0 : i32
    %c0_i32_1 = arith.constant 0 : i32
    return %c0_i32, %c0_i32_0 : i32, i32
  }
  func.func @transform_3(%arg0: i32) -> (i32, i32) {
    %add3A = arith.constant 10 : i32
    %add3A_0 = arith.addi %add3A, %arg0 : i32
    %c0_i32 = arith.constant 0 : i32
    %c0_i32_1 = arith.constant 0 : i32
    return %add3A_0, %c0_i32 : i32, i32
  }
}

module attributes {stable_mosaic.version = 14 : i64} {
  func.func @_mm_body_alias(%arg0: i32, %arg1: memref<8192x128xf32, #tpu.memory_space<vmem>>, %arg2: memref<64x128xf32, #tpu.memory_space<vmem>>, %arg3: memref<819200x128xf32, #tpu.memory_space<hbm>>, %arg4: memref<16384x128xf32, #tpu.memory_space<vmem>>) attributes {dimension_semantics = [#tpu.dimension_semantics<arbitrary>], iteration_bounds = array<i64: 10>, scalar_prefetch = 0 : i64, scratch_operands = 0 : i64, tpu.core_type = #tpu.core_type<tc>, window_params = [{transform_indices = @transform_0, window_bounds = array<i64: 8192, 128>}, {pipeline_mode = #tpu.pipeline_mode<synchronous>, transform_indices = @transform_1, window_bounds = array<i64: 64, 128>}, {}, {transform_indices = @transform_3, window_bounds = array<i64: 16384, 128>}]} {
    %get3A = arith.constant 0 : index
    %get3A_0 = arith.constant 0 : index
    %get3A_1 = vector.load %arg2[%get3A, %get3A_0] : memref<64x128xf32, #tpu.memory_space<vmem>>, vector<64x128xf32>
    %get3A_2 = arith.constant 0 : index
    %get3A_3 = arith.constant 0 : index
    %get3A_4 = vector.load %arg1[%get3A_2, %get3A_3] : memref<8192x128xf32, #tpu.memory_space<vmem>>, vector<1024x128xf32>
    %slice3A = vector.extract_strided_slice %get3A_4 {offsets = [0, 0], sizes = [1024, 64], strides = [1, 1]} : vector<1024x128xf32> to vector<1024x64xf32>
    %dot_general3A = arith.constant dense<0.000000e+00> : vector<1024x128xf32>
    %dot_general3A_5 = tpu.matmul %slice3A, %get3A_1, %dot_general3A {dimension_numbers = #tpu.dot_dimension_numbers<[1], [0], [0], [1], [0, 0, 1, 1], [], []>, transpose_lhs_hint = false} : vector<1024x64xf32>, vector<64x128xf32>, vector<1024x128xf32> -> vector<1024x128xf32>
    %swap3A = arith.constant 0 : index
    %swap3A_6 = arith.constant 0 : index
    %swap3A_7 = vector.load %arg4[%swap3A, %swap3A_6] : memref<16384x128xf32, #tpu.memory_space<vmem>>, vector<1024x128xf32>
    tpu.vector_store %arg4[%swap3A, %swap3A_6], %dot_general3A_5 {strides = array<i32>} : memref<16384x128xf32, #tpu.memory_space<vmem>>, vector<1024x128xf32>,
    %slice3A_8 = vector.extract_strided_slice %get3A_4 {offsets = [0, 64], sizes = [1024, 64], strides = [1, 1]} : vector<1024x128xf32> to vector<1024x64xf32>
    %dot_general3A_9 = arith.constant dense<0.000000e+00> : vector<1024x128xf32>
    %dot_general3A_10 = tpu.matmul %slice3A_8, %get3A_1, %dot_general3A_9 {dimension_numbers = #tpu.dot_dimension_numbers<[1], [0], [0], [1], [0, 0, 1, 1], [], []>, transpose_lhs_hint = false} : vector<1024x64xf32>, vector<64x128xf32>, vector<1024x128xf32> -> vector<1024x128xf32>
    %swap3A_11 = arith.constant 1024 : index
    %swap3A_12 = arith.constant 0 : index
    %swap3A_13 = vector.load %arg4[%swap3A_11, %swap3A_12] : memref<16384x128xf32, #tpu.memory_space<vmem>>, vector<1024x128xf32>
    tpu.vector_store %arg4[%swap3A_11, %swap3A_12], %dot_general3A_10 {strides = array<i32>} : memref<16384x128xf32, #tpu.memory_space<vmem>>, vector<1024x128xf32>,
    %get3A_14 = arith.constant 1024 : index
    %get3A_15 = arith.constant 0 : index
    %get3A_16 = vector.load %arg1[%get3A_14, %get3A_15] : memref<8192x128xf32, #tpu.memory_space<vmem>>, vector<1024x128xf32>
    %slice3A_17 = vector.extract_strided_slice %get3A_16 {offsets = [0, 0], sizes = [1024, 64], strides = [1, 1]} : vector<1024x128xf32> to vector<1024x64xf32>
    %dot_general3A_18 = arith.constant dense<0.000000e+00> : vector<1024x128xf32>
    %dot_general3A_19 = tpu.matmul %slice3A_17, %get3A_1, %dot_general3A_18 {dimension_numbers = #tpu.dot_dimension_numbers<[1], [0], [0], [1], [0, 0, 1, 1], [], []>, transpose_lhs_hint = false} : vector<1024x64xf32>, vector<64x128xf32>, vector<1024x128xf32> -> vector<1024x128xf32>
    %swap3A_20 = arith.constant 2048 : index
    %swap3A_21 = arith.constant 0 : index
    %swap3A_22 = vector.load %arg4[%swap3A_20, %swap3A_21] : memref<16384x128xf32, #tpu.memory_space<vmem>>, vector<1024x128xf32>
    tpu.vector_store %arg4[%swap3A_20, %swap3A_21], %dot_general3A_19 {strides = array<i32>} : memref<16384x128xf32, #tpu.memory_space<vmem>>, vector<1024x128xf32>,
    %slice3A_23 = vector.extract_strided_slice %get3A_16 {offsets = [0, 64], sizes = [1024, 64], strides = [1, 1]} : vector<1024x128xf32> to vector<1024x64xf32>
    %dot_general3A_24 = arith.constant dense<0.000000e+00> : vector<1024x128xf32>
    %dot_general3A_25 = tpu.matmul %slice3A_23, %get3A_1, %dot_general3A_24 {dimension_numbers = #tpu.dot_dimension_numbers<[1], [0], [0], [1], [0, 0, 1, 1], [], []>, transpose_lhs_hint = false} : vector<1024x64xf32>, vector<64x128xf32>, vector<1024x128xf32> -> vector<1024x128xf32>
    %swap3A_26 = arith.constant 3072 : index
    %swap3A_27 = arith.constant 0 : index
    %swap3A_28 = vector.load %arg4[%swap3A_26, %swap3A_27] : memref<16384x128xf32, #tpu.memory_space<vmem>>, vector<1024x128xf32>
    tpu.vector_store %arg4[%swap3A_26, %swap3A_27], %dot_general3A_25 {strides = array<i32>} : memref<16384x128xf32, #tpu.memory_space<vmem>>, vector<1024x128xf32>,
    %get3A_29 = arith.constant 2048 : index
    %get3A_30 = arith.constant 0 : index
    %get3A_31 = vector.load %arg1[%get3A_29, %get3A_30] : memref<8192x128xf32, #tpu.memory_space<vmem>>, vector<1024x128xf32>
    %slice3A_32 = vector.extract_strided_slice %get3A_31 {offsets = [0, 0], sizes = [1024, 64], strides = [1, 1]} : vector<1024x128xf32> to vector<1024x64xf32>
    %dot_general3A_33 = arith.constant dense<0.000000e+00> : vector<1024x128xf32>
    %dot_general3A_34 = tpu.matmul %slice3A_32, %get3A_1, %dot_general3A_33 {dimension_numbers = #tpu.dot_dimension_numbers<[1], [0], [0], [1], [0, 0, 1, 1], [], []>, transpose_lhs_hint = false} : vector<1024x64xf32>, vector<64x128xf32>, vector<1024x128xf32> -> vector<1024x128xf32>
    %swap3A_35 = arith.constant 4096 : index
    %swap3A_36 = arith.constant 0 : index
    %swap3A_37 = vector.load %arg4[%swap3A_35, %swap3A_36] : memref<16384x128xf32, #tpu.memory_space<vmem>>, vector<1024x128xf32>
    tpu.vector_store %arg4[%swap3A_35, %swap3A_36], %dot_general3A_34 {strides = array<i32>} : memref<16384x128xf32, #tpu.memory_space<vmem>>, vector<1024x128xf32>,
    %slice3A_38 = vector.extract_strided_slice %get3A_31 {offsets = [0, 64], sizes = [1024, 64], strides = [1, 1]} : vector<1024x128xf32> to vector<1024x64xf32>
    %dot_general3A_39 = arith.constant dense<0.000000e+00> : vector<1024x128xf32>
    %dot_general3A_40 = tpu.matmul %slice3A_38, %get3A_1, %dot_general3A_39 {dimension_numbers = #tpu.dot_dimension_numbers<[1], [0], [0], [1], [0, 0, 1, 1], [], []>, transpose_lhs_hint = false} : vector<1024x64xf32>, vector<64x128xf32>, vector<1024x128xf32> -> vector<1024x128xf32>
    %swap3A_41 = arith.constant 5120 : index
    %swap3A_42 = arith.constant 0 : index
    %swap3A_43 = vector.load %arg4[%swap3A_41, %swap3A_42] : memref<16384x128xf32, #tpu.memory_space<vmem>>, vector<1024x128xf32>
    tpu.vector_store %arg4[%swap3A_41, %swap3A_42], %dot_general3A_40 {strides = array<i32>} : memref<16384x128xf32, #tpu.memory_space<vmem>>, vector<1024x128xf32>,
    %get3A_44 = arith.constant 3072 : index
    %get3A_45 = arith.constant 0 : index
    %get3A_46 = vector.load %arg1[%get3A_44, %get3A_45] : memref<8192x128xf32, #tpu.memory_space<vmem>>, vector<1024x128xf32>
    %slice3A_47 = vector.extract_strided_slice %get3A_46 {offsets = [0, 0], sizes = [1024, 64], strides = [1, 1]} : vector<1024x128xf32> to vector<1024x64xf32>
    %dot_general3A_48 = arith.constant dense<0.000000e+00> : vector<1024x128xf32>
    %dot_general3A_49 = tpu.matmul %slice3A_47, %get3A_1, %dot_general3A_48 {dimension_numbers = #tpu.dot_dimension_numbers<[1], [0], [0], [1], [0, 0, 1, 1], [], []>, transpose_lhs_hint = false} : vector<1024x64xf32>, vector<64x128xf32>, vector<1024x128xf32> -> vector<1024x128xf32>
    %swap3A_50 = arith.constant 6144 : index
    %swap3A_51 = arith.constant 0 : index
    %swap3A_52 = vector.load %arg4[%swap3A_50, %swap3A_51] : memref<16384x128xf32, #tpu.memory_space<vmem>>, vector<1024x128xf32>
    tpu.vector_store %arg4[%swap3A_50, %swap3A_51], %dot_general3A_49 {strides = array<i32>} : memref<16384x128xf32, #tpu.memory_space<vmem>>, vector<1024x128xf32>,
    %slice3A_53 = vector.extract_strided_slice %get3A_46 {offsets = [0, 64], sizes = [1024, 64], strides = [1, 1]} : vector<1024x128xf32> to vector<1024x64xf32>
    %dot_general3A_54 = arith.constant dense<0.000000e+00> : vector<1024x128xf32>
    %dot_general3A_55 = tpu.matmul %slice3A_53, %get3A_1, %dot_general3A_54 {dimension_numbers = #tpu.dot_dimension_numbers<[1], [0], [0], [1], [0, 0, 1, 1], [], []>, transpose_lhs_hint = false} : vector<1024x64xf32>, vector<64x128xf32>, vector<1024x128xf32> -> vector<1024x128xf32>
    %swap3A_56 = arith.constant 7168 : index
    %swap3A_57 = arith.constant 0 : index
    %swap3A_58 = vector.load %arg4[%swap3A_56, %swap3A_57] : memref<16384x128xf32, #tpu.memory_space<vmem>>, vector<1024x128xf32>
    tpu.vector_store %arg4[%swap3A_56, %swap3A_57], %dot_general3A_55 {strides = array<i32>} : memref<16384x128xf32, #tpu.memory_space<vmem>>, vector<1024x128xf32>,
    %get3A_59 = arith.constant 4096 : index
    %get3A_60 = arith.constant 0 : index
    %get3A_61 = vector.load %arg1[%get3A_59, %get3A_60] : memref<8192x128xf32, #tpu.memory_space<vmem>>, vector<1024x128xf32>
    %slice3A_62 = vector.extract_strided_slice %get3A_61 {offsets = [0, 0], sizes = [1024, 64], strides = [1, 1]} : vector<1024x128xf32> to vector<1024x64xf32>
    %dot_general3A_63 = arith.constant dense<0.000000e+00> : vector<1024x128xf32>
    %dot_general3A_64 = tpu.matmul %slice3A_62, %get3A_1, %dot_general3A_63 {dimension_numbers = #tpu.dot_dimension_numbers<[1], [0], [0], [1], [0, 0, 1, 1], [], []>, transpose_lhs_hint = false} : vector<1024x64xf32>, vector<64x128xf32>, vector<1024x128xf32> -> vector<1024x128xf32>
    %swap3A_65 = arith.constant 8192 : index
    %swap3A_66 = arith.constant 0 : index
    %swap3A_67 = vector.load %arg4[%swap3A_65, %swap3A_66] : memref<16384x128xf32, #tpu.memory_space<vmem>>, vector<1024x128xf32>
    tpu.vector_store %arg4[%swap3A_65, %swap3A_66], %dot_general3A_64 {strides = array<i32>} : memref<16384x128xf32, #tpu.memory_space<vmem>>, vector<1024x128xf32>,
    %slice3A_68 = vector.extract_strided_slice %get3A_61 {offsets = [0, 64], sizes = [1024, 64], strides = [1, 1]} : vector<1024x128xf32> to vector<1024x64xf32>
    %dot_general3A_69 = arith.constant dense<0.000000e+00> : vector<1024x128xf32>
    %dot_general3A_70 = tpu.matmul %slice3A_68, %get3A_1, %dot_general3A_69 {dimension_numbers = #tpu.dot_dimension_numbers<[1], [0], [0], [1], [0, 0, 1, 1], [], []>, transpose_lhs_hint = false} : vector<1024x64xf32>, vector<64x128xf32>, vector<1024x128xf32> -> vector<1024x128xf32>
    %swap3A_71 = arith.constant 9216 : index
    %swap3A_72 = arith.constant 0 : index
    %swap3A_73 = vector.load %arg4[%swap3A_71, %swap3A_72] : memref<16384x128xf32, #tpu.memory_space<vmem>>, vector<1024x128xf32>
    tpu.vector_store %arg4[%swap3A_71, %swap3A_72], %dot_general3A_70 {strides = array<i32>} : memref<16384x128xf32, #tpu.memory_space<vmem>>, vector<1024x128xf32>,
    %get3A_74 = arith.constant 5120 : index
    %get3A_75 = arith.constant 0 : index
    %get3A_76 = vector.load %arg1[%get3A_74, %get3A_75] : memref<8192x128xf32, #tpu.memory_space<vmem>>, vector<1024x128xf32>
    %slice3A_77 = vector.extract_strided_slice %get3A_76 {offsets = [0, 0], sizes = [1024, 64], strides = [1, 1]} : vector<1024x128xf32> to vector<1024x64xf32>
    %dot_general3A_78 = arith.constant dense<0.000000e+00> : vector<1024x128xf32>
    %dot_general3A_79 = tpu.matmul %slice3A_77, %get3A_1, %dot_general3A_78 {dimension_numbers = #tpu.dot_dimension_numbers<[1], [0], [0], [1], [0, 0, 1, 1], [], []>, transpose_lhs_hint = false} : vector<1024x64xf32>, vector<64x128xf32>, vector<1024x128xf32> -> vector<1024x128xf32>
    %swap3A_80 = arith.constant 10240 : index
    %swap3A_81 = arith.constant 0 : index
    %swap3A_82 = vector.load %arg4[%swap3A_80, %swap3A_81] : memref<16384x128xf32, #tpu.memory_space<vmem>>, vector<1024x128xf32>
    tpu.vector_store %arg4[%swap3A_80, %swap3A_81], %dot_general3A_79 {strides = array<i32>} : memref<16384x128xf32, #tpu.memory_space<vmem>>, vector<1024x128xf32>,
    %slice3A_83 = vector.extract_strided_slice %get3A_76 {offsets = [0, 64], sizes = [1024, 64], strides = [1, 1]} : vector<1024x128xf32> to vector<1024x64xf32>
    %dot_general3A_84 = arith.constant dense<0.000000e+00> : vector<1024x128xf32>
    %dot_general3A_85 = tpu.matmul %slice3A_83, %get3A_1, %dot_general3A_84 {dimension_numbers = #tpu.dot_dimension_numbers<[1], [0], [0], [1], [0, 0, 1, 1], [], []>, transpose_lhs_hint = false} : vector<1024x64xf32>, vector<64x128xf32>, vector<1024x128xf32> -> vector<1024x128xf32>
    %swap3A_86 = arith.constant 11264 : index
    %swap3A_87 = arith.constant 0 : index
    %swap3A_88 = vector.load %arg4[%swap3A_86, %swap3A_87] : memref<16384x128xf32, #tpu.memory_space<vmem>>, vector<1024x128xf32>
    tpu.vector_store %arg4[%swap3A_86, %swap3A_87], %dot_general3A_85 {strides = array<i32>} : memref<16384x128xf32, #tpu.memory_space<vmem>>, vector<1024x128xf32>,
    %get3A_89 = arith.constant 6144 : index
    %get3A_90 = arith.constant 0 : index
    %get3A_91 = vector.load %arg1[%get3A_89, %get3A_90] : memref<8192x128xf32, #tpu.memory_space<vmem>>, vector<1024x128xf32>
    %slice3A_92 = vector.extract_strided_slice %get3A_91 {offsets = [0, 0], sizes = [1024, 64], strides = [1, 1]} : vector<1024x128xf32> to vector<1024x64xf32>
    %dot_general3A_93 = arith.constant dense<0.000000e+00> : vector<1024x128xf32>
    %dot_general3A_94 = tpu.matmul %slice3A_92, %get3A_1, %dot_general3A_93 {dimension_numbers = #tpu.dot_dimension_numbers<[1], [0], [0], [1], [0, 0, 1, 1], [], []>, transpose_lhs_hint = false} : vector<1024x64xf32>, vector<64x128xf32>, vector<1024x128xf32> -> vector<1024x128xf32>
    %swap3A_95 = arith.constant 12288 : index
    %swap3A_96 = arith.constant 0 : index
    %swap3A_97 = vector.load %arg4[%swap3A_95, %swap3A_96] : memref<16384x128xf32, #tpu.memory_space<vmem>>, vector<1024x128xf32>
    tpu.vector_store %arg4[%swap3A_95, %swap3A_96], %dot_general3A_94 {strides = array<i32>} : memref<16384x128xf32, #tpu.memory_space<vmem>>, vector<1024x128xf32>,
    %slice3A_98 = vector.extract_strided_slice %get3A_91 {offsets = [0, 64], sizes = [1024, 64], strides = [1, 1]} : vector<1024x128xf32> to vector<1024x64xf32>
    %dot_general3A_99 = arith.constant dense<0.000000e+00> : vector<1024x128xf32>
    %dot_general3A_100 = tpu.matmul %slice3A_98, %get3A_1, %dot_general3A_99 {dimension_numbers = #tpu.dot_dimension_numbers<[1], [0], [0], [1], [0, 0, 1, 1], [], []>, transpose_lhs_hint = false} : vector<1024x64xf32>, vector<64x128xf32>, vector<1024x128xf32> -> vector<1024x128xf32>
    %swap3A_101 = arith.constant 13312 : index
    %swap3A_102 = arith.constant 0 : index
    %swap3A_103 = vector.load %arg4[%swap3A_101, %swap3A_102] : memref<16384x128xf32, #tpu.memory_space<vmem>>, vector<1024x128xf32>
    tpu.vector_store %arg4[%swap3A_101, %swap3A_102], %dot_general3A_100 {strides = array<i32>} : memref<16384x128xf32, #tpu.memory_space<vmem>>, vector<1024x128xf32>,
    %get3A_104 = arith.constant 7168 : index
    %get3A_105 = arith.constant 0 : index
    %get3A_106 = vector.load %arg1[%get3A_104, %get3A_105] : memref<8192x128xf32, #tpu.memory_space<vmem>>, vector<1024x128xf32>
    %slice3A_107 = vector.extract_strided_slice %get3A_106 {offsets = [0, 0], sizes = [1024, 64], strides = [1, 1]} : vector<1024x128xf32> to vector<1024x64xf32>
    %dot_general3A_108 = arith.constant dense<0.000000e+00> : vector<1024x128xf32>
    %dot_general3A_109 = tpu.matmul %slice3A_107, %get3A_1, %dot_general3A_108 {dimension_numbers = #tpu.dot_dimension_numbers<[1], [0], [0], [1], [0, 0, 1, 1], [], []>, transpose_lhs_hint = false} : vector<1024x64xf32>, vector<64x128xf32>, vector<1024x128xf32> -> vector<1024x128xf32>
    %swap3A_110 = arith.constant 14336 : index
    %swap3A_111 = arith.constant 0 : index
    %swap3A_112 = vector.load %arg4[%swap3A_110, %swap3A_111] : memref<16384x128xf32, #tpu.memory_space<vmem>>, vector<1024x128xf32>
    tpu.vector_store %arg4[%swap3A_110, %swap3A_111], %dot_general3A_109 {strides = array<i32>} : memref<16384x128xf32, #tpu.memory_space<vmem>>, vector<1024x128xf32>,
    %slice3A_113 = vector.extract_strided_slice %get3A_106 {offsets = [0, 64], sizes = [1024, 64], strides = [1, 1]} : vector<1024x128xf32> to vector<1024x64xf32>
    %dot_general3A_114 = arith.constant dense<0.000000e+00> : vector<1024x128xf32>
    %dot_general3A_115 = tpu.matmul %slice3A_113, %get3A_1, %dot_general3A_114 {dimension_numbers = #tpu.dot_dimension_numbers<[1], [0], [0], [1], [0, 0, 1, 1], [], []>, transpose_lhs_hint = false} : vector<1024x64xf32>, vector<64x128xf32>, vector<1024x128xf32> -> vector<1024x128xf32>
    %swap3A_116 = arith.constant 15360 : index
    %swap3A_117 = arith.constant 0 : index
    %swap3A_118 = vector.load %arg4[%swap3A_116, %swap3A_117] : memref<16384x128xf32, #tpu.memory_space<vmem>>, vector<1024x128xf32>
    tpu.vector_store %arg4[%swap3A_116, %swap3A_117], %dot_general3A_115 {strides = array<i32>} : memref<16384x128xf32, #tpu.memory_space<vmem>>, vector<1024x128xf32>,
    return
  }
  func.func @transform_0(%arg0: i32) -> (i32, i32) {
    %c0_i32 = arith.constant 0 : i32
    %c0_i32_0 = arith.constant 0 : i32
    return %arg0, %c0_i32 : i32, i32
  }
  func.func @transform_1(%arg0: i32) -> (i32, i32) {
    %c0_i32 = arith.constant 0 : i32
    %c0_i32_0 = arith.constant 0 : i32
    %c0_i32_1 = arith.constant 0 : i32
    return %c0_i32, %c0_i32_0 : i32, i32
  }
  func.func @transform_3(%arg0: i32) -> (i32, i32) {
    %add3A = arith.constant 30 : i32
    %add3A_0 = arith.addi %add3A, %arg0 : i32
    %c0_i32 = arith.constant 0 : i32
    %c0_i32_1 = arith.constant 0 : i32
    return %add3A_0, %c0_i32 : i32, i32
  }
}

module attributes {stable_mosaic.version = 14 : i64} {
  func.func @_mm_body_alias(%arg0: i32, %arg1: memref<8192x128xf32, #tpu.memory_space<vmem>>, %arg2: memref<64x128xf32, #tpu.memory_space<vmem>>, %arg3: memref<819200x128xf32, #tpu.memory_space<hbm>>, %arg4: memref<16384x128xf32, #tpu.memory_space<vmem>>) attributes {dimension_semantics = [#tpu.dimension_semantics<arbitrary>], iteration_bounds = array<i64: 10>, scalar_prefetch = 0 : i64, scratch_operands = 0 : i64, tpu.core_type = #tpu.core_type<tc>, window_params = [{transform_indices = @transform_0, window_bounds = array<i64: 8192, 128>}, {pipeline_mode = #tpu.pipeline_mode<synchronous>, transform_indices = @transform_1, window_bounds = array<i64: 64, 128>}, {}, {transform_indices = @transform_3, window_bounds = array<i64: 16384, 128>}]} {
    %get3A = arith.constant 0 : index
    %get3A_0 = arith.constant 0 : index
    %get3A_1 = vector.load %arg2[%get3A, %get3A_0] : memref<64x128xf32, #tpu.memory_space<vmem>>, vector<64x128xf32>
    %get3A_2 = arith.constant 0 : index
    %get3A_3 = arith.constant 0 : index
    %get3A_4 = vector.load %arg1[%get3A_2, %get3A_3] : memref<8192x128xf32, #tpu.memory_space<vmem>>, vector<1024x128xf32>
    %slice3A = vector.extract_strided_slice %get3A_4 {offsets = [0, 0], sizes = [1024, 64], strides = [1, 1]} : vector<1024x128xf32> to vector<1024x64xf32>
    %dot_general3A = arith.constant dense<0.000000e+00> : vector<1024x128xf32>
    %dot_general3A_5 = tpu.matmul %slice3A, %get3A_1, %dot_general3A {dimension_numbers = #tpu.dot_dimension_numbers<[1], [0], [0], [1], [0, 0, 1, 1], [], []>, transpose_lhs_hint = false} : vector<1024x64xf32>, vector<64x128xf32>, vector<1024x128xf32> -> vector<1024x128xf32>
    %swap3A = arith.constant 0 : index
    %swap3A_6 = arith.constant 0 : index
    %swap3A_7 = vector.load %arg4[%swap3A, %swap3A_6] : memref<16384x128xf32, #tpu.memory_space<vmem>>, vector<1024x128xf32>
    tpu.vector_store %arg4[%swap3A, %swap3A_6], %dot_general3A_5 {strides = array<i32>} : memref<16384x128xf32, #tpu.memory_space<vmem>>, vector<1024x128xf32>,
    %slice3A_8 = vector.extract_strided_slice %get3A_4 {offsets = [0, 64], sizes = [1024, 64], strides = [1, 1]} : vector<1024x128xf32> to vector<1024x64xf32>
    %dot_general3A_9 = arith.constant dense<0.000000e+00> : vector<1024x128xf32>
    %dot_general3A_10 = tpu.matmul %slice3A_8, %get3A_1, %dot_general3A_9 {dimension_numbers = #tpu.dot_dimension_numbers<[1], [0], [0], [1], [0, 0, 1, 1], [], []>, transpose_lhs_hint = false} : vector<1024x64xf32>, vector<64x128xf32>, vector<1024x128xf32> -> vector<1024x128xf32>
    %swap3A_11 = arith.constant 1024 : index
    %swap3A_12 = arith.constant 0 : index
    %swap3A_13 = vector.load %arg4[%swap3A_11, %swap3A_12] : memref<16384x128xf32, #tpu.memory_space<vmem>>, vector<1024x128xf32>
    tpu.vector_store %arg4[%swap3A_11, %swap3A_12], %dot_general3A_10 {strides = array<i32>} : memref<16384x128xf32, #tpu.memory_space<vmem>>, vector<1024x128xf32>,
    %get3A_14 = arith.constant 1024 : index
    %get3A_15 = arith.constant 0 : index
    %get3A_16 = vector.load %arg1[%get3A_14, %get3A_15] : memref<8192x128xf32, #tpu.memory_space<vmem>>, vector<1024x128xf32>
    %slice3A_17 = vector.extract_strided_slice %get3A_16 {offsets = [0, 0], sizes = [1024, 64], strides = [1, 1]} : vector<1024x128xf32> to vector<1024x64xf32>
    %dot_general3A_18 = arith.constant dense<0.000000e+00> : vector<1024x128xf32>
    %dot_general3A_19 = tpu.matmul %slice3A_17, %get3A_1, %dot_general3A_18 {dimension_numbers = #tpu.dot_dimension_numbers<[1], [0], [0], [1], [0, 0, 1, 1], [], []>, transpose_lhs_hint = false} : vector<1024x64xf32>, vector<64x128xf32>, vector<1024x128xf32> -> vector<1024x128xf32>
    %swap3A_20 = arith.constant 2048 : index
    %swap3A_21 = arith.constant 0 : index
    %swap3A_22 = vector.load %arg4[%swap3A_20, %swap3A_21] : memref<16384x128xf32, #tpu.memory_space<vmem>>, vector<1024x128xf32>
    tpu.vector_store %arg4[%swap3A_20, %swap3A_21], %dot_general3A_19 {strides = array<i32>} : memref<16384x128xf32, #tpu.memory_space<vmem>>, vector<1024x128xf32>,
    %slice3A_23 = vector.extract_strided_slice %get3A_16 {offsets = [0, 64], sizes = [1024, 64], strides = [1, 1]} : vector<1024x128xf32> to vector<1024x64xf32>
    %dot_general3A_24 = arith.constant dense<0.000000e+00> : vector<1024x128xf32>
    %dot_general3A_25 = tpu.matmul %slice3A_23, %get3A_1, %dot_general3A_24 {dimension_numbers = #tpu.dot_dimension_numbers<[1], [0], [0], [1], [0, 0, 1, 1], [], []>, transpose_lhs_hint = false} : vector<1024x64xf32>, vector<64x128xf32>, vector<1024x128xf32> -> vector<1024x128xf32>
    %swap3A_26 = arith.constant 3072 : index
    %swap3A_27 = arith.constant 0 : index
    %swap3A_28 = vector.load %arg4[%swap3A_26, %swap3A_27] : memref<16384x128xf32, #tpu.memory_space<vmem>>, vector<1024x128xf32>
    tpu.vector_store %arg4[%swap3A_26, %swap3A_27], %dot_general3A_25 {strides = array<i32>} : memref<16384x128xf32, #tpu.memory_space<vmem>>, vector<1024x128xf32>,
    %get3A_29 = arith.constant 2048 : index
    %get3A_30 = arith.constant 0 : index
    %get3A_31 = vector.load %arg1[%get3A_29, %get3A_30] : memref<8192x128xf32, #tpu.memory_space<vmem>>, vector<1024x128xf32>
    %slice3A_32 = vector.extract_strided_slice %get3A_31 {offsets = [0, 0], sizes = [1024, 64], strides = [1, 1]} : vector<1024x128xf32> to vector<1024x64xf32>
    %dot_general3A_33 = arith.constant dense<0.000000e+00> : vector<1024x128xf32>
    %dot_general3A_34 = tpu.matmul %slice3A_32, %get3A_1, %dot_general3A_33 {dimension_numbers = #tpu.dot_dimension_numbers<[1], [0], [0], [1], [0, 0, 1, 1], [], []>, transpose_lhs_hint = false} : vector<1024x64xf32>, vector<64x128xf32>, vector<1024x128xf32> -> vector<1024x128xf32>
    %swap3A_35 = arith.constant 4096 : index
    %swap3A_36 = arith.constant 0 : index
    %swap3A_37 = vector.load %arg4[%swap3A_35, %swap3A_36] : memref<16384x128xf32, #tpu.memory_space<vmem>>, vector<1024x128xf32>
    tpu.vector_store %arg4[%swap3A_35, %swap3A_36], %dot_general3A_34 {strides = array<i32>} : memref<16384x128xf32, #tpu.memory_space<vmem>>, vector<1024x128xf32>,
    %slice3A_38 = vector.extract_strided_slice %get3A_31 {offsets = [0, 64], sizes = [1024, 64], strides = [1, 1]} : vector<1024x128xf32> to vector<1024x64xf32>
    %dot_general3A_39 = arith.constant dense<0.000000e+00> : vector<1024x128xf32>
    %dot_general3A_40 = tpu.matmul %slice3A_38, %get3A_1, %dot_general3A_39 {dimension_numbers = #tpu.dot_dimension_numbers<[1], [0], [0], [1], [0, 0, 1, 1], [], []>, transpose_lhs_hint = false} : vector<1024x64xf32>, vector<64x128xf32>, vector<1024x128xf32> -> vector<1024x128xf32>
    %swap3A_41 = arith.constant 5120 : index
    %swap3A_42 = arith.constant 0 : index
    %swap3A_43 = vector.load %arg4[%swap3A_41, %swap3A_42] : memref<16384x128xf32, #tpu.memory_space<vmem>>, vector<1024x128xf32>
    tpu.vector_store %arg4[%swap3A_41, %swap3A_42], %dot_general3A_40 {strides = array<i32>} : memref<16384x128xf32, #tpu.memory_space<vmem>>, vector<1024x128xf32>,
    %get3A_44 = arith.constant 3072 : index
    %get3A_45 = arith.constant 0 : index
    %get3A_46 = vector.load %arg1[%get3A_44, %get3A_45] : memref<8192x128xf32, #tpu.memory_space<vmem>>, vector<1024x128xf32>
    %slice3A_47 = vector.extract_strided_slice %get3A_46 {offsets = [0, 0], sizes = [1024, 64], strides = [1, 1]} : vector<1024x128xf32> to vector<1024x64xf32>
    %dot_general3A_48 = arith.constant dense<0.000000e+00> : vector<1024x128xf32>
    %dot_general3A_49 = tpu.matmul %slice3A_47, %get3A_1, %dot_general3A_48 {dimension_numbers = #tpu.dot_dimension_numbers<[1], [0], [0], [1], [0, 0, 1, 1], [], []>, transpose_lhs_hint = false} : vector<1024x64xf32>, vector<64x128xf32>, vector<1024x128xf32> -> vector<1024x128xf32>
    %swap3A_50 = arith.constant 6144 : index
    %swap3A_51 = arith.constant 0 : index
    %swap3A_52 = vector.load %arg4[%swap3A_50, %swap3A_51] : memref<16384x128xf32, #tpu.memory_space<vmem>>, vector<1024x128xf32>
    tpu.vector_store %arg4[%swap3A_50, %swap3A_51], %dot_general3A_49 {strides = array<i32>} : memref<16384x128xf32, #tpu.memory_space<vmem>>, vector<1024x128xf32>,
    %slice3A_53 = vector.extract_strided_slice %get3A_46 {offsets = [0, 64], sizes = [1024, 64], strides = [1, 1]} : vector<1024x128xf32> to vector<1024x64xf32>
    %dot_general3A_54 = arith.constant dense<0.000000e+00> : vector<1024x128xf32>
    %dot_general3A_55 = tpu.matmul %slice3A_53, %get3A_1, %dot_general3A_54 {dimension_numbers = #tpu.dot_dimension_numbers<[1], [0], [0], [1], [0, 0, 1, 1], [], []>, transpose_lhs_hint = false} : vector<1024x64xf32>, vector<64x128xf32>, vector<1024x128xf32> -> vector<1024x128xf32>
    %swap3A_56 = arith.constant 7168 : index
    %swap3A_57 = arith.constant 0 : index
    %swap3A_58 = vector.load %arg4[%swap3A_56, %swap3A_57] : memref<16384x128xf32, #tpu.memory_space<vmem>>, vector<1024x128xf32>
    tpu.vector_store %arg4[%swap3A_56, %swap3A_57], %dot_general3A_55 {strides = array<i32>} : memref<16384x128xf32, #tpu.memory_space<vmem>>, vector<1024x128xf32>,
    %get3A_59 = arith.constant 4096 : index
    %get3A_60 = arith.constant 0 : index
    %get3A_61 = vector.load %arg1[%get3A_59, %get3A_60] : memref<8192x128xf32, #tpu.memory_space<vmem>>, vector<1024x128xf32>
    %slice3A_62 = vector.extract_strided_slice %get3A_61 {offsets = [0, 0], sizes = [1024, 64], strides = [1, 1]} : vector<1024x128xf32> to vector<1024x64xf32>
    %dot_general3A_63 = arith.constant dense<0.000000e+00> : vector<1024x128xf32>
    %dot_general3A_64 = tpu.matmul %slice3A_62, %get3A_1, %dot_general3A_63 {dimension_numbers = #tpu.dot_dimension_numbers<[1], [0], [0], [1], [0, 0, 1, 1], [], []>, transpose_lhs_hint = false} : vector<1024x64xf32>, vector<64x128xf32>, vector<1024x128xf32> -> vector<1024x128xf32>
    %swap3A_65 = arith.constant 8192 : index
    %swap3A_66 = arith.constant 0 : index
    %swap3A_67 = vector.load %arg4[%swap3A_65, %swap3A_66] : memref<16384x128xf32, #tpu.memory_space<vmem>>, vector<1024x128xf32>
    tpu.vector_store %arg4[%swap3A_65, %swap3A_66], %dot_general3A_64 {strides = array<i32>} : memref<16384x128xf32, #tpu.memory_space<vmem>>, vector<1024x128xf32>,
    %slice3A_68 = vector.extract_strided_slice %get3A_61 {offsets = [0, 64], sizes = [1024, 64], strides = [1, 1]} : vector<1024x128xf32> to vector<1024x64xf32>
    %dot_general3A_69 = arith.constant dense<0.000000e+00> : vector<1024x128xf32>
    %dot_general3A_70 = tpu.matmul %slice3A_68, %get3A_1, %dot_general3A_69 {dimension_numbers = #tpu.dot_dimension_numbers<[1], [0], [0], [1], [0, 0, 1, 1], [], []>, transpose_lhs_hint = false} : vector<1024x64xf32>, vector<64x128xf32>, vector<1024x128xf32> -> vector<1024x128xf32>
    %swap3A_71 = arith.constant 9216 : index
    %swap3A_72 = arith.constant 0 : index
    %swap3A_73 = vector.load %arg4[%swap3A_71, %swap3A_72] : memref<16384x128xf32, #tpu.memory_space<vmem>>, vector<1024x128xf32>
    tpu.vector_store %arg4[%swap3A_71, %swap3A_72], %dot_general3A_70 {strides = array<i32>} : memref<16384x128xf32, #tpu.memory_space<vmem>>, vector<1024x128xf32>,
    %get3A_74 = arith.constant 5120 : index
    %get3A_75 = arith.constant 0 : index
    %get3A_76 = vector.load %arg1[%get3A_74, %get3A_75] : memref<8192x128xf32, #tpu.memory_space<vmem>>, vector<1024x128xf32>
    %slice3A_77 = vector.extract_strided_slice %get3A_76 {offsets = [0, 0], sizes = [1024, 64], strides = [1, 1]} : vector<1024x128xf32> to vector<1024x64xf32>
    %dot_general3A_78 = arith.constant dense<0.000000e+00> : vector<1024x128xf32>
    %dot_general3A_79 = tpu.matmul %slice3A_77, %get3A_1, %dot_general3A_78 {dimension_numbers = #tpu.dot_dimension_numbers<[1], [0], [0], [1], [0, 0, 1, 1], [], []>, transpose_lhs_hint = false} : vector<1024x64xf32>, vector<64x128xf32>, vector<1024x128xf32> -> vector<1024x128xf32>
    %swap3A_80 = arith.constant 10240 : index
    %swap3A_81 = arith.constant 0 : index
    %swap3A_82 = vector.load %arg4[%swap3A_80, %swap3A_81] : memref<16384x128xf32, #tpu.memory_space<vmem>>, vector<1024x128xf32>
    tpu.vector_store %arg4[%swap3A_80, %swap3A_81], %dot_general3A_79 {strides = array<i32>} : memref<16384x128xf32, #tpu.memory_space<vmem>>, vector<1024x128xf32>,
    %slice3A_83 = vector.extract_strided_slice %get3A_76 {offsets = [0, 64], sizes = [1024, 64], strides = [1, 1]} : vector<1024x128xf32> to vector<1024x64xf32>
    %dot_general3A_84 = arith.constant dense<0.000000e+00> : vector<1024x128xf32>
    %dot_general3A_85 = tpu.matmul %slice3A_83, %get3A_1, %dot_general3A_84 {dimension_numbers = #tpu.dot_dimension_numbers<[1], [0], [0], [1], [0, 0, 1, 1], [], []>, transpose_lhs_hint = false} : vector<1024x64xf32>, vector<64x128xf32>, vector<1024x128xf32> -> vector<1024x128xf32>
    %swap3A_86 = arith.constant 11264 : index
    %swap3A_87 = arith.constant 0 : index
    %swap3A_88 = vector.load %arg4[%swap3A_86, %swap3A_87] : memref<16384x128xf32, #tpu.memory_space<vmem>>, vector<1024x128xf32>
    tpu.vector_store %arg4[%swap3A_86, %swap3A_87], %dot_general3A_85 {strides = array<i32>} : memref<16384x128xf32, #tpu.memory_space<vmem>>, vector<1024x128xf32>,
    %get3A_89 = arith.constant 6144 : index
    %get3A_90 = arith.constant 0 : index
    %get3A_91 = vector.load %arg1[%get3A_89, %get3A_90] : memref<8192x128xf32, #tpu.memory_space<vmem>>, vector<1024x128xf32>
    %slice3A_92 = vector.extract_strided_slice %get3A_91 {offsets = [0, 0], sizes = [1024, 64], strides = [1, 1]} : vector<1024x128xf32> to vector<1024x64xf32>
    %dot_general3A_93 = arith.constant dense<0.000000e+00> : vector<1024x128xf32>
    %dot_general3A_94 = tpu.matmul %slice3A_92, %get3A_1, %dot_general3A_93 {dimension_numbers = #tpu.dot_dimension_numbers<[1], [0], [0], [1], [0, 0, 1, 1], [], []>, transpose_lhs_hint = false} : vector<1024x64xf32>, vector<64x128xf32>, vector<1024x128xf32> -> vector<1024x128xf32>
    %swap3A_95 = arith.constant 12288 : index
    %swap3A_96 = arith.constant 0 : index
    %swap3A_97 = vector.load %arg4[%swap3A_95, %swap3A_96] : memref<16384x128xf32, #tpu.memory_space<vmem>>, vector<1024x128xf32>
    tpu.vector_store %arg4[%swap3A_95, %swap3A_96], %dot_general3A_94 {strides = array<i32>} : memref<16384x128xf32, #tpu.memory_space<vmem>>, vector<1024x128xf32>,
    %slice3A_98 = vector.extract_strided_slice %get3A_91 {offsets = [0, 64], sizes = [1024, 64], strides = [1, 1]} : vector<1024x128xf32> to vector<1024x64xf32>
    %dot_general3A_99 = arith.constant dense<0.000000e+00> : vector<1024x128xf32>
    %dot_general3A_100 = tpu.matmul %slice3A_98, %get3A_1, %dot_general3A_99 {dimension_numbers = #tpu.dot_dimension_numbers<[1], [0], [0], [1], [0, 0, 1, 1], [], []>, transpose_lhs_hint = false} : vector<1024x64xf32>, vector<64x128xf32>, vector<1024x128xf32> -> vector<1024x128xf32>
    %swap3A_101 = arith.constant 13312 : index
    %swap3A_102 = arith.constant 0 : index
    %swap3A_103 = vector.load %arg4[%swap3A_101, %swap3A_102] : memref<16384x128xf32, #tpu.memory_space<vmem>>, vector<1024x128xf32>
    tpu.vector_store %arg4[%swap3A_101, %swap3A_102], %dot_general3A_100 {strides = array<i32>} : memref<16384x128xf32, #tpu.memory_space<vmem>>, vector<1024x128xf32>,
    %get3A_104 = arith.constant 7168 : index
    %get3A_105 = arith.constant 0 : index
    %get3A_106 = vector.load %arg1[%get3A_104, %get3A_105] : memref<8192x128xf32, #tpu.memory_space<vmem>>, vector<1024x128xf32>
    %slice3A_107 = vector.extract_strided_slice %get3A_106 {offsets = [0, 0], sizes = [1024, 64], strides = [1, 1]} : vector<1024x128xf32> to vector<1024x64xf32>
    %dot_general3A_108 = arith.constant dense<0.000000e+00> : vector<1024x128xf32>
    %dot_general3A_109 = tpu.matmul %slice3A_107, %get3A_1, %dot_general3A_108 {dimension_numbers = #tpu.dot_dimension_numbers<[1], [0], [0], [1], [0, 0, 1, 1], [], []>, transpose_lhs_hint = false} : vector<1024x64xf32>, vector<64x128xf32>, vector<1024x128xf32> -> vector<1024x128xf32>
    %swap3A_110 = arith.constant 14336 : index
    %swap3A_111 = arith.constant 0 : index
    %swap3A_112 = vector.load %arg4[%swap3A_110, %swap3A_111] : memref<16384x128xf32, #tpu.memory_space<vmem>>, vector<1024x128xf32>
    tpu.vector_store %arg4[%swap3A_110, %swap3A_111], %dot_general3A_109 {strides = array<i32>} : memref<16384x128xf32, #tpu.memory_space<vmem>>, vector<1024x128xf32>,
    %slice3A_113 = vector.extract_strided_slice %get3A_106 {offsets = [0, 64], sizes = [1024, 64], strides = [1, 1]} : vector<1024x128xf32> to vector<1024x64xf32>
    %dot_general3A_114 = arith.constant dense<0.000000e+00> : vector<1024x128xf32>
    %dot_general3A_115 = tpu.matmul %slice3A_113, %get3A_1, %dot_general3A_114 {dimension_numbers = #tpu.dot_dimension_numbers<[1], [0], [0], [1], [0, 0, 1, 1], [], []>, transpose_lhs_hint = false} : vector<1024x64xf32>, vector<64x128xf32>, vector<1024x128xf32> -> vector<1024x128xf32>
    %swap3A_116 = arith.constant 15360 : index
    %swap3A_117 = arith.constant 0 : index
    %swap3A_118 = vector.load %arg4[%swap3A_116, %swap3A_117] : memref<16384x128xf32, #tpu.memory_space<vmem>>, vector<1024x128xf32>
    tpu.vector_store %arg4[%swap3A_116, %swap3A_117], %dot_general3A_115 {strides = array<i32>} : memref<16384x128xf32, #tpu.memory_space<vmem>>, vector<1024x128xf32>,
    return
  }
  func.func @transform_0(%arg0: i32) -> (i32, i32) {
    %c0_i32 = arith.constant 0 : i32
    %c0_i32_0 = arith.constant 0 : i32
    return %arg0, %c0_i32 : i32, i32
  }
  func.func @transform_1(%arg0: i32) -> (i32, i32) {
    %c0_i32 = arith.constant 0 : i32
    %c0_i32_0 = arith.constant 0 : i32
    %c0_i32_1 = arith.constant 0 : i32
    return %c0_i32, %c0_i32_0 : i32, i32
  }
  func.func @transform_3(%arg0: i32) -> (i32, i32) {
    %add3A = arith.constant 40 : i32
    %add3A_0 = arith.addi %add3A, %arg0 : i32
    %c0_i32 = arith.constant 0 : i32
    %c0_i32_1 = arith.constant 0 : i32
    return %add3A_0, %c0_i32 : i32, i32
  }
}

</mosaic_0001>

<sc_bundles>
// kernel: kernel.12.cloned.1.call-start
scs
__scs_entry_jumppad:
0x0: {  	(pc) =	sbr.rel $0x88, $3  }
0x1: {  	(tag) =	ssettag $0x0;
	lr =	simm.s32 $0x1  }
0x2: {  	[smem:$0x3F9E] =	sst lr;
	_ =	strace $0xD0000000  }
0x3: {  	_ = 	snop  }
0x4: {  	_ = 	snop  }
0x5: {  	_ = 	snop  }
0x6: {  	_ = 	snop  }
0x7: {  	_ = 	snop  }
__scs_overlays_trampoline_lowered:
0x8: {  	[smem:$0x3FAD] =	sst s0  }
0x9: {  	[smem:$0x3FAE] =	sst s1  }
0xa: {  	[smem:$0x3FAF] =	sst s2  }
0xb: {  	[smem:$0x3FB0] =	sst s3  }
0xc: {  	[smem:$0x3FB1] =	sst s4  }
0xd: {  	[smem:$0x3FB2] =	sst s5  }
0xe: {  	[smem:$0x3FB3] =	sst s6  }
0xf: {  	[smem:$0x3FB4] =	sst s7  }
0x10: {  	[smem:$0x3FB5] =	sst s8  }
0x11: {  	[smem:$0x3FB6] =	sst s9;
	s0 =	simm.s32 @!p0 $0x0  }
0x12: {  	s1 =	sld [smem:$0x3F9C];
	s0 =	simm.s32 @p0 $0x1  }
0x13: {  	[smem:$0x3FB7] =	sst s0;
	s0 =	simm.s32 @!p1 $0x0  }
0x14: {  	s2 =	sld [smem:$0x3F9B];
	s0 =	simm.s32 @p1 $0x1  }
0x15: {  	[smem:$0x3FB8] =	sst s0;
	s0 =	simm.s32 @!p2 $0x0  }
0x16: {  	s3 =	sld [smem:$0x3FDB];
	s0 =	simm.s32 @p2 $0x1  }
0x17: {  	s4 =	simm.s32 $0x1BF5;
	[smem:$0x3FBA] =	sst s0  }
0x18: {  	s0 =	sld [smem:$0x3F9D];
	_ =	swait.ge [sflag:s4], $0x0  }
0x19: {  	s7 =	sld [smem:$0x3F9E]  }
0x1a: {  	s8 =	sadd.s32 $0xFFFFE003, lr  }
0x1b: {  	s9 =	sadd.s32 $0xFFFFFEF7, lr;
	s5 =	simm.s32 $0xFFFFFFFF;
	p2 =	slt.u32 s8, $0xFFFFF086  }
0x1c: {  	p1 =	slt.u32 s9, $0xF7A;
	s5 =	simm.s32 @!p2 $0x0  }
0x1d: {  	s5 =	simm.s32 @p1 $0x1;
	p0 =	seq.s32 s7, s2  }
0x1e: {  	s7 =	smul.u32 @!p0 $0xF7A, s2;
	p2 =	seq.s32 @!p0 s5, $0x0  }
0x1f: {  	s9 =	smul.u32 $0xF7A, s1;
	s8 =	simm.s32 @!p0 $0x1BF5;
	p2 =	por !p2, p0  }
0x20: {  	[sflag:s8] =	ssyncset.s32 @!p0 $0xFFFFF086;
	s6 =	sadd.s32 @!p0 s3, s7;
	s7 =	simm.s32 @!p0 $0x108  }
0x21: {  	s3 =	sadd.s32 s3, s9;
	s6 =	sadd.s32 @!p0 $0x88, s6;
	s7 =	simm.s32 @p2 $0x1082  }
0x22: {  	[simem:s7], [sflag:s8] =	dma.local @!p0 [hbm:s6], $0xF7A  }
0x23: {  	s9 =	sor.u32 $0xD0000000, s2;
	s6 =	simm.s32 $0x108;
	_ =	swait.ge @!p0 [sflag:s8], $0x0  }
0x24: {  	s3 =	sadd.s32 $0x88, s3;
	s6 =	simm.s32 @!p1 $0x1082;
	[sflag:s4] =	ssyncset.s32 $0xFFFFF086  }
0x25: {  	[simem:s6], [sflag:s4] =	dma.local [hbm:s3], $0xF7A  }
0x26: {  	[smem:$0x3F9E] =	sst s1;
	(tag) =	ssettag s2;
	_ =	strace s9  }
0x27: {  	s1 =	sld [smem:$0x3FAE]  }
0x28: {  	s2 =	sld [smem:$0x3FAF]  }
0x29: {  	s4 =	sld [smem:$0x3FB1]  }
0x2a: {  	p0 =	seq.s32 s5, $0x0;
	s5 =	sld [smem:$0x3FB2]  }
0x2b: {  	s6 =	sld [smem:$0x3FB3]  }
0x2c: {  	s7 =	sld [smem:$0x3FB4]  }
0x2d: {  	s3 =	simm.s32 $0x108;
	s8 =	sld [smem:$0x3FB5]  }
0x2e: {  	s3 =	simm.s32 @!p0 $0x1082;
	s9 =	sld [smem:$0x3FB6]  }
0x2f: {  	lr =	sadd.s32 s0, s3;
	s0 =	sld [smem:$0x3FAD]  }
0x30: {  	s3 =	sld [smem:$0x3FB0]  }
0x31: {  	[smem:$0x3FB9] =	sst s10  }
0x32: {  	s10 =	sld [smem:$0x3FB7];
	_ =	sdelay $0x3  }
0x33: {  	p0 =	seq.s32 s10, $0x1;
	s10 =	sld [smem:$0x3FB9];
	_ =	sdelay $0x3  }
0x34: {  	[smem:$0x3FB9] =	sst s10  }
0x35: {  	s10 =	sld [smem:$0x3FB8];
	_ =	sdelay $0x3  }
0x36: {  	p1 =	seq.s32 s10, $0x1;
	s10 =	sld [smem:$0x3FB9];
	_ =	sdelay $0x3  }
0x37: {  	[smem:$0x3FB9] =	sst s10  }
0x38: {  	s10 =	sld [smem:$0x3FBA]  }
0x39: {  	_ = 	snop;
	(pc) =	sbr.ind lr, $3  }
0x3a: {  	_ = 	snop  }
0x3b: {  	_ = 	snop  }
0x3c: {  	p2 =	seq.s32 s10, $0x1;
	s10 =	sld [smem:$0x3FB9]  }
0x3d: {  	_ =	shalt  }
0x3e: {  	_ =	shalt  }
0x3f: {  	_ =	shalt  }
0x40: {  	_ =	shalt  }
0x41: {  	_ =	shalt  }
0x42: {  	_ =	shalt  }
0x43: {  	_ =	shalt  }
0x44: {  	_ =	shalt  }
0x45: {  	_ =	shalt  }
0x46: {  	_ =	shalt  }
0x47: {  	_ =	shalt  }
0x48: {  	_ =	shalt  }
0x49: {  	_ =	shalt  }
0x4a: {  	_ =	shalt  }
0x4b: {  	_ =	shalt  }
0x4c: {  	_ =	shalt  }
0x4d: {  	_ =	shalt  }
0x4e: {  	_ =	shalt  }
0x4f: {  	_ =	shalt  }
0x50: {  	_ =	shalt  }
0x51: {  	_ =	shalt  }
0x52: {  	_ =	shalt  }
0x53: {  	_ =	shalt  }
0x54: {  	_ =	shalt  }
0x55: {  	_ =	shalt  }
0x56: {  	_ =	shalt  }
0x57: {  	_ =	shalt  }
0x58: {  	_ =	shalt  }
0x59: {  	_ =	shalt  }
0x5a: {  	_ =	shalt  }
0x5b: {  	_ =	shalt  }
0x5c: {  	_ =	shalt  }
0x5d: {  	_ =	shalt  }
0x5e: {  	_ =	shalt  }
0x5f: {  	_ =	shalt  }
0x60: {  	_ =	shalt  }
0x61: {  	_ =	shalt  }
0x62: {  	_ =	shalt  }
0x63: {  	_ =	shalt  }
0x64: {  	_ =	shalt  }
0x65: {  	_ =	shalt  }
0x66: {  	_ =	shalt  }
0x67: {  	_ =	shalt  }
0x68: {  	_ =	shalt  }
0x69: {  	_ =	shalt  }
0x6a: {  	_ =	shalt  }
0x6b: {  	_ =	shalt  }
0x6c: {  	_ =	shalt  }
0x6d: {  	_ =	shalt  }
0x6e: {  	_ =	shalt  }
0x6f: {  	_ =	shalt  }
0x70: {  	_ =	shalt  }
0x71: {  	_ =	shalt  }
0x72: {  	_ =	shalt  }
0x73: {  	_ =	shalt  }
0x74: {  	_ =	shalt  }
0x75: {  	_ =	shalt  }
0x76: {  	_ =	shalt  }
0x77: {  	_ =	shalt  }
0x78: {  	_ =	shalt  }
0x79: {  	_ =	shalt  }
0x7a: {  	_ =	shalt  }
0x7b: {  	_ =	shalt  }
0x7c: {  	_ =	shalt  }
0x7d: {  	_ =	shalt  }
0x7e: {  	_ =	shalt  }
0x7f: {  	_ =	shalt  }
0x80: {  	_ =	shalt  }
0x81: {  	_ =	shalt  }
0x82: {  	_ =	shalt  }
0x83: {  	_ =	shalt  }
0x84: {  	_ =	shalt  }
0x85: {  	_ =	shalt  }
0x86: {  	_ =	shalt  }
0x87: {  	_ =	shalt  }
.Lfunc_end0:
.L_simem_size_0:
called_computation_lowered:
.L_overlay_start_0:
0x88: {  	s2 =	sld [smem:$0x3FD9]  }
0x89: {  	s3 =	sld [smem:$0x3FFE];
	_ =	sdelay $0x1  }
0x8a: {  	s1 =	srdreg.scid  }
0x8b: {  	s0 =	sand.u32 $0x1, s1  }
0x8c: {  	s17 =	sshll.u32 s0, $0xA;
	s2 =	sadd.s32 s3, s2  }
0x8d: {  	s2 =	sadd.s32 s2, s17  }
0x8e: {  	[smem:$0x3FC5] =	sst s2  }
0x8f: {  	_ = 	snop  }
0x90: {  	s2 =	sld [smem:$0x3FD0];
	(tm) =	ssettm $0x1  }
0x91: {  	s18 =	sld [smem:$0x3FFB];
	_ =	sdelay $0x3  }
0x92: {  	_ =	strace s18  }
0x93: {  	s3 =	sld [smem:$0x3FFC];
	_ =	sdelay $0x3  }
0x94: {  	_ =	strace s3  }
0x95: {  	s3 =	sld [smem:$0x3FFD];
	_ =	sdelay $0x3  }
0x96: {  	_ =	strace s3  }
0x97: {  	_ =	strace $0x8FFFFFFF  }
0x98: {  	s19 =	sld [smem:$0x3FDB];
	_ =	sdelay $0x1  }
0x99: {  	s4 =	simm.s32 $_scs_section_size  }
0x9a: {  	s5 =	simm.s32 $_size__tile_overlayer_lowered;
	s6 =	simm.s32 $_tile_overlayer_lowered  }
0x9b: {  	s22 =	simm.s32 $0x1BFF;
	s21 =	sshll.u32 s6, $0x1;
	s3 =	sadd.s32 s4, s19  }
0x9c: {  	s7 =	simm.s32 $0x0;
	s20 =	sshll.u32 s5, $0x1;
	s5 =	sadd.s32 s21, s3  }
0x9d: {  	[timem:s7], [sflag:s22] =	dma.local [hbm:s5], s20  }
0x9e: {  	_ =	swait.ge [sflag:s22], s20  }
0x9f: {  	s4 =	ssub.s32 $0x0, s20;
	[sflag:s22] =	ssyncset.done $0x0  }
0xa0: {  	[sflag:s22] =	ssyncadd.s32 s4;
	_ =	sdelay $0x1  }
0xa1: {  	s23 =	simm.s32 $0x1B8B  }
0xa2: {  	_ =	swait.ge [sflag:s23], $0x1  }
0xa3: {  	[sflag:s23] =	ssyncset.done $0x0  }
0xa4: {  	s25 =	simm.s32 $0x1B8E;
	s24 =	sld [smem:$0x3FFE];
	[sflag:s23] =	ssyncadd.s32 $0xFFFFFFFF  }
0xa5: {  	s26 =	simm.s32 $execute0_lowered;
	[smem:$0x3FD2] =	sst s25  }
0xa6: {  	s5 =	sshll.u32 s26, $0x1;
	_ =	strace $0x80000046;
	[dreg:$0x1] =	wrdreg $0xFFFFFFFF  }
0xa7: {  	s28 =	simm.s32 $_size_execute0_lowered;
	s3 =	sadd.s32 s3, s5;
	[dreg:$0x0] =	wrdreg $0x0  }
0xa8: {  	s5 =	sshll.u32 s28, $0x1;
	[dreg:$0x2] =	wrdreg s3  }
0xa9: {  	[dreg:$0x3] =	wrdreg s5  }
0xaa: {  	[dreg:$0x4] =	wrdreg $0xC0  }
0xab: {  	_ =	task [dreg:s7], $0x5FFFF  }
0xac: {  	[dreg:$0x1] =	wrdreg $0xFFFFFFFF  }
0xad: {  	[dreg:$0x0] =	wrdreg $0x60  }
0xae: {  	[dreg:$0x2] =	wrdreg s24  }
0xaf: {  	[dreg:$0x3] =	wrdreg s2  }
0xb0: {  	[dreg:$0x4] =	wrdreg $0x9  }
0xb1: {  	_ =	task.clear_ibuf [dreg:s7], $0x5FFFF;
	_ =	strace $0x90000046  }
0xb2: {  	s29 =	simm.s32 $0x9;
	_ =	strace $0x80000048  }
0xb3: {  	_ =	swait.ge [sflag:s29], $0x1  }
0xb4: {  	[sflag:s29] =	ssyncadd.s32 $0xFFFFFFFF  }
0xb5: {  	_ =	strace $0x90000048  }
0xb6: {  	_ =	sfence  }
0xb7: {  	s30 =	sld [smem:$0x0];
	_ =	sdelay $0x2  }
0xb8: {  	s31 =	sshll.u32 s1, $0xD;
	s1 =	sshrl.u32 s1, $0x2  }
0xb9: {  	s3 =	sand.u32 $0x4000, s31;
	s1 =	sadd.s32 s1, s30  }
0xba: {  	s0 =	sor.u32 s3, s0;
	s1 =	sshll.u32 s1, $0x11  }
0xbb: {  	s0 =	sor.u32 s1, s0  }
0xbc: {  	s0 =	sadd.s32 $0x8F2B, s0  }
0xbd: {  	[sflag:s0] =	ssyncadd.remote.s32 $0x1  }
0xbe: {  	_ =	sfence.sel $0xFFFF  }
0xbf: {  	[dreg:$0x0] =	wrdreg $0xFFFFFFFF;
	(pc) =	sbr.abs _section_cstart, $3  }
0xc0: {  	[dreg:$0x1] =	wrdreg $0xFFFFFFFF  }
0xc1: {  	_ =	task.clear_ibuf [dreg:s7], $0x2FFFF;
	_ =	strace $0x9FFFFFFF  }
0xc2: {  	(tm) =	ssettm $0x7FFFFFFF  }
0xc3: {  	_ =	shalt  }
tec
execute0_lowered:
.L_overlay_start_1:
0x0: {  	(tag) =	ssettag $0x1  }
0x1: {  	s1 =	srdreg.scid;
	s5 =	rddreg [dreg:$0x0]  }
0x2: {  	s0 =	stileid.u32;
	s6 =	rddreg [dreg:$0x1];
	s2 =	simm.s32 $0x0  }
0x3: {  	s13 =	simm.s32 $0x5400;
	s14 =	simm.s32 $0x7400;
	s15 =	simm.s32 $0x9400  }
0x4: {  	s16 =	simm.s32 $0xB400;
	s17 =	simm.s32 $0xD400;
	s18 =	simm.s32 $0xF400  }
0x5: {  	s19 =	simm.s32 $0x1;
	s20 =	simm.s32 $0x40;
	s8 =	smul.u32 $0x14000, s0  }
0x6: {  	s21 =	simm.s32 $0x0;
	s4 =	sand.u32 $0x1, s1;
	s12 =	smul.u32 $0x50, s0  }
0x7: {  	s30 =	sshll.u32 s0, $0x1;
	[smem:$0x7FF] =	sst s2;
	s10 =	smul.u32 $0xA000, s4  }
0x8: {  	s3 =	sadd.s32 $0xF57C00, s5;
	s1 =	sor.u32 s4, s30;
	s31 =	smul.u32 $0x28, s4  }
0x9: {  	s9 =	ssub.s32 $0x2, s4;
	s4 =	sadd.s32 $0x15800, s5;
	s7 =	smul.u32 $0x280, s1  }
0xa: {  	s1 =	rddreg [dreg:$0x2];
	_ =	strace $0x80000047;
	s11 =	sshrl.u32 s9, $0x1  }
0xb: {  	s9 =	ssub.s32 s9, s11;
	s11 =	simm.s32 $0x1400;
	s5 =	sadd.s32 s6, s7  }
0xc: {  	s6 =	smax.u32 s9, $0x1;
	s7 =	sadd.s32 s10, s8;
	s8 =	sadd.s32 s31, s12  }
0xd: {  	s9 =	simm.s32 $0x2;
	s10 =	simm.s32 $0x80;
	s12 =	simm.s32 $0x3400  }
.LBB2_1:
0xe: {  	[tilespmem:s2], [sflag:$0x2] =	stream.linear.gather [hbm4b:s5+s2], $0x1400, $0x38;
	[tilespmem:$0x11400] =	vst v63  }
0xf: {  	_ =	swait.ge [sflag:s9], $0x1400  }
0x10: {  	[sflag:s9] =	ssyncset.done $0x0  }
0x11: {  	s22 =	simm.s32 $0x0;
	[sflag:s9] =	ssyncadd.s32 $0xFFFFEC00  }
0x12: {  	[tilespmem:s11], [sflag:$0x1] =	stream.indirect.gather [hbm4b:s3+s10], $0x40, s22, s10, $0xb8;
	[tilespmem:$0x11400] =	vst v63  }
0x13: {  	s23 =	simm.s32 $0x80  }
0x14: {  	[tilespmem:s12], [sflag:$0x1] =	stream.indirect.gather [hbm4b:s3+s10], $0x40, s23, s10, $0xb8;
	[tilespmem:$0x11400] =	vst v63  }
0x15: {  	s24 =	simm.s32 $0x100  }
0x16: {  	[tilespmem:s13], [sflag:$0x1] =	stream.indirect.gather [hbm4b:s3+s10], $0x40, s24, s10, $0xb8;
	[tilespmem:$0x11400] =	vst v63  }
0x17: {  	s25 =	simm.s32 $0x180  }
0x18: {  	[tilespmem:s14], [sflag:$0x1] =	stream.indirect.gather [hbm4b:s3+s10], $0x40, s25, s10, $0xb8;
	[tilespmem:$0x11400] =	vst v63  }
0x19: {  	s26 =	simm.s32 $0x200  }
0x1a: {  	[tilespmem:s15], [sflag:$0x1] =	stream.indirect.gather [hbm4b:s3+s10], $0x40, s26, s10, $0xb8;
	[tilespmem:$0x11400] =	vst v63  }
0x1b: {  	s28 =	simm.s32 $0x280  }
0x1c: {  	[tilespmem:s16], [sflag:$0x1] =	stream.indirect.gather [hbm4b:s3+s10], $0x40, s28, s10, $0xb8;
	[tilespmem:$0x11400] =	vst v63  }
0x1d: {  	s29 =	simm.s32 $0x300  }
0x1e: {  	[tilespmem:s17], [sflag:$0x1] =	stream.indirect.gather [hbm4b:s3+s10], $0x40, s29, s10, $0xb8;
	[tilespmem:$0x11400] =	vst v63  }
0x1f: {  	s30 =	simm.s32 $0x380  }
0x20: {  	[tilespmem:s18], [sflag:$0x1] =	stream.indirect.gather [hbm4b:s3+s10], $0x40, s30, s10, $0xb8;
	[tilespmem:$0x11400] =	vst v63  }
0x21: {  	_ =	swait.ge [sflag:s19], $0x2000  }
0x22: {  	[sflag:s19] =	ssyncset.done $0x0  }
0x23: {  	[sflag:s19] =	ssyncadd.s32 $0xFFFFE000  }
0x24: {  	_ =	swait.ge [sflag:s19], $0x2000  }
0x25: {  	[sflag:s19] =	ssyncset.done $0x0  }
0x26: {  	[sflag:s19] =	ssyncadd.s32 $0xFFFFE000  }
0x27: {  	_ =	swait.ge [sflag:s19], $0x2000  }
0x28: {  	[sflag:s19] =	ssyncset.done $0x0  }
0x29: {  	[sflag:s19] =	ssyncadd.s32 $0xFFFFE000  }
0x2a: {  	_ =	swait.ge [sflag:s19], $0x2000  }
0x2b: {  	[sflag:s19] =	ssyncset.done $0x0  }
0x2c: {  	[sflag:s19] =	ssyncadd.s32 $0xFFFFE000  }
0x2d: {  	_ =	swait.ge [sflag:s19], $0x2000  }
0x2e: {  	[sflag:s19] =	ssyncset.done $0x0  }
0x2f: {  	[sflag:s19] =	ssyncadd.s32 $0xFFFFE000  }
0x30: {  	_ =	swait.ge [sflag:s19], $0x2000  }
0x31: {  	[sflag:s19] =	ssyncset.done $0x0  }
0x32: {  	[sflag:s19] =	ssyncadd.s32 $0xFFFFE000  }
0x33: {  	_ =	swait.ge [sflag:s19], $0x2000  }
0x34: {  	[sflag:s19] =	ssyncset.done $0x0  }
0x35: {  	[sflag:s19] =	ssyncadd.s32 $0xFFFFE000  }
0x36: {  	s31 =	sand.u32 $0x8, s8;
	_ =	swait.ge [sflag:s19], $0x2000  }
0x37: {  	s22 =	sadd.s32 s4, s31;
	s23 =	sand.u32 $0xFFFC000, s7;
	[sflag:s19] =	ssyncset.done $0x0  }
0x38: {  	s22 =	sadd.s32 s23, s22;
	[sflag:s19] =	ssyncadd.s32 $0xFFFFE000  }
0x39: {  	[hbm4b:s22+s20] =	stream.strided.scatter [tilespmem:s11], [sflag:$0x2], $0x10000, s10, s20, $0x38;
	[tilespmem:$0x11400] =	vst v63  }
0x3a: {  	s23 =	sadd.s32 $0x8, s8;
	s24 =	simm.s32 $0x1000;
	_ =	swait.ge [sflag:s9], $0x10000  }
0x3b: {  	s26 =	simm.s32 $0x2000;
	s22 =	sadd.s32 $0x2000, s7;
	[sflag:s9] =	ssyncset.done $0x0  }
.LBB2_2:
0x3c: {  	s28 =	sshra.s32 s24, $0x2  }
0x3d: {  	[sflag:s9] =	ssyncadd.s32 $0xFFFF0000;
	s24 =	smov.u32 s26;
	s25 =	sadd.s32 $0x1000, s26  }
0x3e: {  	[tilespmem:s11], [sflag:$0x1] =	stream.indirect.gather [hbm4b:s3+s10], $0x40, s28, s10, $0xb8;
	[tilespmem:$0x11400] =	vst v63  }
0x3f: {  	p0 =	sne.s32 s26, $0x4000;
	s26 =	sadd.s32 $0x80, s28  }
0x40: {  	[tilespmem:s12], [sflag:$0x1] =	stream.indirect.gather [hbm4b:s3+s10], $0x40, s26, s10, $0xb8;
	[tilespmem:$0x11400] =	vst v63  }
0x41: {  	s26 =	sadd.s32 $0x100, s28  }
0x42: {  	[tilespmem:s13], [sflag:$0x1] =	stream.indirect.gather [hbm4b:s3+s10], $0x40, s26, s10, $0xb8;
	[tilespmem:$0x11400] =	vst v63  }
0x43: {  	s26 =	sadd.s32 $0x180, s28  }
0x44: {  	[tilespmem:s14], [sflag:$0x1] =	stream.indirect.gather [hbm4b:s3+s10], $0x40, s26, s10, $0xb8;
	[tilespmem:$0x11400] =	vst v63  }
0x45: {  	s26 =	sadd.s32 $0x200, s28  }
0x46: {  	[tilespmem:s15], [sflag:$0x1] =	stream.indirect.gather [hbm4b:s3+s10], $0x40, s26, s10, $0xb8;
	[tilespmem:$0x11400] =	vst v63  }
0x47: {  	s26 =	sadd.s32 $0x280, s28  }
0x48: {  	[tilespmem:s16], [sflag:$0x1] =	stream.indirect.gather [hbm4b:s3+s10], $0x40, s26, s10, $0xb8;
	[tilespmem:$0x11400] =	vst v63  }
0x49: {  	s26 =	sadd.s32 $0x300, s28  }
0x4a: {  	[tilespmem:s17], [sflag:$0x1] =	stream.indirect.gather [hbm4b:s3+s10], $0x40, s26, s10, $0xb8;
	[tilespmem:$0x11400] =	vst v63  }
0x4b: {  	s26 =	sadd.s32 $0x380, s28  }
0x4c: {  	[tilespmem:s18], [sflag:$0x1] =	stream.indirect.gather [hbm4b:s3+s10], $0x40, s26, s10, $0xb8;
	[tilespmem:$0x11400] =	vst v63  }
0x4d: {  	_ =	swait.ge [sflag:s19], $0x2000  }
0x4e: {  	[sflag:s19] =	ssyncset.done $0x0  }
0x4f: {  	[sflag:s19] =	ssyncadd.s32 $0xFFFFE000  }
0x50: {  	_ =	swait.ge [sflag:s19], $0x2000  }
0x51: {  	[sflag:s19] =	ssyncset.done $0x0  }
0x52: {  	[sflag:s19] =	ssyncadd.s32 $0xFFFFE000  }
0x53: {  	_ =	swait.ge [sflag:s19], $0x2000  }
0x54: {  	[sflag:s19] =	ssyncset.done $0x0  }
0x55: {  	[sflag:s19] =	ssyncadd.s32 $0xFFFFE000  }
0x56: {  	_ =	swait.ge [sflag:s19], $0x2000  }
0x57: {  	[sflag:s19] =	ssyncset.done $0x0  }
0x58: {  	[sflag:s19] =	ssyncadd.s32 $0xFFFFE000  }
0x59: {  	_ =	swait.ge [sflag:s19], $0x2000  }
0x5a: {  	[sflag:s19] =	ssyncset.done $0x0  }
0x5b: {  	[sflag:s19] =	ssyncadd.s32 $0xFFFFE000  }
0x5c: {  	_ =	swait.ge [sflag:s19], $0x2000  }
0x5d: {  	[sflag:s19] =	ssyncset.done $0x0  }
0x5e: {  	[sflag:s19] =	ssyncadd.s32 $0xFFFFE000  }
0x5f: {  	_ =	swait.ge [sflag:s19], $0x2000  }
0x60: {  	[sflag:s19] =	ssyncset.done $0x0  }
0x61: {  	[sflag:s19] =	ssyncadd.s32 $0xFFFFE000  }
0x62: {  	s28 =	sand.u32 $0x8, s23;
	s26 =	sand.u32 $0xFFFC000, s22;
	_ =	swait.ge [sflag:s19], $0x2000  }
.Ltmp0:
0x63: {  	s28 =	sadd.s32 s4, s28;
	[sflag:s19] =	ssyncset.done $0x0;
	(pc) =	sbr.rel @p0 .LBB2_2-.Ltmp0, $4  }
0x64: {  	s26 =	sadd.s32 s26, s28;
	[sflag:s19] =	ssyncadd.s32 $0xFFFFE000  }
0x65: {  	[hbm4b:s26+s20] =	stream.strided.scatter [tilespmem:s11], [sflag:$0x2], $0x10000, s10, s20, $0x38;
	[tilespmem:$0x11400] =	vst v63  }
0x66: {  	s23 =	sadd.s32 $0x8, s23;
	_ =	swait.ge [sflag:s9], $0x10000  }
0x67: {  	s22 =	sadd.s32 $0x2000, s22;
	s26 =	smov.u32 s25;
	[sflag:s9] =	ssyncset.done $0x0  }
0x68: {  	s24 =	sshra.s32 s24, $0x2;
	[sflag:s9] =	ssyncadd.s32 $0xFFFF0000  }
0x69: {  	[tilespmem:s11], [sflag:$0x1] =	stream.indirect.gather [hbm4b:s3+s10], $0x40, s24, s10, $0xb8;
	[tilespmem:$0x11400] =	vst v63  }
0x6a: {  	s25 =	sadd.s32 $0x80, s24  }
0x6b: {  	[tilespmem:s12], [sflag:$0x1] =	stream.indirect.gather [hbm4b:s3+s10], $0x40, s25, s10, $0xb8;
	[tilespmem:$0x11400] =	vst v63  }
0x6c: {  	s26 =	sadd.s32 $0x100, s24  }
0x6d: {  	[tilespmem:s13], [sflag:$0x1] =	stream.indirect.gather [hbm4b:s3+s10], $0x40, s26, s10, $0xb8;
	[tilespmem:$0x11400] =	vst v63  }
0x6e: {  	s28 =	sadd.s32 $0x180, s24  }
0x6f: {  	[tilespmem:s14], [sflag:$0x1] =	stream.indirect.gather [hbm4b:s3+s10], $0x40, s28, s10, $0xb8;
	[tilespmem:$0x11400] =	vst v63  }
0x70: {  	s29 =	sadd.s32 $0x200, s24  }
0x71: {  	[tilespmem:s15], [sflag:$0x1] =	stream.indirect.gather [hbm4b:s3+s10], $0x40, s29, s10, $0xb8;
	[tilespmem:$0x11400] =	vst v63  }
0x72: {  	s30 =	sadd.s32 $0x280, s24  }
0x73: {  	[tilespmem:s16], [sflag:$0x1] =	stream.indirect.gather [hbm4b:s3+s10], $0x40, s30, s10, $0xb8;
	[tilespmem:$0x11400] =	vst v63  }
0x74: {  	s31 =	sadd.s32 $0x300, s24  }
0x75: {  	[tilespmem:s17], [sflag:$0x1] =	stream.indirect.gather [hbm4b:s3+s10], $0x40, s31, s10, $0xb8;
	[tilespmem:$0x11400] =	vst v63  }
0x76: {  	s24 =	sadd.s32 $0x380, s24  }
0x77: {  	[tilespmem:s18], [sflag:$0x1] =	stream.indirect.gather [hbm4b:s3+s10], $0x40, s24, s10, $0xb8;
	[tilespmem:$0x11400] =	vst v63  }
0x78: {  	_ =	swait.ge [sflag:s19], $0x2000  }
0x79: {  	[sflag:s19] =	ssyncset.done $0x0  }
0x7a: {  	[sflag:s19] =	ssyncadd.s32 $0xFFFFE000  }
0x7b: {  	_ =	swait.ge [sflag:s19], $0x2000  }
0x7c: {  	[sflag:s19] =	ssyncset.done $0x0  }
0x7d: {  	[sflag:s19] =	ssyncadd.s32 $0xFFFFE000  }
0x7e: {  	_ =	swait.ge [sflag:s19], $0x2000  }
0x7f: {  	[sflag:s19] =	ssyncset.done $0x0  }
0x80: {  	[sflag:s19] =	ssyncadd.s32 $0xFFFFE000  }
0x81: {  	_ =	swait.ge [sflag:s19], $0x2000  }
0x82: {  	[sflag:s19] =	ssyncset.done $0x0  }
0x83: {  	[sflag:s19] =	ssyncadd.s32 $0xFFFFE000  }
0x84: {  	_ =	swait.ge [sflag:s19], $0x2000  }
0x85: {  	[sflag:s19] =	ssyncset.done $0x0  }
0x86: {  	[sflag:s19] =	ssyncadd.s32 $0xFFFFE000  }
0x87: {  	_ =	swait.ge [sflag:s19], $0x2000  }
0x88: {  	[sflag:s19] =	ssyncset.done $0x0  }
0x89: {  	[sflag:s19] =	ssyncadd.s32 $0xFFFFE000  }
0x8a: {  	_ =	swait.ge [sflag:s19], $0x2000  }
0x8b: {  	[sflag:s19] =	ssyncset.done $0x0  }
0x8c: {  	s23 =	sand.u32 $0x8, s23;
	[sflag:s19] =	ssyncadd.s32 $0xFFFFE000  }
0x8d: {  	s22 =	sand.u32 $0xFFFC000, s22;
	s21 =	sadd.s32 $0x1, s21;
	_ =	swait.ge [sflag:s19], $0x2000  }
0x8e: {  	s23 =	sadd.s32 s4, s23;
	p0 =	sne.s32 s21, s6;
	[sflag:s19] =	ssyncset.done $0x0  }
.Ltmp1:
0x8f: {  	s22 =	sadd.s32 s22, s23;
	[sflag:s19] =	ssyncadd.s32 $0xFFFFE000;
	(pc) =	sbr.rel @p0 .LBB2_1-.Ltmp1, $4  }
0x90: {  	[hbm4b:s22+s20] =	stream.strided.scatter [tilespmem:s11], [sflag:$0x2], $0x10000, s10, s20, $0x38;
	[tilespmem:$0x11400] =	vst v63  }
0x91: {  	_ =	swait.ge [sflag:s9], $0x10000  }
0x92: {  	[sflag:s9] =	ssyncset.done $0x0  }
0x93: {  	[sflag:s9] =	ssyncadd.s32 $0xFFFF0000  }
0x94: {  	_ =	sfence.sel $0x180000  }
0x95: {  	[bflag:$0x0] =	sbarrier.arrive $0xFFFF  }
0x96: {  	p0 =	sne.s32 s0, $0x0;
	_ =	strace $0x90000047  }
0x97: {  	s0 =	sadd.s32 @!p0 $0x100000, s1;
	[bflag:$0x2] =	sbarrier.arrive $0xFFFF  }
0x98: {  	[sflag:s0] =	ssyncadd.tile.s32 @!p0 $0x1;
	_ =	shalt  }
.Lfunc_end2:
_tile_overlayer_lowered:
.L_overlay_start_2:
0x99: {  	(tag) =	ssettag $0x2  }
0x9a: {  	s0 =	rddreg [dreg:$0x0];
	s2 =	stileid.u32  }
0x9b: {  	s1 =	rddreg [dreg:$0x1];
	p0 =	sne.s32 s2, $0x0  }
0x9c: {  	s3 =	rddreg [dreg:$0x2];
	[bflag:$0x3] =	sbarrier.arrive $0xFFFF;
	s2 =	simm.s32 @!p0 $0x1C02  }
0x9d: {  	[timem:s3], [sflag:s2] =	dma.local @!p0 [hbm:s0], s1  }
0x9e: {  	s0 =	simm.s32 @!p0 $0x2  }
0x9f: {  	_ =	swait.ge @!p0 [sflag:s0], s1  }
0xa0: {  	s1 =	ssub.s32 @!p0 $0x0, s1;
	[sflag:s0] =	ssyncset.done @!p0 $0x0  }
0xa1: {  	[sflag:s0] =	ssyncadd.s32 @!p0 s1  }
0xa2: {  	[bflag:$0x3] =	sbarrier.arrive $0xFFFF  }
0xa3: {  	_ =	shalt  }

// kernel: kernel.15.cloned.1.call-start
scs
__scs_entry_jumppad:
0x0: {  	(pc) =	sbr.rel $0x88, $3  }
0x1: {  	(tag) =	ssettag $0x0;
	lr =	simm.s32 $0x1  }
0x2: {  	[smem:$0x3F9E] =	sst lr;
	_ =	strace $0xD0000000  }
0x3: {  	_ = 	snop  }
0x4: {  	_ = 	snop  }
0x5: {  	_ = 	snop  }
0x6: {  	_ = 	snop  }
0x7: {  	_ = 	snop  }
__scs_overlays_trampoline_lowered:
0x8: {  	[smem:$0x3FAD] =	sst s0  }
0x9: {  	[smem:$0x3FAE] =	sst s1  }
0xa: {  	[smem:$0x3FAF] =	sst s2  }
0xb: {  	[smem:$0x3FB0] =	sst s3  }
0xc: {  	[smem:$0x3FB1] =	sst s4  }
0xd: {  	[smem:$0x3FB2] =	sst s5  }
0xe: {  	[smem:$0x3FB3] =	sst s6  }
0xf: {  	[smem:$0x3FB4] =	sst s7  }
0x10: {  	[smem:$0x3FB5] =	sst s8  }
0x11: {  	[smem:$0x3FB6] =	sst s9;
	s0 =	simm.s32 @!p0 $0x0  }
0x12: {  	s1 =	sld [smem:$0x3F9C];
	s0 =	simm.s32 @p0 $0x1  }
0x13: {  	[smem:$0x3FB7] =	sst s0;
	s0 =	simm.s32 @!p1 $0x0  }
0x14: {  	s2 =	sld [smem:$0x3F9B];
	s0 =	simm.s32 @p1 $0x1  }
0x15: {  	[smem:$0x3FB8] =	sst s0;
	s0 =	simm.s32 @!p2 $0x0  }
0x16: {  	s3 =	sld [smem:$0x3FDB];
	s0 =	simm.s32 @p2 $0x1  }
0x17: {  	s4 =	simm.s32 $0x1BF5;
	[smem:$0x3FBA] =	sst s0  }
0x18: {  	s0 =	sld [smem:$0x3F9D];
	_ =	swait.ge [sflag:s4], $0x0  }
0x19: {  	s7 =	sld [smem:$0x3F9E]  }
0x1a: {  	s8 =	sadd.s32 $0xFFFFE003, lr  }
0x1b: {  	s9 =	sadd.s32 $0xFFFFFEF7, lr;
	s5 =	simm.s32 $0xFFFFFFFF;
	p2 =	slt.u32 s8, $0xFFFFF086  }
0x1c: {  	p1 =	slt.u32 s9, $0xF7A;
	s5 =	simm.s32 @!p2 $0x0  }
0x1d: {  	s5 =	simm.s32 @p1 $0x1;
	p0 =	seq.s32 s7, s2  }
0x1e: {  	s7 =	smul.u32 @!p0 $0xF7A, s2;
	p2 =	seq.s32 @!p0 s5, $0x0  }
0x1f: {  	s9 =	smul.u32 $0xF7A, s1;
	s8 =	simm.s32 @!p0 $0x1BF5;
	p2 =	por !p2, p0  }
0x20: {  	[sflag:s8] =	ssyncset.s32 @!p0 $0xFFFFF086;
	s6 =	sadd.s32 @!p0 s3, s7;
	s7 =	simm.s32 @!p0 $0x108  }
0x21: {  	s3 =	sadd.s32 s3, s9;
	s6 =	sadd.s32 @!p0 $0x88, s6;
	s7 =	simm.s32 @p2 $0x1082  }
0x22: {  	[simem:s7], [sflag:s8] =	dma.local @!p0 [hbm:s6], $0xF7A  }
0x23: {  	s9 =	sor.u32 $0xD0000000, s2;
	s6 =	simm.s32 $0x108;
	_ =	swait.ge @!p0 [sflag:s8], $0x0  }
0x24: {  	s3 =	sadd.s32 $0x88, s3;
	s6 =	simm.s32 @!p1 $0x1082;
	[sflag:s4] =	ssyncset.s32 $0xFFFFF086  }
0x25: {  	[simem:s6], [sflag:s4] =	dma.local [hbm:s3], $0xF7A  }
0x26: {  	[smem:$0x3F9E] =	sst s1;
	(tag) =	ssettag s2;
	_ =	strace s9  }
0x27: {  	s1 =	sld [smem:$0x3FAE]  }
0x28: {  	s2 =	sld [smem:$0x3FAF]  }
0x29: {  	s4 =	sld [smem:$0x3FB1]  }
0x2a: {  	p0 =	seq.s32 s5, $0x0;
	s5 =	sld [smem:$0x3FB2]  }
0x2b: {  	s6 =	sld [smem:$0x3FB3]  }
0x2c: {  	s7 =	sld [smem:$0x3FB4]  }
0x2d: {  	s3 =	simm.s32 $0x108;
	s8 =	sld [smem:$0x3FB5]  }
0x2e: {  	s3 =	simm.s32 @!p0 $0x1082;
	s9 =	sld [smem:$0x3FB6]  }
0x2f: {  	lr =	sadd.s32 s0, s3;
	s0 =	sld [smem:$0x3FAD]  }
0x30: {  	s3 =	sld [smem:$0x3FB0]  }
0x31: {  	[smem:$0x3FB9] =	sst s10  }
0x32: {  	s10 =	sld [smem:$0x3FB7];
	_ =	sdelay $0x3  }
0x33: {  	p0 =	seq.s32 s10, $0x1;
	s10 =	sld [smem:$0x3FB9];
	_ =	sdelay $0x3  }
0x34: {  	[smem:$0x3FB9] =	sst s10  }
0x35: {  	s10 =	sld [smem:$0x3FB8];
	_ =	sdelay $0x3  }
0x36: {  	p1 =	seq.s32 s10, $0x1;
	s10 =	sld [smem:$0x3FB9];
	_ =	sdelay $0x3  }
0x37: {  	[smem:$0x3FB9] =	sst s10  }
0x38: {  	s10 =	sld [smem:$0x3FBA]  }
0x39: {  	_ = 	snop;
	(pc) =	sbr.ind lr, $3  }
0x3a: {  	_ = 	snop  }
0x3b: {  	_ = 	snop  }
0x3c: {  	p2 =	seq.s32 s10, $0x1;
	s10 =	sld [smem:$0x3FB9]  }
0x3d: {  	_ =	shalt  }
0x3e: {  	_ =	shalt  }
0x3f: {  	_ =	shalt  }
0x40: {  	_ =	shalt  }
0x41: {  	_ =	shalt  }
0x42: {  	_ =	shalt  }
0x43: {  	_ =	shalt  }
0x44: {  	_ =	shalt  }
0x45: {  	_ =	shalt  }
0x46: {  	_ =	shalt  }
0x47: {  	_ =	shalt  }
0x48: {  	_ =	shalt  }
0x49: {  	_ =	shalt  }
0x4a: {  	_ =	shalt  }
0x4b: {  	_ =	shalt  }
0x4c: {  	_ =	shalt  }
0x4d: {  	_ =	shalt  }
0x4e: {  	_ =	shalt  }
0x4f: {  	_ =	shalt  }
0x50: {  	_ =	shalt  }
0x51: {  	_ =	shalt  }
0x52: {  	_ =	shalt  }
0x53: {  	_ =	shalt  }
0x54: {  	_ =	shalt  }
0x55: {  	_ =	shalt  }
0x56: {  	_ =	shalt  }
0x57: {  	_ =	shalt  }
0x58: {  	_ =	shalt  }
0x59: {  	_ =	shalt  }
0x5a: {  	_ =	shalt  }
0x5b: {  	_ =	shalt  }
0x5c: {  	_ =	shalt  }
0x5d: {  	_ =	shalt  }
0x5e: {  	_ =	shalt  }
0x5f: {  	_ =	shalt  }
0x60: {  	_ =	shalt  }
0x61: {  	_ =	shalt  }
0x62: {  	_ =	shalt  }
0x63: {  	_ =	shalt  }
0x64: {  	_ =	shalt  }
0x65: {  	_ =	shalt  }
0x66: {  	_ =	shalt  }
0x67: {  	_ =	shalt  }
0x68: {  	_ =	shalt  }
0x69: {  	_ =	shalt  }
0x6a: {  	_ =	shalt  }
0x6b: {  	_ =	shalt  }
0x6c: {  	_ =	shalt  }
0x6d: {  	_ =	shalt  }
0x6e: {  	_ =	shalt  }
0x6f: {  	_ =	shalt  }
0x70: {  	_ =	shalt  }
0x71: {  	_ =	shalt  }
0x72: {  	_ =	shalt  }
0x73: {  	_ =	shalt  }
0x74: {  	_ =	shalt  }
0x75: {  	_ =	shalt  }
0x76: {  	_ =	shalt  }
0x77: {  	_ =	shalt  }
0x78: {  	_ =	shalt  }
0x79: {  	_ =	shalt  }
0x7a: {  	_ =	shalt  }
0x7b: {  	_ =	shalt  }
0x7c: {  	_ =	shalt  }
0x7d: {  	_ =	shalt  }
0x7e: {  	_ =	shalt  }
0x7f: {  	_ =	shalt  }
0x80: {  	_ =	shalt  }
0x81: {  	_ =	shalt  }
0x82: {  	_ =	shalt  }
0x83: {  	_ =	shalt  }
0x84: {  	_ =	shalt  }
0x85: {  	_ =	shalt  }
0x86: {  	_ =	shalt  }
0x87: {  	_ =	shalt  }
.Lfunc_end0:
.L_simem_size_0:
called_computation.1_lowered:
.L_overlay_start_0:
0x88: {  	s2 =	sld [smem:$0x3FD9]  }
0x89: {  	s3 =	sld [smem:$0x3FFE];
	_ =	sdelay $0x1  }
0x8a: {  	s1 =	srdreg.scid  }
0x8b: {  	s0 =	sand.u32 $0x1, s1  }
0x8c: {  	s17 =	sshll.u32 s0, $0xA;
	s2 =	sadd.s32 s3, s2  }
0x8d: {  	s2 =	sadd.s32 s2, s17  }
0x8e: {  	[smem:$0x3FC5] =	sst s2  }
0x8f: {  	_ = 	snop  }
0x90: {  	(tm) =	ssettm $0x1  }
0x91: {  	s18 =	sld [smem:$0x3FFB];
	_ =	sdelay $0x3  }
0x92: {  	_ =	strace s18  }
0x93: {  	s2 =	sld [smem:$0x3FFC];
	_ =	sdelay $0x3  }
0x94: {  	_ =	strace s2  }
0x95: {  	s2 =	sld [smem:$0x3FFD];
	_ =	sdelay $0x3  }
0x96: {  	_ =	strace s2  }
0x97: {  	_ =	strace $0x8FFFFFFF  }
0x98: {  	s19 =	sld [smem:$0x3FDB];
	_ =	sdelay $0x1  }
0x99: {  	s20 =	simm.s32 $_scs_section_size  }
0x9a: {  	s4 =	simm.s32 $_size__tile_overlayer_lowered;
	s5 =	simm.s32 $_tile_overlayer_lowered  }
0x9b: {  	s6 =	simm.s32 $0x1BFF;
	s21 =	sshll.u32 s5, $0x1;
	s3 =	sadd.s32 s20, s19  }
0x9c: {  	s22 =	simm.s32 $0x0;
	s4 =	sshll.u32 s4, $0x1;
	s5 =	sadd.s32 s21, s3  }
0x9d: {  	[timem:s22], [sflag:s6] =	dma.local [hbm:s5], s4  }
0x9e: {  	_ =	swait.ge [sflag:s6], s4  }
0x9f: {  	s4 =	ssub.s32 $0x0, s4;
	[sflag:s6] =	ssyncset.done $0x0  }
0xa0: {  	[sflag:s6] =	ssyncadd.s32 s4;
	_ =	sdelay $0x1  }
0xa1: {  	s23 =	simm.s32 $0x1B8B  }
0xa2: {  	_ =	swait.ge [sflag:s23], $0x1  }
0xa3: {  	[sflag:s23] =	ssyncset.done $0x0  }
0xa4: {  	[sflag:s23] =	ssyncadd.s32 $0xFFFFFFFF  }
0xa5: {  	s4 =	sld [smem:$0x0]  }
0xa6: {  	s5 =	sand.u32 $0xFFFFFFFE, s1  }
0xa7: {  	p0 =	sne.s32 s1, s5  }
0xa8: {  	s5 =	sshll.u32 @p0 s5, $0xE  }
0xa9: {  	s5 =	sadd.s32 @p0 $0x11B8D, s5;
	s6 =	sshll.u32 @p0 s4, $0x11  }
0xaa: {  	s5 =	sor.u32 @p0 s6, s5  }
0xab: {  	[sflag:s5] =	ssyncadd.remote.s32 @p0 $0x1;
	_ =	sdelay $0x1  }
0xac: {  	s5 =	simm.s32 @p0 $0x1B8D  }
0xad: {  	_ =	swait.eq @p0 [sflag:s5], $0x1  }
0xae: {  	[sflag:s5] =	ssyncadd.s32 @p0 $0xFFFFFFFF  }
0xaf: {  	s6 =	sshll.u32 @!p0 s1, $0xE  }
0xb0: {  	s6 =	sor.u32 @!p0 $0x4000, s6;
	s5 =	simm.s32 @!p0 $0x1B8D  }
0xb1: {  	s4 =	sshll.u32 @!p0 s4, $0x11;
	s6 =	sadd.s32 @!p0 $0x11B8D, s6;
	_ =	swait.eq @!p0 [sflag:s5], $0x1  }
0xb2: {  	s4 =	sor.u32 @!p0 s4, s6;
	[sflag:s5] =	ssyncadd.s32 @!p0 $0xFFFFFFFF  }
0xb3: {  	s25 =	simm.s32 $0x1B8E;
	s24 =	sld [smem:$0x3FFE];
	[sflag:s4] =	ssyncadd.remote.s32 @!p0 $0x1  }
0xb4: {  	s26 =	simm.s32 $execute0_lowered;
	[smem:$0x3FD2] =	sst s25  }
0xb5: {  	s5 =	sshll.u32 s26, $0x1;
	_ =	strace $0x80000049;
	[dreg:$0x1] =	wrdreg $0xFFFFFFFF  }
0xb6: {  	s28 =	simm.s32 $_size_execute0_lowered;
	s3 =	sadd.s32 s3, s5;
	[dreg:$0x0] =	wrdreg $0x0  }
0xb7: {  	s5 =	sshll.u32 s28, $0x1;
	[dreg:$0x2] =	wrdreg s3  }
0xb8: {  	[dreg:$0x3] =	wrdreg s5  }
0xb9: {  	[dreg:$0x4] =	wrdreg $0xC0  }
0xba: {  	_ =	task [dreg:s22], $0x5FFFF  }
0xbb: {  	[dreg:$0x1] =	wrdreg $0xFFFFFFFF  }
0xbc: {  	[dreg:$0x0] =	wrdreg $0x60  }
0xbd: {  	[dreg:$0x2] =	wrdreg s24  }
0xbe: {  	[dreg:$0x3] =	wrdreg $0xA  }
0xbf: {  	_ =	task.clear_ibuf [dreg:s22], $0x4FFFF;
	_ =	strace $0x90000049  }
0xc0: {  	s29 =	simm.s32 $0xA;
	_ =	strace $0x8000004B  }
0xc1: {  	_ =	swait.ge [sflag:s29], $0x1  }
0xc2: {  	[sflag:s29] =	ssyncadd.s32 $0xFFFFFFFF  }
0xc3: {  	_ =	strace $0x9000004B  }
0xc4: {  	_ =	sfence  }
0xc5: {  	s30 =	sld [smem:$0x0];
	_ =	sdelay $0x2  }
0xc6: {  	s31 =	sshll.u32 s1, $0xD;
	s1 =	sshrl.u32 s1, $0x2  }
0xc7: {  	s4 =	sand.u32 $0x4000, s31;
	s1 =	sadd.s32 s1, s30  }
0xc8: {  	s0 =	sor.u32 s4, s0;
	s1 =	sshll.u32 s1, $0x11  }
0xc9: {  	s0 =	sor.u32 s1, s0  }
0xca: {  	s0 =	sadd.s32 $0x8F2B, s0  }
0xcb: {  	[sflag:s0] =	ssyncadd.remote.s32 $0x1  }
0xcc: {  	_ =	sfence.sel $0xFFFF  }
0xcd: {  	[dreg:$0x0] =	wrdreg $0xFFFFFFFF;
	(pc) =	sbr.abs _section_cstart, $3  }
0xce: {  	[dreg:$0x1] =	wrdreg $0xFFFFFFFF  }
0xcf: {  	_ =	task.clear_ibuf [dreg:s22], $0x2FFFF;
	_ =	strace $0x9FFFFFFF  }
0xd0: {  	(tm) =	ssettm $0x7FFFFFFF  }
0xd1: {  	_ =	shalt  }
tec
execute0_lowered:
.L_overlay_start_1:
0x0: {  	(tag) =	ssettag $0x1  }
0x1: {  	s1 =	srdreg.scid;
	s0 =	stileid.u32  }
0x2: {  	s5 =	rddreg [dreg:$0x0];
	s2 =	simm.s32 $0x0;
	s12 =	simm.s32 $0x3400  }
0x3: {  	s13 =	simm.s32 $0x5400;
	s14 =	simm.s32 $0x7400;
	s15 =	simm.s32 $0x9400  }
0x4: {  	s16 =	simm.s32 $0xB400;
	s17 =	simm.s32 $0xD400;
	s18 =	simm.s32 $0xF400  }
0x5: {  	s19 =	simm.s32 $0x1;
	s20 =	simm.s32 $0x40;
	s7 =	smul.u32 $0x14000, s0  }
0x6: {  	s21 =	simm.s32 $0x0;
	s4 =	sand.u32 $0x1, s1;
	s11 =	smul.u32 $0x50, s0  }
0x7: {  	s30 =	sshll.u32 s0, $0x1;
	s1 =	rddreg [dreg:$0x1];
	s9 =	smul.u32 $0xA000, s4  }
0x8: {  	[smem:$0x7FF] =	sst s2;
	s3 =	sor.u32 s4, s30;
	s31 =	smul.u32 $0x28, s4  }
0x9: {  	_ =	strace $0x8000004A;
	s8 =	ssub.s32 $0x2, s4;
	s6 =	smul.u32 $0x280, s3  }
0xa: {  	s4 =	sadd.s32 $0x155800, s5;
	s3 =	sadd.s32 $0xF57C00, s5;
	s10 =	sshrl.u32 s8, $0x1  }
0xb: {  	s8 =	ssub.s32 s8, s10;
	s7 =	sadd.s32 s9, s7;
	s6 =	sadd.s32 s6, s5  }
0xc: {  	s9 =	simm.s32 $0x2;
	s10 =	simm.s32 $0x80;
	s5 =	sadd.s32 $0x1800, s6  }
0xd: {  	s6 =	smax.u32 s8, $0x1;
	s8 =	sadd.s32 s31, s11;
	s11 =	simm.s32 $0x1400  }
.LBB2_1:
0xe: {  	[tilespmem:s2], [sflag:$0x2] =	stream.linear.gather [hbm4b:s5+s2], $0x1400, $0x38;
	[tilespmem:$0x11400] =	vst v63  }
0xf: {  	_ =	swait.ge [sflag:s9], $0x1400  }
0x10: {  	[sflag:s9] =	ssyncset.done $0x0  }
0x11: {  	s22 =	simm.s32 $0x0;
	[sflag:s9] =	ssyncadd.s32 $0xFFFFEC00  }
0x12: {  	[tilespmem:s11], [sflag:$0x1] =	stream.indirect.gather [hbm4b:s3+s10], $0x40, s22, s10, $0xb8;
	[tilespmem:$0x11400] =	vst v63  }
0x13: {  	s23 =	simm.s32 $0x80  }
0x14: {  	[tilespmem:s12], [sflag:$0x1] =	stream.indirect.gather [hbm4b:s3+s10], $0x40, s23, s10, $0xb8;
	[tilespmem:$0x11400] =	vst v63  }
0x15: {  	s24 =	simm.s32 $0x100  }
0x16: {  	[tilespmem:s13], [sflag:$0x1] =	stream.indirect.gather [hbm4b:s3+s10], $0x40, s24, s10, $0xb8;
	[tilespmem:$0x11400] =	vst v63  }
0x17: {  	s25 =	simm.s32 $0x180  }
0x18: {  	[tilespmem:s14], [sflag:$0x1] =	stream.indirect.gather [hbm4b:s3+s10], $0x40, s25, s10, $0xb8;
	[tilespmem:$0x11400] =	vst v63  }
0x19: {  	s26 =	simm.s32 $0x200  }
0x1a: {  	[tilespmem:s15], [sflag:$0x1] =	stream.indirect.gather [hbm4b:s3+s10], $0x40, s26, s10, $0xb8;
	[tilespmem:$0x11400] =	vst v63  }
0x1b: {  	s28 =	simm.s32 $0x280  }
0x1c: {  	[tilespmem:s16], [sflag:$0x1] =	stream.indirect.gather [hbm4b:s3+s10], $0x40, s28, s10, $0xb8;
	[tilespmem:$0x11400] =	vst v63  }
0x1d: {  	s29 =	simm.s32 $0x300  }
0x1e: {  	[tilespmem:s17], [sflag:$0x1] =	stream.indirect.gather [hbm4b:s3+s10], $0x40, s29, s10, $0xb8;
	[tilespmem:$0x11400] =	vst v63  }
0x1f: {  	s30 =	simm.s32 $0x380  }
0x20: {  	[tilespmem:s18], [sflag:$0x1] =	stream.indirect.gather [hbm4b:s3+s10], $0x40, s30, s10, $0xb8;
	[tilespmem:$0x11400] =	vst v63  }
0x21: {  	_ =	swait.ge [sflag:s19], $0x2000  }
0x22: {  	[sflag:s19] =	ssyncset.done $0x0  }
0x23: {  	[sflag:s19] =	ssyncadd.s32 $0xFFFFE000  }
0x24: {  	_ =	swait.ge [sflag:s19], $0x2000  }
0x25: {  	[sflag:s19] =	ssyncset.done $0x0  }
0x26: {  	[sflag:s19] =	ssyncadd.s32 $0xFFFFE000  }
0x27: {  	_ =	swait.ge [sflag:s19], $0x2000  }
0x28: {  	[sflag:s19] =	ssyncset.done $0x0  }
0x29: {  	[sflag:s19] =	ssyncadd.s32 $0xFFFFE000  }
0x2a: {  	_ =	swait.ge [sflag:s19], $0x2000  }
0x2b: {  	[sflag:s19] =	ssyncset.done $0x0  }
0x2c: {  	[sflag:s19] =	ssyncadd.s32 $0xFFFFE000  }
0x2d: {  	_ =	swait.ge [sflag:s19], $0x2000  }
0x2e: {  	[sflag:s19] =	ssyncset.done $0x0  }
0x2f: {  	[sflag:s19] =	ssyncadd.s32 $0xFFFFE000  }
0x30: {  	_ =	swait.ge [sflag:s19], $0x2000  }
0x31: {  	[sflag:s19] =	ssyncset.done $0x0  }
0x32: {  	[sflag:s19] =	ssyncadd.s32 $0xFFFFE000  }
0x33: {  	_ =	swait.ge [sflag:s19], $0x2000  }
0x34: {  	[sflag:s19] =	ssyncset.done $0x0  }
0x35: {  	[sflag:s19] =	ssyncadd.s32 $0xFFFFE000  }
0x36: {  	s31 =	sand.u32 $0x8, s8;
	_ =	swait.ge [sflag:s19], $0x2000  }
0x37: {  	s22 =	sadd.s32 s4, s31;
	s23 =	sand.u32 $0xFFFC000, s7;
	[sflag:s19] =	ssyncset.done $0x0  }
0x38: {  	s22 =	sadd.s32 s23, s22;
	[sflag:s19] =	ssyncadd.s32 $0xFFFFE000  }
0x39: {  	[hbm4b:s22+s20] =	stream.strided.scatter [tilespmem:s11], [sflag:$0x2], $0x10000, s10, s20, $0x38;
	[tilespmem:$0x11400] =	vst v63  }
0x3a: {  	s23 =	sadd.s32 $0x8, s8;
	s24 =	simm.s32 $0x1000;
	_ =	swait.ge [sflag:s9], $0x10000  }
0x3b: {  	s26 =	simm.s32 $0x2000;
	s22 =	sadd.s32 $0x2000, s7;
	[sflag:s9] =	ssyncset.done $0x0  }
.LBB2_2:
0x3c: {  	s28 =	sshra.s32 s24, $0x2  }
0x3d: {  	[sflag:s9] =	ssyncadd.s32 $0xFFFF0000;
	s24 =	smov.u32 s26;
	s25 =	sadd.s32 $0x1000, s26  }
0x3e: {  	[tilespmem:s11], [sflag:$0x1] =	stream.indirect.gather [hbm4b:s3+s10], $0x40, s28, s10, $0xb8;
	[tilespmem:$0x11400] =	vst v63  }
0x3f: {  	p0 =	sne.s32 s26, $0x4000;
	s26 =	sadd.s32 $0x80, s28  }
0x40: {  	[tilespmem:s12], [sflag:$0x1] =	stream.indirect.gather [hbm4b:s3+s10], $0x40, s26, s10, $0xb8;
	[tilespmem:$0x11400] =	vst v63  }
0x41: {  	s26 =	sadd.s32 $0x100, s28  }
0x42: {  	[tilespmem:s13], [sflag:$0x1] =	stream.indirect.gather [hbm4b:s3+s10], $0x40, s26, s10, $0xb8;
	[tilespmem:$0x11400] =	vst v63  }
0x43: {  	s26 =	sadd.s32 $0x180, s28  }
0x44: {  	[tilespmem:s14], [sflag:$0x1] =	stream.indirect.gather [hbm4b:s3+s10], $0x40, s26, s10, $0xb8;
	[tilespmem:$0x11400] =	vst v63  }
0x45: {  	s26 =	sadd.s32 $0x200, s28  }
0x46: {  	[tilespmem:s15], [sflag:$0x1] =	stream.indirect.gather [hbm4b:s3+s10], $0x40, s26, s10, $0xb8;
	[tilespmem:$0x11400] =	vst v63  }
0x47: {  	s26 =	sadd.s32 $0x280, s28  }
0x48: {  	[tilespmem:s16], [sflag:$0x1] =	stream.indirect.gather [hbm4b:s3+s10], $0x40, s26, s10, $0xb8;
	[tilespmem:$0x11400] =	vst v63  }
0x49: {  	s26 =	sadd.s32 $0x300, s28  }
0x4a: {  	[tilespmem:s17], [sflag:$0x1] =	stream.indirect.gather [hbm4b:s3+s10], $0x40, s26, s10, $0xb8;
	[tilespmem:$0x11400] =	vst v63  }
0x4b: {  	s26 =	sadd.s32 $0x380, s28  }
0x4c: {  	[tilespmem:s18], [sflag:$0x1] =	stream.indirect.gather [hbm4b:s3+s10], $0x40, s26, s10, $0xb8;
	[tilespmem:$0x11400] =	vst v63  }
0x4d: {  	_ =	swait.ge [sflag:s19], $0x2000  }
0x4e: {  	[sflag:s19] =	ssyncset.done $0x0  }
0x4f: {  	[sflag:s19] =	ssyncadd.s32 $0xFFFFE000  }
0x50: {  	_ =	swait.ge [sflag:s19], $0x2000  }
0x51: {  	[sflag:s19] =	ssyncset.done $0x0  }
0x52: {  	[sflag:s19] =	ssyncadd.s32 $0xFFFFE000  }
0x53: {  	_ =	swait.ge [sflag:s19], $0x2000  }
0x54: {  	[sflag:s19] =	ssyncset.done $0x0  }
0x55: {  	[sflag:s19] =	ssyncadd.s32 $0xFFFFE000  }
0x56: {  	_ =	swait.ge [sflag:s19], $0x2000  }
0x57: {  	[sflag:s19] =	ssyncset.done $0x0  }
0x58: {  	[sflag:s19] =	ssyncadd.s32 $0xFFFFE000  }
0x59: {  	_ =	swait.ge [sflag:s19], $0x2000  }
0x5a: {  	[sflag:s19] =	ssyncset.done $0x0  }
0x5b: {  	[sflag:s19] =	ssyncadd.s32 $0xFFFFE000  }
0x5c: {  	_ =	swait.ge [sflag:s19], $0x2000  }
0x5d: {  	[sflag:s19] =	ssyncset.done $0x0  }
0x5e: {  	[sflag:s19] =	ssyncadd.s32 $0xFFFFE000  }
0x5f: {  	_ =	swait.ge [sflag:s19], $0x2000  }
0x60: {  	[sflag:s19] =	ssyncset.done $0x0  }
0x61: {  	[sflag:s19] =	ssyncadd.s32 $0xFFFFE000  }
0x62: {  	s28 =	sand.u32 $0x8, s23;
	s26 =	sand.u32 $0xFFFC000, s22;
	_ =	swait.ge [sflag:s19], $0x2000  }
.Ltmp0:
0x63: {  	s28 =	sadd.s32 s4, s28;
	[sflag:s19] =	ssyncset.done $0x0;
	(pc) =	sbr.rel @p0 .LBB2_2-.Ltmp0, $4  }
0x64: {  	s26 =	sadd.s32 s26, s28;
	[sflag:s19] =	ssyncadd.s32 $0xFFFFE000  }
0x65: {  	[hbm4b:s26+s20] =	stream.strided.scatter [tilespmem:s11], [sflag:$0x2], $0x10000, s10, s20, $0x38;
	[tilespmem:$0x11400] =	vst v63  }
0x66: {  	s23 =	sadd.s32 $0x8, s23;
	_ =	swait.ge [sflag:s9], $0x10000  }
0x67: {  	s22 =	sadd.s32 $0x2000, s22;
	s26 =	smov.u32 s25;
	[sflag:s9] =	ssyncset.done $0x0  }
0x68: {  	s24 =	sshra.s32 s24, $0x2;
	[sflag:s9] =	ssyncadd.s32 $0xFFFF0000  }
0x69: {  	[tilespmem:s11], [sflag:$0x1] =	stream.indirect.gather [hbm4b:s3+s10], $0x40, s24, s10, $0xb8;
	[tilespmem:$0x11400] =	vst v63  }
0x6a: {  	s25 =	sadd.s32 $0x80, s24  }
0x6b: {  	[tilespmem:s12], [sflag:$0x1] =	stream.indirect.gather [hbm4b:s3+s10], $0x40, s25, s10, $0xb8;
	[tilespmem:$0x11400] =	vst v63  }
0x6c: {  	s26 =	sadd.s32 $0x100, s24  }
0x6d: {  	[tilespmem:s13], [sflag:$0x1] =	stream.indirect.gather [hbm4b:s3+s10], $0x40, s26, s10, $0xb8;
	[tilespmem:$0x11400] =	vst v63  }
0x6e: {  	s28 =	sadd.s32 $0x180, s24  }
0x6f: {  	[tilespmem:s14], [sflag:$0x1] =	stream.indirect.gather [hbm4b:s3+s10], $0x40, s28, s10, $0xb8;
	[tilespmem:$0x11400] =	vst v63  }
0x70: {  	s29 =	sadd.s32 $0x200, s24  }
0x71: {  	[tilespmem:s15], [sflag:$0x1] =	stream.indirect.gather [hbm4b:s3+s10], $0x40, s29, s10, $0xb8;
	[tilespmem:$0x11400] =	vst v63  }
0x72: {  	s30 =	sadd.s32 $0x280, s24  }
0x73: {  	[tilespmem:s16], [sflag:$0x1] =	stream.indirect.gather [hbm4b:s3+s10], $0x40, s30, s10, $0xb8;
	[tilespmem:$0x11400] =	vst v63  }
0x74: {  	s31 =	sadd.s32 $0x300, s24  }
0x75: {  	[tilespmem:s17], [sflag:$0x1] =	stream.indirect.gather [hbm4b:s3+s10], $0x40, s31, s10, $0xb8;
	[tilespmem:$0x11400] =	vst v63  }
0x76: {  	s24 =	sadd.s32 $0x380, s24  }
0x77: {  	[tilespmem:s18], [sflag:$0x1] =	stream.indirect.gather [hbm4b:s3+s10], $0x40, s24, s10, $0xb8;
	[tilespmem:$0x11400] =	vst v63  }
0x78: {  	_ =	swait.ge [sflag:s19], $0x2000  }
0x79: {  	[sflag:s19] =	ssyncset.done $0x0  }
0x7a: {  	[sflag:s19] =	ssyncadd.s32 $0xFFFFE000  }
0x7b: {  	_ =	swait.ge [sflag:s19], $0x2000  }
0x7c: {  	[sflag:s19] =	ssyncset.done $0x0  }
0x7d: {  	[sflag:s19] =	ssyncadd.s32 $0xFFFFE000  }
0x7e: {  	_ =	swait.ge [sflag:s19], $0x2000  }
0x7f: {  	[sflag:s19] =	ssyncset.done $0x0  }
0x80: {  	[sflag:s19] =	ssyncadd.s32 $0xFFFFE000  }
0x81: {  	_ =	swait.ge [sflag:s19], $0x2000  }
0x82: {  	[sflag:s19] =	ssyncset.done $0x0  }
0x83: {  	[sflag:s19] =	ssyncadd.s32 $0xFFFFE000  }
0x84: {  	_ =	swait.ge [sflag:s19], $0x2000  }
0x85: {  	[sflag:s19] =	ssyncset.done $0x0  }
0x86: {  	[sflag:s19] =	ssyncadd.s32 $0xFFFFE000  }
0x87: {  	_ =	swait.ge [sflag:s19], $0x2000  }
0x88: {  	[sflag:s19] =	ssyncset.done $0x0  }
0x89: {  	[sflag:s19] =	ssyncadd.s32 $0xFFFFE000  }
0x8a: {  	_ =	swait.ge [sflag:s19], $0x2000  }
0x8b: {  	[sflag:s19] =	ssyncset.done $0x0  }
0x8c: {  	s23 =	sand.u32 $0x8, s23;
	[sflag:s19] =	ssyncadd.s32 $0xFFFFE000  }
0x8d: {  	s22 =	sand.u32 $0xFFFC000, s22;
	s21 =	sadd.s32 $0x1, s21;
	_ =	swait.ge [sflag:s19], $0x2000  }
0x8e: {  	s23 =	sadd.s32 s4, s23;
	p0 =	sne.s32 s21, s6;
	[sflag:s19] =	ssyncset.done $0x0  }
.Ltmp1:
0x8f: {  	s22 =	sadd.s32 s22, s23;
	[sflag:s19] =	ssyncadd.s32 $0xFFFFE000;
	(pc) =	sbr.rel @p0 .LBB2_1-.Ltmp1, $4  }
0x90: {  	[hbm4b:s22+s20] =	stream.strided.scatter [tilespmem:s11], [sflag:$0x2], $0x10000, s10, s20, $0x38;
	[tilespmem:$0x11400] =	vst v63  }
0x91: {  	_ =	swait.ge [sflag:s9], $0x10000  }
0x92: {  	[sflag:s9] =	ssyncset.done $0x0  }
0x93: {  	[sflag:s9] =	ssyncadd.s32 $0xFFFF0000  }
0x94: {  	_ =	sfence.sel $0x180000  }
0x95: {  	[bflag:$0x0] =	sbarrier.arrive $0xFFFF  }
0x96: {  	p0 =	sne.s32 s0, $0x0;
	_ =	strace $0x9000004A  }
0x97: {  	s0 =	sadd.s32 @!p0 $0x100000, s1;
	[bflag:$0x2] =	sbarrier.arrive $0xFFFF  }
0x98: {  	[sflag:s0] =	ssyncadd.tile.s32 @!p0 $0x1;
	_ =	shalt  }
.Lfunc_end2:
_tile_overlayer_lowered:
.L_overlay_start_2:
0x99: {  	(tag) =	ssettag $0x2  }
0x9a: {  	s0 =	rddreg [dreg:$0x0];
	s2 =	stileid.u32  }
0x9b: {  	s1 =	rddreg [dreg:$0x1];
	p0 =	sne.s32 s2, $0x0  }
0x9c: {  	s3 =	rddreg [dreg:$0x2];
	[bflag:$0x3] =	sbarrier.arrive $0xFFFF;
	s2 =	simm.s32 @!p0 $0x1C02  }
0x9d: {  	[timem:s3], [sflag:s2] =	dma.local @!p0 [hbm:s0], s1  }
0x9e: {  	s0 =	simm.s32 @!p0 $0x2  }
0x9f: {  	_ =	swait.ge @!p0 [sflag:s0], s1  }
0xa0: {  	s1 =	ssub.s32 @!p0 $0x0, s1;
	[sflag:s0] =	ssyncset.done @!p0 $0x0  }
0xa1: {  	[sflag:s0] =	ssyncadd.s32 @!p0 s1  }
0xa2: {  	[bflag:$0x3] =	sbarrier.arrive $0xFFFF  }
0xa3: {  	_ =	shalt  }

// kernel: kernel.18.cloned.1.call-start
scs
__scs_entry_jumppad:
0x0: {  	(pc) =	sbr.rel $0x88, $3  }
0x1: {  	(tag) =	ssettag $0x0;
	lr =	simm.s32 $0x1  }
0x2: {  	[smem:$0x3F9E] =	sst lr;
	_ =	strace $0xD0000000  }
0x3: {  	_ = 	snop  }
0x4: {  	_ = 	snop  }
0x5: {  	_ = 	snop  }
0x6: {  	_ = 	snop  }
0x7: {  	_ = 	snop  }
__scs_overlays_trampoline_lowered:
0x8: {  	[smem:$0x3FAD] =	sst s0  }
0x9: {  	[smem:$0x3FAE] =	sst s1  }
0xa: {  	[smem:$0x3FAF] =	sst s2  }
0xb: {  	[smem:$0x3FB0] =	sst s3  }
0xc: {  	[smem:$0x3FB1] =	sst s4  }
0xd: {  	[smem:$0x3FB2] =	sst s5  }
0xe: {  	[smem:$0x3FB3] =	sst s6  }
0xf: {  	[smem:$0x3FB4] =	sst s7  }
0x10: {  	[smem:$0x3FB5] =	sst s8  }
0x11: {  	[smem:$0x3FB6] =	sst s9;
	s0 =	simm.s32 @!p0 $0x0  }
0x12: {  	s1 =	sld [smem:$0x3F9C];
	s0 =	simm.s32 @p0 $0x1  }
0x13: {  	[smem:$0x3FB7] =	sst s0;
	s0 =	simm.s32 @!p1 $0x0  }
0x14: {  	s2 =	sld [smem:$0x3F9B];
	s0 =	simm.s32 @p1 $0x1  }
0x15: {  	[smem:$0x3FB8] =	sst s0;
	s0 =	simm.s32 @!p2 $0x0  }
0x16: {  	s3 =	sld [smem:$0x3FDB];
	s0 =	simm.s32 @p2 $0x1  }
0x17: {  	s4 =	simm.s32 $0x1BF5;
	[smem:$0x3FBA] =	sst s0  }
0x18: {  	s0 =	sld [smem:$0x3F9D];
	_ =	swait.ge [sflag:s4], $0x0  }
0x19: {  	s7 =	sld [smem:$0x3F9E]  }
0x1a: {  	s8 =	sadd.s32 $0xFFFFE003, lr  }
0x1b: {  	s9 =	sadd.s32 $0xFFFFFEF7, lr;
	s5 =	simm.s32 $0xFFFFFFFF;
	p2 =	slt.u32 s8, $0xFFFFF086  }
0x1c: {  	p1 =	slt.u32 s9, $0xF7A;
	s5 =	simm.s32 @!p2 $0x0  }
0x1d: {  	s5 =	simm.s32 @p1 $0x1;
	p0 =	seq.s32 s7, s2  }
0x1e: {  	s7 =	smul.u32 @!p0 $0xF7A, s2;
	p2 =	seq.s32 @!p0 s5, $0x0  }
0x1f: {  	s9 =	smul.u32 $0xF7A, s1;
	s8 =	simm.s32 @!p0 $0x1BF5;
	p2 =	por !p2, p0  }
0x20: {  	[sflag:s8] =	ssyncset.s32 @!p0 $0xFFFFF086;
	s6 =	sadd.s32 @!p0 s3, s7;
	s7 =	simm.s32 @!p0 $0x108  }
0x21: {  	s3 =	sadd.s32 s3, s9;
	s6 =	sadd.s32 @!p0 $0x88, s6;
	s7 =	simm.s32 @p2 $0x1082  }
0x22: {  	[simem:s7], [sflag:s8] =	dma.local @!p0 [hbm:s6], $0xF7A  }
0x23: {  	s9 =	sor.u32 $0xD0000000, s2;
	s6 =	simm.s32 $0x108;
	_ =	swait.ge @!p0 [sflag:s8], $0x0  }
0x24: {  	s3 =	sadd.s32 $0x88, s3;
	s6 =	simm.s32 @!p1 $0x1082;
	[sflag:s4] =	ssyncset.s32 $0xFFFFF086  }
0x25: {  	[simem:s6], [sflag:s4] =	dma.local [hbm:s3], $0xF7A  }
0x26: {  	[smem:$0x3F9E] =	sst s1;
	(tag) =	ssettag s2;
	_ =	strace s9  }
0x27: {  	s1 =	sld [smem:$0x3FAE]  }
0x28: {  	s2 =	sld [smem:$0x3FAF]  }
0x29: {  	s4 =	sld [smem:$0x3FB1]  }
0x2a: {  	p0 =	seq.s32 s5, $0x0;
	s5 =	sld [smem:$0x3FB2]  }
0x2b: {  	s6 =	sld [smem:$0x3FB3]  }
0x2c: {  	s7 =	sld [smem:$0x3FB4]  }
0x2d: {  	s3 =	simm.s32 $0x108;
	s8 =	sld [smem:$0x3FB5]  }
0x2e: {  	s3 =	simm.s32 @!p0 $0x1082;
	s9 =	sld [smem:$0x3FB6]  }
0x2f: {  	lr =	sadd.s32 s0, s3;
	s0 =	sld [smem:$0x3FAD]  }
0x30: {  	s3 =	sld [smem:$0x3FB0]  }
0x31: {  	[smem:$0x3FB9] =	sst s10  }
0x32: {  	s10 =	sld [smem:$0x3FB7];
	_ =	sdelay $0x3  }
0x33: {  	p0 =	seq.s32 s10, $0x1;
	s10 =	sld [smem:$0x3FB9];
	_ =	sdelay $0x3  }
0x34: {  	[smem:$0x3FB9] =	sst s10  }
0x35: {  	s10 =	sld [smem:$0x3FB8];
	_ =	sdelay $0x3  }
0x36: {  	p1 =	seq.s32 s10, $0x1;
	s10 =	sld [smem:$0x3FB9];
	_ =	sdelay $0x3  }
0x37: {  	[smem:$0x3FB9] =	sst s10  }
0x38: {  	s10 =	sld [smem:$0x3FBA]  }
0x39: {  	_ = 	snop;
	(pc) =	sbr.ind lr, $3  }
0x3a: {  	_ = 	snop  }
0x3b: {  	_ = 	snop  }
0x3c: {  	p2 =	seq.s32 s10, $0x1;
	s10 =	sld [smem:$0x3FB9]  }
0x3d: {  	_ =	shalt  }
0x3e: {  	_ =	shalt  }
0x3f: {  	_ =	shalt  }
0x40: {  	_ =	shalt  }
0x41: {  	_ =	shalt  }
0x42: {  	_ =	shalt  }
0x43: {  	_ =	shalt  }
0x44: {  	_ =	shalt  }
0x45: {  	_ =	shalt  }
0x46: {  	_ =	shalt  }
0x47: {  	_ =	shalt  }
0x48: {  	_ =	shalt  }
0x49: {  	_ =	shalt  }
0x4a: {  	_ =	shalt  }
0x4b: {  	_ =	shalt  }
0x4c: {  	_ =	shalt  }
0x4d: {  	_ =	shalt  }
0x4e: {  	_ =	shalt  }
0x4f: {  	_ =	shalt  }
0x50: {  	_ =	shalt  }
0x51: {  	_ =	shalt  }
0x52: {  	_ =	shalt  }
0x53: {  	_ =	shalt  }
0x54: {  	_ =	shalt  }
0x55: {  	_ =	shalt  }
0x56: {  	_ =	shalt  }
0x57: {  	_ =	shalt  }
0x58: {  	_ =	shalt  }
0x59: {  	_ =	shalt  }
0x5a: {  	_ =	shalt  }
0x5b: {  	_ =	shalt  }
0x5c: {  	_ =	shalt  }
0x5d: {  	_ =	shalt  }
0x5e: {  	_ =	shalt  }
0x5f: {  	_ =	shalt  }
0x60: {  	_ =	shalt  }
0x61: {  	_ =	shalt  }
0x62: {  	_ =	shalt  }
0x63: {  	_ =	shalt  }
0x64: {  	_ =	shalt  }
0x65: {  	_ =	shalt  }
0x66: {  	_ =	shalt  }
0x67: {  	_ =	shalt  }
0x68: {  	_ =	shalt  }
0x69: {  	_ =	shalt  }
0x6a: {  	_ =	shalt  }
0x6b: {  	_ =	shalt  }
0x6c: {  	_ =	shalt  }
0x6d: {  	_ =	shalt  }
0x6e: {  	_ =	shalt  }
0x6f: {  	_ =	shalt  }
0x70: {  	_ =	shalt  }
0x71: {  	_ =	shalt  }
0x72: {  	_ =	shalt  }
0x73: {  	_ =	shalt  }
0x74: {  	_ =	shalt  }
0x75: {  	_ =	shalt  }
0x76: {  	_ =	shalt  }
0x77: {  	_ =	shalt  }
0x78: {  	_ =	shalt  }
0x79: {  	_ =	shalt  }
0x7a: {  	_ =	shalt  }
0x7b: {  	_ =	shalt  }
0x7c: {  	_ =	shalt  }
0x7d: {  	_ =	shalt  }
0x7e: {  	_ =	shalt  }
0x7f: {  	_ =	shalt  }
0x80: {  	_ =	shalt  }
0x81: {  	_ =	shalt  }
0x82: {  	_ =	shalt  }
0x83: {  	_ =	shalt  }
0x84: {  	_ =	shalt  }
0x85: {  	_ =	shalt  }
0x86: {  	_ =	shalt  }
0x87: {  	_ =	shalt  }
.Lfunc_end0:
.L_simem_size_0:
called_computation.2_lowered:
.L_overlay_start_0:
0x88: {  	s2 =	sld [smem:$0x3FD9]  }
0x89: {  	s3 =	sld [smem:$0x3FFE];
	_ =	sdelay $0x1  }
0x8a: {  	s1 =	srdreg.scid  }
0x8b: {  	s0 =	sand.u32 $0x1, s1  }
0x8c: {  	s17 =	sshll.u32 s0, $0xA;
	s2 =	sadd.s32 s3, s2  }
0x8d: {  	s2 =	sadd.s32 s2, s17  }
0x8e: {  	[smem:$0x3FC5] =	sst s2  }
0x8f: {  	_ = 	snop  }
0x90: {  	(tm) =	ssettm $0x1  }
0x91: {  	s18 =	sld [smem:$0x3FFB];
	_ =	sdelay $0x3  }
0x92: {  	_ =	strace s18  }
0x93: {  	s2 =	sld [smem:$0x3FFC];
	_ =	sdelay $0x3  }
0x94: {  	_ =	strace s2  }
0x95: {  	s2 =	sld [smem:$0x3FFD];
	_ =	sdelay $0x3  }
0x96: {  	_ =	strace s2  }
0x97: {  	_ =	strace $0x8FFFFFFF  }
0x98: {  	s19 =	sld [smem:$0x3FDB];
	_ =	sdelay $0x1  }
0x99: {  	s20 =	simm.s32 $_scs_section_size  }
0x9a: {  	s4 =	simm.s32 $_size__tile_overlayer_lowered;
	s5 =	simm.s32 $_tile_overlayer_lowered  }
0x9b: {  	s6 =	simm.s32 $0x1BFF;
	s21 =	sshll.u32 s5, $0x1;
	s3 =	sadd.s32 s20, s19  }
0x9c: {  	s22 =	simm.s32 $0x0;
	s4 =	sshll.u32 s4, $0x1;
	s5 =	sadd.s32 s21, s3  }
0x9d: {  	[timem:s22], [sflag:s6] =	dma.local [hbm:s5], s4  }
0x9e: {  	_ =	swait.ge [sflag:s6], s4  }
0x9f: {  	s4 =	ssub.s32 $0x0, s4;
	[sflag:s6] =	ssyncset.done $0x0  }
0xa0: {  	[sflag:s6] =	ssyncadd.s32 s4;
	_ =	sdelay $0x1  }
0xa1: {  	s23 =	simm.s32 $0x1B8B  }
0xa2: {  	_ =	swait.ge [sflag:s23], $0x1  }
0xa3: {  	[sflag:s23] =	ssyncset.done $0x0  }
0xa4: {  	[sflag:s23] =	ssyncadd.s32 $0xFFFFFFFF  }
0xa5: {  	s4 =	sld [smem:$0x0]  }
0xa6: {  	s5 =	sand.u32 $0xFFFFFFFE, s1  }
0xa7: {  	p0 =	sne.s32 s1, s5  }
0xa8: {  	s5 =	sshll.u32 @p0 s5, $0xE  }
0xa9: {  	s5 =	sadd.s32 @p0 $0x11B8D, s5;
	s6 =	sshll.u32 @p0 s4, $0x11  }
0xaa: {  	s5 =	sor.u32 @p0 s6, s5  }
0xab: {  	[sflag:s5] =	ssyncadd.remote.s32 @p0 $0x1;
	_ =	sdelay $0x1  }
0xac: {  	s5 =	simm.s32 @p0 $0x1B8D  }
0xad: {  	_ =	swait.eq @p0 [sflag:s5], $0x1  }
0xae: {  	[sflag:s5] =	ssyncadd.s32 @p0 $0xFFFFFFFF  }
0xaf: {  	s6 =	sshll.u32 @!p0 s1, $0xE  }
0xb0: {  	s6 =	sor.u32 @!p0 $0x4000, s6;
	s5 =	simm.s32 @!p0 $0x1B8D  }
0xb1: {  	s4 =	sshll.u32 @!p0 s4, $0x11;
	s6 =	sadd.s32 @!p0 $0x11B8D, s6;
	_ =	swait.eq @!p0 [sflag:s5], $0x1  }
0xb2: {  	s4 =	sor.u32 @!p0 s4, s6;
	[sflag:s5] =	ssyncadd.s32 @!p0 $0xFFFFFFFF  }
0xb3: {  	s25 =	simm.s32 $0x1B8E;
	s24 =	sld [smem:$0x3FFE];
	[sflag:s4] =	ssyncadd.remote.s32 @!p0 $0x1  }
0xb4: {  	s26 =	simm.s32 $execute0_lowered;
	[smem:$0x3FD2] =	sst s25  }
0xb5: {  	s5 =	sshll.u32 s26, $0x1;
	_ =	strace $0x8000004C;
	[dreg:$0x1] =	wrdreg $0xFFFFFFFF  }
0xb6: {  	s28 =	simm.s32 $_size_execute0_lowered;
	s3 =	sadd.s32 s3, s5;
	[dreg:$0x0] =	wrdreg $0x0  }
0xb7: {  	s5 =	sshll.u32 s28, $0x1;
	[dreg:$0x2] =	wrdreg s3  }
0xb8: {  	[dreg:$0x3] =	wrdreg s5  }
0xb9: {  	[dreg:$0x4] =	wrdreg $0xC0  }
0xba: {  	_ =	task [dreg:s22], $0x5FFFF  }
0xbb: {  	[dreg:$0x1] =	wrdreg $0xFFFFFFFF  }
0xbc: {  	[dreg:$0x0] =	wrdreg $0x60  }
0xbd: {  	[dreg:$0x2] =	wrdreg s24  }
0xbe: {  	[dreg:$0x3] =	wrdreg $0xB  }
0xbf: {  	_ =	task.clear_ibuf [dreg:s22], $0x4FFFF;
	_ =	strace $0x9000004C  }
0xc0: {  	s29 =	simm.s32 $0xB;
	_ =	strace $0x8000004E  }
0xc1: {  	_ =	swait.ge [sflag:s29], $0x1  }
0xc2: {  	[sflag:s29] =	ssyncadd.s32 $0xFFFFFFFF  }
0xc3: {  	_ =	strace $0x9000004E  }
0xc4: {  	_ =	sfence  }
0xc5: {  	s30 =	sld [smem:$0x0];
	_ =	sdelay $0x2  }
0xc6: {  	s31 =	sshll.u32 s1, $0xD;
	s1 =	sshrl.u32 s1, $0x2  }
0xc7: {  	s4 =	sand.u32 $0x4000, s31;
	s1 =	sadd.s32 s1, s30  }
0xc8: {  	s0 =	sor.u32 s4, s0;
	s1 =	sshll.u32 s1, $0x11  }
0xc9: {  	s0 =	sor.u32 s1, s0  }
0xca: {  	s0 =	sadd.s32 $0x8F2B, s0  }
0xcb: {  	[sflag:s0] =	ssyncadd.remote.s32 $0x1  }
0xcc: {  	_ =	sfence.sel $0xFFFF  }
0xcd: {  	[dreg:$0x0] =	wrdreg $0xFFFFFFFF;
	(pc) =	sbr.abs _section_cstart, $3  }
0xce: {  	[dreg:$0x1] =	wrdreg $0xFFFFFFFF  }
0xcf: {  	_ =	task.clear_ibuf [dreg:s22], $0x2FFFF;
	_ =	strace $0x9FFFFFFF  }
0xd0: {  	(tm) =	ssettm $0x7FFFFFFF  }
0xd1: {  	_ =	shalt  }
tec
execute0_lowered:
.L_overlay_start_1:
0x0: {  	(tag) =	ssettag $0x1  }
0x1: {  	s1 =	srdreg.scid;
	s0 =	stileid.u32  }
0x2: {  	s5 =	rddreg [dreg:$0x0];
	s2 =	simm.s32 $0x0;
	s12 =	simm.s32 $0x3400  }
0x3: {  	s13 =	simm.s32 $0x5400;
	s14 =	simm.s32 $0x7400;
	s15 =	simm.s32 $0x9400  }
0x4: {  	s16 =	simm.s32 $0xB400;
	s17 =	simm.s32 $0xD400;
	s18 =	simm.s32 $0xF400  }
0x5: {  	s19 =	simm.s32 $0x1;
	s20 =	simm.s32 $0x40;
	s7 =	smul.u32 $0x14000, s0  }
0x6: {  	s21 =	simm.s32 $0x0;
	s4 =	sand.u32 $0x1, s1;
	s11 =	smul.u32 $0x50, s0  }
0x7: {  	s30 =	sshll.u32 s0, $0x1;
	s1 =	rddreg [dreg:$0x1];
	s9 =	smul.u32 $0xA000, s4  }
0x8: {  	[smem:$0x7FF] =	sst s2;
	s3 =	sor.u32 s4, s30;
	s31 =	smul.u32 $0x28, s4  }
0x9: {  	_ =	strace $0x8000004D;
	s8 =	ssub.s32 $0x2, s4;
	s6 =	smul.u32 $0x280, s3  }
0xa: {  	s4 =	sadd.s32 $0x295800, s5;
	s3 =	sadd.s32 $0xF57C00, s5;
	s10 =	sshrl.u32 s8, $0x1  }
0xb: {  	s8 =	ssub.s32 s8, s10;
	s7 =	sadd.s32 s9, s7;
	s6 =	sadd.s32 s6, s5  }
0xc: {  	s9 =	simm.s32 $0x2;
	s10 =	simm.s32 $0x80;
	s5 =	sadd.s32 $0x6800, s6  }
0xd: {  	s6 =	smax.u32 s8, $0x1;
	s8 =	sadd.s32 s31, s11;
	s11 =	simm.s32 $0x1400  }
.LBB2_1:
0xe: {  	[tilespmem:s2], [sflag:$0x2] =	stream.linear.gather [hbm4b:s5+s2], $0x1400, $0x38;
	[tilespmem:$0x11400] =	vst v63  }
0xf: {  	_ =	swait.ge [sflag:s9], $0x1400  }
0x10: {  	[sflag:s9] =	ssyncset.done $0x0  }
0x11: {  	s22 =	simm.s32 $0x0;
	[sflag:s9] =	ssyncadd.s32 $0xFFFFEC00  }
0x12: {  	[tilespmem:s11], [sflag:$0x1] =	stream.indirect.gather [hbm4b:s3+s10], $0x40, s22, s10, $0xb8;
	[tilespmem:$0x11400] =	vst v63  }
0x13: {  	s23 =	simm.s32 $0x80  }
0x14: {  	[tilespmem:s12], [sflag:$0x1] =	stream.indirect.gather [hbm4b:s3+s10], $0x40, s23, s10, $0xb8;
	[tilespmem:$0x11400] =	vst v63  }
0x15: {  	s24 =	simm.s32 $0x100  }
0x16: {  	[tilespmem:s13], [sflag:$0x1] =	stream.indirect.gather [hbm4b:s3+s10], $0x40, s24, s10, $0xb8;
	[tilespmem:$0x11400] =	vst v63  }
0x17: {  	s25 =	simm.s32 $0x180  }
0x18: {  	[tilespmem:s14], [sflag:$0x1] =	stream.indirect.gather [hbm4b:s3+s10], $0x40, s25, s10, $0xb8;
	[tilespmem:$0x11400] =	vst v63  }
0x19: {  	s26 =	simm.s32 $0x200  }
0x1a: {  	[tilespmem:s15], [sflag:$0x1] =	stream.indirect.gather [hbm4b:s3+s10], $0x40, s26, s10, $0xb8;
	[tilespmem:$0x11400] =	vst v63  }
0x1b: {  	s28 =	simm.s32 $0x280  }
0x1c: {  	[tilespmem:s16], [sflag:$0x1] =	stream.indirect.gather [hbm4b:s3+s10], $0x40, s28, s10, $0xb8;
	[tilespmem:$0x11400] =	vst v63  }
0x1d: {  	s29 =	simm.s32 $0x300  }
0x1e: {  	[tilespmem:s17], [sflag:$0x1] =	stream.indirect.gather [hbm4b:s3+s10], $0x40, s29, s10, $0xb8;
	[tilespmem:$0x11400] =	vst v63  }
0x1f: {  	s30 =	simm.s32 $0x380  }
0x20: {  	[tilespmem:s18], [sflag:$0x1] =	stream.indirect.gather [hbm4b:s3+s10], $0x40, s30, s10, $0xb8;
	[tilespmem:$0x11400] =	vst v63  }
0x21: {  	_ =	swait.ge [sflag:s19], $0x2000  }
0x22: {  	[sflag:s19] =	ssyncset.done $0x0  }
0x23: {  	[sflag:s19] =	ssyncadd.s32 $0xFFFFE000  }
0x24: {  	_ =	swait.ge [sflag:s19], $0x2000  }
0x25: {  	[sflag:s19] =	ssyncset.done $0x0  }
0x26: {  	[sflag:s19] =	ssyncadd.s32 $0xFFFFE000  }
0x27: {  	_ =	swait.ge [sflag:s19], $0x2000  }
0x28: {  	[sflag:s19] =	ssyncset.done $0x0  }
0x29: {  	[sflag:s19] =	ssyncadd.s32 $0xFFFFE000  }
0x2a: {  	_ =	swait.ge [sflag:s19], $0x2000  }
0x2b: {  	[sflag:s19] =	ssyncset.done $0x0  }
0x2c: {  	[sflag:s19] =	ssyncadd.s32 $0xFFFFE000  }
0x2d: {  	_ =	swait.ge [sflag:s19], $0x2000  }
0x2e: {  	[sflag:s19] =	ssyncset.done $0x0  }
0x2f: {  	[sflag:s19] =	ssyncadd.s32 $0xFFFFE000  }
0x30: {  	_ =	swait.ge [sflag:s19], $0x2000  }
0x31: {  	[sflag:s19] =	ssyncset.done $0x0  }
0x32: {  	[sflag:s19] =	ssyncadd.s32 $0xFFFFE000  }
0x33: {  	_ =	swait.ge [sflag:s19], $0x2000  }
0x34: {  	[sflag:s19] =	ssyncset.done $0x0  }
0x35: {  	[sflag:s19] =	ssyncadd.s32 $0xFFFFE000  }
0x36: {  	s31 =	sand.u32 $0x8, s8;
	_ =	swait.ge [sflag:s19], $0x2000  }
0x37: {  	s22 =	sadd.s32 s4, s31;
	s23 =	sand.u32 $0xFFFC000, s7;
	[sflag:s19] =	ssyncset.done $0x0  }
0x38: {  	s22 =	sadd.s32 s23, s22;
	[sflag:s19] =	ssyncadd.s32 $0xFFFFE000  }
0x39: {  	[hbm4b:s22+s20] =	stream.strided.scatter [tilespmem:s11], [sflag:$0x2], $0x10000, s10, s20, $0x38;
	[tilespmem:$0x11400] =	vst v63  }
0x3a: {  	s23 =	sadd.s32 $0x8, s8;
	s24 =	simm.s32 $0x1000;
	_ =	swait.ge [sflag:s9], $0x10000  }
0x3b: {  	s26 =	simm.s32 $0x2000;
	s22 =	sadd.s32 $0x2000, s7;
	[sflag:s9] =	ssyncset.done $0x0  }
.LBB2_2:
0x3c: {  	s28 =	sshra.s32 s24, $0x2  }
0x3d: {  	[sflag:s9] =	ssyncadd.s32 $0xFFFF0000;
	s24 =	smov.u32 s26;
	s25 =	sadd.s32 $0x1000, s26  }
0x3e: {  	[tilespmem:s11], [sflag:$0x1] =	stream.indirect.gather [hbm4b:s3+s10], $0x40, s28, s10, $0xb8;
	[tilespmem:$0x11400] =	vst v63  }
0x3f: {  	p0 =	sne.s32 s26, $0x4000;
	s26 =	sadd.s32 $0x80, s28  }
0x40: {  	[tilespmem:s12], [sflag:$0x1] =	stream.indirect.gather [hbm4b:s3+s10], $0x40, s26, s10, $0xb8;
	[tilespmem:$0x11400] =	vst v63  }
0x41: {  	s26 =	sadd.s32 $0x100, s28  }
0x42: {  	[tilespmem:s13], [sflag:$0x1] =	stream.indirect.gather [hbm4b:s3+s10], $0x40, s26, s10, $0xb8;
	[tilespmem:$0x11400] =	vst v63  }
0x43: {  	s26 =	sadd.s32 $0x180, s28  }
0x44: {  	[tilespmem:s14], [sflag:$0x1] =	stream.indirect.gather [hbm4b:s3+s10], $0x40, s26, s10, $0xb8;
	[tilespmem:$0x11400] =	vst v63  }
0x45: {  	s26 =	sadd.s32 $0x200, s28  }
0x46: {  	[tilespmem:s15], [sflag:$0x1] =	stream.indirect.gather [hbm4b:s3+s10], $0x40, s26, s10, $0xb8;
	[tilespmem:$0x11400] =	vst v63  }
0x47: {  	s26 =	sadd.s32 $0x280, s28  }
0x48: {  	[tilespmem:s16], [sflag:$0x1] =	stream.indirect.gather [hbm4b:s3+s10], $0x40, s26, s10, $0xb8;
	[tilespmem:$0x11400] =	vst v63  }
0x49: {  	s26 =	sadd.s32 $0x300, s28  }
0x4a: {  	[tilespmem:s17], [sflag:$0x1] =	stream.indirect.gather [hbm4b:s3+s10], $0x40, s26, s10, $0xb8;
	[tilespmem:$0x11400] =	vst v63  }
0x4b: {  	s26 =	sadd.s32 $0x380, s28  }
0x4c: {  	[tilespmem:s18], [sflag:$0x1] =	stream.indirect.gather [hbm4b:s3+s10], $0x40, s26, s10, $0xb8;
	[tilespmem:$0x11400] =	vst v63  }
0x4d: {  	_ =	swait.ge [sflag:s19], $0x2000  }
0x4e: {  	[sflag:s19] =	ssyncset.done $0x0  }
0x4f: {  	[sflag:s19] =	ssyncadd.s32 $0xFFFFE000  }
0x50: {  	_ =	swait.ge [sflag:s19], $0x2000  }
0x51: {  	[sflag:s19] =	ssyncset.done $0x0  }
0x52: {  	[sflag:s19] =	ssyncadd.s32 $0xFFFFE000  }
0x53: {  	_ =	swait.ge [sflag:s19], $0x2000  }
0x54: {  	[sflag:s19] =	ssyncset.done $0x0  }
0x55: {  	[sflag:s19] =	ssyncadd.s32 $0xFFFFE000  }
0x56: {  	_ =	swait.ge [sflag:s19], $0x2000  }
0x57: {  	[sflag:s19] =	ssyncset.done $0x0  }
0x58: {  	[sflag:s19] =	ssyncadd.s32 $0xFFFFE000  }
0x59: {  	_ =	swait.ge [sflag:s19], $0x2000  }
0x5a: {  	[sflag:s19] =	ssyncset.done $0x0  }
0x5b: {  	[sflag:s19] =	ssyncadd.s32 $0xFFFFE000  }
0x5c: {  	_ =	swait.ge [sflag:s19], $0x2000  }
0x5d: {  	[sflag:s19] =	ssyncset.done $0x0  }
0x5e: {  	[sflag:s19] =	ssyncadd.s32 $0xFFFFE000  }
0x5f: {  	_ =	swait.ge [sflag:s19], $0x2000  }
0x60: {  	[sflag:s19] =	ssyncset.done $0x0  }
0x61: {  	[sflag:s19] =	ssyncadd.s32 $0xFFFFE000  }
0x62: {  	s28 =	sand.u32 $0x8, s23;
	s26 =	sand.u32 $0xFFFC000, s22;
	_ =	swait.ge [sflag:s19], $0x2000  }
.Ltmp0:
0x63: {  	s28 =	sadd.s32 s4, s28;
	[sflag:s19] =	ssyncset.done $0x0;
	(pc) =	sbr.rel @p0 .LBB2_2-.Ltmp0, $4  }
0x64: {  	s26 =	sadd.s32 s26, s28;
	[sflag:s19] =	ssyncadd.s32 $0xFFFFE000  }
0x65: {  	[hbm4b:s26+s20] =	stream.strided.scatter [tilespmem:s11], [sflag:$0x2], $0x10000, s10, s20, $0x38;
	[tilespmem:$0x11400] =	vst v63  }
0x66: {  	s23 =	sadd.s32 $0x8, s23;
	_ =	swait.ge [sflag:s9], $0x10000  }
0x67: {  	s22 =	sadd.s32 $0x2000, s22;
	s26 =	smov.u32 s25;
	[sflag:s9] =	ssyncset.done $0x0  }
0x68: {  	s24 =	sshra.s32 s24, $0x2;
	[sflag:s9] =	ssyncadd.s32 $0xFFFF0000  }
0x69: {  	[tilespmem:s11], [sflag:$0x1] =	stream.indirect.gather [hbm4b:s3+s10], $0x40, s24, s10, $0xb8;
	[tilespmem:$0x11400] =	vst v63  }
0x6a: {  	s25 =	sadd.s32 $0x80, s24  }
0x6b: {  	[tilespmem:s12], [sflag:$0x1] =	stream.indirect.gather [hbm4b:s3+s10], $0x40, s25, s10, $0xb8;
	[tilespmem:$0x11400] =	vst v63  }
0x6c: {  	s26 =	sadd.s32 $0x100, s24  }
0x6d: {  	[tilespmem:s13], [sflag:$0x1] =	stream.indirect.gather [hbm4b:s3+s10], $0x40, s26, s10, $0xb8;
	[tilespmem:$0x11400] =	vst v63  }
0x6e: {  	s28 =	sadd.s32 $0x180, s24  }
0x6f: {  	[tilespmem:s14], [sflag:$0x1] =	stream.indirect.gather [hbm4b:s3+s10], $0x40, s28, s10, $0xb8;
	[tilespmem:$0x11400] =	vst v63  }
0x70: {  	s29 =	sadd.s32 $0x200, s24  }
0x71: {  	[tilespmem:s15], [sflag:$0x1] =	stream.indirect.gather [hbm4b:s3+s10], $0x40, s29, s10, $0xb8;
	[tilespmem:$0x11400] =	vst v63  }
0x72: {  	s30 =	sadd.s32 $0x280, s24  }
0x73: {  	[tilespmem:s16], [sflag:$0x1] =	stream.indirect.gather [hbm4b:s3+s10], $0x40, s30, s10, $0xb8;
	[tilespmem:$0x11400] =	vst v63  }
0x74: {  	s31 =	sadd.s32 $0x300, s24  }
0x75: {  	[tilespmem:s17], [sflag:$0x1] =	stream.indirect.gather [hbm4b:s3+s10], $0x40, s31, s10, $0xb8;
	[tilespmem:$0x11400] =	vst v63  }
0x76: {  	s24 =	sadd.s32 $0x380, s24  }
0x77: {  	[tilespmem:s18], [sflag:$0x1] =	stream.indirect.gather [hbm4b:s3+s10], $0x40, s24, s10, $0xb8;
	[tilespmem:$0x11400] =	vst v63  }
0x78: {  	_ =	swait.ge [sflag:s19], $0x2000  }
0x79: {  	[sflag:s19] =	ssyncset.done $0x0  }
0x7a: {  	[sflag:s19] =	ssyncadd.s32 $0xFFFFE000  }
0x7b: {  	_ =	swait.ge [sflag:s19], $0x2000  }
0x7c: {  	[sflag:s19] =	ssyncset.done $0x0  }
0x7d: {  	[sflag:s19] =	ssyncadd.s32 $0xFFFFE000  }
0x7e: {  	_ =	swait.ge [sflag:s19], $0x2000  }
0x7f: {  	[sflag:s19] =	ssyncset.done $0x0  }
0x80: {  	[sflag:s19] =	ssyncadd.s32 $0xFFFFE000  }
0x81: {  	_ =	swait.ge [sflag:s19], $0x2000  }
0x82: {  	[sflag:s19] =	ssyncset.done $0x0  }
0x83: {  	[sflag:s19] =	ssyncadd.s32 $0xFFFFE000  }
0x84: {  	_ =	swait.ge [sflag:s19], $0x2000  }
0x85: {  	[sflag:s19] =	ssyncset.done $0x0  }
0x86: {  	[sflag:s19] =	ssyncadd.s32 $0xFFFFE000  }
0x87: {  	_ =	swait.ge [sflag:s19], $0x2000  }
0x88: {  	[sflag:s19] =	ssyncset.done $0x0  }
0x89: {  	[sflag:s19] =	ssyncadd.s32 $0xFFFFE000  }
0x8a: {  	_ =	swait.ge [sflag:s19], $0x2000  }
0x8b: {  	[sflag:s19] =	ssyncset.done $0x0  }
0x8c: {  	s23 =	sand.u32 $0x8, s23;
	[sflag:s19] =	ssyncadd.s32 $0xFFFFE000  }
0x8d: {  	s22 =	sand.u32 $0xFFFC000, s22;
	s21 =	sadd.s32 $0x1, s21;
	_ =	swait.ge [sflag:s19], $0x2000  }
0x8e: {  	s23 =	sadd.s32 s4, s23;
	p0 =	sne.s32 s21, s6;
	[sflag:s19] =	ssyncset.done $0x0  }
.Ltmp1:
0x8f: {  	s22 =	sadd.s32 s22, s23;
	[sflag:s19] =	ssyncadd.s32 $0xFFFFE000;
	(pc) =	sbr.rel @p0 .LBB2_1-.Ltmp1, $4  }
0x90: {  	[hbm4b:s22+s20] =	stream.strided.scatter [tilespmem:s11], [sflag:$0x2], $0x10000, s10, s20, $0x38;
	[tilespmem:$0x11400] =	vst v63  }
0x91: {  	_ =	swait.ge [sflag:s9], $0x10000  }
0x92: {  	[sflag:s9] =	ssyncset.done $0x0  }
0x93: {  	[sflag:s9] =	ssyncadd.s32 $0xFFFF0000  }
0x94: {  	_ =	sfence.sel $0x180000  }
0x95: {  	[bflag:$0x0] =	sbarrier.arrive $0xFFFF  }
0x96: {  	p0 =	sne.s32 s0, $0x0;
	_ =	strace $0x9000004D  }
0x97: {  	s0 =	sadd.s32 @!p0 $0x100000, s1;
	[bflag:$0x2] =	sbarrier.arrive $0xFFFF  }
0x98: {  	[sflag:s0] =	ssyncadd.tile.s32 @!p0 $0x1;
	_ =	shalt  }
.Lfunc_end2:
_tile_overlayer_lowered:
.L_overlay_start_2:
0x99: {  	(tag) =	ssettag $0x2  }
0x9a: {  	s0 =	rddreg [dreg:$0x0];
	s2 =	stileid.u32  }
0x9b: {  	s1 =	rddreg [dreg:$0x1];
	p0 =	sne.s32 s2, $0x0  }
0x9c: {  	s3 =	rddreg [dreg:$0x2];
	[bflag:$0x3] =	sbarrier.arrive $0xFFFF;
	s2 =	simm.s32 @!p0 $0x1C02  }
0x9d: {  	[timem:s3], [sflag:s2] =	dma.local @!p0 [hbm:s0], s1  }
0x9e: {  	s0 =	simm.s32 @!p0 $0x2  }
0x9f: {  	_ =	swait.ge @!p0 [sflag:s0], s1  }
0xa0: {  	s1 =	ssub.s32 @!p0 $0x0, s1;
	[sflag:s0] =	ssyncset.done @!p0 $0x0  }
0xa1: {  	[sflag:s0] =	ssyncadd.s32 @!p0 s1  }
0xa2: {  	[bflag:$0x3] =	sbarrier.arrive $0xFFFF  }
0xa3: {  	_ =	shalt  }

// kernel: kernel.21.cloned.1.call-start
scs
__scs_entry_jumppad:
0x0: {  	(pc) =	sbr.rel $0x88, $3  }
0x1: {  	(tag) =	ssettag $0x0;
	lr =	simm.s32 $0x1  }
0x2: {  	[smem:$0x3F9E] =	sst lr;
	_ =	strace $0xD0000000  }
0x3: {  	_ = 	snop  }
0x4: {  	_ = 	snop  }
0x5: {  	_ = 	snop  }
0x6: {  	_ = 	snop  }
0x7: {  	_ = 	snop  }
__scs_overlays_trampoline_lowered:
0x8: {  	[smem:$0x3FAD] =	sst s0  }
0x9: {  	[smem:$0x3FAE] =	sst s1  }
0xa: {  	[smem:$0x3FAF] =	sst s2  }
0xb: {  	[smem:$0x3FB0] =	sst s3  }
0xc: {  	[smem:$0x3FB1] =	sst s4  }
0xd: {  	[smem:$0x3FB2] =	sst s5  }
0xe: {  	[smem:$0x3FB3] =	sst s6  }
0xf: {  	[smem:$0x3FB4] =	sst s7  }
0x10: {  	[smem:$0x3FB5] =	sst s8  }
0x11: {  	[smem:$0x3FB6] =	sst s9;
	s0 =	simm.s32 @!p0 $0x0  }
0x12: {  	s1 =	sld [smem:$0x3F9C];
	s0 =	simm.s32 @p0 $0x1  }
0x13: {  	[smem:$0x3FB7] =	sst s0;
	s0 =	simm.s32 @!p1 $0x0  }
0x14: {  	s2 =	sld [smem:$0x3F9B];
	s0 =	simm.s32 @p1 $0x1  }
0x15: {  	[smem:$0x3FB8] =	sst s0;
	s0 =	simm.s32 @!p2 $0x0  }
0x16: {  	s3 =	sld [smem:$0x3FDB];
	s0 =	simm.s32 @p2 $0x1  }
0x17: {  	s4 =	simm.s32 $0x1BF5;
	[smem:$0x3FBA] =	sst s0  }
0x18: {  	s0 =	sld [smem:$0x3F9D];
	_ =	swait.ge [sflag:s4], $0x0  }
0x19: {  	s7 =	sld [smem:$0x3F9E]  }
0x1a: {  	s8 =	sadd.s32 $0xFFFFE003, lr  }
0x1b: {  	s9 =	sadd.s32 $0xFFFFFEF7, lr;
	s5 =	simm.s32 $0xFFFFFFFF;
	p2 =	slt.u32 s8, $0xFFFFF086  }
0x1c: {  	p1 =	slt.u32 s9, $0xF7A;
	s5 =	simm.s32 @!p2 $0x0  }
0x1d: {  	s5 =	simm.s32 @p1 $0x1;
	p0 =	seq.s32 s7, s2  }
0x1e: {  	s7 =	smul.u32 @!p0 $0xF7A, s2;
	p2 =	seq.s32 @!p0 s5, $0x0  }
0x1f: {  	s9 =	smul.u32 $0xF7A, s1;
	s8 =	simm.s32 @!p0 $0x1BF5;
	p2 =	por !p2, p0  }
0x20: {  	[sflag:s8] =	ssyncset.s32 @!p0 $0xFFFFF086;
	s6 =	sadd.s32 @!p0 s3, s7;
	s7 =	simm.s32 @!p0 $0x108  }
0x21: {  	s3 =	sadd.s32 s3, s9;
	s6 =	sadd.s32 @!p0 $0x88, s6;
	s7 =	simm.s32 @p2 $0x1082  }
0x22: {  	[simem:s7], [sflag:s8] =	dma.local @!p0 [hbm:s6], $0xF7A  }
0x23: {  	s9 =	sor.u32 $0xD0000000, s2;
	s6 =	simm.s32 $0x108;
	_ =	swait.ge @!p0 [sflag:s8], $0x0  }
0x24: {  	s3 =	sadd.s32 $0x88, s3;
	s6 =	simm.s32 @!p1 $0x1082;
	[sflag:s4] =	ssyncset.s32 $0xFFFFF086  }
0x25: {  	[simem:s6], [sflag:s4] =	dma.local [hbm:s3], $0xF7A  }
0x26: {  	[smem:$0x3F9E] =	sst s1;
	(tag) =	ssettag s2;
	_ =	strace s9  }
0x27: {  	s1 =	sld [smem:$0x3FAE]  }
0x28: {  	s2 =	sld [smem:$0x3FAF]  }
0x29: {  	s4 =	sld [smem:$0x3FB1]  }
0x2a: {  	p0 =	seq.s32 s5, $0x0;
	s5 =	sld [smem:$0x3FB2]  }
0x2b: {  	s6 =	sld [smem:$0x3FB3]  }
0x2c: {  	s7 =	sld [smem:$0x3FB4]  }
0x2d: {  	s3 =	simm.s32 $0x108;
	s8 =	sld [smem:$0x3FB5]  }
0x2e: {  	s3 =	simm.s32 @!p0 $0x1082;
	s9 =	sld [smem:$0x3FB6]  }
0x2f: {  	lr =	sadd.s32 s0, s3;
	s0 =	sld [smem:$0x3FAD]  }
0x30: {  	s3 =	sld [smem:$0x3FB0]  }
0x31: {  	[smem:$0x3FB9] =	sst s10  }
0x32: {  	s10 =	sld [smem:$0x3FB7];
	_ =	sdelay $0x3  }
0x33: {  	p0 =	seq.s32 s10, $0x1;
	s10 =	sld [smem:$0x3FB9];
	_ =	sdelay $0x3  }
0x34: {  	[smem:$0x3FB9] =	sst s10  }
0x35: {  	s10 =	sld [smem:$0x3FB8];
	_ =	sdelay $0x3  }
0x36: {  	p1 =	seq.s32 s10, $0x1;
	s10 =	sld [smem:$0x3FB9];
	_ =	sdelay $0x3  }
0x37: {  	[smem:$0x3FB9] =	sst s10  }
0x38: {  	s10 =	sld [smem:$0x3FBA]  }
0x39: {  	_ = 	snop;
	(pc) =	sbr.ind lr, $3  }
0x3a: {  	_ = 	snop  }
0x3b: {  	_ = 	snop  }
0x3c: {  	p2 =	seq.s32 s10, $0x1;
	s10 =	sld [smem:$0x3FB9]  }
0x3d: {  	_ =	shalt  }
0x3e: {  	_ =	shalt  }
0x3f: {  	_ =	shalt  }
0x40: {  	_ =	shalt  }
0x41: {  	_ =	shalt  }
0x42: {  	_ =	shalt  }
0x43: {  	_ =	shalt  }
0x44: {  	_ =	shalt  }
0x45: {  	_ =	shalt  }
0x46: {  	_ =	shalt  }
0x47: {  	_ =	shalt  }
0x48: {  	_ =	shalt  }
0x49: {  	_ =	shalt  }
0x4a: {  	_ =	shalt  }
0x4b: {  	_ =	shalt  }
0x4c: {  	_ =	shalt  }
0x4d: {  	_ =	shalt  }
0x4e: {  	_ =	shalt  }
0x4f: {  	_ =	shalt  }
0x50: {  	_ =	shalt  }
0x51: {  	_ =	shalt  }
0x52: {  	_ =	shalt  }
0x53: {  	_ =	shalt  }
0x54: {  	_ =	shalt  }
0x55: {  	_ =	shalt  }
0x56: {  	_ =	shalt  }
0x57: {  	_ =	shalt  }
0x58: {  	_ =	shalt  }
0x59: {  	_ =	shalt  }
0x5a: {  	_ =	shalt  }
0x5b: {  	_ =	shalt  }
0x5c: {  	_ =	shalt  }
0x5d: {  	_ =	shalt  }
0x5e: {  	_ =	shalt  }
0x5f: {  	_ =	shalt  }
0x60: {  	_ =	shalt  }
0x61: {  	_ =	shalt  }
0x62: {  	_ =	shalt  }
0x63: {  	_ =	shalt  }
0x64: {  	_ =	shalt  }
0x65: {  	_ =	shalt  }
0x66: {  	_ =	shalt  }
0x67: {  	_ =	shalt  }
0x68: {  	_ =	shalt  }
0x69: {  	_ =	shalt  }
0x6a: {  	_ =	shalt  }
0x6b: {  	_ =	shalt  }
0x6c: {  	_ =	shalt  }
0x6d: {  	_ =	shalt  }
0x6e: {  	_ =	shalt  }
0x6f: {  	_ =	shalt  }
0x70: {  	_ =	shalt  }
0x71: {  	_ =	shalt  }
0x72: {  	_ =	shalt  }
0x73: {  	_ =	shalt  }
0x74: {  	_ =	shalt  }
0x75: {  	_ =	shalt  }
0x76: {  	_ =	shalt  }
0x77: {  	_ =	shalt  }
0x78: {  	_ =	shalt  }
0x79: {  	_ =	shalt  }
0x7a: {  	_ =	shalt  }
0x7b: {  	_ =	shalt  }
0x7c: {  	_ =	shalt  }
0x7d: {  	_ =	shalt  }
0x7e: {  	_ =	shalt  }
0x7f: {  	_ =	shalt  }
0x80: {  	_ =	shalt  }
0x81: {  	_ =	shalt  }
0x82: {  	_ =	shalt  }
0x83: {  	_ =	shalt  }
0x84: {  	_ =	shalt  }
0x85: {  	_ =	shalt  }
0x86: {  	_ =	shalt  }
0x87: {  	_ =	shalt  }
.Lfunc_end0:
.L_simem_size_0:
called_computation.3_lowered:
.L_overlay_start_0:
0x88: {  	s2 =	sld [smem:$0x3FD9]  }
0x89: {  	s3 =	sld [smem:$0x3FFE];
	_ =	sdelay $0x1  }
0x8a: {  	s1 =	srdreg.scid  }
0x8b: {  	s0 =	sand.u32 $0x1, s1  }
0x8c: {  	s17 =	sshll.u32 s0, $0xA;
	s2 =	sadd.s32 s3, s2  }
0x8d: {  	s2 =	sadd.s32 s2, s17  }
0x8e: {  	[smem:$0x3FC5] =	sst s2  }
0x8f: {  	_ = 	snop  }
0x90: {  	(tm) =	ssettm $0x1  }
0x91: {  	s18 =	sld [smem:$0x3FFB];
	_ =	sdelay $0x3  }
0x92: {  	_ =	strace s18  }
0x93: {  	s2 =	sld [smem:$0x3FFC];
	_ =	sdelay $0x3  }
0x94: {  	_ =	strace s2  }
0x95: {  	s2 =	sld [smem:$0x3FFD];
	_ =	sdelay $0x3  }
0x96: {  	_ =	strace s2  }
0x97: {  	_ =	strace $0x8FFFFFFF  }
0x98: {  	s19 =	sld [smem:$0x3FDB];
	_ =	sdelay $0x1  }
0x99: {  	s20 =	simm.s32 $_scs_section_size  }
0x9a: {  	s4 =	simm.s32 $_size__tile_overlayer_lowered;
	s5 =	simm.s32 $_tile_overlayer_lowered  }
0x9b: {  	s6 =	simm.s32 $0x1BFF;
	s21 =	sshll.u32 s5, $0x1;
	s3 =	sadd.s32 s20, s19  }
0x9c: {  	s22 =	simm.s32 $0x0;
	s4 =	sshll.u32 s4, $0x1;
	s5 =	sadd.s32 s21, s3  }
0x9d: {  	[timem:s22], [sflag:s6] =	dma.local [hbm:s5], s4  }
0x9e: {  	_ =	swait.ge [sflag:s6], s4  }
0x9f: {  	s4 =	ssub.s32 $0x0, s4;
	[sflag:s6] =	ssyncset.done $0x0  }
0xa0: {  	[sflag:s6] =	ssyncadd.s32 s4;
	_ =	sdelay $0x1  }
0xa1: {  	s23 =	simm.s32 $0x1B8B  }
0xa2: {  	_ =	swait.ge [sflag:s23], $0x1  }
0xa3: {  	[sflag:s23] =	ssyncset.done $0x0  }
0xa4: {  	[sflag:s23] =	ssyncadd.s32 $0xFFFFFFFF  }
0xa5: {  	s4 =	sld [smem:$0x0]  }
0xa6: {  	s5 =	sand.u32 $0xFFFFFFFE, s1  }
0xa7: {  	p0 =	sne.s32 s1, s5  }
0xa8: {  	s5 =	sshll.u32 @p0 s5, $0xE  }
0xa9: {  	s5 =	sadd.s32 @p0 $0x11B8D, s5;
	s6 =	sshll.u32 @p0 s4, $0x11  }
0xaa: {  	s5 =	sor.u32 @p0 s6, s5  }
0xab: {  	[sflag:s5] =	ssyncadd.remote.s32 @p0 $0x1;
	_ =	sdelay $0x1  }
0xac: {  	s5 =	simm.s32 @p0 $0x1B8D  }
0xad: {  	_ =	swait.eq @p0 [sflag:s5], $0x1  }
0xae: {  	[sflag:s5] =	ssyncadd.s32 @p0 $0xFFFFFFFF  }
0xaf: {  	s6 =	sshll.u32 @!p0 s1, $0xE  }
0xb0: {  	s6 =	sor.u32 @!p0 $0x4000, s6;
	s5 =	simm.s32 @!p0 $0x1B8D  }
0xb1: {  	s4 =	sshll.u32 @!p0 s4, $0x11;
	s6 =	sadd.s32 @!p0 $0x11B8D, s6;
	_ =	swait.eq @!p0 [sflag:s5], $0x1  }
0xb2: {  	s4 =	sor.u32 @!p0 s4, s6;
	[sflag:s5] =	ssyncadd.s32 @!p0 $0xFFFFFFFF  }
0xb3: {  	s25 =	simm.s32 $0x1B8E;
	s24 =	sld [smem:$0x3FFE];
	[sflag:s4] =	ssyncadd.remote.s32 @!p0 $0x1  }
0xb4: {  	s26 =	simm.s32 $execute0_lowered;
	[smem:$0x3FD2] =	sst s25  }
0xb5: {  	s5 =	sshll.u32 s26, $0x1;
	_ =	strace $0x8000004F;
	[dreg:$0x1] =	wrdreg $0xFFFFFFFF  }
0xb6: {  	s28 =	simm.s32 $_size_execute0_lowered;
	s3 =	sadd.s32 s3, s5;
	[dreg:$0x0] =	wrdreg $0x0  }
0xb7: {  	s5 =	sshll.u32 s28, $0x1;
	[dreg:$0x2] =	wrdreg s3  }
0xb8: {  	[dreg:$0x3] =	wrdreg s5  }
0xb9: {  	[dreg:$0x4] =	wrdreg $0xC0  }
0xba: {  	_ =	task [dreg:s22], $0x5FFFF  }
0xbb: {  	[dreg:$0x1] =	wrdreg $0xFFFFFFFF  }
0xbc: {  	[dreg:$0x0] =	wrdreg $0x60  }
0xbd: {  	[dreg:$0x2] =	wrdreg s24  }
0xbe: {  	[dreg:$0x3] =	wrdreg $0xC  }
0xbf: {  	_ =	task.clear_ibuf [dreg:s22], $0x4FFFF;
	_ =	strace $0x9000004F  }
0xc0: {  	s29 =	simm.s32 $0xC;
	_ =	strace $0x80000051  }
0xc1: {  	_ =	swait.ge [sflag:s29], $0x1  }
0xc2: {  	[sflag:s29] =	ssyncadd.s32 $0xFFFFFFFF  }
0xc3: {  	_ =	strace $0x90000051  }
0xc4: {  	_ =	sfence  }
0xc5: {  	s30 =	sld [smem:$0x0];
	_ =	sdelay $0x2  }
0xc6: {  	s31 =	sshll.u32 s1, $0xD;
	s1 =	sshrl.u32 s1, $0x2  }
0xc7: {  	s4 =	sand.u32 $0x4000, s31;
	s1 =	sadd.s32 s1, s30  }
0xc8: {  	s0 =	sor.u32 s4, s0;
	s1 =	sshll.u32 s1, $0x11  }
0xc9: {  	s0 =	sor.u32 s1, s0  }
0xca: {  	s0 =	sadd.s32 $0x8F2B, s0  }
0xcb: {  	[sflag:s0] =	ssyncadd.remote.s32 $0x1  }
0xcc: {  	_ =	sfence.sel $0xFFFF  }
0xcd: {  	[dreg:$0x0] =	wrdreg $0xFFFFFFFF;
	(pc) =	sbr.abs _section_cstart, $3  }
0xce: {  	[dreg:$0x1] =	wrdreg $0xFFFFFFFF  }
0xcf: {  	_ =	task.clear_ibuf [dreg:s22], $0x2FFFF;
	_ =	strace $0x9FFFFFFF  }
0xd0: {  	(tm) =	ssettm $0x7FFFFFFF  }
0xd1: {  	_ =	shalt  }
tec
execute0_lowered:
.L_overlay_start_1:
0x0: {  	(tag) =	ssettag $0x1  }
0x1: {  	s1 =	srdreg.scid;
	s0 =	stileid.u32  }
0x2: {  	s5 =	rddreg [dreg:$0x0];
	s2 =	simm.s32 $0x0;
	s12 =	simm.s32 $0x3400  }
0x3: {  	s13 =	simm.s32 $0x5400;
	s14 =	simm.s32 $0x7400;
	s15 =	simm.s32 $0x9400  }
0x4: {  	s16 =	simm.s32 $0xB400;
	s17 =	simm.s32 $0xD400;
	s18 =	simm.s32 $0xF400  }
0x5: {  	s19 =	simm.s32 $0x1;
	s20 =	simm.s32 $0x40;
	s7 =	smul.u32 $0x14000, s0  }
0x6: {  	s21 =	simm.s32 $0x0;
	s4 =	sand.u32 $0x1, s1;
	s11 =	smul.u32 $0x50, s0  }
0x7: {  	s30 =	sshll.u32 s0, $0x1;
	s1 =	rddreg [dreg:$0x1];
	s9 =	smul.u32 $0xA000, s4  }
0x8: {  	[smem:$0x7FF] =	sst s2;
	s3 =	sor.u32 s4, s30;
	s31 =	smul.u32 $0x28, s4  }
0x9: {  	_ =	strace $0x80000050;
	s8 =	ssub.s32 $0x2, s4;
	s6 =	smul.u32 $0x280, s3  }
0xa: {  	s4 =	sadd.s32 $0x3D5800, s5;
	s3 =	sadd.s32 $0xF57C00, s5;
	s10 =	sshrl.u32 s8, $0x1  }
0xb: {  	s8 =	ssub.s32 s8, s10;
	s7 =	sadd.s32 s9, s7;
	s6 =	sadd.s32 s6, s5  }
0xc: {  	s9 =	simm.s32 $0x2;
	s10 =	simm.s32 $0x80;
	s5 =	sadd.s32 $0xB800, s6  }
0xd: {  	s6 =	smax.u32 s8, $0x1;
	s8 =	sadd.s32 s31, s11;
	s11 =	simm.s32 $0x1400  }
.LBB2_1:
0xe: {  	[tilespmem:s2], [sflag:$0x2] =	stream.linear.gather [hbm4b:s5+s2], $0x1400, $0x38;
	[tilespmem:$0x11400] =	vst v63  }
0xf: {  	_ =	swait.ge [sflag:s9], $0x1400  }
0x10: {  	[sflag:s9] =	ssyncset.done $0x0  }
0x11: {  	s22 =	simm.s32 $0x0;
	[sflag:s9] =	ssyncadd.s32 $0xFFFFEC00  }
0x12: {  	[tilespmem:s11], [sflag:$0x1] =	stream.indirect.gather [hbm4b:s3+s10], $0x40, s22, s10, $0xb8;
	[tilespmem:$0x11400] =	vst v63  }
0x13: {  	s23 =	simm.s32 $0x80  }
0x14: {  	[tilespmem:s12], [sflag:$0x1] =	stream.indirect.gather [hbm4b:s3+s10], $0x40, s23, s10, $0xb8;
	[tilespmem:$0x11400] =	vst v63  }
0x15: {  	s24 =	simm.s32 $0x100  }
0x16: {  	[tilespmem:s13], [sflag:$0x1] =	stream.indirect.gather [hbm4b:s3+s10], $0x40, s24, s10, $0xb8;
	[tilespmem:$0x11400] =	vst v63  }
0x17: {  	s25 =	simm.s32 $0x180  }
0x18: {  	[tilespmem:s14], [sflag:$0x1] =	stream.indirect.gather [hbm4b:s3+s10], $0x40, s25, s10, $0xb8;
	[tilespmem:$0x11400] =	vst v63  }
0x19: {  	s26 =	simm.s32 $0x200  }
0x1a: {  	[tilespmem:s15], [sflag:$0x1] =	stream.indirect.gather [hbm4b:s3+s10], $0x40, s26, s10, $0xb8;
	[tilespmem:$0x11400] =	vst v63  }
0x1b: {  	s28 =	simm.s32 $0x280  }
0x1c: {  	[tilespmem:s16], [sflag:$0x1] =	stream.indirect.gather [hbm4b:s3+s10], $0x40, s28, s10, $0xb8;
	[tilespmem:$0x11400] =	vst v63  }
0x1d: {  	s29 =	simm.s32 $0x300  }
0x1e: {  	[tilespmem:s17], [sflag:$0x1] =	stream.indirect.gather [hbm4b:s3+s10], $0x40, s29, s10, $0xb8;
	[tilespmem:$0x11400] =	vst v63  }
0x1f: {  	s30 =	simm.s32 $0x380  }
0x20: {  	[tilespmem:s18], [sflag:$0x1] =	stream.indirect.gather [hbm4b:s3+s10], $0x40, s30, s10, $0xb8;
	[tilespmem:$0x11400] =	vst v63  }
0x21: {  	_ =	swait.ge [sflag:s19], $0x2000  }
0x22: {  	[sflag:s19] =	ssyncset.done $0x0  }
0x23: {  	[sflag:s19] =	ssyncadd.s32 $0xFFFFE000  }
0x24: {  	_ =	swait.ge [sflag:s19], $0x2000  }
0x25: {  	[sflag:s19] =	ssyncset.done $0x0  }
0x26: {  	[sflag:s19] =	ssyncadd.s32 $0xFFFFE000  }
0x27: {  	_ =	swait.ge [sflag:s19], $0x2000  }
0x28: {  	[sflag:s19] =	ssyncset.done $0x0  }
0x29: {  	[sflag:s19] =	ssyncadd.s32 $0xFFFFE000  }
0x2a: {  	_ =	swait.ge [sflag:s19], $0x2000  }
0x2b: {  	[sflag:s19] =	ssyncset.done $0x0  }
0x2c: {  	[sflag:s19] =	ssyncadd.s32 $0xFFFFE000  }
0x2d: {  	_ =	swait.ge [sflag:s19], $0x2000  }
0x2e: {  	[sflag:s19] =	ssyncset.done $0x0  }
0x2f: {  	[sflag:s19] =	ssyncadd.s32 $0xFFFFE000  }
0x30: {  	_ =	swait.ge [sflag:s19], $0x2000  }
0x31: {  	[sflag:s19] =	ssyncset.done $0x0  }
0x32: {  	[sflag:s19] =	ssyncadd.s32 $0xFFFFE000  }
0x33: {  	_ =	swait.ge [sflag:s19], $0x2000  }
0x34: {  	[sflag:s19] =	ssyncset.done $0x0  }
0x35: {  	[sflag:s19] =	ssyncadd.s32 $0xFFFFE000  }
0x36: {  	s31 =	sand.u32 $0x8, s8;
	_ =	swait.ge [sflag:s19], $0x2000  }
0x37: {  	s22 =	sadd.s32 s4, s31;
	s23 =	sand.u32 $0xFFFC000, s7;
	[sflag:s19] =	ssyncset.done $0x0  }
0x38: {  	s22 =	sadd.s32 s23, s22;
	[sflag:s19] =	ssyncadd.s32 $0xFFFFE000  }
0x39: {  	[hbm4b:s22+s20] =	stream.strided.scatter [tilespmem:s11], [sflag:$0x2], $0x10000, s10, s20, $0x38;
	[tilespmem:$0x11400] =	vst v63  }
0x3a: {  	s23 =	sadd.s32 $0x8, s8;
	s24 =	simm.s32 $0x1000;
	_ =	swait.ge [sflag:s9], $0x10000  }
0x3b: {  	s26 =	simm.s32 $0x2000;
	s22 =	sadd.s32 $0x2000, s7;
	[sflag:s9] =	ssyncset.done $0x0  }
.LBB2_2:
0x3c: {  	s28 =	sshra.s32 s24, $0x2  }
0x3d: {  	[sflag:s9] =	ssyncadd.s32 $0xFFFF0000;
	s24 =	smov.u32 s26;
	s25 =	sadd.s32 $0x1000, s26  }
0x3e: {  	[tilespmem:s11], [sflag:$0x1] =	stream.indirect.gather [hbm4b:s3+s10], $0x40, s28, s10, $0xb8;
	[tilespmem:$0x11400] =	vst v63  }
0x3f: {  	p0 =	sne.s32 s26, $0x4000;
	s26 =	sadd.s32 $0x80, s28  }
0x40: {  	[tilespmem:s12], [sflag:$0x1] =	stream.indirect.gather [hbm4b:s3+s10], $0x40, s26, s10, $0xb8;
	[tilespmem:$0x11400] =	vst v63  }
0x41: {  	s26 =	sadd.s32 $0x100, s28  }
0x42: {  	[tilespmem:s13], [sflag:$0x1] =	stream.indirect.gather [hbm4b:s3+s10], $0x40, s26, s10, $0xb8;
	[tilespmem:$0x11400] =	vst v63  }
0x43: {  	s26 =	sadd.s32 $0x180, s28  }
0x44: {  	[tilespmem:s14], [sflag:$0x1] =	stream.indirect.gather [hbm4b:s3+s10], $0x40, s26, s10, $0xb8;
	[tilespmem:$0x11400] =	vst v63  }
0x45: {  	s26 =	sadd.s32 $0x200, s28  }
0x46: {  	[tilespmem:s15], [sflag:$0x1] =	stream.indirect.gather [hbm4b:s3+s10], $0x40, s26, s10, $0xb8;
	[tilespmem:$0x11400] =	vst v63  }
0x47: {  	s26 =	sadd.s32 $0x280, s28  }
0x48: {  	[tilespmem:s16], [sflag:$0x1] =	stream.indirect.gather [hbm4b:s3+s10], $0x40, s26, s10, $0xb8;
	[tilespmem:$0x11400] =	vst v63  }
0x49: {  	s26 =	sadd.s32 $0x300, s28  }
0x4a: {  	[tilespmem:s17], [sflag:$0x1] =	stream.indirect.gather [hbm4b:s3+s10], $0x40, s26, s10, $0xb8;
	[tilespmem:$0x11400] =	vst v63  }
0x4b: {  	s26 =	sadd.s32 $0x380, s28  }
0x4c: {  	[tilespmem:s18], [sflag:$0x1] =	stream.indirect.gather [hbm4b:s3+s10], $0x40, s26, s10, $0xb8;
	[tilespmem:$0x11400] =	vst v63  }
0x4d: {  	_ =	swait.ge [sflag:s19], $0x2000  }
0x4e: {  	[sflag:s19] =	ssyncset.done $0x0  }
0x4f: {  	[sflag:s19] =	ssyncadd.s32 $0xFFFFE000  }
0x50: {  	_ =	swait.ge [sflag:s19], $0x2000  }
0x51: {  	[sflag:s19] =	ssyncset.done $0x0  }
0x52: {  	[sflag:s19] =	ssyncadd.s32 $0xFFFFE000  }
0x53: {  	_ =	swait.ge [sflag:s19], $0x2000  }
0x54: {  	[sflag:s19] =	ssyncset.done $0x0  }
0x55: {  	[sflag:s19] =	ssyncadd.s32 $0xFFFFE000  }
0x56: {  	_ =	swait.ge [sflag:s19], $0x2000  }
0x57: {  	[sflag:s19] =	ssyncset.done $0x0  }
0x58: {  	[sflag:s19] =	ssyncadd.s32 $0xFFFFE000  }
0x59: {  	_ =	swait.ge [sflag:s19], $0x2000  }
0x5a: {  	[sflag:s19] =	ssyncset.done $0x0  }
0x5b: {  	[sflag:s19] =	ssyncadd.s32 $0xFFFFE000  }
0x5c: {  	_ =	swait.ge [sflag:s19], $0x2000  }
0x5d: {  	[sflag:s19] =	ssyncset.done $0x0  }
0x5e: {  	[sflag:s19] =	ssyncadd.s32 $0xFFFFE000  }
0x5f: {  	_ =	swait.ge [sflag:s19], $0x2000  }
0x60: {  	[sflag:s19] =	ssyncset.done $0x0  }
0x61: {  	[sflag:s19] =	ssyncadd.s32 $0xFFFFE000  }
0x62: {  	s28 =	sand.u32 $0x8, s23;
	s26 =	sand.u32 $0xFFFC000, s22;
	_ =	swait.ge [sflag:s19], $0x2000  }
.Ltmp0:
0x63: {  	s28 =	sadd.s32 s4, s28;
	[sflag:s19] =	ssyncset.done $0x0;
	(pc) =	sbr.rel @p0 .LBB2_2-.Ltmp0, $4  }
0x64: {  	s26 =	sadd.s32 s26, s28;
	[sflag:s19] =	ssyncadd.s32 $0xFFFFE000  }
0x65: {  	[hbm4b:s26+s20] =	stream.strided.scatter [tilespmem:s11], [sflag:$0x2], $0x10000, s10, s20, $0x38;
	[tilespmem:$0x11400] =	vst v63  }
0x66: {  	s23 =	sadd.s32 $0x8, s23;
	_ =	swait.ge [sflag:s9], $0x10000  }
0x67: {  	s22 =	sadd.s32 $0x2000, s22;
	s26 =	smov.u32 s25;
	[sflag:s9] =	ssyncset.done $0x0  }
0x68: {  	s24 =	sshra.s32 s24, $0x2;
	[sflag:s9] =	ssyncadd.s32 $0xFFFF0000  }
0x69: {  	[tilespmem:s11], [sflag:$0x1] =	stream.indirect.gather [hbm4b:s3+s10], $0x40, s24, s10, $0xb8;
	[tilespmem:$0x11400] =	vst v63  }
0x6a: {  	s25 =	sadd.s32 $0x80, s24  }
0x6b: {  	[tilespmem:s12], [sflag:$0x1] =	stream.indirect.gather [hbm4b:s3+s10], $0x40, s25, s10, $0xb8;
	[tilespmem:$0x11400] =	vst v63  }
0x6c: {  	s26 =	sadd.s32 $0x100, s24  }
0x6d: {  	[tilespmem:s13], [sflag:$0x1] =	stream.indirect.gather [hbm4b:s3+s10], $0x40, s26, s10, $0xb8;
	[tilespmem:$0x11400] =	vst v63  }
0x6e: {  	s28 =	sadd.s32 $0x180, s24  }
0x6f: {  	[tilespmem:s14], [sflag:$0x1] =	stream.indirect.gather [hbm4b:s3+s10], $0x40, s28, s10, $0xb8;
	[tilespmem:$0x11400] =	vst v63  }
0x70: {  	s29 =	sadd.s32 $0x200, s24  }
0x71: {  	[tilespmem:s15], [sflag:$0x1] =	stream.indirect.gather [hbm4b:s3+s10], $0x40, s29, s10, $0xb8;
	[tilespmem:$0x11400] =	vst v63  }
0x72: {  	s30 =	sadd.s32 $0x280, s24  }
0x73: {  	[tilespmem:s16], [sflag:$0x1] =	stream.indirect.gather [hbm4b:s3+s10], $0x40, s30, s10, $0xb8;
	[tilespmem:$0x11400] =	vst v63  }
0x74: {  	s31 =	sadd.s32 $0x300, s24  }
0x75: {  	[tilespmem:s17], [sflag:$0x1] =	stream.indirect.gather [hbm4b:s3+s10], $0x40, s31, s10, $0xb8;
	[tilespmem:$0x11400] =	vst v63  }
0x76: {  	s24 =	sadd.s32 $0x380, s24  }
0x77: {  	[tilespmem:s18], [sflag:$0x1] =	stream.indirect.gather [hbm4b:s3+s10], $0x40, s24, s10, $0xb8;
	[tilespmem:$0x11400] =	vst v63  }
0x78: {  	_ =	swait.ge [sflag:s19], $0x2000  }
0x79: {  	[sflag:s19] =	ssyncset.done $0x0  }
0x7a: {  	[sflag:s19] =	ssyncadd.s32 $0xFFFFE000  }
0x7b: {  	_ =	swait.ge [sflag:s19], $0x2000  }
0x7c: {  	[sflag:s19] =	ssyncset.done $0x0  }
0x7d: {  	[sflag:s19] =	ssyncadd.s32 $0xFFFFE000  }
0x7e: {  	_ =	swait.ge [sflag:s19], $0x2000  }
0x7f: {  	[sflag:s19] =	ssyncset.done $0x0  }
0x80: {  	[sflag:s19] =	ssyncadd.s32 $0xFFFFE000  }
0x81: {  	_ =	swait.ge [sflag:s19], $0x2000  }
0x82: {  	[sflag:s19] =	ssyncset.done $0x0  }
0x83: {  	[sflag:s19] =	ssyncadd.s32 $0xFFFFE000  }
0x84: {  	_ =	swait.ge [sflag:s19], $0x2000  }
0x85: {  	[sflag:s19] =	ssyncset.done $0x0  }
0x86: {  	[sflag:s19] =	ssyncadd.s32 $0xFFFFE000  }
0x87: {  	_ =	swait.ge [sflag:s19], $0x2000  }
0x88: {  	[sflag:s19] =	ssyncset.done $0x0  }
0x89: {  	[sflag:s19] =	ssyncadd.s32 $0xFFFFE000  }
0x8a: {  	_ =	swait.ge [sflag:s19], $0x2000  }
0x8b: {  	[sflag:s19] =	ssyncset.done $0x0  }
0x8c: {  	s23 =	sand.u32 $0x8, s23;
	[sflag:s19] =	ssyncadd.s32 $0xFFFFE000  }
0x8d: {  	s22 =	sand.u32 $0xFFFC000, s22;
	s21 =	sadd.s32 $0x1, s21;
	_ =	swait.ge [sflag:s19], $0x2000  }
0x8e: {  	s23 =	sadd.s32 s4, s23;
	p0 =	sne.s32 s21, s6;
	[sflag:s19] =	ssyncset.done $0x0  }
.Ltmp1:
0x8f: {  	s22 =	sadd.s32 s22, s23;
	[sflag:s19] =	ssyncadd.s32 $0xFFFFE000;
	(pc) =	sbr.rel @p0 .LBB2_1-.Ltmp1, $4  }
0x90: {  	[hbm4b:s22+s20] =	stream.strided.scatter [tilespmem:s11], [sflag:$0x2], $0x10000, s10, s20, $0x38;
	[tilespmem:$0x11400] =	vst v63  }
0x91: {  	_ =	swait.ge [sflag:s9], $0x10000  }
0x92: {  	[sflag:s9] =	ssyncset.done $0x0  }
0x93: {  	[sflag:s9] =	ssyncadd.s32 $0xFFFF0000  }
0x94: {  	_ =	sfence.sel $0x180000  }
0x95: {  	[bflag:$0x0] =	sbarrier.arrive $0xFFFF  }
0x96: {  	p0 =	sne.s32 s0, $0x0;
	_ =	strace $0x90000050  }
0x97: {  	s0 =	sadd.s32 @!p0 $0x100000, s1;
	[bflag:$0x2] =	sbarrier.arrive $0xFFFF  }
0x98: {  	[sflag:s0] =	ssyncadd.tile.s32 @!p0 $0x1;
	_ =	shalt  }
.Lfunc_end2:
_tile_overlayer_lowered:
.L_overlay_start_2:
0x99: {  	(tag) =	ssettag $0x2  }
0x9a: {  	s0 =	rddreg [dreg:$0x0];
	s2 =	stileid.u32  }
0x9b: {  	s1 =	rddreg [dreg:$0x1];
	p0 =	sne.s32 s2, $0x0  }
0x9c: {  	s3 =	rddreg [dreg:$0x2];
	[bflag:$0x3] =	sbarrier.arrive $0xFFFF;
	s2 =	simm.s32 @!p0 $0x1C02  }
0x9d: {  	[timem:s3], [sflag:s2] =	dma.local @!p0 [hbm:s0], s1  }
0x9e: {  	s0 =	simm.s32 @!p0 $0x2  }
0x9f: {  	_ =	swait.ge @!p0 [sflag:s0], s1  }
0xa0: {  	s1 =	ssub.s32 @!p0 $0x0, s1;
	[sflag:s0] =	ssyncset.done @!p0 $0x0  }
0xa1: {  	[sflag:s0] =	ssyncadd.s32 @!p0 s1  }
0xa2: {  	[bflag:$0x3] =	sbarrier.arrive $0xFFFF  }
0xa3: {  	_ =	shalt  }

// kernel: kernel.24.cloned.1.call-start
scs
__scs_entry_jumppad:
0x0: {  	(pc) =	sbr.rel $0x88, $3  }
0x1: {  	(tag) =	ssettag $0x0;
	lr =	simm.s32 $0x1  }
0x2: {  	[smem:$0x3F9E] =	sst lr;
	_ =	strace $0xD0000000  }
0x3: {  	_ = 	snop  }
0x4: {  	_ = 	snop  }
0x5: {  	_ = 	snop  }
0x6: {  	_ = 	snop  }
0x7: {  	_ = 	snop  }
__scs_overlays_trampoline_lowered:
0x8: {  	[smem:$0x3FAD] =	sst s0  }
0x9: {  	[smem:$0x3FAE] =	sst s1  }
0xa: {  	[smem:$0x3FAF] =	sst s2  }
0xb: {  	[smem:$0x3FB0] =	sst s3  }
0xc: {  	[smem:$0x3FB1] =	sst s4  }
0xd: {  	[smem:$0x3FB2] =	sst s5  }
0xe: {  	[smem:$0x3FB3] =	sst s6  }
0xf: {  	[smem:$0x3FB4] =	sst s7  }
0x10: {  	[smem:$0x3FB5] =	sst s8  }
0x11: {  	[smem:$0x3FB6] =	sst s9;
	s0 =	simm.s32 @!p0 $0x0  }
0x12: {  	s1 =	sld [smem:$0x3F9C];
	s0 =	simm.s32 @p0 $0x1  }
0x13: {  	[smem:$0x3FB7] =	sst s0;
	s0 =	simm.s32 @!p1 $0x0  }
0x14: {  	s2 =	sld [smem:$0x3F9B];
	s0 =	simm.s32 @p1 $0x1  }
0x15: {  	[smem:$0x3FB8] =	sst s0;
	s0 =	simm.s32 @!p2 $0x0  }
0x16: {  	s3 =	sld [smem:$0x3FDB];
	s0 =	simm.s32 @p2 $0x1  }
0x17: {  	s4 =	simm.s32 $0x1BF5;
	[smem:$0x3FBA] =	sst s0  }
0x18: {  	s0 =	sld [smem:$0x3F9D];
	_ =	swait.ge [sflag:s4], $0x0  }
0x19: {  	s7 =	sld [smem:$0x3F9E]  }
0x1a: {  	s8 =	sadd.s32 $0xFFFFE003, lr  }
0x1b: {  	s9 =	sadd.s32 $0xFFFFFEF7, lr;
	s5 =	simm.s32 $0xFFFFFFFF;
	p2 =	slt.u32 s8, $0xFFFFF086  }
0x1c: {  	p1 =	slt.u32 s9, $0xF7A;
	s5 =	simm.s32 @!p2 $0x0  }
0x1d: {  	s5 =	simm.s32 @p1 $0x1;
	p0 =	seq.s32 s7, s2  }
0x1e: {  	s7 =	smul.u32 @!p0 $0xF7A, s2;
	p2 =	seq.s32 @!p0 s5, $0x0  }
0x1f: {  	s9 =	smul.u32 $0xF7A, s1;
	s8 =	simm.s32 @!p0 $0x1BF5;
	p2 =	por !p2, p0  }
0x20: {  	[sflag:s8] =	ssyncset.s32 @!p0 $0xFFFFF086;
	s6 =	sadd.s32 @!p0 s3, s7;
	s7 =	simm.s32 @!p0 $0x108  }
0x21: {  	s3 =	sadd.s32 s3, s9;
	s6 =	sadd.s32 @!p0 $0x88, s6;
	s7 =	simm.s32 @p2 $0x1082  }
0x22: {  	[simem:s7], [sflag:s8] =	dma.local @!p0 [hbm:s6], $0xF7A  }
0x23: {  	s9 =	sor.u32 $0xD0000000, s2;
	s6 =	simm.s32 $0x108;
	_ =	swait.ge @!p0 [sflag:s8], $0x0  }
0x24: {  	s3 =	sadd.s32 $0x88, s3;
	s6 =	simm.s32 @!p1 $0x1082;
	[sflag:s4] =	ssyncset.s32 $0xFFFFF086  }
0x25: {  	[simem:s6], [sflag:s4] =	dma.local [hbm:s3], $0xF7A  }
0x26: {  	[smem:$0x3F9E] =	sst s1;
	(tag) =	ssettag s2;
	_ =	strace s9  }
0x27: {  	s1 =	sld [smem:$0x3FAE]  }
0x28: {  	s2 =	sld [smem:$0x3FAF]  }
0x29: {  	s4 =	sld [smem:$0x3FB1]  }
0x2a: {  	p0 =	seq.s32 s5, $0x0;
	s5 =	sld [smem:$0x3FB2]  }
0x2b: {  	s6 =	sld [smem:$0x3FB3]  }
0x2c: {  	s7 =	sld [smem:$0x3FB4]  }
0x2d: {  	s3 =	simm.s32 $0x108;
	s8 =	sld [smem:$0x3FB5]  }
0x2e: {  	s3 =	simm.s32 @!p0 $0x1082;
	s9 =	sld [smem:$0x3FB6]  }
0x2f: {  	lr =	sadd.s32 s0, s3;
	s0 =	sld [smem:$0x3FAD]  }
0x30: {  	s3 =	sld [smem:$0x3FB0]  }
0x31: {  	[smem:$0x3FB9] =	sst s10  }
0x32: {  	s10 =	sld [smem:$0x3FB7];
	_ =	sdelay $0x3  }
0x33: {  	p0 =	seq.s32 s10, $0x1;
	s10 =	sld [smem:$0x3FB9];
	_ =	sdelay $0x3  }
0x34: {  	[smem:$0x3FB9] =	sst s10  }
0x35: {  	s10 =	sld [smem:$0x3FB8];
	_ =	sdelay $0x3  }
0x36: {  	p1 =	seq.s32 s10, $0x1;
	s10 =	sld [smem:$0x3FB9];
	_ =	sdelay $0x3  }
0x37: {  	[smem:$0x3FB9] =	sst s10  }
0x38: {  	s10 =	sld [smem:$0x3FBA]  }
0x39: {  	_ = 	snop;
	(pc) =	sbr.ind lr, $3  }
0x3a: {  	_ = 	snop  }
0x3b: {  	_ = 	snop  }
0x3c: {  	p2 =	seq.s32 s10, $0x1;
	s10 =	sld [smem:$0x3FB9]  }
0x3d: {  	_ =	shalt  }
0x3e: {  	_ =	shalt  }
0x3f: {  	_ =	shalt  }
0x40: {  	_ =	shalt  }
0x41: {  	_ =	shalt  }
0x42: {  	_ =	shalt  }
0x43: {  	_ =	shalt  }
0x44: {  	_ =	shalt  }
0x45: {  	_ =	shalt  }
0x46: {  	_ =	shalt  }
0x47: {  	_ =	shalt  }
0x48: {  	_ =	shalt  }
0x49: {  	_ =	shalt  }
0x4a: {  	_ =	shalt  }
0x4b: {  	_ =	shalt  }
0x4c: {  	_ =	shalt  }
0x4d: {  	_ =	shalt  }
0x4e: {  	_ =	shalt  }
0x4f: {  	_ =	shalt  }
0x50: {  	_ =	shalt  }
0x51: {  	_ =	shalt  }
0x52: {  	_ =	shalt  }
0x53: {  	_ =	shalt  }
0x54: {  	_ =	shalt  }
0x55: {  	_ =	shalt  }
0x56: {  	_ =	shalt  }
0x57: {  	_ =	shalt  }
0x58: {  	_ =	shalt  }
0x59: {  	_ =	shalt  }
0x5a: {  	_ =	shalt  }
0x5b: {  	_ =	shalt  }
0x5c: {  	_ =	shalt  }
0x5d: {  	_ =	shalt  }
0x5e: {  	_ =	shalt  }
0x5f: {  	_ =	shalt  }
0x60: {  	_ =	shalt  }
0x61: {  	_ =	shalt  }
0x62: {  	_ =	shalt  }
0x63: {  	_ =	shalt  }
0x64: {  	_ =	shalt  }
0x65: {  	_ =	shalt  }
0x66: {  	_ =	shalt  }
0x67: {  	_ =	shalt  }
0x68: {  	_ =	shalt  }
0x69: {  	_ =	shalt  }
0x6a: {  	_ =	shalt  }
0x6b: {  	_ =	shalt  }
0x6c: {  	_ =	shalt  }
0x6d: {  	_ =	shalt  }
0x6e: {  	_ =	shalt  }
0x6f: {  	_ =	shalt  }
0x70: {  	_ =	shalt  }
0x71: {  	_ =	shalt  }
0x72: {  	_ =	shalt  }
0x73: {  	_ =	shalt  }
0x74: {  	_ =	shalt  }
0x75: {  	_ =	shalt  }
0x76: {  	_ =	shalt  }
0x77: {  	_ =	shalt  }
0x78: {  	_ =	shalt  }
0x79: {  	_ =	shalt  }
0x7a: {  	_ =	shalt  }
0x7b: {  	_ =	shalt  }
0x7c: {  	_ =	shalt  }
0x7d: {  	_ =	shalt  }
0x7e: {  	_ =	shalt  }
0x7f: {  	_ =	shalt  }
0x80: {  	_ =	shalt  }
0x81: {  	_ =	shalt  }
0x82: {  	_ =	shalt  }
0x83: {  	_ =	shalt  }
0x84: {  	_ =	shalt  }
0x85: {  	_ =	shalt  }
0x86: {  	_ =	shalt  }
0x87: {  	_ =	shalt  }
.Lfunc_end0:
.L_simem_size_0:
called_computation.4_lowered:
.L_overlay_start_0:
0x88: {  	s2 =	sld [smem:$0x3FD9]  }
0x89: {  	s3 =	sld [smem:$0x3FFE];
	_ =	sdelay $0x1  }
0x8a: {  	s1 =	srdreg.scid  }
0x8b: {  	s0 =	sand.u32 $0x1, s1  }
0x8c: {  	s17 =	sshll.u32 s0, $0xA;
	s2 =	sadd.s32 s3, s2  }
0x8d: {  	s2 =	sadd.s32 s2, s17  }
0x8e: {  	[smem:$0x3FC5] =	sst s2  }
0x8f: {  	_ = 	snop  }
0x90: {  	(tm) =	ssettm $0x1  }
0x91: {  	s18 =	sld [smem:$0x3FFB];
	_ =	sdelay $0x3  }
0x92: {  	_ =	strace s18  }
0x93: {  	s2 =	sld [smem:$0x3FFC];
	_ =	sdelay $0x3  }
0x94: {  	_ =	strace s2  }
0x95: {  	s2 =	sld [smem:$0x3FFD];
	_ =	sdelay $0x3  }
0x96: {  	_ =	strace s2  }
0x97: {  	_ =	strace $0x8FFFFFFF  }
0x98: {  	s19 =	sld [smem:$0x3FDB];
	_ =	sdelay $0x1  }
0x99: {  	s20 =	simm.s32 $_scs_section_size  }
0x9a: {  	s4 =	simm.s32 $_size__tile_overlayer_lowered;
	s5 =	simm.s32 $_tile_overlayer_lowered  }
0x9b: {  	s6 =	simm.s32 $0x1BFF;
	s21 =	sshll.u32 s5, $0x1;
	s3 =	sadd.s32 s20, s19  }
0x9c: {  	s22 =	simm.s32 $0x0;
	s4 =	sshll.u32 s4, $0x1;
	s5 =	sadd.s32 s21, s3  }
0x9d: {  	[timem:s22], [sflag:s6] =	dma.local [hbm:s5], s4  }
0x9e: {  	_ =	swait.ge [sflag:s6], s4  }
0x9f: {  	s4 =	ssub.s32 $0x0, s4;
	[sflag:s6] =	ssyncset.done $0x0  }
0xa0: {  	[sflag:s6] =	ssyncadd.s32 s4;
	_ =	sdelay $0x1  }
0xa1: {  	s23 =	simm.s32 $0x1B8B  }
0xa2: {  	_ =	swait.ge [sflag:s23], $0x1  }
0xa3: {  	[sflag:s23] =	ssyncset.done $0x0  }
0xa4: {  	[sflag:s23] =	ssyncadd.s32 $0xFFFFFFFF  }
0xa5: {  	s4 =	sld [smem:$0x0]  }
0xa6: {  	s5 =	sand.u32 $0xFFFFFFFE, s1  }
0xa7: {  	p0 =	sne.s32 s1, s5  }
0xa8: {  	s5 =	sshll.u32 @p0 s5, $0xE  }
0xa9: {  	s5 =	sadd.s32 @p0 $0x11B8D, s5;
	s6 =	sshll.u32 @p0 s4, $0x11  }
0xaa: {  	s5 =	sor.u32 @p0 s6, s5  }
0xab: {  	[sflag:s5] =	ssyncadd.remote.s32 @p0 $0x1;
	_ =	sdelay $0x1  }
0xac: {  	s5 =	simm.s32 @p0 $0x1B8D  }
0xad: {  	_ =	swait.eq @p0 [sflag:s5], $0x1  }
0xae: {  	[sflag:s5] =	ssyncadd.s32 @p0 $0xFFFFFFFF  }
0xaf: {  	s6 =	sshll.u32 @!p0 s1, $0xE  }
0xb0: {  	s6 =	sor.u32 @!p0 $0x4000, s6;
	s5 =	simm.s32 @!p0 $0x1B8D  }
0xb1: {  	s4 =	sshll.u32 @!p0 s4, $0x11;
	s6 =	sadd.s32 @!p0 $0x11B8D, s6;
	_ =	swait.eq @!p0 [sflag:s5], $0x1  }
0xb2: {  	s4 =	sor.u32 @!p0 s4, s6;
	[sflag:s5] =	ssyncadd.s32 @!p0 $0xFFFFFFFF  }
0xb3: {  	s25 =	simm.s32 $0x1B8E;
	s24 =	sld [smem:$0x3FFE];
	[sflag:s4] =	ssyncadd.remote.s32 @!p0 $0x1  }
0xb4: {  	s26 =	simm.s32 $execute0_lowered;
	[smem:$0x3FD2] =	sst s25  }
0xb5: {  	s5 =	sshll.u32 s26, $0x1;
	_ =	strace $0x80000052;
	[dreg:$0x1] =	wrdreg $0xFFFFFFFF  }
0xb6: {  	s28 =	simm.s32 $_size_execute0_lowered;
	s3 =	sadd.s32 s3, s5;
	[dreg:$0x0] =	wrdreg $0x0  }
0xb7: {  	s5 =	sshll.u32 s28, $0x1;
	[dreg:$0x2] =	wrdreg s3  }
0xb8: {  	[dreg:$0x3] =	wrdreg s5  }
0xb9: {  	[dreg:$0x4] =	wrdreg $0xC0  }
0xba: {  	_ =	task [dreg:s22], $0x5FFFF  }
0xbb: {  	[dreg:$0x1] =	wrdreg $0xFFFFFFFF  }
0xbc: {  	[dreg:$0x0] =	wrdreg $0x60  }
0xbd: {  	[dreg:$0x2] =	wrdreg s24  }
0xbe: {  	[dreg:$0x3] =	wrdreg $0xD  }
0xbf: {  	_ =	task.clear_ibuf [dreg:s22], $0x4FFFF;
	_ =	strace $0x90000052  }
0xc0: {  	s29 =	simm.s32 $0xD;
	_ =	strace $0x80000054  }
0xc1: {  	_ =	swait.ge [sflag:s29], $0x1  }
0xc2: {  	[sflag:s29] =	ssyncadd.s32 $0xFFFFFFFF  }
0xc3: {  	_ =	strace $0x90000054  }
0xc4: {  	_ =	sfence  }
0xc5: {  	s30 =	sld [smem:$0x0];
	_ =	sdelay $0x2  }
0xc6: {  	s31 =	sshll.u32 s1, $0xD;
	s1 =	sshrl.u32 s1, $0x2  }
0xc7: {  	s4 =	sand.u32 $0x4000, s31;
	s1 =	sadd.s32 s1, s30  }
0xc8: {  	s0 =	sor.u32 s4, s0;
	s1 =	sshll.u32 s1, $0x11  }
0xc9: {  	s0 =	sor.u32 s1, s0  }
0xca: {  	s0 =	sadd.s32 $0x8F2B, s0  }
0xcb: {  	[sflag:s0] =	ssyncadd.remote.s32 $0x1  }
0xcc: {  	_ =	sfence.sel $0xFFFF  }
0xcd: {  	[dreg:$0x0] =	wrdreg $0xFFFFFFFF;
	(pc) =	sbr.abs _section_cstart, $3  }
0xce: {  	[dreg:$0x1] =	wrdreg $0xFFFFFFFF  }
0xcf: {  	_ =	task.clear_ibuf [dreg:s22], $0x2FFFF;
	_ =	strace $0x9FFFFFFF  }
0xd0: {  	(tm) =	ssettm $0x7FFFFFFF  }
0xd1: {  	_ =	shalt  }
tec
execute0_lowered:
.L_overlay_start_1:
0x0: {  	(tag) =	ssettag $0x1  }
0x1: {  	s1 =	srdreg.scid;
	s0 =	stileid.u32  }
0x2: {  	s5 =	rddreg [dreg:$0x0];
	s2 =	simm.s32 $0x0;
	s12 =	simm.s32 $0x3400  }
0x3: {  	s13 =	simm.s32 $0x5400;
	s14 =	simm.s32 $0x7400;
	s15 =	simm.s32 $0x9400  }
0x4: {  	s16 =	simm.s32 $0xB400;
	s17 =	simm.s32 $0xD400;
	s18 =	simm.s32 $0xF400  }
0x5: {  	s19 =	simm.s32 $0x1;
	s20 =	simm.s32 $0x40;
	s7 =	smul.u32 $0x14000, s0  }
0x6: {  	s21 =	simm.s32 $0x0;
	s4 =	sand.u32 $0x1, s1;
	s11 =	smul.u32 $0x50, s0  }
0x7: {  	s30 =	sshll.u32 s0, $0x1;
	s1 =	rddreg [dreg:$0x1];
	s9 =	smul.u32 $0xA000, s4  }
0x8: {  	[smem:$0x7FF] =	sst s2;
	s3 =	sor.u32 s4, s30;
	s31 =	smul.u32 $0x28, s4  }
0x9: {  	_ =	strace $0x80000053;
	s8 =	ssub.s32 $0x2, s4;
	s6 =	smul.u32 $0x280, s3  }
0xa: {  	s4 =	sadd.s32 $0x515800, s5;
	s3 =	sadd.s32 $0xF57C00, s5;
	s10 =	sshrl.u32 s8, $0x1  }
0xb: {  	s8 =	ssub.s32 s8, s10;
	s7 =	sadd.s32 s9, s7;
	s6 =	sadd.s32 s6, s5  }
0xc: {  	s9 =	simm.s32 $0x2;
	s10 =	simm.s32 $0x80;
	s5 =	sadd.s32 $0x10800, s6  }
0xd: {  	s6 =	smax.u32 s8, $0x1;
	s8 =	sadd.s32 s31, s11;
	s11 =	simm.s32 $0x1400  }
.LBB2_1:
0xe: {  	[tilespmem:s2], [sflag:$0x2] =	stream.linear.gather [hbm4b:s5+s2], $0x1400, $0x38;
	[tilespmem:$0x11400] =	vst v63  }
0xf: {  	_ =	swait.ge [sflag:s9], $0x1400  }
0x10: {  	[sflag:s9] =	ssyncset.done $0x0  }
0x11: {  	s22 =	simm.s32 $0x0;
	[sflag:s9] =	ssyncadd.s32 $0xFFFFEC00  }
0x12: {  	[tilespmem:s11], [sflag:$0x1] =	stream.indirect.gather [hbm4b:s3+s10], $0x40, s22, s10, $0xb8;
	[tilespmem:$0x11400] =	vst v63  }
0x13: {  	s23 =	simm.s32 $0x80  }
0x14: {  	[tilespmem:s12], [sflag:$0x1] =	stream.indirect.gather [hbm4b:s3+s10], $0x40, s23, s10, $0xb8;
	[tilespmem:$0x11400] =	vst v63  }
0x15: {  	s24 =	simm.s32 $0x100  }
0x16: {  	[tilespmem:s13], [sflag:$0x1] =	stream.indirect.gather [hbm4b:s3+s10], $0x40, s24, s10, $0xb8;
	[tilespmem:$0x11400] =	vst v63  }
0x17: {  	s25 =	simm.s32 $0x180  }
0x18: {  	[tilespmem:s14], [sflag:$0x1] =	stream.indirect.gather [hbm4b:s3+s10], $0x40, s25, s10, $0xb8;
	[tilespmem:$0x11400] =	vst v63  }
0x19: {  	s26 =	simm.s32 $0x200  }
0x1a: {  	[tilespmem:s15], [sflag:$0x1] =	stream.indirect.gather [hbm4b:s3+s10], $0x40, s26, s10, $0xb8;
	[tilespmem:$0x11400] =	vst v63  }
0x1b: {  	s28 =	simm.s32 $0x280  }
0x1c: {  	[tilespmem:s16], [sflag:$0x1] =	stream.indirect.gather [hbm4b:s3+s10], $0x40, s28, s10, $0xb8;
	[tilespmem:$0x11400] =	vst v63  }
0x1d: {  	s29 =	simm.s32 $0x300  }
0x1e: {  	[tilespmem:s17], [sflag:$0x1] =	stream.indirect.gather [hbm4b:s3+s10], $0x40, s29, s10, $0xb8;
	[tilespmem:$0x11400] =	vst v63  }
0x1f: {  	s30 =	simm.s32 $0x380  }
0x20: {  	[tilespmem:s18], [sflag:$0x1] =	stream.indirect.gather [hbm4b:s3+s10], $0x40, s30, s10, $0xb8;
	[tilespmem:$0x11400] =	vst v63  }
0x21: {  	_ =	swait.ge [sflag:s19], $0x2000  }
0x22: {  	[sflag:s19] =	ssyncset.done $0x0  }
0x23: {  	[sflag:s19] =	ssyncadd.s32 $0xFFFFE000  }
0x24: {  	_ =	swait.ge [sflag:s19], $0x2000  }
0x25: {  	[sflag:s19] =	ssyncset.done $0x0  }
0x26: {  	[sflag:s19] =	ssyncadd.s32 $0xFFFFE000  }
0x27: {  	_ =	swait.ge [sflag:s19], $0x2000  }
0x28: {  	[sflag:s19] =	ssyncset.done $0x0  }
0x29: {  	[sflag:s19] =	ssyncadd.s32 $0xFFFFE000  }
0x2a: {  	_ =	swait.ge [sflag:s19], $0x2000  }
0x2b: {  	[sflag:s19] =	ssyncset.done $0x0  }
0x2c: {  	[sflag:s19] =	ssyncadd.s32 $0xFFFFE000  }
0x2d: {  	_ =	swait.ge [sflag:s19], $0x2000  }
0x2e: {  	[sflag:s19] =	ssyncset.done $0x0  }
0x2f: {  	[sflag:s19] =	ssyncadd.s32 $0xFFFFE000  }
0x30: {  	_ =	swait.ge [sflag:s19], $0x2000  }
0x31: {  	[sflag:s19] =	ssyncset.done $0x0  }
0x32: {  	[sflag:s19] =	ssyncadd.s32 $0xFFFFE000  }
0x33: {  	_ =	swait.ge [sflag:s19], $0x2000  }
0x34: {  	[sflag:s19] =	ssyncset.done $0x0  }
0x35: {  	[sflag:s19] =	ssyncadd.s32 $0xFFFFE000  }
0x36: {  	s31 =	sand.u32 $0x8, s8;
	_ =	swait.ge [sflag:s19], $0x2000  }
0x37: {  	s22 =	sadd.s32 s4, s31;
	s23 =	sand.u32 $0xFFFC000, s7;
	[sflag:s19] =	ssyncset.done $0x0  }
0x38: {  	s22 =	sadd.s32 s23, s22;
	[sflag:s19] =	ssyncadd.s32 $0xFFFFE000  }
0x39: {  	[hbm4b:s22+s20] =	stream.strided.scatter [tilespmem:s11], [sflag:$0x2], $0x10000, s10, s20, $0x38;
	[tilespmem:$0x11400] =	vst v63  }
0x3a: {  	s23 =	sadd.s32 $0x8, s8;
	s24 =	simm.s32 $0x1000;
	_ =	swait.ge [sflag:s9], $0x10000  }
0x3b: {  	s26 =	simm.s32 $0x2000;
	s22 =	sadd.s32 $0x2000, s7;
	[sflag:s9] =	ssyncset.done $0x0  }
.LBB2_2:
0x3c: {  	s28 =	sshra.s32 s24, $0x2  }
0x3d: {  	[sflag:s9] =	ssyncadd.s32 $0xFFFF0000;
	s24 =	smov.u32 s26;
	s25 =	sadd.s32 $0x1000, s26  }
0x3e: {  	[tilespmem:s11], [sflag:$0x1] =	stream.indirect.gather [hbm4b:s3+s10], $0x40, s28, s10, $0xb8;
	[tilespmem:$0x11400] =	vst v63  }
0x3f: {  	p0 =	sne.s32 s26, $0x4000;
	s26 =	sadd.s32 $0x80, s28  }
0x40: {  	[tilespmem:s12], [sflag:$0x1] =	stream.indirect.gather [hbm4b:s3+s10], $0x40, s26, s10, $0xb8;
	[tilespmem:$0x11400] =	vst v63  }
0x41: {  	s26 =	sadd.s32 $0x100, s28  }
0x42: {  	[tilespmem:s13], [sflag:$0x1] =	stream.indirect.gather [hbm4b:s3+s10], $0x40, s26, s10, $0xb8;
	[tilespmem:$0x11400] =	vst v63  }
0x43: {  	s26 =	sadd.s32 $0x180, s28  }
0x44: {  	[tilespmem:s14], [sflag:$0x1] =	stream.indirect.gather [hbm4b:s3+s10], $0x40, s26, s10, $0xb8;
	[tilespmem:$0x11400] =	vst v63  }
0x45: {  	s26 =	sadd.s32 $0x200, s28  }
0x46: {  	[tilespmem:s15], [sflag:$0x1] =	stream.indirect.gather [hbm4b:s3+s10], $0x40, s26, s10, $0xb8;
	[tilespmem:$0x11400] =	vst v63  }
0x47: {  	s26 =	sadd.s32 $0x280, s28  }
0x48: {  	[tilespmem:s16], [sflag:$0x1] =	stream.indirect.gather [hbm4b:s3+s10], $0x40, s26, s10, $0xb8;
	[tilespmem:$0x11400] =	vst v63  }
0x49: {  	s26 =	sadd.s32 $0x300, s28  }
0x4a: {  	[tilespmem:s17], [sflag:$0x1] =	stream.indirect.gather [hbm4b:s3+s10], $0x40, s26, s10, $0xb8;
	[tilespmem:$0x11400] =	vst v63  }
0x4b: {  	s26 =	sadd.s32 $0x380, s28  }
0x4c: {  	[tilespmem:s18], [sflag:$0x1] =	stream.indirect.gather [hbm4b:s3+s10], $0x40, s26, s10, $0xb8;
	[tilespmem:$0x11400] =	vst v63  }
0x4d: {  	_ =	swait.ge [sflag:s19], $0x2000  }
0x4e: {  	[sflag:s19] =	ssyncset.done $0x0  }
0x4f: {  	[sflag:s19] =	ssyncadd.s32 $0xFFFFE000  }
0x50: {  	_ =	swait.ge [sflag:s19], $0x2000  }
0x51: {  	[sflag:s19] =	ssyncset.done $0x0  }
0x52: {  	[sflag:s19] =	ssyncadd.s32 $0xFFFFE000  }
0x53: {  	_ =	swait.ge [sflag:s19], $0x2000  }
0x54: {  	[sflag:s19] =	ssyncset.done $0x0  }
0x55: {  	[sflag:s19] =	ssyncadd.s32 $0xFFFFE000  }
0x56: {  	_ =	swait.ge [sflag:s19], $0x2000  }
0x57: {  	[sflag:s19] =	ssyncset.done $0x0  }
0x58: {  	[sflag:s19] =	ssyncadd.s32 $0xFFFFE000  }
0x59: {  	_ =	swait.ge [sflag:s19], $0x2000  }
0x5a: {  	[sflag:s19] =	ssyncset.done $0x0  }
0x5b: {  	[sflag:s19] =	ssyncadd.s32 $0xFFFFE000  }
0x5c: {  	_ =	swait.ge [sflag:s19], $0x2000  }
0x5d: {  	[sflag:s19] =	ssyncset.done $0x0  }
0x5e: {  	[sflag:s19] =	ssyncadd.s32 $0xFFFFE000  }
0x5f: {  	_ =	swait.ge [sflag:s19], $0x2000  }
0x60: {  	[sflag:s19] =	ssyncset.done $0x0  }
0x61: {  	[sflag:s19] =	ssyncadd.s32 $0xFFFFE000  }
0x62: {  	s28 =	sand.u32 $0x8, s23;
	s26 =	sand.u32 $0xFFFC000, s22;
	_ =	swait.ge [sflag:s19], $0x2000  }
.Ltmp0:
0x63: {  	s28 =	sadd.s32 s4, s28;
	[sflag:s19] =	ssyncset.done $0x0;
	(pc) =	sbr.rel @p0 .LBB2_2-.Ltmp0, $4  }
0x64: {  	s26 =	sadd.s32 s26, s28;
	[sflag:s19] =	ssyncadd.s32 $0xFFFFE000  }
0x65: {  	[hbm4b:s26+s20] =	stream.strided.scatter [tilespmem:s11], [sflag:$0x2], $0x10000, s10, s20, $0x38;
	[tilespmem:$0x11400] =	vst v63  }
0x66: {  	s23 =	sadd.s32 $0x8, s23;
	_ =	swait.ge [sflag:s9], $0x10000  }
0x67: {  	s22 =	sadd.s32 $0x2000, s22;
	s26 =	smov.u32 s25;
	[sflag:s9] =	ssyncset.done $0x0  }
0x68: {  	s24 =	sshra.s32 s24, $0x2;
	[sflag:s9] =	ssyncadd.s32 $0xFFFF0000  }
0x69: {  	[tilespmem:s11], [sflag:$0x1] =	stream.indirect.gather [hbm4b:s3+s10], $0x40, s24, s10, $0xb8;
	[tilespmem:$0x11400] =	vst v63  }
0x6a: {  	s25 =	sadd.s32 $0x80, s24  }
0x6b: {  	[tilespmem:s12], [sflag:$0x1] =	stream.indirect.gather [hbm4b:s3+s10], $0x40, s25, s10, $0xb8;
	[tilespmem:$0x11400] =	vst v63  }
0x6c: {  	s26 =	sadd.s32 $0x100, s24  }
0x6d: {  	[tilespmem:s13], [sflag:$0x1] =	stream.indirect.gather [hbm4b:s3+s10], $0x40, s26, s10, $0xb8;
	[tilespmem:$0x11400] =	vst v63  }
0x6e: {  	s28 =	sadd.s32 $0x180, s24  }
0x6f: {  	[tilespmem:s14], [sflag:$0x1] =	stream.indirect.gather [hbm4b:s3+s10], $0x40, s28, s10, $0xb8;
	[tilespmem:$0x11400] =	vst v63  }
0x70: {  	s29 =	sadd.s32 $0x200, s24  }
0x71: {  	[tilespmem:s15], [sflag:$0x1] =	stream.indirect.gather [hbm4b:s3+s10], $0x40, s29, s10, $0xb8;
	[tilespmem:$0x11400] =	vst v63  }
0x72: {  	s30 =	sadd.s32 $0x280, s24  }
0x73: {  	[tilespmem:s16], [sflag:$0x1] =	stream.indirect.gather [hbm4b:s3+s10], $0x40, s30, s10, $0xb8;
	[tilespmem:$0x11400] =	vst v63  }
0x74: {  	s31 =	sadd.s32 $0x300, s24  }
0x75: {  	[tilespmem:s17], [sflag:$0x1] =	stream.indirect.gather [hbm4b:s3+s10], $0x40, s31, s10, $0xb8;
	[tilespmem:$0x11400] =	vst v63  }
0x76: {  	s24 =	sadd.s32 $0x380, s24  }
0x77: {  	[tilespmem:s18], [sflag:$0x1] =	stream.indirect.gather [hbm4b:s3+s10], $0x40, s24, s10, $0xb8;
	[tilespmem:$0x11400] =	vst v63  }
0x78: {  	_ =	swait.ge [sflag:s19], $0x2000  }
0x79: {  	[sflag:s19] =	ssyncset.done $0x0  }
0x7a: {  	[sflag:s19] =	ssyncadd.s32 $0xFFFFE000  }
0x7b: {  	_ =	swait.ge [sflag:s19], $0x2000  }
0x7c: {  	[sflag:s19] =	ssyncset.done $0x0  }
0x7d: {  	[sflag:s19] =	ssyncadd.s32 $0xFFFFE000  }
0x7e: {  	_ =	swait.ge [sflag:s19], $0x2000  }
0x7f: {  	[sflag:s19] =	ssyncset.done $0x0  }
0x80: {  	[sflag:s19] =	ssyncadd.s32 $0xFFFFE000  }
0x81: {  	_ =	swait.ge [sflag:s19], $0x2000  }
0x82: {  	[sflag:s19] =	ssyncset.done $0x0  }
0x83: {  	[sflag:s19] =	ssyncadd.s32 $0xFFFFE000  }
0x84: {  	_ =	swait.ge [sflag:s19], $0x2000  }
0x85: {  	[sflag:s19] =	ssyncset.done $0x0  }
0x86: {  	[sflag:s19] =	ssyncadd.s32 $0xFFFFE000  }
0x87: {  	_ =	swait.ge [sflag:s19], $0x2000  }
0x88: {  	[sflag:s19] =	ssyncset.done $0x0  }
0x89: {  	[sflag:s19] =	ssyncadd.s32 $0xFFFFE000  }
0x8a: {  	_ =	swait.ge [sflag:s19], $0x2000  }
0x8b: {  	[sflag:s19] =	ssyncset.done $0x0  }
0x8c: {  	s23 =	sand.u32 $0x8, s23;
	[sflag:s19] =	ssyncadd.s32 $0xFFFFE000  }
0x8d: {  	s22 =	sand.u32 $0xFFFC000, s22;
	s21 =	sadd.s32 $0x1, s21;
	_ =	swait.ge [sflag:s19], $0x2000  }
0x8e: {  	s23 =	sadd.s32 s4, s23;
	p0 =	sne.s32 s21, s6;
	[sflag:s19] =	ssyncset.done $0x0  }
.Ltmp1:
0x8f: {  	s22 =	sadd.s32 s22, s23;
	[sflag:s19] =	ssyncadd.s32 $0xFFFFE000;
	(pc) =	sbr.rel @p0 .LBB2_1-.Ltmp1, $4  }
0x90: {  	[hbm4b:s22+s20] =	stream.strided.scatter [tilespmem:s11], [sflag:$0x2], $0x10000, s10, s20, $0x38;
	[tilespmem:$0x11400] =	vst v63  }
0x91: {  	_ =	swait.ge [sflag:s9], $0x10000  }
0x92: {  	[sflag:s9] =	ssyncset.done $0x0  }
0x93: {  	[sflag:s9] =	ssyncadd.s32 $0xFFFF0000  }
0x94: {  	_ =	sfence.sel $0x180000  }
0x95: {  	[bflag:$0x0] =	sbarrier.arrive $0xFFFF  }
0x96: {  	p0 =	sne.s32 s0, $0x0;
	_ =	strace $0x90000053  }
0x97: {  	s0 =	sadd.s32 @!p0 $0x100000, s1;
	[bflag:$0x2] =	sbarrier.arrive $0xFFFF  }
0x98: {  	[sflag:s0] =	ssyncadd.tile.s32 @!p0 $0x1;
	_ =	shalt  }
.Lfunc_end2:
_tile_overlayer_lowered:
.L_overlay_start_2:
0x99: {  	(tag) =	ssettag $0x2  }
0x9a: {  	s0 =	rddreg [dreg:$0x0];
	s2 =	stileid.u32  }
0x9b: {  	s1 =	rddreg [dreg:$0x1];
	p0 =	sne.s32 s2, $0x0  }
0x9c: {  	s3 =	rddreg [dreg:$0x2];
	[bflag:$0x3] =	sbarrier.arrive $0xFFFF;
	s2 =	simm.s32 @!p0 $0x1C02  }
0x9d: {  	[timem:s3], [sflag:s2] =	dma.local @!p0 [hbm:s0], s1  }
0x9e: {  	s0 =	simm.s32 @!p0 $0x2  }
0x9f: {  	_ =	swait.ge @!p0 [sflag:s0], s1  }
0xa0: {  	s1 =	ssub.s32 @!p0 $0x0, s1;
	[sflag:s0] =	ssyncset.done @!p0 $0x0  }
0xa1: {  	[sflag:s0] =	ssyncadd.s32 @!p0 s1  }
0xa2: {  	[bflag:$0x3] =	sbarrier.arrive $0xFFFF  }
0xa3: {  	_ =	shalt  }

</sc_bundles>
